<compile_context>
chip_gen: v7x
topology: tpu7x:2x2x1
jax: 0.10.2.dev20260603
libtpu: 0.0.44.dev20260713+nightly
codegen_flags: <defaults>
</compile_context>

<pallas_src>
import dataclasses
import functools

import jax
import jax.numpy as jnp
from jax.experimental import pallas as pl
from jax.experimental.pallas import tpu as pltpu
from jax.experimental.pallas import tpu_sc as plsc

N = 10000
D = 256
HD = 128
NP = 10240
E_RAW = 160000
E = E_RAW + N
K = 112
NCA = 96
EPA = 16 * K * NCA
NCB = 90
EPB = 16 * K * NCB
BM = 1024
GI = NP // BM
ROWS_PER_TILE = NP // 16

_f32 = jnp.float32



_bf16 = jnp.bfloat16


def _tc1_body(x_ref, wb_ref, w_ref, as_ref, ad_ref, h_ref, s_ref, d_ref):
    j = pl.program_id(1)
    xb = x_ref[...]
    wj = wb_ref[:, pl.ds(j * HD, HD)]
    h_ref[...] = jnp.dot(xb.astype(_bf16), wj, preferred_element_type=_f32)

    @pl.when(j == 0)
    def _():
        wb = w_ref[...]
        va = jnp.dot(wb, as_ref[...], preferred_element_type=_f32)
        vd = jnp.dot(wb, ad_ref[...], preferred_element_type=_f32)
        s_ref[...] = jnp.sum(xb * va.reshape(1, D), axis=1)
        d_ref[...] = jnp.sum(xb * vd.reshape(1, D), axis=1)


def _tc1(x_pad, W, Wb, a_s, a_d):
    return pl.pallas_call(
        _tc1_body,
        grid=(GI, 2),
        in_specs=[
            pl.BlockSpec((BM, D), lambda i, j: (i, 0)),
            pl.BlockSpec((D, D), lambda i, j: (0, 0)),
            pl.BlockSpec((D, D), lambda i, j: (0, 0)),
            pl.BlockSpec((D, 1), lambda i, j: (0, 0)),
            pl.BlockSpec((D, 1), lambda i, j: (0, 0)),
        ],
        out_specs=[
            pl.BlockSpec((BM, HD), lambda i, j: (i + j * GI, 0)),
            pl.BlockSpec((BM,), lambda i, j: (i,)),
            pl.BlockSpec((BM,), lambda i, j: (i,)),
        ],
        out_shape=[
            jax.ShapeDtypeStruct((2 * NP, HD), _f32),
            jax.ShapeDtypeStruct((NP,), _f32),
            jax.ShapeDtypeStruct((NP,), _f32),
        ],
    )(x_pad, Wb, W, a_s.reshape(D, 1), a_d.reshape(D, 1))


def _make_tc_mid_body(pre_scale):
    def body(lo_ref, hi_ref, dn_ref, dg_ref, b_ref, w_ref, out_ref):
        j = pl.program_id(1)
        lo = lo_ref[...]
        hi = hi_ref[...]
        dg = dg_ref[...]
        dinv = jnp.where(dg > 0, jax.lax.rsqrt(dg), 0.0)
        if pre_scale:
            a_lo = jax.nn.relu(dinv * lo + b_ref[0:1, :HD])
            a_hi = jax.nn.relu(dinv * hi + b_ref[0:1, HD:])
        else:
            dn = dn_ref[...] + 1e-16
            a_lo = jax.nn.relu(lo / dn + b_ref[0:1, :HD])
            a_hi = jax.nn.relu(hi / dn + b_ref[0:1, HD:])
        wlo = w_ref[0:HD, pl.ds(j * HD, HD)]
        whi = w_ref[HD:D, pl.ds(j * HD, HD)]
        out_ref[...] = dinv * (
            jnp.dot(a_lo.astype(_bf16), wlo, preferred_element_type=_f32)
            + jnp.dot(a_hi.astype(_bf16), whi, preferred_element_type=_f32))
    return body


def _tc_mid(acc, dn, dg, b, W, pre_scale):
    return pl.pallas_call(
        _make_tc_mid_body(pre_scale),
        grid=(GI, 2),
        in_specs=[
            pl.BlockSpec((BM, HD), lambda i, j: (i, 0)),
            pl.BlockSpec((BM, HD), lambda i, j: (i + GI, 0)),
            pl.BlockSpec((BM, 1), lambda i, j: (i, 0)),
            pl.BlockSpec((BM, 1), lambda i, j: (i, 0)),
            pl.BlockSpec((1, D), lambda i, j: (0, 0)),
            pl.BlockSpec((D, D), lambda i, j: (0, 0)),
        ],
        out_specs=pl.BlockSpec((BM, HD), lambda i, j: (i + j * GI, 0)),
        out_shape=jax.ShapeDtypeStruct((2 * NP, HD), _f32),
    )(acc, acc, dn, dg, b.reshape(1, D), W)


def _tc4_body(lo_ref, hi_ref, dg_ref, b_ref, out_ref):
    dg = dg_ref[...]
    dinv = jnp.where(dg > 0, jax.lax.rsqrt(dg), 0.0)
    h = jnp.concatenate([lo_ref[...], hi_ref[...]], axis=1)
    out_ref[...] = dinv * h + b_ref[...]


def _tc4(acc, dg, b):
    return pl.pallas_call(
        _tc4_body,
        grid=(GI,),
        in_specs=[
            pl.BlockSpec((BM, HD), lambda i: (i, 0)),
            pl.BlockSpec((BM, HD), lambda i: (i + GI, 0)),
            pl.BlockSpec((BM, 1), lambda i: (i, 0)),
            pl.BlockSpec((1, D), lambda i: (0, 0)),
        ],
        out_specs=pl.BlockSpec((BM, D), lambda i: (i, 0)),
        out_shape=jax.ShapeDtypeStruct((N, D), _f32),
    )(acc, acc, dg, b.reshape(1, D))



_MESH = plsc.VectorSubcoreMesh(core_axis_name="c", subcore_axis_name="s")

_SC_PARAMS = pltpu.CompilerParams()
if "needs_layout_passes" in pltpu.CompilerParams.__dataclass_fields__:
    _SC_PARAMS = dataclasses.replace(_SC_PARAMS, needs_layout_passes=False)


def _sc_gat(src2, dst2, as2v, adv, h_split, z_rows, z_vec):
    R = 3
    scratch = [
        pltpu.VMEM_SHARED((NP, HD), _f32),
        pltpu.VMEM_SHARED((NP,), _f32),
        pltpu.VMEM_SHARED((NP,), _f32),
        pltpu.VMEM((K,), _f32),
    ]
    for _ in range(R):
        scratch += [
            pltpu.VMEM((K,), jnp.int32),
            pltpu.VMEM((K,), jnp.int32),
            pltpu.VMEM((K,), _f32),
            pltpu.VMEM((K,), _f32),
            pltpu.VMEM((K,), _f32),
            pltpu.VMEM((K, HD), _f32),
            pltpu.SemaphoreType.DMA,
            pltpu.SemaphoreType.DMA,
            pltpu.SemaphoreType.DMA,
            pltpu.VMEM((K,), jnp.int32),
        ]

    @functools.partial(
        pl.kernel,
        out_type=[
            jax.ShapeDtypeStruct((2 * NP, HD), _f32),
            jax.ShapeDtypeStruct((NP,), _f32),
            jax.ShapeDtypeStruct((NP,), _f32),
        ],
        mesh=_MESH,
        scratch_types=scratch,
        compiler_params=_SC_PARAMS,
    )
    def k(src_hbm, dst_hbm, as_hbm, ad_hbm, h_hbm, zr_hbm, zv_hbm,
          num_hbm, den_hbm, deg_hbm, acc_sp, den_sp, deg_sp, onesv, *rest):
        bufs = [rest[10 * b:10 * b + 10] for b in range(R)]
        c = jax.lax.axis_index("c")
        s = jax.lax.axis_index("s")
        pltpu.sync_copy(zr_hbm, acc_sp.at[pl.ds(s * ROWS_PER_TILE, ROWS_PER_TILE)])
        pltpu.sync_copy(zv_hbm, den_sp.at[pl.ds(s * ROWS_PER_TILE, ROWS_PER_TILE)])
        pltpu.sync_copy(zv_hbm, deg_sp.at[pl.ds(s * ROWS_PER_TILE, ROWS_PER_TILE)])
        for g in range(K // 16):
            onesv[pl.ds(g * 16, 16)] = jnp.full((16,), 1.0, _f32)
        plsc.subcore_barrier()

        def start_idx(j, b):
            srcb, dstb = bufs[b][0], bufs[b][1]
            isem = bufs[b][6]
            pltpu.async_copy(src_hbm.at[s, j], srcb, isem)
            pltpu.async_copy(dst_hbm.at[s, j], dstb, isem)

        def wait_idx(b):
            srcb, dstb = bufs[b][0], bufs[b][1]
            isem = bufs[b][6]
            pltpu.make_async_copy(src_hbm.at[s, 0], srcb, isem).wait()
            pltpu.make_async_copy(dst_hbm.at[s, 0], dstb, isem).wait()

        def start_gather(b):
            srcb, dstb, asvb, advb, _, rowb, _, gsem, _, srco = bufs[b]
            for g in range(K // 16):
                sl = pl.ds(g * 16, 16)
                srco[sl] = srcb[sl] + c * NP
            pltpu.async_copy(h_hbm.at[srco], rowb, gsem)
            pltpu.async_copy(as_hbm.at[srcb], asvb, gsem)
            pltpu.async_copy(ad_hbm.at[dstb], advb, gsem)

        def wait_gather(b):
            srcb, dstb, asvb, advb, _, rowb, _, gsem, _, srco = bufs[b]
            pltpu.make_async_copy(h_hbm.at[srco], rowb, gsem).wait()
            pltpu.make_async_copy(as_hbm.at[srcb], asvb, gsem).wait()
            pltpu.make_async_copy(ad_hbm.at[dstb], advb, gsem).wait()

        def wait_dsem(b):
            _, dstb, _, _, wv, _, _, _, dsem, _ = bufs[b]
            pltpu.make_async_copy(wv, den_sp.at[dstb], dsem).wait()
            pltpu.make_async_copy(onesv, deg_sp.at[dstb], dsem).wait()

        for b in range(R):
            start_idx(b, b)
        wait_idx(0)
        start_gather(0)
        wait_idx(1)
        start_gather(1)

        @pl.loop(0, NCA, step=R)
        def _(jo):
            for b in range(R):
                j = jo + b
                srcb, dstb, asvb, advb, wv, rowb, isem, gsem, dsem, srco = bufs[b]
                wait_gather(b)

                @pl.when(j >= R)
                def _():
                    wait_dsem(b)

                @pl.loop(0, K // 16)
                def _(g):
                    sl = pl.ds(g * 16, 16)
                    e = asvb[sl] + advb[sl]
                    e = jnp.where(e < 0.0, e * 0.2, e)
                    wv[sl] = jnp.exp(e)

                @pl.loop(0, K)
                def _(eid):
                    wq = plsc.load_gather(wv, [jnp.full((16,), eid, jnp.int32)])
                    for q in range(HD // 16):
                        rowb[eid, pl.ds(q * 16, 16)] = (
                            rowb[eid, pl.ds(q * 16, 16)] * wq)

                nb = (b + 2) % R

                @pl.when(j + 2 < NCA)
                def _():
                    wait_idx(nb)
                    start_gather(nb)

                pltpu.async_copy(wv, den_sp.at[dstb], dsem, add=True)
                pltpu.async_copy(onesv, deg_sp.at[dstb], dsem, add=True)
                pltpu.sync_copy(rowb, acc_sp.at[dstb], add=True)

                @pl.when(j + R < NCA)
                def _():
                    start_idx(j + R, b)

        for b in range(R):
            wait_dsem(b)
        plsc.subcore_barrier()
        rs = pl.ds(s * ROWS_PER_TILE, ROWS_PER_TILE)
        pltpu.sync_copy(acc_sp.at[rs],
                        num_hbm.at[pl.ds(c * NP + s * ROWS_PER_TILE, ROWS_PER_TILE)])

        @pl.when(c == 0)
        def _():
            pltpu.sync_copy(den_sp.at[rs], den_hbm.at[rs])
            pltpu.sync_copy(deg_sp.at[rs], deg_hbm.at[rs])

    return k(src2, dst2, as2v, adv, h_split, z_rows, z_vec)


def _sc_gcn(src2, dst2, h_split):
    R = 3
    scratch = [pltpu.VMEM_SHARED((NP, HD), _f32)]
    for _ in range(R):
        scratch += [
            pltpu.VMEM((K,), jnp.int32),
            pltpu.VMEM((K,), jnp.int32),
            pltpu.VMEM((K, HD), _f32),
            pltpu.SemaphoreType.DMA,
            pltpu.SemaphoreType.DMA,
        ]

    @functools.partial(
        pl.kernel,
        out_type=jax.ShapeDtypeStruct((2 * NP, HD), _f32),
        mesh=_MESH,
        scratch_types=scratch,
        compiler_params=_SC_PARAMS,
    )
    def k(src_hbm, dst_hbm, h_hbm, out_hbm, acc_sp, *rest):
        bufs = [rest[5 * b:5 * b + 5] for b in range(R)]
        c = jax.lax.axis_index("c")
        s = jax.lax.axis_index("s")
        rs = pl.ds(s * ROWS_PER_TILE, ROWS_PER_TILE)
        pltpu.sync_copy(
            h_hbm.at[pl.ds(c * NP + s * ROWS_PER_TILE, ROWS_PER_TILE)],
            acc_sp.at[rs])
        plsc.subcore_barrier()

        def start_idx(j, b):
            srcb, dstb, _, isem, _ = bufs[b]
            pltpu.async_copy(src_hbm.at[s, j], srcb, isem)
            pltpu.async_copy(dst_hbm.at[s, j], dstb, isem)

        def wait_idx(b):
            srcb, dstb, _, isem, _ = bufs[b]
            pltpu.make_async_copy(src_hbm.at[s, 0], srcb, isem).wait()
            pltpu.make_async_copy(dst_hbm.at[s, 0], dstb, isem).wait()

        def start_gather(b):
            srcb, _, rowb, _, gsem = bufs[b]
            for g in range(K // 16):
                sl = pl.ds(g * 16, 16)
                srcb[sl] = srcb[sl] + c * NP
            pltpu.async_copy(h_hbm.at[srcb], rowb, gsem)

        def wait_gather(b):
            srcb, _, rowb, _, gsem = bufs[b]
            pltpu.make_async_copy(h_hbm.at[srcb], rowb, gsem).wait()

        for b in range(R):
            start_idx(b, b)
        wait_idx(0)
        start_gather(0)
        wait_idx(1)
        start_gather(1)

        @pl.loop(0, NCB, step=R)
        def _(jo):
            for b in range(R):
                j = jo + b
                srcb, dstb, rowb, isem, gsem = bufs[b]
                wait_gather(b)
                nb = (b + 2) % R

                @pl.when(j + 2 < NCB)
                def _():
                    wait_idx(nb)
                    start_gather(nb)

                pltpu.sync_copy(rowb, acc_sp.at[dstb], add=True)

                @pl.when(j + R < NCB)
                def _():
                    start_idx(j + R, b)

        plsc.subcore_barrier()
        pltpu.sync_copy(acc_sp.at[rs],
                        out_hbm.at[pl.ds(c * NP + s * ROWS_PER_TILE, ROWS_PER_TILE)])

    return k(src2, dst2, h_split)



def kernel(x, edge_index, W_gat, att_src, att_dst, b_gat, W1, b1, W2, b2):
    ei = edge_index.astype(jnp.int32)
    loops = jnp.arange(N, dtype=jnp.int32)
    pad_a = EPA - E
    src2a = jnp.concatenate(
        [ei[0], loops, jnp.zeros((pad_a,), jnp.int32)]).reshape(16, NCA, K)
    dst2a = jnp.concatenate(
        [ei[1], loops, jnp.full((pad_a,), N, jnp.int32)]).reshape(16, NCA, K)
    pad_b = EPB - E_RAW
    src2b = jnp.concatenate(
        [ei[0], jnp.zeros((pad_b,), jnp.int32)]).reshape(16, NCB, K)
    dst2b = jnp.concatenate(
        [ei[1], jnp.full((pad_b,), N, jnp.int32)]).reshape(16, NCB, K)
    x_pad = jnp.pad(x, ((0, NP - N), (0, 0)))
    z_rows = jnp.zeros((ROWS_PER_TILE, HD), _f32)
    z_vec = jnp.zeros((ROWS_PER_TILE,), _f32)

    h_split, asv, adv = _tc1(x_pad, W_gat, W_gat.astype(_bf16),
                             att_src, att_dst)
    num, den, deg = _sc_gat(src2a, dst2a, asv, adv, h_split, z_rows, z_vec)
    den2 = den.reshape(NP, 1)
    deg2 = deg.reshape(NP, 1)
    g1 = _tc_mid(num, den2, deg2, b_gat, W1.astype(_bf16), pre_scale=False)
    acc1 = _sc_gcn(src2b, dst2b, g1)
    g2 = _tc_mid(acc1, den2, deg2, b1, W2.astype(_bf16), pre_scale=True)
    acc2 = _sc_gcn(src2b, dst2b, g2)
    return _tc4(acc2, deg2, b2)

# --- scband reference (transcript-rebuilt; emitter-appended) ---
"""Pipeline reference for scband-detective-gnn-18253611008270 (READ-ONLY COPY).

The authoritative reference and input builder live on the scoring server;
editing this copy changes nothing except your own understanding.
"""

import jax, jax.numpy as jnp
import numpy as np

N_NODES = 10000
N_EDGES = 160000
D = 256


def setup_inputs(seed: int = 0) -> dict:
    key = jax.random.key(seed)
    ks = jax.random.split(key, 12)
    s = 1.0 / np.sqrt(D)
    x = jax.random.normal(ks[0], (N_NODES, D), dtype=jnp.float32)
    edge_index = jax.random.randint(ks[1], (2, N_EDGES), 0, N_NODES, dtype=jnp.int64)
    W_gat = jax.random.normal(ks[2], (D, D), dtype=jnp.float32) * s
    att_src = jax.random.normal(ks[3], (D,), dtype=jnp.float32) * s
    att_dst = jax.random.normal(ks[4], (D,), dtype=jnp.float32) * s
    b_gat = jnp.zeros((D,), dtype=jnp.float32)
    W1 = jax.random.normal(ks[5], (D, D), dtype=jnp.float32) * s
    b1 = jnp.zeros((D,), dtype=jnp.float32)
    W2 = jax.random.normal(ks[6], (D, D), dtype=jnp.float32) * s
    b2 = jnp.zeros((D,), dtype=jnp.float32)
    return {"x": x, "edge_index": edge_index, "W_gat": W_gat, "att_src": att_src,
            "att_dst": att_dst, "b_gat": b_gat, "W1": W1, "b1": b1, "W2": W2, "b2": b2}


def _add_self_loops(edge_index, num_nodes):
    loops = jnp.arange(num_nodes, dtype=edge_index.dtype)
    loop_ei = jnp.stack([loops, loops], axis=0)
    return jnp.concatenate([edge_index, loop_ei], axis=1)


def _gat_conv(x, src, dst, n, W, a_src, a_dst, b):
    h = x @ W
    alpha_src = h @ a_src  # [N]
    alpha_dst = h @ a_dst  # [N]
    e = alpha_src[src] + alpha_dst[dst]
    e = jax.nn.leaky_relu(e, negative_slope=0.2)
    # segment softmax over incoming edges per destination node
    m = jax.ops.segment_max(e, dst, num_segments=n)
    m = jnp.where(jnp.isfinite(m), m, 0.0)
    ex = jnp.exp(e - m[dst])
    denom = jax.ops.segment_sum(ex, dst, num_segments=n)
    alpha = ex / (denom[dst] + 1e-16)
    out = jax.ops.segment_sum(alpha[:, None] * h[src], dst, num_segments=n)
    return out + b


def _gcn_conv(x, src, dst, n, W, b):
    h = x @ W
    deg = jax.ops.segment_sum(jnp.ones_like(dst, dtype=h.dtype), dst, num_segments=n)
    dinv = jnp.where(deg > 0, deg ** -0.5, 0.0)
    norm = dinv[src] * dinv[dst]
    out = jax.ops.segment_sum(norm[:, None] * h[src], dst, num_segments=n)
    return out + b


def reference(x, edge_index, W_gat, att_src, att_dst, b_gat, W1, b1, W2, b2):
    n = x.shape[0]
    ei = _add_self_loops(edge_index, n)
    src, dst = ei[0], ei[1]
    h = jax.nn.relu(_gat_conv(x, src, dst, n, W_gat, att_src, att_dst, b_gat))
    h = jax.nn.relu(_gcn_conv(h, src, dst, n, W1, b1))
    h = _gcn_conv(h, src, dst, n, W2, b2)
    return h

if __name__ == "__main__":
    import jax
    _d = setup_inputs()
    print(jax.jit(kernel)(*tuple(_d.values())))

</pallas_src>

<mosaic_0001>
#map = affine_map<(d0, d1) -> (0, 0, 0)>
#map1 = affine_map<(d0, d1) -> (0, 0)>
module attributes {stable_mosaic.version = 14 : i64} {
  func.func @k(%arg0: i32, %arg1: i32, %arg2: memref<16x90x112xi32, #tpu.memory_space<hbm>>, %arg3: memref<16x90x112xi32, #tpu.memory_space<hbm>>, %arg4: memref<20480x128xf32, #tpu.memory_space<hbm>>, %arg5: memref<20480x128xf32, #tpu.memory_space<hbm>>, %arg6: memref<10240x128xf32, #tpu.memory_space<vmem_shared>>, %arg7: memref<112xi32, #tpu.memory_space<vmem>>, %arg8: memref<112xi32, #tpu.memory_space<vmem>>, %arg9: memref<112x128xf32, #tpu.memory_space<vmem>>, %arg10: memref<!tpu.dma_semaphore, #tpu.memory_space<semaphore_mem>>, %arg11: memref<!tpu.dma_semaphore, #tpu.memory_space<semaphore_mem>>, %arg12: memref<112xi32, #tpu.memory_space<vmem>>, %arg13: memref<112xi32, #tpu.memory_space<vmem>>, %arg14: memref<112x128xf32, #tpu.memory_space<vmem>>, %arg15: memref<!tpu.dma_semaphore, #tpu.memory_space<semaphore_mem>>, %arg16: memref<!tpu.dma_semaphore, #tpu.memory_space<semaphore_mem>>, %arg17: memref<112xi32, #tpu.memory_space<vmem>>, %arg18: memref<112xi32, #tpu.memory_space<vmem>>, %arg19: memref<112x128xf32, #tpu.memory_space<vmem>>, %arg20: memref<!tpu.dma_semaphore, #tpu.memory_space<semaphore_mem>>, %arg21: memref<!tpu.dma_semaphore, #tpu.memory_space<semaphore_mem>>) attributes {dimension_semantics = [#tpu.dimension_semantics<core_parallel>, #tpu.dimension_semantics<subcore_parallel>], iteration_bounds = array<i64: 2, 16>, scalar_prefetch = 0 : i64, scratch_operands = 16 : i64, tpu.core_type = #tpu.core_type<sc_vector_subcore>, window_params = [{transform_indices = #map}, {transform_indices = #map}, {transform_indices = #map1}, {transform_indices = #map1}]} {
    %mul3A = arith.constant 640 : i32
    %mul3A_0 = arith.muli %arg1, %mul3A : i32
    %mul3A_1 = arith.constant 10240 : i32
    %mul3A_2 = arith.muli %arg0, %mul3A_1 : i32
    %mul3A_3 = arith.constant 640 : i32
    %mul3A_4 = arith.muli %arg1, %mul3A_3 : i32
    %add3A = arith.addi %mul3A_2, %mul3A_4 : i32
    "tpu.region"() ({
      %run_scoped3A = tpu.sem_alloc : memref<!tpu.dma_semaphore, #tpu.memory_space<semaphore_mem>>
      %dma_start3A_199 = arith.constant 0 : i32
      %dma_start3A_200 = tpu.memref_slice %arg6[%mul3A_0, %dma_start3A_199] : memref<10240x128xf32, #tpu.memory_space<vmem_shared>> -> memref<640x128xf32, #tpu.memory_space<vmem_shared>>
      %dma_start3A_201 = arith.constant 0 : i32
      %dma_start3A_202 = tpu.memref_slice %arg4[%add3A, %dma_start3A_201] : memref<20480x128xf32, #tpu.memory_space<hbm>> -> memref<640x128xf32, #tpu.memory_space<hbm>>
      tpu.enqueue_dma source(%dma_start3A_202 : memref<640x128xf32, #tpu.memory_space<hbm>>) target(%dma_start3A_200 : memref<640x128xf32, #tpu.memory_space<vmem_shared>>) target_semaphore(%run_scoped3A : memref<!tpu.dma_semaphore, #tpu.memory_space<semaphore_mem>>)
      %dma_wait3A_203 = arith.constant 0 : i32
      %dma_wait3A_204 = tpu.memref_slice %arg6[%mul3A_0, %dma_wait3A_203] : memref<10240x128xf32, #tpu.memory_space<vmem_shared>> -> memref<640x128xf32, #tpu.memory_space<vmem_shared>>
      %dma_wait3A_205 = arith.constant 0 : i32
      %dma_wait3A_206 = tpu.memref_slice %arg4[%add3A, %dma_wait3A_205] : memref<20480x128xf32, #tpu.memory_space<hbm>> -> memref<640x128xf32, #tpu.memory_space<hbm>>
      tpu.wait_dma2 semaphore(%run_scoped3A : memref<!tpu.dma_semaphore, #tpu.memory_space<semaphore_mem>>) src(%dma_wait3A_206 : memref<640x128xf32, #tpu.memory_space<hbm>>) dst(%dma_wait3A_204 : memref<640x128xf32, #tpu.memory_space<vmem_shared>>)
      tpu.yield
    }) : () -> ()
    %barrier3A = arith.constant 0 : index
    tpu.barrier barrier_id(%barrier3A)
    %dma_start3A = arith.constant 0 : i32
    %dma_start3A_5 = arith.constant 0 : i32
    %dma_start3A_6 = tpu.memref_slice %arg2[%arg1, %dma_start3A, %dma_start3A_5] : memref<16x90x112xi32, #tpu.memory_space<hbm>> -> memref<1x1x112xi32, #tpu.memory_space<hbm>>
    %dma_start3A_7 = tpu.memref_squeeze %dma_start3A_6 : memref<1x1x112xi32, #tpu.memory_space<hbm>> -> memref<112xi32, #tpu.memory_space<hbm>>
    %dma_start3A_8 = arith.constant 0 : i32
    %dma_start3A_9 = tpu.memref_slice %arg2[%arg1, %dma_start3A, %dma_start3A_8] : memref<16x90x112xi32, #tpu.memory_space<hbm>> -> memref<1x1x112xi32, #tpu.memory_space<hbm>>
    %dma_start3A_10 = tpu.memref_squeeze %dma_start3A_9 : memref<1x1x112xi32, #tpu.memory_space<hbm>> -> memref<112xi32, #tpu.memory_space<hbm>>
    tpu.enqueue_dma source(%dma_start3A_10 : memref<112xi32, #tpu.memory_space<hbm>>) target(%arg7 : memref<112xi32, #tpu.memory_space<vmem>>) target_semaphore(%arg10 : memref<!tpu.dma_semaphore, #tpu.memory_space<semaphore_mem>>)
    %dma_start3A_11 = arith.constant 0 : i32
    %dma_start3A_12 = arith.constant 0 : i32
    %dma_start3A_13 = tpu.memref_slice %arg3[%arg1, %dma_start3A_11, %dma_start3A_12] : memref<16x90x112xi32, #tpu.memory_space<hbm>> -> memref<1x1x112xi32, #tpu.memory_space<hbm>>
    %dma_start3A_14 = tpu.memref_squeeze %dma_start3A_13 : memref<1x1x112xi32, #tpu.memory_space<hbm>> -> memref<112xi32, #tpu.memory_space<hbm>>
    %dma_start3A_15 = arith.constant 0 : i32
    %dma_start3A_16 = tpu.memref_slice %arg3[%arg1, %dma_start3A_11, %dma_start3A_15] : memref<16x90x112xi32, #tpu.memory_space<hbm>> -> memref<1x1x112xi32, #tpu.memory_space<hbm>>
    %dma_start3A_17 = tpu.memref_squeeze %dma_start3A_16 : memref<1x1x112xi32, #tpu.memory_space<hbm>> -> memref<112xi32, #tpu.memory_space<hbm>>
    tpu.enqueue_dma source(%dma_start3A_17 : memref<112xi32, #tpu.memory_space<hbm>>) target(%arg8 : memref<112xi32, #tpu.memory_space<vmem>>) target_semaphore(%arg10 : memref<!tpu.dma_semaphore, #tpu.memory_space<semaphore_mem>>)
    %dma_start3A_18 = arith.constant 1 : i32
    %dma_start3A_19 = arith.constant 0 : i32
    %dma_start3A_20 = tpu.memref_slice %arg2[%arg1, %dma_start3A_18, %dma_start3A_19] : memref<16x90x112xi32, #tpu.memory_space<hbm>> -> memref<1x1x112xi32, #tpu.memory_space<hbm>>
    %dma_start3A_21 = tpu.memref_squeeze %dma_start3A_20 : memref<1x1x112xi32, #tpu.memory_space<hbm>> -> memref<112xi32, #tpu.memory_space<hbm>>
    %dma_start3A_22 = arith.constant 0 : i32
    %dma_start3A_23 = tpu.memref_slice %arg2[%arg1, %dma_start3A_18, %dma_start3A_22] : memref<16x90x112xi32, #tpu.memory_space<hbm>> -> memref<1x1x112xi32, #tpu.memory_space<hbm>>
    %dma_start3A_24 = tpu.memref_squeeze %dma_start3A_23 : memref<1x1x112xi32, #tpu.memory_space<hbm>> -> memref<112xi32, #tpu.memory_space<hbm>>
    tpu.enqueue_dma source(%dma_start3A_24 : memref<112xi32, #tpu.memory_space<hbm>>) target(%arg12 : memref<112xi32, #tpu.memory_space<vmem>>) target_semaphore(%arg15 : memref<!tpu.dma_semaphore, #tpu.memory_space<semaphore_mem>>)
    %dma_start3A_25 = arith.constant 1 : i32
    %dma_start3A_26 = arith.constant 0 : i32
    %dma_start3A_27 = tpu.memref_slice %arg3[%arg1, %dma_start3A_25, %dma_start3A_26] : memref<16x90x112xi32, #tpu.memory_space<hbm>> -> memref<1x1x112xi32, #tpu.memory_space<hbm>>
    %dma_start3A_28 = tpu.memref_squeeze %dma_start3A_27 : memref<1x1x112xi32, #tpu.memory_space<hbm>> -> memref<112xi32, #tpu.memory_space<hbm>>
    %dma_start3A_29 = arith.constant 0 : i32
    %dma_start3A_30 = tpu.memref_slice %arg3[%arg1, %dma_start3A_25, %dma_start3A_29] : memref<16x90x112xi32, #tpu.memory_space<hbm>> -> memref<1x1x112xi32, #tpu.memory_space<hbm>>
    %dma_start3A_31 = tpu.memref_squeeze %dma_start3A_30 : memref<1x1x112xi32, #tpu.memory_space<hbm>> -> memref<112xi32, #tpu.memory_space<hbm>>
    tpu.enqueue_dma source(%dma_start3A_31 : memref<112xi32, #tpu.memory_space<hbm>>) target(%arg13 : memref<112xi32, #tpu.memory_space<vmem>>) target_semaphore(%arg15 : memref<!tpu.dma_semaphore, #tpu.memory_space<semaphore_mem>>)
    %dma_start3A_32 = arith.constant 2 : i32
    %dma_start3A_33 = arith.constant 0 : i32
    %dma_start3A_34 = tpu.memref_slice %arg2[%arg1, %dma_start3A_32, %dma_start3A_33] : memref<16x90x112xi32, #tpu.memory_space<hbm>> -> memref<1x1x112xi32, #tpu.memory_space<hbm>>
    %dma_start3A_35 = tpu.memref_squeeze %dma_start3A_34 : memref<1x1x112xi32, #tpu.memory_space<hbm>> -> memref<112xi32, #tpu.memory_space<hbm>>
    %dma_start3A_36 = arith.constant 0 : i32
    %dma_start3A_37 = tpu.memref_slice %arg2[%arg1, %dma_start3A_32, %dma_start3A_36] : memref<16x90x112xi32, #tpu.memory_space<hbm>> -> memref<1x1x112xi32, #tpu.memory_space<hbm>>
    %dma_start3A_38 = tpu.memref_squeeze %dma_start3A_37 : memref<1x1x112xi32, #tpu.memory_space<hbm>> -> memref<112xi32, #tpu.memory_space<hbm>>
    tpu.enqueue_dma source(%dma_start3A_38 : memref<112xi32, #tpu.memory_space<hbm>>) target(%arg17 : memref<112xi32, #tpu.memory_space<vmem>>) target_semaphore(%arg20 : memref<!tpu.dma_semaphore, #tpu.memory_space<semaphore_mem>>)
    %dma_start3A_39 = arith.constant 2 : i32
    %dma_start3A_40 = arith.constant 0 : i32
    %dma_start3A_41 = tpu.memref_slice %arg3[%arg1, %dma_start3A_39, %dma_start3A_40] : memref<16x90x112xi32, #tpu.memory_space<hbm>> -> memref<1x1x112xi32, #tpu.memory_space<hbm>>
    %dma_start3A_42 = tpu.memref_squeeze %dma_start3A_41 : memref<1x1x112xi32, #tpu.memory_space<hbm>> -> memref<112xi32, #tpu.memory_space<hbm>>
    %dma_start3A_43 = arith.constant 0 : i32
    %dma_start3A_44 = tpu.memref_slice %arg3[%arg1, %dma_start3A_39, %dma_start3A_43] : memref<16x90x112xi32, #tpu.memory_space<hbm>> -> memref<1x1x112xi32, #tpu.memory_space<hbm>>
    %dma_start3A_45 = tpu.memref_squeeze %dma_start3A_44 : memref<1x1x112xi32, #tpu.memory_space<hbm>> -> memref<112xi32, #tpu.memory_space<hbm>>
    tpu.enqueue_dma source(%dma_start3A_45 : memref<112xi32, #tpu.memory_space<hbm>>) target(%arg18 : memref<112xi32, #tpu.memory_space<vmem>>) target_semaphore(%arg20 : memref<!tpu.dma_semaphore, #tpu.memory_space<semaphore_mem>>)
    %dma_wait3A = arith.constant 0 : i32
    %dma_wait3A_46 = arith.constant 0 : i32
    %dma_wait3A_47 = tpu.memref_slice %arg2[%arg1, %dma_wait3A, %dma_wait3A_46] : memref<16x90x112xi32, #tpu.memory_space<hbm>> -> memref<1x1x112xi32, #tpu.memory_space<hbm>>
    %dma_wait3A_48 = tpu.memref_squeeze %dma_wait3A_47 : memref<1x1x112xi32, #tpu.memory_space<hbm>> -> memref<112xi32, #tpu.memory_space<hbm>>
    %dma_wait3A_49 = arith.constant 0 : i32
    %dma_wait3A_50 = tpu.memref_slice %arg2[%arg1, %dma_wait3A, %dma_wait3A_49] : memref<16x90x112xi32, #tpu.memory_space<hbm>> -> memref<1x1x112xi32, #tpu.memory_space<hbm>>
    %dma_wait3A_51 = tpu.memref_squeeze %dma_wait3A_50 : memref<1x1x112xi32, #tpu.memory_space<hbm>> -> memref<112xi32, #tpu.memory_space<hbm>>
    tpu.wait_dma2 semaphore(%arg10 : memref<!tpu.dma_semaphore, #tpu.memory_space<semaphore_mem>>) src(%dma_wait3A_51 : memref<112xi32, #tpu.memory_space<hbm>>) dst(%arg7 : memref<112xi32, #tpu.memory_space<vmem>>)
    %dma_wait3A_52 = arith.constant 0 : i32
    %dma_wait3A_53 = arith.constant 0 : i32
    %dma_wait3A_54 = tpu.memref_slice %arg3[%arg1, %dma_wait3A_52, %dma_wait3A_53] : memref<16x90x112xi32, #tpu.memory_space<hbm>> -> memref<1x1x112xi32, #tpu.memory_space<hbm>>
    %dma_wait3A_55 = tpu.memref_squeeze %dma_wait3A_54 : memref<1x1x112xi32, #tpu.memory_space<hbm>> -> memref<112xi32, #tpu.memory_space<hbm>>
    %dma_wait3A_56 = arith.constant 0 : i32
    %dma_wait3A_57 = tpu.memref_slice %arg3[%arg1, %dma_wait3A_52, %dma_wait3A_56] : memref<16x90x112xi32, #tpu.memory_space<hbm>> -> memref<1x1x112xi32, #tpu.memory_space<hbm>>
    %dma_wait3A_58 = tpu.memref_squeeze %dma_wait3A_57 : memref<1x1x112xi32, #tpu.memory_space<hbm>> -> memref<112xi32, #tpu.memory_space<hbm>>
    tpu.wait_dma2 semaphore(%arg10 : memref<!tpu.dma_semaphore, #tpu.memory_space<semaphore_mem>>) src(%dma_wait3A_58 : memref<112xi32, #tpu.memory_space<hbm>>) dst(%arg8 : memref<112xi32, #tpu.memory_space<vmem>>)
    %get3A = arith.constant 0 : index
    %get3A_59 = tpu.vector_load %arg7[%get3A] {strides = array<i32>} : memref<112xi32, #tpu.memory_space<vmem>>, vector<16xi32>,
    %mul3A_60 = arith.constant 10240 : i32
    %mul3A_61 = arith.muli %arg0, %mul3A_60 : i32
    %add3A_62 = vector.broadcast %mul3A_61 : i32 to vector<16xi32>
    %add3A_63 = arith.addi %get3A_59, %add3A_62 : vector<16xi32>
    %swap3A = arith.constant 0 : index
    %swap3A_64 = tpu.vector_load %arg7[%swap3A] {strides = array<i32>} : memref<112xi32, #tpu.memory_space<vmem>>, vector<16xi32>,
    tpu.vector_store %arg7[%swap3A], %add3A_63 {strides = array<i32>} : memref<112xi32, #tpu.memory_space<vmem>>, vector<16xi32>,
    %get3A_65 = arith.constant 16 : index
    %get3A_66 = tpu.vector_load %arg7[%get3A_65] {strides = array<i32>} : memref<112xi32, #tpu.memory_space<vmem>>, vector<16xi32>,
    %mul3A_67 = arith.constant 10240 : i32
    %mul3A_68 = arith.muli %arg0, %mul3A_67 : i32
    %add3A_69 = vector.broadcast %mul3A_68 : i32 to vector<16xi32>
    %add3A_70 = arith.addi %get3A_66, %add3A_69 : vector<16xi32>
    %swap3A_71 = arith.constant 16 : index
    %swap3A_72 = tpu.vector_load %arg7[%swap3A_71] {strides = array<i32>} : memref<112xi32, #tpu.memory_space<vmem>>, vector<16xi32>,
    tpu.vector_store %arg7[%swap3A_71], %add3A_70 {strides = array<i32>} : memref<112xi32, #tpu.memory_space<vmem>>, vector<16xi32>,
    %get3A_73 = arith.constant 32 : index
    %get3A_74 = tpu.vector_load %arg7[%get3A_73] {strides = array<i32>} : memref<112xi32, #tpu.memory_space<vmem>>, vector<16xi32>,
    %mul3A_75 = arith.constant 10240 : i32
    %mul3A_76 = arith.muli %arg0, %mul3A_75 : i32
    %add3A_77 = vector.broadcast %mul3A_76 : i32 to vector<16xi32>
    %add3A_78 = arith.addi %get3A_74, %add3A_77 : vector<16xi32>
    %swap3A_79 = arith.constant 32 : index
    %swap3A_80 = tpu.vector_load %arg7[%swap3A_79] {strides = array<i32>} : memref<112xi32, #tpu.memory_space<vmem>>, vector<16xi32>,
    tpu.vector_store %arg7[%swap3A_79], %add3A_78 {strides = array<i32>} : memref<112xi32, #tpu.memory_space<vmem>>, vector<16xi32>,
    %get3A_81 = arith.constant 48 : index
    %get3A_82 = tpu.vector_load %arg7[%get3A_81] {strides = array<i32>} : memref<112xi32, #tpu.memory_space<vmem>>, vector<16xi32>,
    %mul3A_83 = arith.constant 10240 : i32
    %mul3A_84 = arith.muli %arg0, %mul3A_83 : i32
    %add3A_85 = vector.broadcast %mul3A_84 : i32 to vector<16xi32>
    %add3A_86 = arith.addi %get3A_82, %add3A_85 : vector<16xi32>
    %swap3A_87 = arith.constant 48 : index
    %swap3A_88 = tpu.vector_load %arg7[%swap3A_87] {strides = array<i32>} : memref<112xi32, #tpu.memory_space<vmem>>, vector<16xi32>,
    tpu.vector_store %arg7[%swap3A_87], %add3A_86 {strides = array<i32>} : memref<112xi32, #tpu.memory_space<vmem>>, vector<16xi32>,
    %get3A_89 = arith.constant 64 : index
    %get3A_90 = tpu.vector_load %arg7[%get3A_89] {strides = array<i32>} : memref<112xi32, #tpu.memory_space<vmem>>, vector<16xi32>,
    %mul3A_91 = arith.constant 10240 : i32
    %mul3A_92 = arith.muli %arg0, %mul3A_91 : i32
    %add3A_93 = vector.broadcast %mul3A_92 : i32 to vector<16xi32>
    %add3A_94 = arith.addi %get3A_90, %add3A_93 : vector<16xi32>
    %swap3A_95 = arith.constant 64 : index
    %swap3A_96 = tpu.vector_load %arg7[%swap3A_95] {strides = array<i32>} : memref<112xi32, #tpu.memory_space<vmem>>, vector<16xi32>,
    tpu.vector_store %arg7[%swap3A_95], %add3A_94 {strides = array<i32>} : memref<112xi32, #tpu.memory_space<vmem>>, vector<16xi32>,
    %get3A_97 = arith.constant 80 : index
    %get3A_98 = tpu.vector_load %arg7[%get3A_97] {strides = array<i32>} : memref<112xi32, #tpu.memory_space<vmem>>, vector<16xi32>,
    %mul3A_99 = arith.constant 10240 : i32
    %mul3A_100 = arith.muli %arg0, %mul3A_99 : i32
    %add3A_101 = vector.broadcast %mul3A_100 : i32 to vector<16xi32>
    %add3A_102 = arith.addi %get3A_98, %add3A_101 : vector<16xi32>
    %swap3A_103 = arith.constant 80 : index
    %swap3A_104 = tpu.vector_load %arg7[%swap3A_103] {strides = array<i32>} : memref<112xi32, #tpu.memory_space<vmem>>, vector<16xi32>,
    tpu.vector_store %arg7[%swap3A_103], %add3A_102 {strides = array<i32>} : memref<112xi32, #tpu.memory_space<vmem>>, vector<16xi32>,
    %get3A_105 = arith.constant 96 : index
    %get3A_106 = tpu.vector_load %arg7[%get3A_105] {strides = array<i32>} : memref<112xi32, #tpu.memory_space<vmem>>, vector<16xi32>,
    %mul3A_107 = arith.constant 10240 : i32
    %mul3A_108 = arith.muli %arg0, %mul3A_107 : i32
    %add3A_109 = vector.broadcast %mul3A_108 : i32 to vector<16xi32>
    %add3A_110 = arith.addi %get3A_106, %add3A_109 : vector<16xi32>
    %swap3A_111 = arith.constant 96 : index
    %swap3A_112 = tpu.vector_load %arg7[%swap3A_111] {strides = array<i32>} : memref<112xi32, #tpu.memory_space<vmem>>, vector<16xi32>,
    tpu.vector_store %arg7[%swap3A_111], %add3A_110 {strides = array<i32>} : memref<112xi32, #tpu.memory_space<vmem>>, vector<16xi32>,
    %dma_start3A_113 = arith.constant 0 : i32
    %dma_start3A_114 = arith.constant 0 : i32
    %dma_start3A_115 = tpu.memref_slice %arg4[%dma_start3A_113, %dma_start3A_114] : memref<20480x128xf32, #tpu.memory_space<hbm>> -> memref<20480x128xf32, #tpu.memory_space<hbm>>
    tpu.enqueue_indirect_dma source(%dma_start3A_115 : memref<20480x128xf32, #tpu.memory_space<hbm>>) target(%arg9 : memref<112x128xf32, #tpu.memory_space<vmem>>) offsets(%arg7 : memref<112xi32, #tpu.memory_space<vmem>>) semaphore(%arg11 : memref<!tpu.dma_semaphore, #tpu.memory_space<semaphore_mem>>)
    %dma_wait3A_116 = arith.constant 0 : i32
    %dma_wait3A_117 = arith.constant 0 : i32
    %dma_wait3A_118 = tpu.memref_slice %arg2[%arg1, %dma_wait3A_116, %dma_wait3A_117] : memref<16x90x112xi32, #tpu.memory_space<hbm>> -> memref<1x1x112xi32, #tpu.memory_space<hbm>>
    %dma_wait3A_119 = tpu.memref_squeeze %dma_wait3A_118 : memref<1x1x112xi32, #tpu.memory_space<hbm>> -> memref<112xi32, #tpu.memory_space<hbm>>
    %dma_wait3A_120 = arith.constant 0 : i32
    %dma_wait3A_121 = tpu.memref_slice %arg2[%arg1, %dma_wait3A_116, %dma_wait3A_120] : memref<16x90x112xi32, #tpu.memory_space<hbm>> -> memref<1x1x112xi32, #tpu.memory_space<hbm>>
    %dma_wait3A_122 = tpu.memref_squeeze %dma_wait3A_121 : memref<1x1x112xi32, #tpu.memory_space<hbm>> -> memref<112xi32, #tpu.memory_space<hbm>>
    tpu.wait_dma2 semaphore(%arg15 : memref<!tpu.dma_semaphore, #tpu.memory_space<semaphore_mem>>) src(%dma_wait3A_122 : memref<112xi32, #tpu.memory_space<hbm>>) dst(%arg12 : memref<112xi32, #tpu.memory_space<vmem>>)
    %dma_wait3A_123 = arith.constant 0 : i32
    %dma_wait3A_124 = arith.constant 0 : i32
    %dma_wait3A_125 = tpu.memref_slice %arg3[%arg1, %dma_wait3A_123, %dma_wait3A_124] : memref<16x90x112xi32, #tpu.memory_space<hbm>> -> memref<1x1x112xi32, #tpu.memory_space<hbm>>
    %dma_wait3A_126 = tpu.memref_squeeze %dma_wait3A_125 : memref<1x1x112xi32, #tpu.memory_space<hbm>> -> memref<112xi32, #tpu.memory_space<hbm>>
    %dma_wait3A_127 = arith.constant 0 : i32
    %dma_wait3A_128 = tpu.memref_slice %arg3[%arg1, %dma_wait3A_123, %dma_wait3A_127] : memref<16x90x112xi32, #tpu.memory_space<hbm>> -> memref<1x1x112xi32, #tpu.memory_space<hbm>>
    %dma_wait3A_129 = tpu.memref_squeeze %dma_wait3A_128 : memref<1x1x112xi32, #tpu.memory_space<hbm>> -> memref<112xi32, #tpu.memory_space<hbm>>
    tpu.wait_dma2 semaphore(%arg15 : memref<!tpu.dma_semaphore, #tpu.memory_space<semaphore_mem>>) src(%dma_wait3A_129 : memref<112xi32, #tpu.memory_space<hbm>>) dst(%arg13 : memref<112xi32, #tpu.memory_space<vmem>>)
    %get3A_130 = arith.constant 0 : index
    %get3A_131 = tpu.vector_load %arg12[%get3A_130] {strides = array<i32>} : memref<112xi32, #tpu.memory_space<vmem>>, vector<16xi32>,
    %mul3A_132 = arith.constant 10240 : i32
    %mul3A_133 = arith.muli %arg0, %mul3A_132 : i32
    %add3A_134 = vector.broadcast %mul3A_133 : i32 to vector<16xi32>
    %add3A_135 = arith.addi %get3A_131, %add3A_134 : vector<16xi32>
    %swap3A_136 = arith.constant 0 : index
    %swap3A_137 = tpu.vector_load %arg12[%swap3A_136] {strides = array<i32>} : memref<112xi32, #tpu.memory_space<vmem>>, vector<16xi32>,
    tpu.vector_store %arg12[%swap3A_136], %add3A_135 {strides = array<i32>} : memref<112xi32, #tpu.memory_space<vmem>>, vector<16xi32>,
    %get3A_138 = arith.constant 16 : index
    %get3A_139 = tpu.vector_load %arg12[%get3A_138] {strides = array<i32>} : memref<112xi32, #tpu.memory_space<vmem>>, vector<16xi32>,
    %mul3A_140 = arith.constant 10240 : i32
    %mul3A_141 = arith.muli %arg0, %mul3A_140 : i32
    %add3A_142 = vector.broadcast %mul3A_141 : i32 to vector<16xi32>
    %add3A_143 = arith.addi %get3A_139, %add3A_142 : vector<16xi32>
    %swap3A_144 = arith.constant 16 : index
    %swap3A_145 = tpu.vector_load %arg12[%swap3A_144] {strides = array<i32>} : memref<112xi32, #tpu.memory_space<vmem>>, vector<16xi32>,
    tpu.vector_store %arg12[%swap3A_144], %add3A_143 {strides = array<i32>} : memref<112xi32, #tpu.memory_space<vmem>>, vector<16xi32>,
    %get3A_146 = arith.constant 32 : index
    %get3A_147 = tpu.vector_load %arg12[%get3A_146] {strides = array<i32>} : memref<112xi32, #tpu.memory_space<vmem>>, vector<16xi32>,
    %mul3A_148 = arith.constant 10240 : i32
    %mul3A_149 = arith.muli %arg0, %mul3A_148 : i32
    %add3A_150 = vector.broadcast %mul3A_149 : i32 to vector<16xi32>
    %add3A_151 = arith.addi %get3A_147, %add3A_150 : vector<16xi32>
    %swap3A_152 = arith.constant 32 : index
    %swap3A_153 = tpu.vector_load %arg12[%swap3A_152] {strides = array<i32>} : memref<112xi32, #tpu.memory_space<vmem>>, vector<16xi32>,
    tpu.vector_store %arg12[%swap3A_152], %add3A_151 {strides = array<i32>} : memref<112xi32, #tpu.memory_space<vmem>>, vector<16xi32>,
    %get3A_154 = arith.constant 48 : index
    %get3A_155 = tpu.vector_load %arg12[%get3A_154] {strides = array<i32>} : memref<112xi32, #tpu.memory_space<vmem>>, vector<16xi32>,
    %mul3A_156 = arith.constant 10240 : i32
    %mul3A_157 = arith.muli %arg0, %mul3A_156 : i32
    %add3A_158 = vector.broadcast %mul3A_157 : i32 to vector<16xi32>
    %add3A_159 = arith.addi %get3A_155, %add3A_158 : vector<16xi32>
    %swap3A_160 = arith.constant 48 : index
    %swap3A_161 = tpu.vector_load %arg12[%swap3A_160] {strides = array<i32>} : memref<112xi32, #tpu.memory_space<vmem>>, vector<16xi32>,
    tpu.vector_store %arg12[%swap3A_160], %add3A_159 {strides = array<i32>} : memref<112xi32, #tpu.memory_space<vmem>>, vector<16xi32>,
    %get3A_162 = arith.constant 64 : index
    %get3A_163 = tpu.vector_load %arg12[%get3A_162] {strides = array<i32>} : memref<112xi32, #tpu.memory_space<vmem>>, vector<16xi32>,
    %mul3A_164 = arith.constant 10240 : i32
    %mul3A_165 = arith.muli %arg0, %mul3A_164 : i32
    %add3A_166 = vector.broadcast %mul3A_165 : i32 to vector<16xi32>
    %add3A_167 = arith.addi %get3A_163, %add3A_166 : vector<16xi32>
    %swap3A_168 = arith.constant 64 : index
    %swap3A_169 = tpu.vector_load %arg12[%swap3A_168] {strides = array<i32>} : memref<112xi32, #tpu.memory_space<vmem>>, vector<16xi32>,
    tpu.vector_store %arg12[%swap3A_168], %add3A_167 {strides = array<i32>} : memref<112xi32, #tpu.memory_space<vmem>>, vector<16xi32>,
    %get3A_170 = arith.constant 80 : index
    %get3A_171 = tpu.vector_load %arg12[%get3A_170] {strides = array<i32>} : memref<112xi32, #tpu.memory_space<vmem>>, vector<16xi32>,
    %mul3A_172 = arith.constant 10240 : i32
    %mul3A_173 = arith.muli %arg0, %mul3A_172 : i32
    %add3A_174 = vector.broadcast %mul3A_173 : i32 to vector<16xi32>
    %add3A_175 = arith.addi %get3A_171, %add3A_174 : vector<16xi32>
    %swap3A_176 = arith.constant 80 : index
    %swap3A_177 = tpu.vector_load %arg12[%swap3A_176] {strides = array<i32>} : memref<112xi32, #tpu.memory_space<vmem>>, vector<16xi32>,
    tpu.vector_store %arg12[%swap3A_176], %add3A_175 {strides = array<i32>} : memref<112xi32, #tpu.memory_space<vmem>>, vector<16xi32>,
    %get3A_178 = arith.constant 96 : index
    %get3A_179 = tpu.vector_load %arg12[%get3A_178] {strides = array<i32>} : memref<112xi32, #tpu.memory_space<vmem>>, vector<16xi32>,
    %mul3A_180 = arith.constant 10240 : i32
    %mul3A_181 = arith.muli %arg0, %mul3A_180 : i32
    %add3A_182 = vector.broadcast %mul3A_181 : i32 to vector<16xi32>
    %add3A_183 = arith.addi %get3A_179, %add3A_182 : vector<16xi32>
    %swap3A_184 = arith.constant 96 : index
    %swap3A_185 = tpu.vector_load %arg12[%swap3A_184] {strides = array<i32>} : memref<112xi32, #tpu.memory_space<vmem>>, vector<16xi32>,
    tpu.vector_store %arg12[%swap3A_184], %add3A_183 {strides = array<i32>} : memref<112xi32, #tpu.memory_space<vmem>>, vector<16xi32>,
    %dma_start3A_186 = arith.constant 0 : i32
    %dma_start3A_187 = arith.constant 0 : i32
    %dma_start3A_188 = tpu.memref_slice %arg4[%dma_start3A_186, %dma_start3A_187] : memref<20480x128xf32, #tpu.memory_space<hbm>> -> memref<20480x128xf32, #tpu.memory_space<hbm>>
    tpu.enqueue_indirect_dma source(%dma_start3A_188 : memref<20480x128xf32, #tpu.memory_space<hbm>>) target(%arg14 : memref<112x128xf32, #tpu.memory_space<vmem>>) offsets(%arg12 : memref<112xi32, #tpu.memory_space<vmem>>) semaphore(%arg16 : memref<!tpu.dma_semaphore, #tpu.memory_space<semaphore_mem>>)
    %scan3A = arith.constant 0 : i32
    %scan3A_189 = arith.constant 30 : i32
    %scan3A_190 = arith.addi %scan3A, %scan3A_189 : i32
    %scan3A_191 = arith.constant 1 : i32
    scf.for %scan3A_199 = %scan3A to %scan3A_190 step %scan3A_191  : i32 {
      %mul3A_200 = arith.constant 3 : i32
      %mul3A_201 = arith.muli %scan3A_199, %mul3A_200 : i32
      %add3A_202 = arith.constant 0 : i32
      %add3A_203 = arith.addi %add3A_202, %mul3A_201 : i32
      %add3A_204 = arith.constant 0 : i32
      %add3A_205 = arith.addi %add3A_203, %add3A_204 : i32
      %dma_wait3A_206 = arith.constant 0 : i32
      %dma_wait3A_207 = arith.constant 0 : i32
      %dma_wait3A_208 = tpu.memref_slice %arg4[%dma_wait3A_206, %dma_wait3A_207] : memref<20480x128xf32, #tpu.memory_space<hbm>> -> memref<20480x128xf32, #tpu.memory_space<hbm>>
      tpu.wait_indirect_dma semaphore(%arg11 : memref<!tpu.dma_semaphore, #tpu.memory_space<semaphore_mem>>) src(%dma_wait3A_208 : memref<20480x128xf32, #tpu.memory_space<hbm>>) dst(%arg9 : memref<112x128xf32, #tpu.memory_space<vmem>>)
      %add3A_209 = arith.constant 2 : i32
      %add3A_210 = arith.addi %add3A_205, %add3A_209 : i32
      %lt3A = arith.constant 90 : i32
      %lt3A_211 = arith.cmpi slt, %add3A_210, %lt3A : i32
      %convert_element_type3A = arith.extui %lt3A_211 : i1 to i32
      %cond3A = arith.constant 0 : i32
      %cond3A_212 = arith.cmpi ne, %convert_element_type3A, %cond3A : i32
      scf.if %cond3A_212 {
        %dma_wait3A_258 = arith.constant 0 : i32
        %dma_wait3A_259 = arith.constant 0 : i32
        %dma_wait3A_260 = tpu.memref_slice %arg2[%arg1, %dma_wait3A_258, %dma_wait3A_259] : memref<16x90x112xi32, #tpu.memory_space<hbm>> -> memref<1x1x112xi32, #tpu.memory_space<hbm>>
        %dma_wait3A_261 = tpu.memref_squeeze %dma_wait3A_260 : memref<1x1x112xi32, #tpu.memory_space<hbm>> -> memref<112xi32, #tpu.memory_space<hbm>>
        %dma_wait3A_262 = arith.constant 0 : i32
        %dma_wait3A_263 = tpu.memref_slice %arg2[%arg1, %dma_wait3A_258, %dma_wait3A_262] : memref<16x90x112xi32, #tpu.memory_space<hbm>> -> memref<1x1x112xi32, #tpu.memory_space<hbm>>
        %dma_wait3A_264 = tpu.memref_squeeze %dma_wait3A_263 : memref<1x1x112xi32, #tpu.memory_space<hbm>> -> memref<112xi32, #tpu.memory_space<hbm>>
        tpu.wait_dma2 semaphore(%arg20 : memref<!tpu.dma_semaphore, #tpu.memory_space<semaphore_mem>>) src(%dma_wait3A_264 : memref<112xi32, #tpu.memory_space<hbm>>) dst(%arg17 : memref<112xi32, #tpu.memory_space<vmem>>)
        %dma_wait3A_265 = arith.constant 0 : i32
        %dma_wait3A_266 = arith.constant 0 : i32
        %dma_wait3A_267 = tpu.memref_slice %arg3[%arg1, %dma_wait3A_265, %dma_wait3A_266] : memref<16x90x112xi32, #tpu.memory_space<hbm>> -> memref<1x1x112xi32, #tpu.memory_space<hbm>>
        %dma_wait3A_268 = tpu.memref_squeeze %dma_wait3A_267 : memref<1x1x112xi32, #tpu.memory_space<hbm>> -> memref<112xi32, #tpu.memory_space<hbm>>
        %dma_wait3A_269 = arith.constant 0 : i32
        %dma_wait3A_270 = tpu.memref_slice %arg3[%arg1, %dma_wait3A_265, %dma_wait3A_269] : memref<16x90x112xi32, #tpu.memory_space<hbm>> -> memref<1x1x112xi32, #tpu.memory_space<hbm>>
        %dma_wait3A_271 = tpu.memref_squeeze %dma_wait3A_270 : memref<1x1x112xi32, #tpu.memory_space<hbm>> -> memref<112xi32, #tpu.memory_space<hbm>>
        tpu.wait_dma2 semaphore(%arg20 : memref<!tpu.dma_semaphore, #tpu.memory_space<semaphore_mem>>) src(%dma_wait3A_271 : memref<112xi32, #tpu.memory_space<hbm>>) dst(%arg18 : memref<112xi32, #tpu.memory_space<vmem>>)
        %get3A_272 = arith.constant 0 : index
        %get3A_273 = tpu.vector_load %arg17[%get3A_272] {strides = array<i32>} : memref<112xi32, #tpu.memory_space<vmem>>, vector<16xi32>,
        %mul3A_274 = arith.constant 10240 : i32
        %mul3A_275 = arith.muli %arg0, %mul3A_274 : i32
        %add3A_276 = vector.broadcast %mul3A_275 : i32 to vector<16xi32>
        %add3A_277 = arith.addi %get3A_273, %add3A_276 : vector<16xi32>
        %swap3A_278 = arith.constant 0 : index
        %swap3A_279 = tpu.vector_load %arg17[%swap3A_278] {strides = array<i32>} : memref<112xi32, #tpu.memory_space<vmem>>, vector<16xi32>,
        tpu.vector_store %arg17[%swap3A_278], %add3A_277 {strides = array<i32>} : memref<112xi32, #tpu.memory_space<vmem>>, vector<16xi32>,
        %get3A_280 = arith.constant 16 : index
        %get3A_281 = tpu.vector_load %arg17[%get3A_280] {strides = array<i32>} : memref<112xi32, #tpu.memory_space<vmem>>, vector<16xi32>,
        %mul3A_282 = arith.constant 10240 : i32
        %mul3A_283 = arith.muli %arg0, %mul3A_282 : i32
        %add3A_284 = vector.broadcast %mul3A_283 : i32 to vector<16xi32>
        %add3A_285 = arith.addi %get3A_281, %add3A_284 : vector<16xi32>
        %swap3A_286 = arith.constant 16 : index
        %swap3A_287 = tpu.vector_load %arg17[%swap3A_286] {strides = array<i32>} : memref<112xi32, #tpu.memory_space<vmem>>, vector<16xi32>,
        tpu.vector_store %arg17[%swap3A_286], %add3A_285 {strides = array<i32>} : memref<112xi32, #tpu.memory_space<vmem>>, vector<16xi32>,
        %get3A_288 = arith.constant 32 : index
        %get3A_289 = tpu.vector_load %arg17[%get3A_288] {strides = array<i32>} : memref<112xi32, #tpu.memory_space<vmem>>, vector<16xi32>,
        %mul3A_290 = arith.constant 10240 : i32
        %mul3A_291 = arith.muli %arg0, %mul3A_290 : i32
        %add3A_292 = vector.broadcast %mul3A_291 : i32 to vector<16xi32>
        %add3A_293 = arith.addi %get3A_289, %add3A_292 : vector<16xi32>
        %swap3A_294 = arith.constant 32 : index
        %swap3A_295 = tpu.vector_load %arg17[%swap3A_294] {strides = array<i32>} : memref<112xi32, #tpu.memory_space<vmem>>, vector<16xi32>,
        tpu.vector_store %arg17[%swap3A_294], %add3A_293 {strides = array<i32>} : memref<112xi32, #tpu.memory_space<vmem>>, vector<16xi32>,
        %get3A_296 = arith.constant 48 : index
        %get3A_297 = tpu.vector_load %arg17[%get3A_296] {strides = array<i32>} : memref<112xi32, #tpu.memory_space<vmem>>, vector<16xi32>,
        %mul3A_298 = arith.constant 10240 : i32
        %mul3A_299 = arith.muli %arg0, %mul3A_298 : i32
        %add3A_300 = vector.broadcast %mul3A_299 : i32 to vector<16xi32>
        %add3A_301 = arith.addi %get3A_297, %add3A_300 : vector<16xi32>
        %swap3A_302 = arith.constant 48 : index
        %swap3A_303 = tpu.vector_load %arg17[%swap3A_302] {strides = array<i32>} : memref<112xi32, #tpu.memory_space<vmem>>, vector<16xi32>,
        tpu.vector_store %arg17[%swap3A_302], %add3A_301 {strides = array<i32>} : memref<112xi32, #tpu.memory_space<vmem>>, vector<16xi32>,
        %get3A_304 = arith.constant 64 : index
        %get3A_305 = tpu.vector_load %arg17[%get3A_304] {strides = array<i32>} : memref<112xi32, #tpu.memory_space<vmem>>, vector<16xi32>,
        %mul3A_306 = arith.constant 10240 : i32
        %mul3A_307 = arith.muli %arg0, %mul3A_306 : i32
        %add3A_308 = vector.broadcast %mul3A_307 : i32 to vector<16xi32>
        %add3A_309 = arith.addi %get3A_305, %add3A_308 : vector<16xi32>
        %swap3A_310 = arith.constant 64 : index
        %swap3A_311 = tpu.vector_load %arg17[%swap3A_310] {strides = array<i32>} : memref<112xi32, #tpu.memory_space<vmem>>, vector<16xi32>,
        tpu.vector_store %arg17[%swap3A_310], %add3A_309 {strides = array<i32>} : memref<112xi32, #tpu.memory_space<vmem>>, vector<16xi32>,
        %get3A_312 = arith.constant 80 : index
        %get3A_313 = tpu.vector_load %arg17[%get3A_312] {strides = array<i32>} : memref<112xi32, #tpu.memory_space<vmem>>, vector<16xi32>,
        %mul3A_314 = arith.constant 10240 : i32
        %mul3A_315 = arith.muli %arg0, %mul3A_314 : i32
        %add3A_316 = vector.broadcast %mul3A_315 : i32 to vector<16xi32>
        %add3A_317 = arith.addi %get3A_313, %add3A_316 : vector<16xi32>
        %swap3A_318 = arith.constant 80 : index
        %swap3A_319 = tpu.vector_load %arg17[%swap3A_318] {strides = array<i32>} : memref<112xi32, #tpu.memory_space<vmem>>, vector<16xi32>,
        tpu.vector_store %arg17[%swap3A_318], %add3A_317 {strides = array<i32>} : memref<112xi32, #tpu.memory_space<vmem>>, vector<16xi32>,
        %get3A_320 = arith.constant 96 : index
        %get3A_321 = tpu.vector_load %arg17[%get3A_320] {strides = array<i32>} : memref<112xi32, #tpu.memory_space<vmem>>, vector<16xi32>,
        %mul3A_322 = arith.constant 10240 : i32
        %mul3A_323 = arith.muli %arg0, %mul3A_322 : i32
        %add3A_324 = vector.broadcast %mul3A_323 : i32 to vector<16xi32>
        %add3A_325 = arith.addi %get3A_321, %add3A_324 : vector<16xi32>
        %swap3A_326 = arith.constant 96 : index
        %swap3A_327 = tpu.vector_load %arg17[%swap3A_326] {strides = array<i32>} : memref<112xi32, #tpu.memory_space<vmem>>, vector<16xi32>,
        tpu.vector_store %arg17[%swap3A_326], %add3A_325 {strides = array<i32>} : memref<112xi32, #tpu.memory_space<vmem>>, vector<16xi32>,
        %dma_start3A_328 = arith.constant 0 : i32
        %dma_start3A_329 = arith.constant 0 : i32
        %dma_start3A_330 = tpu.memref_slice %arg4[%dma_start3A_328, %dma_start3A_329] : memref<20480x128xf32, #tpu.memory_space<hbm>> -> memref<20480x128xf32, #tpu.memory_space<hbm>>
        tpu.enqueue_indirect_dma source(%dma_start3A_330 : memref<20480x128xf32, #tpu.memory_space<hbm>>) target(%arg19 : memref<112x128xf32, #tpu.memory_space<vmem>>) offsets(%arg17 : memref<112xi32, #tpu.memory_space<vmem>>) semaphore(%arg21 : memref<!tpu.dma_semaphore, #tpu.memory_space<semaphore_mem>>)
      } else {
      }
      "tpu.region"() ({
        %run_scoped3A = tpu.sem_alloc : memref<!tpu.dma_semaphore, #tpu.memory_space<semaphore_mem>>
        %dma_start3A_258 = arith.constant 0 : i32
        %dma_start3A_259 = arith.constant 0 : i32
        %dma_start3A_260 = tpu.memref_slice %arg6[%dma_start3A_258, %dma_start3A_259] : memref<10240x128xf32, #tpu.memory_space<vmem_shared>> -> memref<10240x128xf32, #tpu.memory_space<vmem_shared>>
        tpu.enqueue_indirect_dma source(%arg9 : memref<112x128xf32, #tpu.memory_space<vmem>>) target(%dma_start3A_260 : memref<10240x128xf32, #tpu.memory_space<vmem_shared>>) offsets(%arg8 : memref<112xi32, #tpu.memory_space<vmem>>) semaphore(%run_scoped3A : memref<!tpu.dma_semaphore, #tpu.memory_space<semaphore_mem>>) {add = true}
        %dma_wait3A_261 = arith.constant 0 : i32
        %dma_wait3A_262 = arith.constant 0 : i32
        %dma_wait3A_263 = tpu.memref_slice %arg6[%dma_wait3A_261, %dma_wait3A_262] : memref<10240x128xf32, #tpu.memory_space<vmem_shared>> -> memref<10240x128xf32, #tpu.memory_space<vmem_shared>>
        tpu.wait_indirect_dma semaphore(%run_scoped3A : memref<!tpu.dma_semaphore, #tpu.memory_space<semaphore_mem>>) src(%arg9 : memref<112x128xf32, #tpu.memory_space<vmem>>) dst(%dma_wait3A_263 : memref<10240x128xf32, #tpu.memory_space<vmem_shared>>)
        tpu.yield
      }) : () -> ()
      %add3A_213 = arith.constant 3 : i32
      %add3A_214 = arith.addi %add3A_205, %add3A_213 : i32
      %lt3A_215 = arith.constant 90 : i32
      %lt3A_216 = arith.cmpi slt, %add3A_214, %lt3A_215 : i32
      %convert_element_type3A_217 = arith.extui %lt3A_216 : i1 to i32
      %cond3A_218 = arith.constant 0 : i32
      %cond3A_219 = arith.cmpi ne, %convert_element_type3A_217, %cond3A_218 : i32
      scf.if %cond3A_219 {
        %add3A_258 = arith.constant 3 : i32
        %add3A_259 = arith.addi %add3A_205, %add3A_258 : i32
        %dma_start3A_260 = arith.constant 0 : i32
        %dma_start3A_261 = tpu.memref_slice %arg2[%arg1, %add3A_259, %dma_start3A_260] : memref<16x90x112xi32, #tpu.memory_space<hbm>> -> memref<1x1x112xi32, #tpu.memory_space<hbm>>
        %dma_start3A_262 = tpu.memref_squeeze %dma_start3A_261 : memref<1x1x112xi32, #tpu.memory_space<hbm>> -> memref<112xi32, #tpu.memory_space<hbm>>
        %dma_start3A_263 = arith.constant 0 : i32
        %dma_start3A_264 = tpu.memref_slice %arg2[%arg1, %add3A_259, %dma_start3A_263] : memref<16x90x112xi32, #tpu.memory_space<hbm>> -> memref<1x1x112xi32, #tpu.memory_space<hbm>>
        %dma_start3A_265 = tpu.memref_squeeze %dma_start3A_264 : memref<1x1x112xi32, #tpu.memory_space<hbm>> -> memref<112xi32, #tpu.memory_space<hbm>>
        tpu.enqueue_dma source(%dma_start3A_265 : memref<112xi32, #tpu.memory_space<hbm>>) target(%arg7 : memref<112xi32, #tpu.memory_space<vmem>>) target_semaphore(%arg10 : memref<!tpu.dma_semaphore, #tpu.memory_space<semaphore_mem>>)
        %dma_start3A_266 = arith.constant 0 : i32
        %dma_start3A_267 = tpu.memref_slice %arg3[%arg1, %add3A_259, %dma_start3A_266] : memref<16x90x112xi32, #tpu.memory_space<hbm>> -> memref<1x1x112xi32, #tpu.memory_space<hbm>>
        %dma_start3A_268 = tpu.memref_squeeze %dma_start3A_267 : memref<1x1x112xi32, #tpu.memory_space<hbm>> -> memref<112xi32, #tpu.memory_space<hbm>>
        %dma_start3A_269 = arith.constant 0 : i32
        %dma_start3A_270 = tpu.memref_slice %arg3[%arg1, %add3A_259, %dma_start3A_269] : memref<16x90x112xi32, #tpu.memory_space<hbm>> -> memref<1x1x112xi32, #tpu.memory_space<hbm>>
        %dma_start3A_271 = tpu.memref_squeeze %dma_start3A_270 : memref<1x1x112xi32, #tpu.memory_space<hbm>> -> memref<112xi32, #tpu.memory_space<hbm>>
        tpu.enqueue_dma source(%dma_start3A_271 : memref<112xi32, #tpu.memory_space<hbm>>) target(%arg8 : memref<112xi32, #tpu.memory_space<vmem>>) target_semaphore(%arg10 : memref<!tpu.dma_semaphore, #tpu.memory_space<semaphore_mem>>)
      } else {
      }
      %add3A_220 = arith.constant 1 : i32
      %add3A_221 = arith.addi %add3A_203, %add3A_220 : i32
      %dma_wait3A_222 = arith.constant 0 : i32
      %dma_wait3A_223 = arith.constant 0 : i32
      %dma_wait3A_224 = tpu.memref_slice %arg4[%dma_wait3A_222, %dma_wait3A_223] : memref<20480x128xf32, #tpu.memory_space<hbm>> -> memref<20480x128xf32, #tpu.memory_space<hbm>>
      tpu.wait_indirect_dma semaphore(%arg16 : memref<!tpu.dma_semaphore, #tpu.memory_space<semaphore_mem>>) src(%dma_wait3A_224 : memref<20480x128xf32, #tpu.memory_space<hbm>>) dst(%arg14 : memref<112x128xf32, #tpu.memory_space<vmem>>)
      %add3A_225 = arith.constant 2 : i32
      %add3A_226 = arith.addi %add3A_221, %add3A_225 : i32
      %lt3A_227 = arith.constant 90 : i32
      %lt3A_228 = arith.cmpi slt, %add3A_226, %lt3A_227 : i32
      %convert_element_type3A_229 = arith.extui %lt3A_228 : i1 to i32
      %cond3A_230 = arith.constant 0 : i32
      %cond3A_231 = arith.cmpi ne, %convert_element_type3A_229, %cond3A_230 : i32
      scf.if %cond3A_231 {
        %dma_wait3A_258 = arith.constant 0 : i32
        %dma_wait3A_259 = arith.constant 0 : i32
        %dma_wait3A_260 = tpu.memref_slice %arg2[%arg1, %dma_wait3A_258, %dma_wait3A_259] : memref<16x90x112xi32, #tpu.memory_space<hbm>> -> memref<1x1x112xi32, #tpu.memory_space<hbm>>
        %dma_wait3A_261 = tpu.memref_squeeze %dma_wait3A_260 : memref<1x1x112xi32, #tpu.memory_space<hbm>> -> memref<112xi32, #tpu.memory_space<hbm>>
        %dma_wait3A_262 = arith.constant 0 : i32
        %dma_wait3A_263 = tpu.memref_slice %arg2[%arg1, %dma_wait3A_258, %dma_wait3A_262] : memref<16x90x112xi32, #tpu.memory_space<hbm>> -> memref<1x1x112xi32, #tpu.memory_space<hbm>>
        %dma_wait3A_264 = tpu.memref_squeeze %dma_wait3A_263 : memref<1x1x112xi32, #tpu.memory_space<hbm>> -> memref<112xi32, #tpu.memory_space<hbm>>
        tpu.wait_dma2 semaphore(%arg10 : memref<!tpu.dma_semaphore, #tpu.memory_space<semaphore_mem>>) src(%dma_wait3A_264 : memref<112xi32, #tpu.memory_space<hbm>>) dst(%arg7 : memref<112xi32, #tpu.memory_space<vmem>>)
        %dma_wait3A_265 = arith.constant 0 : i32
        %dma_wait3A_266 = arith.constant 0 : i32
        %dma_wait3A_267 = tpu.memref_slice %arg3[%arg1, %dma_wait3A_265, %dma_wait3A_266] : memref<16x90x112xi32, #tpu.memory_space<hbm>> -> memref<1x1x112xi32, #tpu.memory_space<hbm>>
        %dma_wait3A_268 = tpu.memref_squeeze %dma_wait3A_267 : memref<1x1x112xi32, #tpu.memory_space<hbm>> -> memref<112xi32, #tpu.memory_space<hbm>>
        %dma_wait3A_269 = arith.constant 0 : i32
        %dma_wait3A_270 = tpu.memref_slice %arg3[%arg1, %dma_wait3A_265, %dma_wait3A_269] : memref<16x90x112xi32, #tpu.memory_space<hbm>> -> memref<1x1x112xi32, #tpu.memory_space<hbm>>
        %dma_wait3A_271 = tpu.memref_squeeze %dma_wait3A_270 : memref<1x1x112xi32, #tpu.memory_space<hbm>> -> memref<112xi32, #tpu.memory_space<hbm>>
        tpu.wait_dma2 semaphore(%arg10 : memref<!tpu.dma_semaphore, #tpu.memory_space<semaphore_mem>>) src(%dma_wait3A_271 : memref<112xi32, #tpu.memory_space<hbm>>) dst(%arg8 : memref<112xi32, #tpu.memory_space<vmem>>)
        %get3A_272 = arith.constant 0 : index
        %get3A_273 = tpu.vector_load %arg7[%get3A_272] {strides = array<i32>} : memref<112xi32, #tpu.memory_space<vmem>>, vector<16xi32>,
        %mul3A_274 = arith.constant 10240 : i32
        %mul3A_275 = arith.muli %arg0, %mul3A_274 : i32
        %add3A_276 = vector.broadcast %mul3A_275 : i32 to vector<16xi32>
        %add3A_277 = arith.addi %get3A_273, %add3A_276 : vector<16xi32>
        %swap3A_278 = arith.constant 0 : index
        %swap3A_279 = tpu.vector_load %arg7[%swap3A_278] {strides = array<i32>} : memref<112xi32, #tpu.memory_space<vmem>>, vector<16xi32>,
        tpu.vector_store %arg7[%swap3A_278], %add3A_277 {strides = array<i32>} : memref<112xi32, #tpu.memory_space<vmem>>, vector<16xi32>,
        %get3A_280 = arith.constant 16 : index
        %get3A_281 = tpu.vector_load %arg7[%get3A_280] {strides = array<i32>} : memref<112xi32, #tpu.memory_space<vmem>>, vector<16xi32>,
        %mul3A_282 = arith.constant 10240 : i32
        %mul3A_283 = arith.muli %arg0, %mul3A_282 : i32
        %add3A_284 = vector.broadcast %mul3A_283 : i32 to vector<16xi32>
        %add3A_285 = arith.addi %get3A_281, %add3A_284 : vector<16xi32>
        %swap3A_286 = arith.constant 16 : index
        %swap3A_287 = tpu.vector_load %arg7[%swap3A_286] {strides = array<i32>} : memref<112xi32, #tpu.memory_space<vmem>>, vector<16xi32>,
        tpu.vector_store %arg7[%swap3A_286], %add3A_285 {strides = array<i32>} : memref<112xi32, #tpu.memory_space<vmem>>, vector<16xi32>,
        %get3A_288 = arith.constant 32 : index
        %get3A_289 = tpu.vector_load %arg7[%get3A_288] {strides = array<i32>} : memref<112xi32, #tpu.memory_space<vmem>>, vector<16xi32>,
        %mul3A_290 = arith.constant 10240 : i32
        %mul3A_291 = arith.muli %arg0, %mul3A_290 : i32
        %add3A_292 = vector.broadcast %mul3A_291 : i32 to vector<16xi32>
        %add3A_293 = arith.addi %get3A_289, %add3A_292 : vector<16xi32>
        %swap3A_294 = arith.constant 32 : index
        %swap3A_295 = tpu.vector_load %arg7[%swap3A_294] {strides = array<i32>} : memref<112xi32, #tpu.memory_space<vmem>>, vector<16xi32>,
        tpu.vector_store %arg7[%swap3A_294], %add3A_293 {strides = array<i32>} : memref<112xi32, #tpu.memory_space<vmem>>, vector<16xi32>,
        %get3A_296 = arith.constant 48 : index
        %get3A_297 = tpu.vector_load %arg7[%get3A_296] {strides = array<i32>} : memref<112xi32, #tpu.memory_space<vmem>>, vector<16xi32>,
        %mul3A_298 = arith.constant 10240 : i32
        %mul3A_299 = arith.muli %arg0, %mul3A_298 : i32
        %add3A_300 = vector.broadcast %mul3A_299 : i32 to vector<16xi32>
        %add3A_301 = arith.addi %get3A_297, %add3A_300 : vector<16xi32>
        %swap3A_302 = arith.constant 48 : index
        %swap3A_303 = tpu.vector_load %arg7[%swap3A_302] {strides = array<i32>} : memref<112xi32, #tpu.memory_space<vmem>>, vector<16xi32>,
        tpu.vector_store %arg7[%swap3A_302], %add3A_301 {strides = array<i32>} : memref<112xi32, #tpu.memory_space<vmem>>, vector<16xi32>,
        %get3A_304 = arith.constant 64 : index
        %get3A_305 = tpu.vector_load %arg7[%get3A_304] {strides = array<i32>} : memref<112xi32, #tpu.memory_space<vmem>>, vector<16xi32>,
        %mul3A_306 = arith.constant 10240 : i32
        %mul3A_307 = arith.muli %arg0, %mul3A_306 : i32
        %add3A_308 = vector.broadcast %mul3A_307 : i32 to vector<16xi32>
        %add3A_309 = arith.addi %get3A_305, %add3A_308 : vector<16xi32>
        %swap3A_310 = arith.constant 64 : index
        %swap3A_311 = tpu.vector_load %arg7[%swap3A_310] {strides = array<i32>} : memref<112xi32, #tpu.memory_space<vmem>>, vector<16xi32>,
        tpu.vector_store %arg7[%swap3A_310], %add3A_309 {strides = array<i32>} : memref<112xi32, #tpu.memory_space<vmem>>, vector<16xi32>,
        %get3A_312 = arith.constant 80 : index
        %get3A_313 = tpu.vector_load %arg7[%get3A_312] {strides = array<i32>} : memref<112xi32, #tpu.memory_space<vmem>>, vector<16xi32>,
        %mul3A_314 = arith.constant 10240 : i32
        %mul3A_315 = arith.muli %arg0, %mul3A_314 : i32
        %add3A_316 = vector.broadcast %mul3A_315 : i32 to vector<16xi32>
        %add3A_317 = arith.addi %get3A_313, %add3A_316 : vector<16xi32>
        %swap3A_318 = arith.constant 80 : index
        %swap3A_319 = tpu.vector_load %arg7[%swap3A_318] {strides = array<i32>} : memref<112xi32, #tpu.memory_space<vmem>>, vector<16xi32>,
        tpu.vector_store %arg7[%swap3A_318], %add3A_317 {strides = array<i32>} : memref<112xi32, #tpu.memory_space<vmem>>, vector<16xi32>,
        %get3A_320 = arith.constant 96 : index
        %get3A_321 = tpu.vector_load %arg7[%get3A_320] {strides = array<i32>} : memref<112xi32, #tpu.memory_space<vmem>>, vector<16xi32>,
        %mul3A_322 = arith.constant 10240 : i32
        %mul3A_323 = arith.muli %arg0, %mul3A_322 : i32
        %add3A_324 = vector.broadcast %mul3A_323 : i32 to vector<16xi32>
        %add3A_325 = arith.addi %get3A_321, %add3A_324 : vector<16xi32>
        %swap3A_326 = arith.constant 96 : index
        %swap3A_327 = tpu.vector_load %arg7[%swap3A_326] {strides = array<i32>} : memref<112xi32, #tpu.memory_space<vmem>>, vector<16xi32>,
        tpu.vector_store %arg7[%swap3A_326], %add3A_325 {strides = array<i32>} : memref<112xi32, #tpu.memory_space<vmem>>, vector<16xi32>,
        %dma_start3A_328 = arith.constant 0 : i32
        %dma_start3A_329 = arith.constant 0 : i32
        %dma_start3A_330 = tpu.memref_slice %arg4[%dma_start3A_328, %dma_start3A_329] : memref<20480x128xf32, #tpu.memory_space<hbm>> -> memref<20480x128xf32, #tpu.memory_space<hbm>>
        tpu.enqueue_indirect_dma source(%dma_start3A_330 : memref<20480x128xf32, #tpu.memory_space<hbm>>) target(%arg9 : memref<112x128xf32, #tpu.memory_space<vmem>>) offsets(%arg7 : memref<112xi32, #tpu.memory_space<vmem>>) semaphore(%arg11 : memref<!tpu.dma_semaphore, #tpu.memory_space<semaphore_mem>>)
      } else {
      }
      "tpu.region"() ({
        %run_scoped3A = tpu.sem_alloc : memref<!tpu.dma_semaphore, #tpu.memory_space<semaphore_mem>>
        %dma_start3A_258 = arith.constant 0 : i32
        %dma_start3A_259 = arith.constant 0 : i32
        %dma_start3A_260 = tpu.memref_slice %arg6[%dma_start3A_258, %dma_start3A_259] : memref<10240x128xf32, #tpu.memory_space<vmem_shared>> -> memref<10240x128xf32, #tpu.memory_space<vmem_shared>>
        tpu.enqueue_indirect_dma source(%arg14 : memref<112x128xf32, #tpu.memory_space<vmem>>) target(%dma_start3A_260 : memref<10240x128xf32, #tpu.memory_space<vmem_shared>>) offsets(%arg13 : memref<112xi32, #tpu.memory_space<vmem>>) semaphore(%run_scoped3A : memref<!tpu.dma_semaphore, #tpu.memory_space<semaphore_mem>>) {add = true}
        %dma_wait3A_261 = arith.constant 0 : i32
        %dma_wait3A_262 = arith.constant 0 : i32
        %dma_wait3A_263 = tpu.memref_slice %arg6[%dma_wait3A_261, %dma_wait3A_262] : memref<10240x128xf32, #tpu.memory_space<vmem_shared>> -> memref<10240x128xf32, #tpu.memory_space<vmem_shared>>
        tpu.wait_indirect_dma semaphore(%run_scoped3A : memref<!tpu.dma_semaphore, #tpu.memory_space<semaphore_mem>>) src(%arg14 : memref<112x128xf32, #tpu.memory_space<vmem>>) dst(%dma_wait3A_263 : memref<10240x128xf32, #tpu.memory_space<vmem_shared>>)
        tpu.yield
      }) : () -> ()
      %add3A_232 = arith.constant 3 : i32
      %add3A_233 = arith.addi %add3A_221, %add3A_232 : i32
      %lt3A_234 = arith.constant 90 : i32
      %lt3A_235 = arith.cmpi slt, %add3A_233, %lt3A_234 : i32
      %convert_element_type3A_236 = arith.extui %lt3A_235 : i1 to i32
      %cond3A_237 = arith.constant 0 : i32
      %cond3A_238 = arith.cmpi ne, %convert_element_type3A_236, %cond3A_237 : i32
      scf.if %cond3A_238 {
        %add3A_258 = arith.constant 3 : i32
        %add3A_259 = arith.addi %add3A_221, %add3A_258 : i32
        %dma_start3A_260 = arith.constant 0 : i32
        %dma_start3A_261 = tpu.memref_slice %arg2[%arg1, %add3A_259, %dma_start3A_260] : memref<16x90x112xi32, #tpu.memory_space<hbm>> -> memref<1x1x112xi32, #tpu.memory_space<hbm>>
        %dma_start3A_262 = tpu.memref_squeeze %dma_start3A_261 : memref<1x1x112xi32, #tpu.memory_space<hbm>> -> memref<112xi32, #tpu.memory_space<hbm>>
        %dma_start3A_263 = arith.constant 0 : i32
        %dma_start3A_264 = tpu.memref_slice %arg2[%arg1, %add3A_259, %dma_start3A_263] : memref<16x90x112xi32, #tpu.memory_space<hbm>> -> memref<1x1x112xi32, #tpu.memory_space<hbm>>
        %dma_start3A_265 = tpu.memref_squeeze %dma_start3A_264 : memref<1x1x112xi32, #tpu.memory_space<hbm>> -> memref<112xi32, #tpu.memory_space<hbm>>
        tpu.enqueue_dma source(%dma_start3A_265 : memref<112xi32, #tpu.memory_space<hbm>>) target(%arg12 : memref<112xi32, #tpu.memory_space<vmem>>) target_semaphore(%arg15 : memref<!tpu.dma_semaphore, #tpu.memory_space<semaphore_mem>>)
        %dma_start3A_266 = arith.constant 0 : i32
        %dma_start3A_267 = tpu.memref_slice %arg3[%arg1, %add3A_259, %dma_start3A_266] : memref<16x90x112xi32, #tpu.memory_space<hbm>> -> memref<1x1x112xi32, #tpu.memory_space<hbm>>
        %dma_start3A_268 = tpu.memref_squeeze %dma_start3A_267 : memref<1x1x112xi32, #tpu.memory_space<hbm>> -> memref<112xi32, #tpu.memory_space<hbm>>
        %dma_start3A_269 = arith.constant 0 : i32
        %dma_start3A_270 = tpu.memref_slice %arg3[%arg1, %add3A_259, %dma_start3A_269] : memref<16x90x112xi32, #tpu.memory_space<hbm>> -> memref<1x1x112xi32, #tpu.memory_space<hbm>>
        %dma_start3A_271 = tpu.memref_squeeze %dma_start3A_270 : memref<1x1x112xi32, #tpu.memory_space<hbm>> -> memref<112xi32, #tpu.memory_space<hbm>>
        tpu.enqueue_dma source(%dma_start3A_271 : memref<112xi32, #tpu.memory_space<hbm>>) target(%arg13 : memref<112xi32, #tpu.memory_space<vmem>>) target_semaphore(%arg15 : memref<!tpu.dma_semaphore, #tpu.memory_space<semaphore_mem>>)
      } else {
      }
      %add3A_239 = arith.constant 2 : i32
      %add3A_240 = arith.addi %add3A_203, %add3A_239 : i32
      %dma_wait3A_241 = arith.constant 0 : i32
      %dma_wait3A_242 = arith.constant 0 : i32
      %dma_wait3A_243 = tpu.memref_slice %arg4[%dma_wait3A_241, %dma_wait3A_242] : memref<20480x128xf32, #tpu.memory_space<hbm>> -> memref<20480x128xf32, #tpu.memory_space<hbm>>
      tpu.wait_indirect_dma semaphore(%arg21 : memref<!tpu.dma_semaphore, #tpu.memory_space<semaphore_mem>>) src(%dma_wait3A_243 : memref<20480x128xf32, #tpu.memory_space<hbm>>) dst(%arg19 : memref<112x128xf32, #tpu.memory_space<vmem>>)
      %add3A_244 = arith.constant 2 : i32
      %add3A_245 = arith.addi %add3A_240, %add3A_244 : i32
      %lt3A_246 = arith.constant 90 : i32
      %lt3A_247 = arith.cmpi slt, %add3A_245, %lt3A_246 : i32
      %convert_element_type3A_248 = arith.extui %lt3A_247 : i1 to i32
      %cond3A_249 = arith.constant 0 : i32
      %cond3A_250 = arith.cmpi ne, %convert_element_type3A_248, %cond3A_249 : i32
      scf.if %cond3A_250 {
        %dma_wait3A_258 = arith.constant 0 : i32
        %dma_wait3A_259 = arith.constant 0 : i32
        %dma_wait3A_260 = tpu.memref_slice %arg2[%arg1, %dma_wait3A_258, %dma_wait3A_259] : memref<16x90x112xi32, #tpu.memory_space<hbm>> -> memref<1x1x112xi32, #tpu.memory_space<hbm>>
        %dma_wait3A_261 = tpu.memref_squeeze %dma_wait3A_260 : memref<1x1x112xi32, #tpu.memory_space<hbm>> -> memref<112xi32, #tpu.memory_space<hbm>>
        %dma_wait3A_262 = arith.constant 0 : i32
        %dma_wait3A_263 = tpu.memref_slice %arg2[%arg1, %dma_wait3A_258, %dma_wait3A_262] : memref<16x90x112xi32, #tpu.memory_space<hbm>> -> memref<1x1x112xi32, #tpu.memory_space<hbm>>
        %dma_wait3A_264 = tpu.memref_squeeze %dma_wait3A_263 : memref<1x1x112xi32, #tpu.memory_space<hbm>> -> memref<112xi32, #tpu.memory_space<hbm>>
        tpu.wait_dma2 semaphore(%arg15 : memref<!tpu.dma_semaphore, #tpu.memory_space<semaphore_mem>>) src(%dma_wait3A_264 : memref<112xi32, #tpu.memory_space<hbm>>) dst(%arg12 : memref<112xi32, #tpu.memory_space<vmem>>)
        %dma_wait3A_265 = arith.constant 0 : i32
        %dma_wait3A_266 = arith.constant 0 : i32
        %dma_wait3A_267 = tpu.memref_slice %arg3[%arg1, %dma_wait3A_265, %dma_wait3A_266] : memref<16x90x112xi32, #tpu.memory_space<hbm>> -> memref<1x1x112xi32, #tpu.memory_space<hbm>>
        %dma_wait3A_268 = tpu.memref_squeeze %dma_wait3A_267 : memref<1x1x112xi32, #tpu.memory_space<hbm>> -> memref<112xi32, #tpu.memory_space<hbm>>
        %dma_wait3A_269 = arith.constant 0 : i32
        %dma_wait3A_270 = tpu.memref_slice %arg3[%arg1, %dma_wait3A_265, %dma_wait3A_269] : memref<16x90x112xi32, #tpu.memory_space<hbm>> -> memref<1x1x112xi32, #tpu.memory_space<hbm>>
        %dma_wait3A_271 = tpu.memref_squeeze %dma_wait3A_270 : memref<1x1x112xi32, #tpu.memory_space<hbm>> -> memref<112xi32, #tpu.memory_space<hbm>>
        tpu.wait_dma2 semaphore(%arg15 : memref<!tpu.dma_semaphore, #tpu.memory_space<semaphore_mem>>) src(%dma_wait3A_271 : memref<112xi32, #tpu.memory_space<hbm>>) dst(%arg13 : memref<112xi32, #tpu.memory_space<vmem>>)
        %get3A_272 = arith.constant 0 : index
        %get3A_273 = tpu.vector_load %arg12[%get3A_272] {strides = array<i32>} : memref<112xi32, #tpu.memory_space<vmem>>, vector<16xi32>,
        %mul3A_274 = arith.constant 10240 : i32
        %mul3A_275 = arith.muli %arg0, %mul3A_274 : i32
        %add3A_276 = vector.broadcast %mul3A_275 : i32 to vector<16xi32>
        %add3A_277 = arith.addi %get3A_273, %add3A_276 : vector<16xi32>
        %swap3A_278 = arith.constant 0 : index
        %swap3A_279 = tpu.vector_load %arg12[%swap3A_278] {strides = array<i32>} : memref<112xi32, #tpu.memory_space<vmem>>, vector<16xi32>,
        tpu.vector_store %arg12[%swap3A_278], %add3A_277 {strides = array<i32>} : memref<112xi32, #tpu.memory_space<vmem>>, vector<16xi32>,
        %get3A_280 = arith.constant 16 : index
        %get3A_281 = tpu.vector_load %arg12[%get3A_280] {strides = array<i32>} : memref<112xi32, #tpu.memory_space<vmem>>, vector<16xi32>,
        %mul3A_282 = arith.constant 10240 : i32
        %mul3A_283 = arith.muli %arg0, %mul3A_282 : i32
        %add3A_284 = vector.broadcast %mul3A_283 : i32 to vector<16xi32>
        %add3A_285 = arith.addi %get3A_281, %add3A_284 : vector<16xi32>
        %swap3A_286 = arith.constant 16 : index
        %swap3A_287 = tpu.vector_load %arg12[%swap3A_286] {strides = array<i32>} : memref<112xi32, #tpu.memory_space<vmem>>, vector<16xi32>,
        tpu.vector_store %arg12[%swap3A_286], %add3A_285 {strides = array<i32>} : memref<112xi32, #tpu.memory_space<vmem>>, vector<16xi32>,
        %get3A_288 = arith.constant 32 : index
        %get3A_289 = tpu.vector_load %arg12[%get3A_288] {strides = array<i32>} : memref<112xi32, #tpu.memory_space<vmem>>, vector<16xi32>,
        %mul3A_290 = arith.constant 10240 : i32
        %mul3A_291 = arith.muli %arg0, %mul3A_290 : i32
        %add3A_292 = vector.broadcast %mul3A_291 : i32 to vector<16xi32>
        %add3A_293 = arith.addi %get3A_289, %add3A_292 : vector<16xi32>
        %swap3A_294 = arith.constant 32 : index
        %swap3A_295 = tpu.vector_load %arg12[%swap3A_294] {strides = array<i32>} : memref<112xi32, #tpu.memory_space<vmem>>, vector<16xi32>,
        tpu.vector_store %arg12[%swap3A_294], %add3A_293 {strides = array<i32>} : memref<112xi32, #tpu.memory_space<vmem>>, vector<16xi32>,
        %get3A_296 = arith.constant 48 : index
        %get3A_297 = tpu.vector_load %arg12[%get3A_296] {strides = array<i32>} : memref<112xi32, #tpu.memory_space<vmem>>, vector<16xi32>,
        %mul3A_298 = arith.constant 10240 : i32
        %mul3A_299 = arith.muli %arg0, %mul3A_298 : i32
        %add3A_300 = vector.broadcast %mul3A_299 : i32 to vector<16xi32>
        %add3A_301 = arith.addi %get3A_297, %add3A_300 : vector<16xi32>
        %swap3A_302 = arith.constant 48 : index
        %swap3A_303 = tpu.vector_load %arg12[%swap3A_302] {strides = array<i32>} : memref<112xi32, #tpu.memory_space<vmem>>, vector<16xi32>,
        tpu.vector_store %arg12[%swap3A_302], %add3A_301 {strides = array<i32>} : memref<112xi32, #tpu.memory_space<vmem>>, vector<16xi32>,
        %get3A_304 = arith.constant 64 : index
        %get3A_305 = tpu.vector_load %arg12[%get3A_304] {strides = array<i32>} : memref<112xi32, #tpu.memory_space<vmem>>, vector<16xi32>,
        %mul3A_306 = arith.constant 10240 : i32
        %mul3A_307 = arith.muli %arg0, %mul3A_306 : i32
        %add3A_308 = vector.broadcast %mul3A_307 : i32 to vector<16xi32>
        %add3A_309 = arith.addi %get3A_305, %add3A_308 : vector<16xi32>
        %swap3A_310 = arith.constant 64 : index
        %swap3A_311 = tpu.vector_load %arg12[%swap3A_310] {strides = array<i32>} : memref<112xi32, #tpu.memory_space<vmem>>, vector<16xi32>,
        tpu.vector_store %arg12[%swap3A_310], %add3A_309 {strides = array<i32>} : memref<112xi32, #tpu.memory_space<vmem>>, vector<16xi32>,
        %get3A_312 = arith.constant 80 : index
        %get3A_313 = tpu.vector_load %arg12[%get3A_312] {strides = array<i32>} : memref<112xi32, #tpu.memory_space<vmem>>, vector<16xi32>,
        %mul3A_314 = arith.constant 10240 : i32
        %mul3A_315 = arith.muli %arg0, %mul3A_314 : i32
        %add3A_316 = vector.broadcast %mul3A_315 : i32 to vector<16xi32>
        %add3A_317 = arith.addi %get3A_313, %add3A_316 : vector<16xi32>
        %swap3A_318 = arith.constant 80 : index
        %swap3A_319 = tpu.vector_load %arg12[%swap3A_318] {strides = array<i32>} : memref<112xi32, #tpu.memory_space<vmem>>, vector<16xi32>,
        tpu.vector_store %arg12[%swap3A_318], %add3A_317 {strides = array<i32>} : memref<112xi32, #tpu.memory_space<vmem>>, vector<16xi32>,
        %get3A_320 = arith.constant 96 : index
        %get3A_321 = tpu.vector_load %arg12[%get3A_320] {strides = array<i32>} : memref<112xi32, #tpu.memory_space<vmem>>, vector<16xi32>,
        %mul3A_322 = arith.constant 10240 : i32
        %mul3A_323 = arith.muli %arg0, %mul3A_322 : i32
        %add3A_324 = vector.broadcast %mul3A_323 : i32 to vector<16xi32>
        %add3A_325 = arith.addi %get3A_321, %add3A_324 : vector<16xi32>
        %swap3A_326 = arith.constant 96 : index
        %swap3A_327 = tpu.vector_load %arg12[%swap3A_326] {strides = array<i32>} : memref<112xi32, #tpu.memory_space<vmem>>, vector<16xi32>,
        tpu.vector_store %arg12[%swap3A_326], %add3A_325 {strides = array<i32>} : memref<112xi32, #tpu.memory_space<vmem>>, vector<16xi32>,
        %dma_start3A_328 = arith.constant 0 : i32
        %dma_start3A_329 = arith.constant 0 : i32
        %dma_start3A_330 = tpu.memref_slice %arg4[%dma_start3A_328, %dma_start3A_329] : memref<20480x128xf32, #tpu.memory_space<hbm>> -> memref<20480x128xf32, #tpu.memory_space<hbm>>
        tpu.enqueue_indirect_dma source(%dma_start3A_330 : memref<20480x128xf32, #tpu.memory_space<hbm>>) target(%arg14 : memref<112x128xf32, #tpu.memory_space<vmem>>) offsets(%arg12 : memref<112xi32, #tpu.memory_space<vmem>>) semaphore(%arg16 : memref<!tpu.dma_semaphore, #tpu.memory_space<semaphore_mem>>)
      } else {
      }
      "tpu.region"() ({
        %run_scoped3A = tpu.sem_alloc : memref<!tpu.dma_semaphore, #tpu.memory_space<semaphore_mem>>
        %dma_start3A_258 = arith.constant 0 : i32
        %dma_start3A_259 = arith.constant 0 : i32
        %dma_start3A_260 = tpu.memref_slice %arg6[%dma_start3A_258, %dma_start3A_259] : memref<10240x128xf32, #tpu.memory_space<vmem_shared>> -> memref<10240x128xf32, #tpu.memory_space<vmem_shared>>
        tpu.enqueue_indirect_dma source(%arg19 : memref<112x128xf32, #tpu.memory_space<vmem>>) target(%dma_start3A_260 : memref<10240x128xf32, #tpu.memory_space<vmem_shared>>) offsets(%arg18 : memref<112xi32, #tpu.memory_space<vmem>>) semaphore(%run_scoped3A : memref<!tpu.dma_semaphore, #tpu.memory_space<semaphore_mem>>) {add = true}
        %dma_wait3A_261 = arith.constant 0 : i32
        %dma_wait3A_262 = arith.constant 0 : i32
        %dma_wait3A_263 = tpu.memref_slice %arg6[%dma_wait3A_261, %dma_wait3A_262] : memref<10240x128xf32, #tpu.memory_space<vmem_shared>> -> memref<10240x128xf32, #tpu.memory_space<vmem_shared>>
        tpu.wait_indirect_dma semaphore(%run_scoped3A : memref<!tpu.dma_semaphore, #tpu.memory_space<semaphore_mem>>) src(%arg19 : memref<112x128xf32, #tpu.memory_space<vmem>>) dst(%dma_wait3A_263 : memref<10240x128xf32, #tpu.memory_space<vmem_shared>>)
        tpu.yield
      }) : () -> ()
      %add3A_251 = arith.constant 3 : i32
      %add3A_252 = arith.addi %add3A_240, %add3A_251 : i32
      %lt3A_253 = arith.constant 90 : i32
      %lt3A_254 = arith.cmpi slt, %add3A_252, %lt3A_253 : i32
      %convert_element_type3A_255 = arith.extui %lt3A_254 : i1 to i32
      %cond3A_256 = arith.constant 0 : i32
      %cond3A_257 = arith.cmpi ne, %convert_element_type3A_255, %cond3A_256 : i32
      scf.if %cond3A_257 {
        %add3A_258 = arith.constant 3 : i32
        %add3A_259 = arith.addi %add3A_240, %add3A_258 : i32
        %dma_start3A_260 = arith.constant 0 : i32
        %dma_start3A_261 = tpu.memref_slice %arg2[%arg1, %add3A_259, %dma_start3A_260] : memref<16x90x112xi32, #tpu.memory_space<hbm>> -> memref<1x1x112xi32, #tpu.memory_space<hbm>>
        %dma_start3A_262 = tpu.memref_squeeze %dma_start3A_261 : memref<1x1x112xi32, #tpu.memory_space<hbm>> -> memref<112xi32, #tpu.memory_space<hbm>>
        %dma_start3A_263 = arith.constant 0 : i32
        %dma_start3A_264 = tpu.memref_slice %arg2[%arg1, %add3A_259, %dma_start3A_263] : memref<16x90x112xi32, #tpu.memory_space<hbm>> -> memref<1x1x112xi32, #tpu.memory_space<hbm>>
        %dma_start3A_265 = tpu.memref_squeeze %dma_start3A_264 : memref<1x1x112xi32, #tpu.memory_space<hbm>> -> memref<112xi32, #tpu.memory_space<hbm>>
        tpu.enqueue_dma source(%dma_start3A_265 : memref<112xi32, #tpu.memory_space<hbm>>) target(%arg17 : memref<112xi32, #tpu.memory_space<vmem>>) target_semaphore(%arg20 : memref<!tpu.dma_semaphore, #tpu.memory_space<semaphore_mem>>)
        %dma_start3A_266 = arith.constant 0 : i32
        %dma_start3A_267 = tpu.memref_slice %arg3[%arg1, %add3A_259, %dma_start3A_266] : memref<16x90x112xi32, #tpu.memory_space<hbm>> -> memref<1x1x112xi32, #tpu.memory_space<hbm>>
        %dma_start3A_268 = tpu.memref_squeeze %dma_start3A_267 : memref<1x1x112xi32, #tpu.memory_space<hbm>> -> memref<112xi32, #tpu.memory_space<hbm>>
        %dma_start3A_269 = arith.constant 0 : i32
        %dma_start3A_270 = tpu.memref_slice %arg3[%arg1, %add3A_259, %dma_start3A_269] : memref<16x90x112xi32, #tpu.memory_space<hbm>> -> memref<1x1x112xi32, #tpu.memory_space<hbm>>
        %dma_start3A_271 = tpu.memref_squeeze %dma_start3A_270 : memref<1x1x112xi32, #tpu.memory_space<hbm>> -> memref<112xi32, #tpu.memory_space<hbm>>
        tpu.enqueue_dma source(%dma_start3A_271 : memref<112xi32, #tpu.memory_space<hbm>>) target(%arg18 : memref<112xi32, #tpu.memory_space<vmem>>) target_semaphore(%arg20 : memref<!tpu.dma_semaphore, #tpu.memory_space<semaphore_mem>>)
      } else {
      }
    }
    %scan3A_192 = arith.constant 30 : i32
    %barrier3A_193 = arith.constant 0 : index
    tpu.barrier barrier_id(%barrier3A_193)
    %mul3A_194 = arith.constant 10240 : i32
    %mul3A_195 = arith.muli %arg0, %mul3A_194 : i32
    %mul3A_196 = arith.constant 640 : i32
    %mul3A_197 = arith.muli %arg1, %mul3A_196 : i32
    %add3A_198 = arith.addi %mul3A_195, %mul3A_197 : i32
    "tpu.region"() ({
      %run_scoped3A = tpu.sem_alloc : memref<!tpu.dma_semaphore, #tpu.memory_space<semaphore_mem>>
      %dma_start3A_199 = arith.constant 0 : i32
      %dma_start3A_200 = tpu.memref_slice %arg5[%add3A_198, %dma_start3A_199] : memref<20480x128xf32, #tpu.memory_space<hbm>> -> memref<640x128xf32, #tpu.memory_space<hbm>>
      %dma_start3A_201 = arith.constant 0 : i32
      %dma_start3A_202 = tpu.memref_slice %arg6[%mul3A_0, %dma_start3A_201] : memref<10240x128xf32, #tpu.memory_space<vmem_shared>> -> memref<640x128xf32, #tpu.memory_space<vmem_shared>>
      tpu.enqueue_dma source(%dma_start3A_202 : memref<640x128xf32, #tpu.memory_space<vmem_shared>>) target(%dma_start3A_200 : memref<640x128xf32, #tpu.memory_space<hbm>>) target_semaphore(%run_scoped3A : memref<!tpu.dma_semaphore, #tpu.memory_space<semaphore_mem>>)
      %dma_wait3A_203 = arith.constant 0 : i32
      %dma_wait3A_204 = tpu.memref_slice %arg5[%add3A_198, %dma_wait3A_203] : memref<20480x128xf32, #tpu.memory_space<hbm>> -> memref<640x128xf32, #tpu.memory_space<hbm>>
      %dma_wait3A_205 = arith.constant 0 : i32
      %dma_wait3A_206 = tpu.memref_slice %arg6[%mul3A_0, %dma_wait3A_205] : memref<10240x128xf32, #tpu.memory_space<vmem_shared>> -> memref<640x128xf32, #tpu.memory_space<vmem_shared>>
      tpu.wait_dma2 semaphore(%run_scoped3A : memref<!tpu.dma_semaphore, #tpu.memory_space<semaphore_mem>>) src(%dma_wait3A_206 : memref<640x128xf32, #tpu.memory_space<vmem_shared>>) dst(%dma_wait3A_204 : memref<640x128xf32, #tpu.memory_space<hbm>>)
      tpu.yield
    }) : () -> ()
    return
  }
}

#map = affine_map<(d0, d1) -> (0, 0, 0)>
#map1 = affine_map<(d0, d1) -> (0)>
#map2 = affine_map<(d0, d1) -> (0, 0)>
module attributes {stable_mosaic.version = 14 : i64} {
  func.func @k(%arg0: i32, %arg1: i32, %arg2: memref<16x96x112xi32, #tpu.memory_space<hbm>>, %arg3: memref<16x96x112xi32, #tpu.memory_space<hbm>>, %arg4: memref<10240xf32, #tpu.memory_space<hbm>>, %arg5: memref<10240xf32, #tpu.memory_space<hbm>>, %arg6: memref<20480x128xf32, #tpu.memory_space<hbm>>, %arg7: memref<640x128xf32, #tpu.memory_space<hbm>>, %arg8: memref<640xf32, #tpu.memory_space<hbm>>, %arg9: memref<20480x128xf32, #tpu.memory_space<hbm>>, %arg10: memref<10240xf32, #tpu.memory_space<hbm>>, %arg11: memref<10240xf32, #tpu.memory_space<hbm>>, %arg12: memref<10240x128xf32, #tpu.memory_space<vmem_shared>>, %arg13: memref<10240xf32, #tpu.memory_space<vmem_shared>>, %arg14: memref<10240xf32, #tpu.memory_space<vmem_shared>>, %arg15: memref<112xf32, #tpu.memory_space<vmem>>, %arg16: memref<112xi32, #tpu.memory_space<vmem>>, %arg17: memref<112xi32, #tpu.memory_space<vmem>>, %arg18: memref<112xf32, #tpu.memory_space<vmem>>, %arg19: memref<112xf32, #tpu.memory_space<vmem>>, %arg20: memref<112xf32, #tpu.memory_space<vmem>>, %arg21: memref<112x128xf32, #tpu.memory_space<vmem>>, %arg22: memref<!tpu.dma_semaphore, #tpu.memory_space<semaphore_mem>>, %arg23: memref<!tpu.dma_semaphore, #tpu.memory_space<semaphore_mem>>, %arg24: memref<!tpu.dma_semaphore, #tpu.memory_space<semaphore_mem>>, %arg25: memref<112xi32, #tpu.memory_space<vmem>>, %arg26: memref<112xi32, #tpu.memory_space<vmem>>, %arg27: memref<112xi32, #tpu.memory_space<vmem>>, %arg28: memref<112xf32, #tpu.memory_space<vmem>>, %arg29: memref<112xf32, #tpu.memory_space<vmem>>, %arg30: memref<112xf32, #tpu.memory_space<vmem>>, %arg31: memref<112x128xf32, #tpu.memory_space<vmem>>, %arg32: memref<!tpu.dma_semaphore, #tpu.memory_space<semaphore_mem>>, %arg33: memref<!tpu.dma_semaphore, #tpu.memory_space<semaphore_mem>>, %arg34: memref<!tpu.dma_semaphore, #tpu.memory_space<semaphore_mem>>, %arg35: memref<112xi32, #tpu.memory_space<vmem>>, %arg36: memref<112xi32, #tpu.memory_space<vmem>>, %arg37: memref<112xi32, #tpu.memory_space<vmem>>, %arg38: memref<112xf32, #tpu.memory_space<vmem>>, %arg39: memref<112xf32, #tpu.memory_space<vmem>>, %arg40: memref<112xf32, #tpu.memory_space<vmem>>, %arg41: memref<112x128xf32, #tpu.memory_space<vmem>>, %arg42: memref<!tpu.dma_semaphore, #tpu.memory_space<semaphore_mem>>, %arg43: memref<!tpu.dma_semaphore, #tpu.memory_space<semaphore_mem>>, %arg44: memref<!tpu.dma_semaphore, #tpu.memory_space<semaphore_mem>>, %arg45: memref<112xi32, #tpu.memory_space<vmem>>) attributes {dimension_semantics = [#tpu.dimension_semantics<core_parallel>, #tpu.dimension_semantics<subcore_parallel>], iteration_bounds = array<i64: 2, 16>, scalar_prefetch = 0 : i64, scratch_operands = 34 : i64, tpu.core_type = #tpu.core_type<sc_vector_subcore>, window_params = [{transform_indices = #map}, {transform_indices = #map}, {transform_indices = #map1}, {transform_indices = #map1}, {transform_indices = #map2}, {transform_indices = #map2}, {transform_indices = #map1}, {transform_indices = #map2}, {transform_indices = #map1}, {transform_indices = #map1}]} {
    %mul3A = arith.constant 640 : i32
    %mul3A_0 = arith.muli %arg1, %mul3A : i32
    "tpu.region"() ({
      %run_scoped3A = tpu.sem_alloc : memref<!tpu.dma_semaphore, #tpu.memory_space<semaphore_mem>>
      %dma_start3A_249 = arith.constant 0 : i32
      %dma_start3A_250 = tpu.memref_slice %arg12[%mul3A_0, %dma_start3A_249] : memref<10240x128xf32, #tpu.memory_space<vmem_shared>> -> memref<640x128xf32, #tpu.memory_space<vmem_shared>>
      tpu.enqueue_dma source(%arg7 : memref<640x128xf32, #tpu.memory_space<hbm>>) target(%dma_start3A_250 : memref<640x128xf32, #tpu.memory_space<vmem_shared>>) target_semaphore(%run_scoped3A : memref<!tpu.dma_semaphore, #tpu.memory_space<semaphore_mem>>)
      %dma_wait3A_251 = arith.constant 0 : i32
      %dma_wait3A_252 = tpu.memref_slice %arg12[%mul3A_0, %dma_wait3A_251] : memref<10240x128xf32, #tpu.memory_space<vmem_shared>> -> memref<640x128xf32, #tpu.memory_space<vmem_shared>>
      tpu.wait_dma2 semaphore(%run_scoped3A : memref<!tpu.dma_semaphore, #tpu.memory_space<semaphore_mem>>) src(%arg7 : memref<640x128xf32, #tpu.memory_space<hbm>>) dst(%dma_wait3A_252 : memref<640x128xf32, #tpu.memory_space<vmem_shared>>)
      tpu.yield
    }) : () -> ()
    %mul3A_1 = arith.constant 640 : i32
    %mul3A_2 = arith.muli %arg1, %mul3A_1 : i32
    "tpu.region"() ({
      %run_scoped3A = tpu.sem_alloc : memref<!tpu.dma_semaphore, #tpu.memory_space<semaphore_mem>>
      %dma_start3A_249 = tpu.memref_slice %arg13[%mul3A_2] : memref<10240xf32, #tpu.memory_space<vmem_shared>> -> memref<640xf32, #tpu.memory_space<vmem_shared>>
      tpu.enqueue_dma source(%arg8 : memref<640xf32, #tpu.memory_space<hbm>>) target(%dma_start3A_249 : memref<640xf32, #tpu.memory_space<vmem_shared>>) target_semaphore(%run_scoped3A : memref<!tpu.dma_semaphore, #tpu.memory_space<semaphore_mem>>)
      %dma_wait3A_250 = tpu.memref_slice %arg13[%mul3A_2] : memref<10240xf32, #tpu.memory_space<vmem_shared>> -> memref<640xf32, #tpu.memory_space<vmem_shared>>
      tpu.wait_dma2 semaphore(%run_scoped3A : memref<!tpu.dma_semaphore, #tpu.memory_space<semaphore_mem>>) src(%arg8 : memref<640xf32, #tpu.memory_space<hbm>>) dst(%dma_wait3A_250 : memref<640xf32, #tpu.memory_space<vmem_shared>>)
      tpu.yield
    }) : () -> ()
    %mul3A_3 = arith.constant 640 : i32
    %mul3A_4 = arith.muli %arg1, %mul3A_3 : i32
    "tpu.region"() ({
      %run_scoped3A = tpu.sem_alloc : memref<!tpu.dma_semaphore, #tpu.memory_space<semaphore_mem>>
      %dma_start3A_249 = tpu.memref_slice %arg14[%mul3A_4] : memref<10240xf32, #tpu.memory_space<vmem_shared>> -> memref<640xf32, #tpu.memory_space<vmem_shared>>
      tpu.enqueue_dma source(%arg8 : memref<640xf32, #tpu.memory_space<hbm>>) target(%dma_start3A_249 : memref<640xf32, #tpu.memory_space<vmem_shared>>) target_semaphore(%run_scoped3A : memref<!tpu.dma_semaphore, #tpu.memory_space<semaphore_mem>>)
      %dma_wait3A_250 = tpu.memref_slice %arg14[%mul3A_4] : memref<10240xf32, #tpu.memory_space<vmem_shared>> -> memref<640xf32, #tpu.memory_space<vmem_shared>>
      tpu.wait_dma2 semaphore(%run_scoped3A : memref<!tpu.dma_semaphore, #tpu.memory_space<semaphore_mem>>) src(%arg8 : memref<640xf32, #tpu.memory_space<hbm>>) dst(%dma_wait3A_250 : memref<640xf32, #tpu.memory_space<vmem_shared>>)
      tpu.yield
    }) : () -> ()
    %broadcast_in_dim3A = arith.constant 1.000000e+00 : f32
    %broadcast_in_dim3A_5 = vector.broadcast %broadcast_in_dim3A : f32 to vector<16xf32>
    %swap3A = arith.constant 0 : index
    %swap3A_6 = tpu.vector_load %arg15[%swap3A] {strides = array<i32>} : memref<112xf32, #tpu.memory_space<vmem>>, vector<16xf32>,
    tpu.vector_store %arg15[%swap3A], %broadcast_in_dim3A_5 {strides = array<i32>} : memref<112xf32, #tpu.memory_space<vmem>>, vector<16xf32>,
    %broadcast_in_dim3A_7 = arith.constant 1.000000e+00 : f32
    %broadcast_in_dim3A_8 = vector.broadcast %broadcast_in_dim3A_7 : f32 to vector<16xf32>
    %swap3A_9 = arith.constant 16 : index
    %swap3A_10 = tpu.vector_load %arg15[%swap3A_9] {strides = array<i32>} : memref<112xf32, #tpu.memory_space<vmem>>, vector<16xf32>,
    tpu.vector_store %arg15[%swap3A_9], %broadcast_in_dim3A_8 {strides = array<i32>} : memref<112xf32, #tpu.memory_space<vmem>>, vector<16xf32>,
    %broadcast_in_dim3A_11 = arith.constant 1.000000e+00 : f32
    %broadcast_in_dim3A_12 = vector.broadcast %broadcast_in_dim3A_11 : f32 to vector<16xf32>
    %swap3A_13 = arith.constant 32 : index
    %swap3A_14 = tpu.vector_load %arg15[%swap3A_13] {strides = array<i32>} : memref<112xf32, #tpu.memory_space<vmem>>, vector<16xf32>,
    tpu.vector_store %arg15[%swap3A_13], %broadcast_in_dim3A_12 {strides = array<i32>} : memref<112xf32, #tpu.memory_space<vmem>>, vector<16xf32>,
    %broadcast_in_dim3A_15 = arith.constant 1.000000e+00 : f32
    %broadcast_in_dim3A_16 = vector.broadcast %broadcast_in_dim3A_15 : f32 to vector<16xf32>
    %swap3A_17 = arith.constant 48 : index
    %swap3A_18 = tpu.vector_load %arg15[%swap3A_17] {strides = array<i32>} : memref<112xf32, #tpu.memory_space<vmem>>, vector<16xf32>,
    tpu.vector_store %arg15[%swap3A_17], %broadcast_in_dim3A_16 {strides = array<i32>} : memref<112xf32, #tpu.memory_space<vmem>>, vector<16xf32>,
    %broadcast_in_dim3A_19 = arith.constant 1.000000e+00 : f32
    %broadcast_in_dim3A_20 = vector.broadcast %broadcast_in_dim3A_19 : f32 to vector<16xf32>
    %swap3A_21 = arith.constant 64 : index
    %swap3A_22 = tpu.vector_load %arg15[%swap3A_21] {strides = array<i32>} : memref<112xf32, #tpu.memory_space<vmem>>, vector<16xf32>,
    tpu.vector_store %arg15[%swap3A_21], %broadcast_in_dim3A_20 {strides = array<i32>} : memref<112xf32, #tpu.memory_space<vmem>>, vector<16xf32>,
    %broadcast_in_dim3A_23 = arith.constant 1.000000e+00 : f32
    %broadcast_in_dim3A_24 = vector.broadcast %broadcast_in_dim3A_23 : f32 to vector<16xf32>
    %swap3A_25 = arith.constant 80 : index
    %swap3A_26 = tpu.vector_load %arg15[%swap3A_25] {strides = array<i32>} : memref<112xf32, #tpu.memory_space<vmem>>, vector<16xf32>,
    tpu.vector_store %arg15[%swap3A_25], %broadcast_in_dim3A_24 {strides = array<i32>} : memref<112xf32, #tpu.memory_space<vmem>>, vector<16xf32>,
    %broadcast_in_dim3A_27 = arith.constant 1.000000e+00 : f32
    %broadcast_in_dim3A_28 = vector.broadcast %broadcast_in_dim3A_27 : f32 to vector<16xf32>
    %swap3A_29 = arith.constant 96 : index
    %swap3A_30 = tpu.vector_load %arg15[%swap3A_29] {strides = array<i32>} : memref<112xf32, #tpu.memory_space<vmem>>, vector<16xf32>,
    tpu.vector_store %arg15[%swap3A_29], %broadcast_in_dim3A_28 {strides = array<i32>} : memref<112xf32, #tpu.memory_space<vmem>>, vector<16xf32>,
    %barrier3A = arith.constant 0 : index
    tpu.barrier barrier_id(%barrier3A)
    %dma_start3A = arith.constant 0 : i32
    %dma_start3A_31 = arith.constant 0 : i32
    %dma_start3A_32 = tpu.memref_slice %arg2[%arg1, %dma_start3A, %dma_start3A_31] : memref<16x96x112xi32, #tpu.memory_space<hbm>> -> memref<1x1x112xi32, #tpu.memory_space<hbm>>
    %dma_start3A_33 = tpu.memref_squeeze %dma_start3A_32 : memref<1x1x112xi32, #tpu.memory_space<hbm>> -> memref<112xi32, #tpu.memory_space<hbm>>
    %dma_start3A_34 = arith.constant 0 : i32
    %dma_start3A_35 = tpu.memref_slice %arg2[%arg1, %dma_start3A, %dma_start3A_34] : memref<16x96x112xi32, #tpu.memory_space<hbm>> -> memref<1x1x112xi32, #tpu.memory_space<hbm>>
    %dma_start3A_36 = tpu.memref_squeeze %dma_start3A_35 : memref<1x1x112xi32, #tpu.memory_space<hbm>> -> memref<112xi32, #tpu.memory_space<hbm>>
    tpu.enqueue_dma source(%dma_start3A_36 : memref<112xi32, #tpu.memory_space<hbm>>) target(%arg16 : memref<112xi32, #tpu.memory_space<vmem>>) target_semaphore(%arg22 : memref<!tpu.dma_semaphore, #tpu.memory_space<semaphore_mem>>)
    %dma_start3A_37 = arith.constant 0 : i32
    %dma_start3A_38 = arith.constant 0 : i32
    %dma_start3A_39 = tpu.memref_slice %arg3[%arg1, %dma_start3A_37, %dma_start3A_38] : memref<16x96x112xi32, #tpu.memory_space<hbm>> -> memref<1x1x112xi32, #tpu.memory_space<hbm>>
    %dma_start3A_40 = tpu.memref_squeeze %dma_start3A_39 : memref<1x1x112xi32, #tpu.memory_space<hbm>> -> memref<112xi32, #tpu.memory_space<hbm>>
    %dma_start3A_41 = arith.constant 0 : i32
    %dma_start3A_42 = tpu.memref_slice %arg3[%arg1, %dma_start3A_37, %dma_start3A_41] : memref<16x96x112xi32, #tpu.memory_space<hbm>> -> memref<1x1x112xi32, #tpu.memory_space<hbm>>
    %dma_start3A_43 = tpu.memref_squeeze %dma_start3A_42 : memref<1x1x112xi32, #tpu.memory_space<hbm>> -> memref<112xi32, #tpu.memory_space<hbm>>
    tpu.enqueue_dma source(%dma_start3A_43 : memref<112xi32, #tpu.memory_space<hbm>>) target(%arg17 : memref<112xi32, #tpu.memory_space<vmem>>) target_semaphore(%arg22 : memref<!tpu.dma_semaphore, #tpu.memory_space<semaphore_mem>>)
    %dma_start3A_44 = arith.constant 1 : i32
    %dma_start3A_45 = arith.constant 0 : i32
    %dma_start3A_46 = tpu.memref_slice %arg2[%arg1, %dma_start3A_44, %dma_start3A_45] : memref<16x96x112xi32, #tpu.memory_space<hbm>> -> memref<1x1x112xi32, #tpu.memory_space<hbm>>
    %dma_start3A_47 = tpu.memref_squeeze %dma_start3A_46 : memref<1x1x112xi32, #tpu.memory_space<hbm>> -> memref<112xi32, #tpu.memory_space<hbm>>
    %dma_start3A_48 = arith.constant 0 : i32
    %dma_start3A_49 = tpu.memref_slice %arg2[%arg1, %dma_start3A_44, %dma_start3A_48] : memref<16x96x112xi32, #tpu.memory_space<hbm>> -> memref<1x1x112xi32, #tpu.memory_space<hbm>>
    %dma_start3A_50 = tpu.memref_squeeze %dma_start3A_49 : memref<1x1x112xi32, #tpu.memory_space<hbm>> -> memref<112xi32, #tpu.memory_space<hbm>>
    tpu.enqueue_dma source(%dma_start3A_50 : memref<112xi32, #tpu.memory_space<hbm>>) target(%arg26 : memref<112xi32, #tpu.memory_space<vmem>>) target_semaphore(%arg32 : memref<!tpu.dma_semaphore, #tpu.memory_space<semaphore_mem>>)
    %dma_start3A_51 = arith.constant 1 : i32
    %dma_start3A_52 = arith.constant 0 : i32
    %dma_start3A_53 = tpu.memref_slice %arg3[%arg1, %dma_start3A_51, %dma_start3A_52] : memref<16x96x112xi32, #tpu.memory_space<hbm>> -> memref<1x1x112xi32, #tpu.memory_space<hbm>>
    %dma_start3A_54 = tpu.memref_squeeze %dma_start3A_53 : memref<1x1x112xi32, #tpu.memory_space<hbm>> -> memref<112xi32, #tpu.memory_space<hbm>>
    %dma_start3A_55 = arith.constant 0 : i32
    %dma_start3A_56 = tpu.memref_slice %arg3[%arg1, %dma_start3A_51, %dma_start3A_55] : memref<16x96x112xi32, #tpu.memory_space<hbm>> -> memref<1x1x112xi32, #tpu.memory_space<hbm>>
    %dma_start3A_57 = tpu.memref_squeeze %dma_start3A_56 : memref<1x1x112xi32, #tpu.memory_space<hbm>> -> memref<112xi32, #tpu.memory_space<hbm>>
    tpu.enqueue_dma source(%dma_start3A_57 : memref<112xi32, #tpu.memory_space<hbm>>) target(%arg27 : memref<112xi32, #tpu.memory_space<vmem>>) target_semaphore(%arg32 : memref<!tpu.dma_semaphore, #tpu.memory_space<semaphore_mem>>)
    %dma_start3A_58 = arith.constant 2 : i32
    %dma_start3A_59 = arith.constant 0 : i32
    %dma_start3A_60 = tpu.memref_slice %arg2[%arg1, %dma_start3A_58, %dma_start3A_59] : memref<16x96x112xi32, #tpu.memory_space<hbm>> -> memref<1x1x112xi32, #tpu.memory_space<hbm>>
    %dma_start3A_61 = tpu.memref_squeeze %dma_start3A_60 : memref<1x1x112xi32, #tpu.memory_space<hbm>> -> memref<112xi32, #tpu.memory_space<hbm>>
    %dma_start3A_62 = arith.constant 0 : i32
    %dma_start3A_63 = tpu.memref_slice %arg2[%arg1, %dma_start3A_58, %dma_start3A_62] : memref<16x96x112xi32, #tpu.memory_space<hbm>> -> memref<1x1x112xi32, #tpu.memory_space<hbm>>
    %dma_start3A_64 = tpu.memref_squeeze %dma_start3A_63 : memref<1x1x112xi32, #tpu.memory_space<hbm>> -> memref<112xi32, #tpu.memory_space<hbm>>
    tpu.enqueue_dma source(%dma_start3A_64 : memref<112xi32, #tpu.memory_space<hbm>>) target(%arg36 : memref<112xi32, #tpu.memory_space<vmem>>) target_semaphore(%arg42 : memref<!tpu.dma_semaphore, #tpu.memory_space<semaphore_mem>>)
    %dma_start3A_65 = arith.constant 2 : i32
    %dma_start3A_66 = arith.constant 0 : i32
    %dma_start3A_67 = tpu.memref_slice %arg3[%arg1, %dma_start3A_65, %dma_start3A_66] : memref<16x96x112xi32, #tpu.memory_space<hbm>> -> memref<1x1x112xi32, #tpu.memory_space<hbm>>
    %dma_start3A_68 = tpu.memref_squeeze %dma_start3A_67 : memref<1x1x112xi32, #tpu.memory_space<hbm>> -> memref<112xi32, #tpu.memory_space<hbm>>
    %dma_start3A_69 = arith.constant 0 : i32
    %dma_start3A_70 = tpu.memref_slice %arg3[%arg1, %dma_start3A_65, %dma_start3A_69] : memref<16x96x112xi32, #tpu.memory_space<hbm>> -> memref<1x1x112xi32, #tpu.memory_space<hbm>>
    %dma_start3A_71 = tpu.memref_squeeze %dma_start3A_70 : memref<1x1x112xi32, #tpu.memory_space<hbm>> -> memref<112xi32, #tpu.memory_space<hbm>>
    tpu.enqueue_dma source(%dma_start3A_71 : memref<112xi32, #tpu.memory_space<hbm>>) target(%arg37 : memref<112xi32, #tpu.memory_space<vmem>>) target_semaphore(%arg42 : memref<!tpu.dma_semaphore, #tpu.memory_space<semaphore_mem>>)
    %dma_wait3A = arith.constant 0 : i32
    %dma_wait3A_72 = arith.constant 0 : i32
    %dma_wait3A_73 = tpu.memref_slice %arg2[%arg1, %dma_wait3A, %dma_wait3A_72] : memref<16x96x112xi32, #tpu.memory_space<hbm>> -> memref<1x1x112xi32, #tpu.memory_space<hbm>>
    %dma_wait3A_74 = tpu.memref_squeeze %dma_wait3A_73 : memref<1x1x112xi32, #tpu.memory_space<hbm>> -> memref<112xi32, #tpu.memory_space<hbm>>
    %dma_wait3A_75 = arith.constant 0 : i32
    %dma_wait3A_76 = tpu.memref_slice %arg2[%arg1, %dma_wait3A, %dma_wait3A_75] : memref<16x96x112xi32, #tpu.memory_space<hbm>> -> memref<1x1x112xi32, #tpu.memory_space<hbm>>
    %dma_wait3A_77 = tpu.memref_squeeze %dma_wait3A_76 : memref<1x1x112xi32, #tpu.memory_space<hbm>> -> memref<112xi32, #tpu.memory_space<hbm>>
    tpu.wait_dma2 semaphore(%arg22 : memref<!tpu.dma_semaphore, #tpu.memory_space<semaphore_mem>>) src(%dma_wait3A_77 : memref<112xi32, #tpu.memory_space<hbm>>) dst(%arg16 : memref<112xi32, #tpu.memory_space<vmem>>)
    %dma_wait3A_78 = arith.constant 0 : i32
    %dma_wait3A_79 = arith.constant 0 : i32
    %dma_wait3A_80 = tpu.memref_slice %arg3[%arg1, %dma_wait3A_78, %dma_wait3A_79] : memref<16x96x112xi32, #tpu.memory_space<hbm>> -> memref<1x1x112xi32, #tpu.memory_space<hbm>>
    %dma_wait3A_81 = tpu.memref_squeeze %dma_wait3A_80 : memref<1x1x112xi32, #tpu.memory_space<hbm>> -> memref<112xi32, #tpu.memory_space<hbm>>
    %dma_wait3A_82 = arith.constant 0 : i32
    %dma_wait3A_83 = tpu.memref_slice %arg3[%arg1, %dma_wait3A_78, %dma_wait3A_82] : memref<16x96x112xi32, #tpu.memory_space<hbm>> -> memref<1x1x112xi32, #tpu.memory_space<hbm>>
    %dma_wait3A_84 = tpu.memref_squeeze %dma_wait3A_83 : memref<1x1x112xi32, #tpu.memory_space<hbm>> -> memref<112xi32, #tpu.memory_space<hbm>>
    tpu.wait_dma2 semaphore(%arg22 : memref<!tpu.dma_semaphore, #tpu.memory_space<semaphore_mem>>) src(%dma_wait3A_84 : memref<112xi32, #tpu.memory_space<hbm>>) dst(%arg17 : memref<112xi32, #tpu.memory_space<vmem>>)
    %get3A = arith.constant 0 : index
    %get3A_85 = tpu.vector_load %arg16[%get3A] {strides = array<i32>} : memref<112xi32, #tpu.memory_space<vmem>>, vector<16xi32>,
    %mul3A_86 = arith.constant 10240 : i32
    %mul3A_87 = arith.muli %arg0, %mul3A_86 : i32
    %add3A = vector.broadcast %mul3A_87 : i32 to vector<16xi32>
    %add3A_88 = arith.addi %get3A_85, %add3A : vector<16xi32>
    %swap3A_89 = arith.constant 0 : index
    %swap3A_90 = tpu.vector_load %arg25[%swap3A_89] {strides = array<i32>} : memref<112xi32, #tpu.memory_space<vmem>>, vector<16xi32>,
    tpu.vector_store %arg25[%swap3A_89], %add3A_88 {strides = array<i32>} : memref<112xi32, #tpu.memory_space<vmem>>, vector<16xi32>,
    %get3A_91 = arith.constant 16 : index
    %get3A_92 = tpu.vector_load %arg16[%get3A_91] {strides = array<i32>} : memref<112xi32, #tpu.memory_space<vmem>>, vector<16xi32>,
    %mul3A_93 = arith.constant 10240 : i32
    %mul3A_94 = arith.muli %arg0, %mul3A_93 : i32
    %add3A_95 = vector.broadcast %mul3A_94 : i32 to vector<16xi32>
    %add3A_96 = arith.addi %get3A_92, %add3A_95 : vector<16xi32>
    %swap3A_97 = arith.constant 16 : index
    %swap3A_98 = tpu.vector_load %arg25[%swap3A_97] {strides = array<i32>} : memref<112xi32, #tpu.memory_space<vmem>>, vector<16xi32>,
    tpu.vector_store %arg25[%swap3A_97], %add3A_96 {strides = array<i32>} : memref<112xi32, #tpu.memory_space<vmem>>, vector<16xi32>,
    %get3A_99 = arith.constant 32 : index
    %get3A_100 = tpu.vector_load %arg16[%get3A_99] {strides = array<i32>} : memref<112xi32, #tpu.memory_space<vmem>>, vector<16xi32>,
    %mul3A_101 = arith.constant 10240 : i32
    %mul3A_102 = arith.muli %arg0, %mul3A_101 : i32
    %add3A_103 = vector.broadcast %mul3A_102 : i32 to vector<16xi32>
    %add3A_104 = arith.addi %get3A_100, %add3A_103 : vector<16xi32>
    %swap3A_105 = arith.constant 32 : index
    %swap3A_106 = tpu.vector_load %arg25[%swap3A_105] {strides = array<i32>} : memref<112xi32, #tpu.memory_space<vmem>>, vector<16xi32>,
    tpu.vector_store %arg25[%swap3A_105], %add3A_104 {strides = array<i32>} : memref<112xi32, #tpu.memory_space<vmem>>, vector<16xi32>,
    %get3A_107 = arith.constant 48 : index
    %get3A_108 = tpu.vector_load %arg16[%get3A_107] {strides = array<i32>} : memref<112xi32, #tpu.memory_space<vmem>>, vector<16xi32>,
    %mul3A_109 = arith.constant 10240 : i32
    %mul3A_110 = arith.muli %arg0, %mul3A_109 : i32
    %add3A_111 = vector.broadcast %mul3A_110 : i32 to vector<16xi32>
    %add3A_112 = arith.addi %get3A_108, %add3A_111 : vector<16xi32>
    %swap3A_113 = arith.constant 48 : index
    %swap3A_114 = tpu.vector_load %arg25[%swap3A_113] {strides = array<i32>} : memref<112xi32, #tpu.memory_space<vmem>>, vector<16xi32>,
    tpu.vector_store %arg25[%swap3A_113], %add3A_112 {strides = array<i32>} : memref<112xi32, #tpu.memory_space<vmem>>, vector<16xi32>,
    %get3A_115 = arith.constant 64 : index
    %get3A_116 = tpu.vector_load %arg16[%get3A_115] {strides = array<i32>} : memref<112xi32, #tpu.memory_space<vmem>>, vector<16xi32>,
    %mul3A_117 = arith.constant 10240 : i32
    %mul3A_118 = arith.muli %arg0, %mul3A_117 : i32
    %add3A_119 = vector.broadcast %mul3A_118 : i32 to vector<16xi32>
    %add3A_120 = arith.addi %get3A_116, %add3A_119 : vector<16xi32>
    %swap3A_121 = arith.constant 64 : index
    %swap3A_122 = tpu.vector_load %arg25[%swap3A_121] {strides = array<i32>} : memref<112xi32, #tpu.memory_space<vmem>>, vector<16xi32>,
    tpu.vector_store %arg25[%swap3A_121], %add3A_120 {strides = array<i32>} : memref<112xi32, #tpu.memory_space<vmem>>, vector<16xi32>,
    %get3A_123 = arith.constant 80 : index
    %get3A_124 = tpu.vector_load %arg16[%get3A_123] {strides = array<i32>} : memref<112xi32, #tpu.memory_space<vmem>>, vector<16xi32>,
    %mul3A_125 = arith.constant 10240 : i32
    %mul3A_126 = arith.muli %arg0, %mul3A_125 : i32
    %add3A_127 = vector.broadcast %mul3A_126 : i32 to vector<16xi32>
    %add3A_128 = arith.addi %get3A_124, %add3A_127 : vector<16xi32>
    %swap3A_129 = arith.constant 80 : index
    %swap3A_130 = tpu.vector_load %arg25[%swap3A_129] {strides = array<i32>} : memref<112xi32, #tpu.memory_space<vmem>>, vector<16xi32>,
    tpu.vector_store %arg25[%swap3A_129], %add3A_128 {strides = array<i32>} : memref<112xi32, #tpu.memory_space<vmem>>, vector<16xi32>,
    %get3A_131 = arith.constant 96 : index
    %get3A_132 = tpu.vector_load %arg16[%get3A_131] {strides = array<i32>} : memref<112xi32, #tpu.memory_space<vmem>>, vector<16xi32>,
    %mul3A_133 = arith.constant 10240 : i32
    %mul3A_134 = arith.muli %arg0, %mul3A_133 : i32
    %add3A_135 = vector.broadcast %mul3A_134 : i32 to vector<16xi32>
    %add3A_136 = arith.addi %get3A_132, %add3A_135 : vector<16xi32>
    %swap3A_137 = arith.constant 96 : index
    %swap3A_138 = tpu.vector_load %arg25[%swap3A_137] {strides = array<i32>} : memref<112xi32, #tpu.memory_space<vmem>>, vector<16xi32>,
    tpu.vector_store %arg25[%swap3A_137], %add3A_136 {strides = array<i32>} : memref<112xi32, #tpu.memory_space<vmem>>, vector<16xi32>,
    %dma_start3A_139 = arith.constant 0 : i32
    %dma_start3A_140 = arith.constant 0 : i32
    %dma_start3A_141 = tpu.memref_slice %arg6[%dma_start3A_139, %dma_start3A_140] : memref<20480x128xf32, #tpu.memory_space<hbm>> -> memref<20480x128xf32, #tpu.memory_space<hbm>>
    tpu.enqueue_indirect_dma source(%dma_start3A_141 : memref<20480x128xf32, #tpu.memory_space<hbm>>) target(%arg21 : memref<112x128xf32, #tpu.memory_space<vmem>>) offsets(%arg25 : memref<112xi32, #tpu.memory_space<vmem>>) semaphore(%arg23 : memref<!tpu.dma_semaphore, #tpu.memory_space<semaphore_mem>>)
    %dma_start3A_142 = arith.constant 0 : i32
    %dma_start3A_143 = tpu.memref_slice %arg4[%dma_start3A_142] : memref<10240xf32, #tpu.memory_space<hbm>> -> memref<10240xf32, #tpu.memory_space<hbm>>
    tpu.enqueue_indirect_dma source(%dma_start3A_143 : memref<10240xf32, #tpu.memory_space<hbm>>) target(%arg18 : memref<112xf32, #tpu.memory_space<vmem>>) offsets(%arg16 : memref<112xi32, #tpu.memory_space<vmem>>) semaphore(%arg23 : memref<!tpu.dma_semaphore, #tpu.memory_space<semaphore_mem>>)
    %dma_start3A_144 = arith.constant 0 : i32
    %dma_start3A_145 = tpu.memref_slice %arg5[%dma_start3A_144] : memref<10240xf32, #tpu.memory_space<hbm>> -> memref<10240xf32, #tpu.memory_space<hbm>>
    tpu.enqueue_indirect_dma source(%dma_start3A_145 : memref<10240xf32, #tpu.memory_space<hbm>>) target(%arg19 : memref<112xf32, #tpu.memory_space<vmem>>) offsets(%arg17 : memref<112xi32, #tpu.memory_space<vmem>>) semaphore(%arg23 : memref<!tpu.dma_semaphore, #tpu.memory_space<semaphore_mem>>)
    %dma_wait3A_146 = arith.constant 0 : i32
    %dma_wait3A_147 = arith.constant 0 : i32
    %dma_wait3A_148 = tpu.memref_slice %arg2[%arg1, %dma_wait3A_146, %dma_wait3A_147] : memref<16x96x112xi32, #tpu.memory_space<hbm>> -> memref<1x1x112xi32, #tpu.memory_space<hbm>>
    %dma_wait3A_149 = tpu.memref_squeeze %dma_wait3A_148 : memref<1x1x112xi32, #tpu.memory_space<hbm>> -> memref<112xi32, #tpu.memory_space<hbm>>
    %dma_wait3A_150 = arith.constant 0 : i32
    %dma_wait3A_151 = tpu.memref_slice %arg2[%arg1, %dma_wait3A_146, %dma_wait3A_150] : memref<16x96x112xi32, #tpu.memory_space<hbm>> -> memref<1x1x112xi32, #tpu.memory_space<hbm>>
    %dma_wait3A_152 = tpu.memref_squeeze %dma_wait3A_151 : memref<1x1x112xi32, #tpu.memory_space<hbm>> -> memref<112xi32, #tpu.memory_space<hbm>>
    tpu.wait_dma2 semaphore(%arg32 : memref<!tpu.dma_semaphore, #tpu.memory_space<semaphore_mem>>) src(%dma_wait3A_152 : memref<112xi32, #tpu.memory_space<hbm>>) dst(%arg26 : memref<112xi32, #tpu.memory_space<vmem>>)
    %dma_wait3A_153 = arith.constant 0 : i32
    %dma_wait3A_154 = arith.constant 0 : i32
    %dma_wait3A_155 = tpu.memref_slice %arg3[%arg1, %dma_wait3A_153, %dma_wait3A_154] : memref<16x96x112xi32, #tpu.memory_space<hbm>> -> memref<1x1x112xi32, #tpu.memory_space<hbm>>
    %dma_wait3A_156 = tpu.memref_squeeze %dma_wait3A_155 : memref<1x1x112xi32, #tpu.memory_space<hbm>> -> memref<112xi32, #tpu.memory_space<hbm>>
    %dma_wait3A_157 = arith.constant 0 : i32
    %dma_wait3A_158 = tpu.memref_slice %arg3[%arg1, %dma_wait3A_153, %dma_wait3A_157] : memref<16x96x112xi32, #tpu.memory_space<hbm>> -> memref<1x1x112xi32, #tpu.memory_space<hbm>>
    %dma_wait3A_159 = tpu.memref_squeeze %dma_wait3A_158 : memref<1x1x112xi32, #tpu.memory_space<hbm>> -> memref<112xi32, #tpu.memory_space<hbm>>
    tpu.wait_dma2 semaphore(%arg32 : memref<!tpu.dma_semaphore, #tpu.memory_space<semaphore_mem>>) src(%dma_wait3A_159 : memref<112xi32, #tpu.memory_space<hbm>>) dst(%arg27 : memref<112xi32, #tpu.memory_space<vmem>>)
    %get3A_160 = arith.constant 0 : index
    %get3A_161 = tpu.vector_load %arg26[%get3A_160] {strides = array<i32>} : memref<112xi32, #tpu.memory_space<vmem>>, vector<16xi32>,
    %mul3A_162 = arith.constant 10240 : i32
    %mul3A_163 = arith.muli %arg0, %mul3A_162 : i32
    %add3A_164 = vector.broadcast %mul3A_163 : i32 to vector<16xi32>
    %add3A_165 = arith.addi %get3A_161, %add3A_164 : vector<16xi32>
    %swap3A_166 = arith.constant 0 : index
    %swap3A_167 = tpu.vector_load %arg35[%swap3A_166] {strides = array<i32>} : memref<112xi32, #tpu.memory_space<vmem>>, vector<16xi32>,
    tpu.vector_store %arg35[%swap3A_166], %add3A_165 {strides = array<i32>} : memref<112xi32, #tpu.memory_space<vmem>>, vector<16xi32>,
    %get3A_168 = arith.constant 16 : index
    %get3A_169 = tpu.vector_load %arg26[%get3A_168] {strides = array<i32>} : memref<112xi32, #tpu.memory_space<vmem>>, vector<16xi32>,
    %mul3A_170 = arith.constant 10240 : i32
    %mul3A_171 = arith.muli %arg0, %mul3A_170 : i32
    %add3A_172 = vector.broadcast %mul3A_171 : i32 to vector<16xi32>
    %add3A_173 = arith.addi %get3A_169, %add3A_172 : vector<16xi32>
    %swap3A_174 = arith.constant 16 : index
    %swap3A_175 = tpu.vector_load %arg35[%swap3A_174] {strides = array<i32>} : memref<112xi32, #tpu.memory_space<vmem>>, vector<16xi32>,
    tpu.vector_store %arg35[%swap3A_174], %add3A_173 {strides = array<i32>} : memref<112xi32, #tpu.memory_space<vmem>>, vector<16xi32>,
    %get3A_176 = arith.constant 32 : index
    %get3A_177 = tpu.vector_load %arg26[%get3A_176] {strides = array<i32>} : memref<112xi32, #tpu.memory_space<vmem>>, vector<16xi32>,
    %mul3A_178 = arith.constant 10240 : i32
    %mul3A_179 = arith.muli %arg0, %mul3A_178 : i32
    %add3A_180 = vector.broadcast %mul3A_179 : i32 to vector<16xi32>
    %add3A_181 = arith.addi %get3A_177, %add3A_180 : vector<16xi32>
    %swap3A_182 = arith.constant 32 : index
    %swap3A_183 = tpu.vector_load %arg35[%swap3A_182] {strides = array<i32>} : memref<112xi32, #tpu.memory_space<vmem>>, vector<16xi32>,
    tpu.vector_store %arg35[%swap3A_182], %add3A_181 {strides = array<i32>} : memref<112xi32, #tpu.memory_space<vmem>>, vector<16xi32>,
    %get3A_184 = arith.constant 48 : index
    %get3A_185 = tpu.vector_load %arg26[%get3A_184] {strides = array<i32>} : memref<112xi32, #tpu.memory_space<vmem>>, vector<16xi32>,
    %mul3A_186 = arith.constant 10240 : i32
    %mul3A_187 = arith.muli %arg0, %mul3A_186 : i32
    %add3A_188 = vector.broadcast %mul3A_187 : i32 to vector<16xi32>
    %add3A_189 = arith.addi %get3A_185, %add3A_188 : vector<16xi32>
    %swap3A_190 = arith.constant 48 : index
    %swap3A_191 = tpu.vector_load %arg35[%swap3A_190] {strides = array<i32>} : memref<112xi32, #tpu.memory_space<vmem>>, vector<16xi32>,
    tpu.vector_store %arg35[%swap3A_190], %add3A_189 {strides = array<i32>} : memref<112xi32, #tpu.memory_space<vmem>>, vector<16xi32>,
    %get3A_192 = arith.constant 64 : index
    %get3A_193 = tpu.vector_load %arg26[%get3A_192] {strides = array<i32>} : memref<112xi32, #tpu.memory_space<vmem>>, vector<16xi32>,
    %mul3A_194 = arith.constant 10240 : i32
    %mul3A_195 = arith.muli %arg0, %mul3A_194 : i32
    %add3A_196 = vector.broadcast %mul3A_195 : i32 to vector<16xi32>
    %add3A_197 = arith.addi %get3A_193, %add3A_196 : vector<16xi32>
    %swap3A_198 = arith.constant 64 : index
    %swap3A_199 = tpu.vector_load %arg35[%swap3A_198] {strides = array<i32>} : memref<112xi32, #tpu.memory_space<vmem>>, vector<16xi32>,
    tpu.vector_store %arg35[%swap3A_198], %add3A_197 {strides = array<i32>} : memref<112xi32, #tpu.memory_space<vmem>>, vector<16xi32>,
    %get3A_200 = arith.constant 80 : index
    %get3A_201 = tpu.vector_load %arg26[%get3A_200] {strides = array<i32>} : memref<112xi32, #tpu.memory_space<vmem>>, vector<16xi32>,
    %mul3A_202 = arith.constant 10240 : i32
    %mul3A_203 = arith.muli %arg0, %mul3A_202 : i32
    %add3A_204 = vector.broadcast %mul3A_203 : i32 to vector<16xi32>
    %add3A_205 = arith.addi %get3A_201, %add3A_204 : vector<16xi32>
    %swap3A_206 = arith.constant 80 : index
    %swap3A_207 = tpu.vector_load %arg35[%swap3A_206] {strides = array<i32>} : memref<112xi32, #tpu.memory_space<vmem>>, vector<16xi32>,
    tpu.vector_store %arg35[%swap3A_206], %add3A_205 {strides = array<i32>} : memref<112xi32, #tpu.memory_space<vmem>>, vector<16xi32>,
    %get3A_208 = arith.constant 96 : index
    %get3A_209 = tpu.vector_load %arg26[%get3A_208] {strides = array<i32>} : memref<112xi32, #tpu.memory_space<vmem>>, vector<16xi32>,
    %mul3A_210 = arith.constant 10240 : i32
    %mul3A_211 = arith.muli %arg0, %mul3A_210 : i32
    %add3A_212 = vector.broadcast %mul3A_211 : i32 to vector<16xi32>
    %add3A_213 = arith.addi %get3A_209, %add3A_212 : vector<16xi32>
    %swap3A_214 = arith.constant 96 : index
    %swap3A_215 = tpu.vector_load %arg35[%swap3A_214] {strides = array<i32>} : memref<112xi32, #tpu.memory_space<vmem>>, vector<16xi32>,
    tpu.vector_store %arg35[%swap3A_214], %add3A_213 {strides = array<i32>} : memref<112xi32, #tpu.memory_space<vmem>>, vector<16xi32>,
    %dma_start3A_216 = arith.constant 0 : i32
    %dma_start3A_217 = arith.constant 0 : i32
    %dma_start3A_218 = tpu.memref_slice %arg6[%dma_start3A_216, %dma_start3A_217] : memref<20480x128xf32, #tpu.memory_space<hbm>> -> memref<20480x128xf32, #tpu.memory_space<hbm>>
    tpu.enqueue_indirect_dma source(%dma_start3A_218 : memref<20480x128xf32, #tpu.memory_space<hbm>>) target(%arg31 : memref<112x128xf32, #tpu.memory_space<vmem>>) offsets(%arg35 : memref<112xi32, #tpu.memory_space<vmem>>) semaphore(%arg33 : memref<!tpu.dma_semaphore, #tpu.memory_space<semaphore_mem>>)
    %dma_start3A_219 = arith.constant 0 : i32
    %dma_start3A_220 = tpu.memref_slice %arg4[%dma_start3A_219] : memref<10240xf32, #tpu.memory_space<hbm>> -> memref<10240xf32, #tpu.memory_space<hbm>>
    tpu.enqueue_indirect_dma source(%dma_start3A_220 : memref<10240xf32, #tpu.memory_space<hbm>>) target(%arg28 : memref<112xf32, #tpu.memory_space<vmem>>) offsets(%arg26 : memref<112xi32, #tpu.memory_space<vmem>>) semaphore(%arg33 : memref<!tpu.dma_semaphore, #tpu.memory_space<semaphore_mem>>)
    %dma_start3A_221 = arith.constant 0 : i32
    %dma_start3A_222 = tpu.memref_slice %arg5[%dma_start3A_221] : memref<10240xf32, #tpu.memory_space<hbm>> -> memref<10240xf32, #tpu.memory_space<hbm>>
    tpu.enqueue_indirect_dma source(%dma_start3A_222 : memref<10240xf32, #tpu.memory_space<hbm>>) target(%arg29 : memref<112xf32, #tpu.memory_space<vmem>>) offsets(%arg27 : memref<112xi32, #tpu.memory_space<vmem>>) semaphore(%arg33 : memref<!tpu.dma_semaphore, #tpu.memory_space<semaphore_mem>>)
    %scan3A = arith.constant 0 : i32
    %scan3A_223 = arith.constant 32 : i32
    %scan3A_224 = arith.addi %scan3A, %scan3A_223 : i32
    %scan3A_225 = arith.constant 1 : i32
    scf.for %scan3A_249 = %scan3A to %scan3A_224 step %scan3A_225  : i32 {
      %mul3A_250 = arith.constant 3 : i32
      %mul3A_251 = arith.muli %scan3A_249, %mul3A_250 : i32
      %add3A_252 = arith.constant 0 : i32
      %add3A_253 = arith.addi %add3A_252, %mul3A_251 : i32
      %add3A_254 = arith.constant 0 : i32
      %add3A_255 = arith.addi %add3A_253, %add3A_254 : i32
      %dma_wait3A_256 = arith.constant 0 : i32
      %dma_wait3A_257 = arith.constant 0 : i32
      %dma_wait3A_258 = tpu.memref_slice %arg6[%dma_wait3A_256, %dma_wait3A_257] : memref<20480x128xf32, #tpu.memory_space<hbm>> -> memref<20480x128xf32, #tpu.memory_space<hbm>>
      tpu.wait_indirect_dma semaphore(%arg23 : memref<!tpu.dma_semaphore, #tpu.memory_space<semaphore_mem>>) src(%dma_wait3A_258 : memref<20480x128xf32, #tpu.memory_space<hbm>>) dst(%arg21 : memref<112x128xf32, #tpu.memory_space<vmem>>)
      %dma_wait3A_259 = arith.constant 0 : i32
      %dma_wait3A_260 = tpu.memref_slice %arg4[%dma_wait3A_259] : memref<10240xf32, #tpu.memory_space<hbm>> -> memref<10240xf32, #tpu.memory_space<hbm>>
      tpu.wait_indirect_dma semaphore(%arg23 : memref<!tpu.dma_semaphore, #tpu.memory_space<semaphore_mem>>) src(%dma_wait3A_260 : memref<10240xf32, #tpu.memory_space<hbm>>) dst(%arg18 : memref<112xf32, #tpu.memory_space<vmem>>)
      %dma_wait3A_261 = arith.constant 0 : i32
      %dma_wait3A_262 = tpu.memref_slice %arg5[%dma_wait3A_261] : memref<10240xf32, #tpu.memory_space<hbm>> -> memref<10240xf32, #tpu.memory_space<hbm>>
      tpu.wait_indirect_dma semaphore(%arg23 : memref<!tpu.dma_semaphore, #tpu.memory_space<semaphore_mem>>) src(%dma_wait3A_262 : memref<10240xf32, #tpu.memory_space<hbm>>) dst(%arg19 : memref<112xf32, #tpu.memory_space<vmem>>)
      %ge3A = arith.constant 3 : i32
      %ge3A_263 = arith.cmpi sge, %add3A_255, %ge3A : i32
      %convert_element_type3A_264 = arith.extui %ge3A_263 : i1 to i32
      %cond3A_265 = arith.constant 0 : i32
      %cond3A_266 = arith.cmpi ne, %convert_element_type3A_264, %cond3A_265 : i32
      scf.if %cond3A_266 {
        %dma_wait3A_378 = arith.constant 0 : i32
        %dma_wait3A_379 = tpu.memref_slice %arg13[%dma_wait3A_378] : memref<10240xf32, #tpu.memory_space<vmem_shared>> -> memref<10240xf32, #tpu.memory_space<vmem_shared>>
        tpu.wait_indirect_dma semaphore(%arg24 : memref<!tpu.dma_semaphore, #tpu.memory_space<semaphore_mem>>) src(%arg20 : memref<112xf32, #tpu.memory_space<vmem>>) dst(%dma_wait3A_379 : memref<10240xf32, #tpu.memory_space<vmem_shared>>)
        %dma_wait3A_380 = arith.constant 0 : i32
        %dma_wait3A_381 = tpu.memref_slice %arg14[%dma_wait3A_380] : memref<10240xf32, #tpu.memory_space<vmem_shared>> -> memref<10240xf32, #tpu.memory_space<vmem_shared>>
        tpu.wait_indirect_dma semaphore(%arg24 : memref<!tpu.dma_semaphore, #tpu.memory_space<semaphore_mem>>) src(%arg15 : memref<112xf32, #tpu.memory_space<vmem>>) dst(%dma_wait3A_381 : memref<10240xf32, #tpu.memory_space<vmem_shared>>)
      } else {
      }
      %scan3A_267 = arith.constant 0 : i32
      %scan3A_268 = arith.constant 7 : i32
      %scan3A_269 = arith.addi %scan3A_267, %scan3A_268 : i32
      %scan3A_270 = arith.constant 1 : i32
      scf.for %scan3A_378 = %scan3A_267 to %scan3A_269 step %scan3A_270  : i32 {
        %mul3A_379 = arith.constant 1 : i32
        %mul3A_380 = arith.muli %scan3A_378, %mul3A_379 : i32
        %add3A_381 = arith.constant 0 : i32
        %add3A_382 = arith.addi %add3A_381, %mul3A_380 : i32
        %mul3A_383 = arith.constant 16 : i32
        %mul3A_384 = arith.muli %add3A_382, %mul3A_383 : i32
        %get3A_385 = arith.index_cast %mul3A_384 : i32 to index
        %get3A_386 = tpu.vector_load %arg18[%get3A_385] {strides = array<i32>} : memref<112xf32, #tpu.memory_space<vmem>>, vector<16xf32>,
        %get3A_387 = arith.index_cast %mul3A_384 : i32 to index
        %get3A_388 = tpu.vector_load %arg19[%get3A_387] {strides = array<i32>} : memref<112xf32, #tpu.memory_space<vmem>>, vector<16xf32>,
        %add3A_389 = arith.addf %get3A_386, %get3A_388 : vector<16xf32>
        %lt3A_390 = arith.constant 0.000000e+00 : f32
        %lt3A_391 = vector.broadcast %lt3A_390 : f32 to vector<16xf32>
        %lt3A_392 = arith.cmpf olt, %add3A_389, %lt3A_391 : vector<16xf32>
        %mul3A_393 = arith.constant 2.000000e-01 : f32
        %mul3A_394 = vector.broadcast %mul3A_393 : f32 to vector<16xf32>
        %mul3A_395 = arith.mulf %add3A_389, %mul3A_394 : vector<16xf32>
        %select_n3A = arith.select %lt3A_392, %mul3A_395, %add3A_389 : vector<16xi1>, vector<16xf32>
        %exp3A = math.exp %select_n3A : vector<16xf32>
        %swap3A_396 = arith.index_cast %mul3A_384 : i32 to index
        %swap3A_397 = tpu.vector_load %arg20[%swap3A_396] {strides = array<i32>} : memref<112xf32, #tpu.memory_space<vmem>>, vector<16xf32>,
        tpu.vector_store %arg20[%swap3A_396], %exp3A {strides = array<i32>} : memref<112xf32, #tpu.memory_space<vmem>>, vector<16xf32>,
      }
      %scan3A_271 = arith.constant 7 : i32
      %scan3A_272 = arith.constant 0 : i32
      %scan3A_273 = arith.constant 112 : i32
      %scan3A_274 = arith.addi %scan3A_272, %scan3A_273 : i32
      %scan3A_275 = arith.constant 1 : i32
      scf.for %scan3A_378 = %scan3A_272 to %scan3A_274 step %scan3A_275  : i32 {
        %mul3A_379 = arith.constant 1 : i32
        %mul3A_380 = arith.muli %scan3A_378, %mul3A_379 : i32
        %add3A_381 = arith.constant 0 : i32
        %add3A_382 = arith.addi %add3A_381, %mul3A_380 : i32
        %broadcast_in_dim3A_383 = vector.broadcast %add3A_382 : i32 to vector<16xi32>
        %gather3A = tpu.vector_load_idx %arg20[%broadcast_in_dim3A_383] : memref<112xf32, #tpu.memory_space<vmem>>[vector<16xi32>], vector<16xf32>,
        %get3A_384 = arith.index_cast %add3A_382 : i32 to index
        %get3A_385 = arith.constant 0 : index
        %get3A_386 = tpu.vector_load %arg21[%get3A_384, %get3A_385] {strides = array<i32>} : memref<112x128xf32, #tpu.memory_space<vmem>>, vector<16xf32>,
        %mul3A_387 = arith.mulf %get3A_386, %gather3A : vector<16xf32>
        %swap3A_388 = arith.index_cast %add3A_382 : i32 to index
        %swap3A_389 = arith.constant 0 : index
        %swap3A_390 = tpu.vector_load %arg21[%swap3A_388, %swap3A_389] {strides = array<i32>} : memref<112x128xf32, #tpu.memory_space<vmem>>, vector<16xf32>,
        tpu.vector_store %arg21[%swap3A_388, %swap3A_389], %mul3A_387 {strides = array<i32>} : memref<112x128xf32, #tpu.memory_space<vmem>>, vector<16xf32>,
        %get3A_391 = arith.index_cast %add3A_382 : i32 to index
        %get3A_392 = arith.constant 16 : index
        %get3A_393 = tpu.vector_load %arg21[%get3A_391, %get3A_392] {strides = array<i32>} : memref<112x128xf32, #tpu.memory_space<vmem>>, vector<16xf32>,
        %mul3A_394 = arith.mulf %get3A_393, %gather3A : vector<16xf32>
        %swap3A_395 = arith.index_cast %add3A_382 : i32 to index
        %swap3A_396 = arith.constant 16 : index
        %swap3A_397 = tpu.vector_load %arg21[%swap3A_395, %swap3A_396] {strides = array<i32>} : memref<112x128xf32, #tpu.memory_space<vmem>>, vector<16xf32>,
        tpu.vector_store %arg21[%swap3A_395, %swap3A_396], %mul3A_394 {strides = array<i32>} : memref<112x128xf32, #tpu.memory_space<vmem>>, vector<16xf32>,
        %get3A_398 = arith.index_cast %add3A_382 : i32 to index
        %get3A_399 = arith.constant 32 : index
        %get3A_400 = tpu.vector_load %arg21[%get3A_398, %get3A_399] {strides = array<i32>} : memref<112x128xf32, #tpu.memory_space<vmem>>, vector<16xf32>,
        %mul3A_401 = arith.mulf %get3A_400, %gather3A : vector<16xf32>
        %swap3A_402 = arith.index_cast %add3A_382 : i32 to index
        %swap3A_403 = arith.constant 32 : index
        %swap3A_404 = tpu.vector_load %arg21[%swap3A_402, %swap3A_403] {strides = array<i32>} : memref<112x128xf32, #tpu.memory_space<vmem>>, vector<16xf32>,
        tpu.vector_store %arg21[%swap3A_402, %swap3A_403], %mul3A_401 {strides = array<i32>} : memref<112x128xf32, #tpu.memory_space<vmem>>, vector<16xf32>,
        %get3A_405 = arith.index_cast %add3A_382 : i32 to index
        %get3A_406 = arith.constant 48 : index
        %get3A_407 = tpu.vector_load %arg21[%get3A_405, %get3A_406] {strides = array<i32>} : memref<112x128xf32, #tpu.memory_space<vmem>>, vector<16xf32>,
        %mul3A_408 = arith.mulf %get3A_407, %gather3A : vector<16xf32>
        %swap3A_409 = arith.index_cast %add3A_382 : i32 to index
        %swap3A_410 = arith.constant 48 : index
        %swap3A_411 = tpu.vector_load %arg21[%swap3A_409, %swap3A_410] {strides = array<i32>} : memref<112x128xf32, #tpu.memory_space<vmem>>, vector<16xf32>,
        tpu.vector_store %arg21[%swap3A_409, %swap3A_410], %mul3A_408 {strides = array<i32>} : memref<112x128xf32, #tpu.memory_space<vmem>>, vector<16xf32>,
        %get3A_412 = arith.index_cast %add3A_382 : i32 to index
        %get3A_413 = arith.constant 64 : index
        %get3A_414 = tpu.vector_load %arg21[%get3A_412, %get3A_413] {strides = array<i32>} : memref<112x128xf32, #tpu.memory_space<vmem>>, vector<16xf32>,
        %mul3A_415 = arith.mulf %get3A_414, %gather3A : vector<16xf32>
        %swap3A_416 = arith.index_cast %add3A_382 : i32 to index
        %swap3A_417 = arith.constant 64 : index
        %swap3A_418 = tpu.vector_load %arg21[%swap3A_416, %swap3A_417] {strides = array<i32>} : memref<112x128xf32, #tpu.memory_space<vmem>>, vector<16xf32>,
        tpu.vector_store %arg21[%swap3A_416, %swap3A_417], %mul3A_415 {strides = array<i32>} : memref<112x128xf32, #tpu.memory_space<vmem>>, vector<16xf32>,
        %get3A_419 = arith.index_cast %add3A_382 : i32 to index
        %get3A_420 = arith.constant 80 : index
        %get3A_421 = tpu.vector_load %arg21[%get3A_419, %get3A_420] {strides = array<i32>} : memref<112x128xf32, #tpu.memory_space<vmem>>, vector<16xf32>,
        %mul3A_422 = arith.mulf %get3A_421, %gather3A : vector<16xf32>
        %swap3A_423 = arith.index_cast %add3A_382 : i32 to index
        %swap3A_424 = arith.constant 80 : index
        %swap3A_425 = tpu.vector_load %arg21[%swap3A_423, %swap3A_424] {strides = array<i32>} : memref<112x128xf32, #tpu.memory_space<vmem>>, vector<16xf32>,
        tpu.vector_store %arg21[%swap3A_423, %swap3A_424], %mul3A_422 {strides = array<i32>} : memref<112x128xf32, #tpu.memory_space<vmem>>, vector<16xf32>,
        %get3A_426 = arith.index_cast %add3A_382 : i32 to index
        %get3A_427 = arith.constant 96 : index
        %get3A_428 = tpu.vector_load %arg21[%get3A_426, %get3A_427] {strides = array<i32>} : memref<112x128xf32, #tpu.memory_space<vmem>>, vector<16xf32>,
        %mul3A_429 = arith.mulf %get3A_428, %gather3A : vector<16xf32>
        %swap3A_430 = arith.index_cast %add3A_382 : i32 to index
        %swap3A_431 = arith.constant 96 : index
        %swap3A_432 = tpu.vector_load %arg21[%swap3A_430, %swap3A_431] {strides = array<i32>} : memref<112x128xf32, #tpu.memory_space<vmem>>, vector<16xf32>,
        tpu.vector_store %arg21[%swap3A_430, %swap3A_431], %mul3A_429 {strides = array<i32>} : memref<112x128xf32, #tpu.memory_space<vmem>>, vector<16xf32>,
        %get3A_433 = arith.index_cast %add3A_382 : i32 to index
        %get3A_434 = arith.constant 112 : index
        %get3A_435 = tpu.vector_load %arg21[%get3A_433, %get3A_434] {strides = array<i32>} : memref<112x128xf32, #tpu.memory_space<vmem>>, vector<16xf32>,
        %mul3A_436 = arith.mulf %get3A_435, %gather3A : vector<16xf32>
        %swap3A_437 = arith.index_cast %add3A_382 : i32 to index
        %swap3A_438 = arith.constant 112 : index
        %swap3A_439 = tpu.vector_load %arg21[%swap3A_437, %swap3A_438] {strides = array<i32>} : memref<112x128xf32, #tpu.memory_space<vmem>>, vector<16xf32>,
        tpu.vector_store %arg21[%swap3A_437, %swap3A_438], %mul3A_436 {strides = array<i32>} : memref<112x128xf32, #tpu.memory_space<vmem>>, vector<16xf32>,
      }
      %scan3A_276 = arith.constant 112 : i32
      %add3A_277 = arith.constant 2 : i32
      %add3A_278 = arith.addi %add3A_255, %add3A_277 : i32
      %lt3A = arith.constant 96 : i32
      %lt3A_279 = arith.cmpi slt, %add3A_278, %lt3A : i32
      %convert_element_type3A_280 = arith.extui %lt3A_279 : i1 to i32
      %cond3A_281 = arith.constant 0 : i32
      %cond3A_282 = arith.cmpi ne, %convert_element_type3A_280, %cond3A_281 : i32
      scf.if %cond3A_282 {
        %dma_wait3A_378 = arith.constant 0 : i32
        %dma_wait3A_379 = arith.constant 0 : i32
        %dma_wait3A_380 = tpu.memref_slice %arg2[%arg1, %dma_wait3A_378, %dma_wait3A_379] : memref<16x96x112xi32, #tpu.memory_space<hbm>> -> memref<1x1x112xi32, #tpu.memory_space<hbm>>
        %dma_wait3A_381 = tpu.memref_squeeze %dma_wait3A_380 : memref<1x1x112xi32, #tpu.memory_space<hbm>> -> memref<112xi32, #tpu.memory_space<hbm>>
        %dma_wait3A_382 = arith.constant 0 : i32
        %dma_wait3A_383 = tpu.memref_slice %arg2[%arg1, %dma_wait3A_378, %dma_wait3A_382] : memref<16x96x112xi32, #tpu.memory_space<hbm>> -> memref<1x1x112xi32, #tpu.memory_space<hbm>>
        %dma_wait3A_384 = tpu.memref_squeeze %dma_wait3A_383 : memref<1x1x112xi32, #tpu.memory_space<hbm>> -> memref<112xi32, #tpu.memory_space<hbm>>
        tpu.wait_dma2 semaphore(%arg42 : memref<!tpu.dma_semaphore, #tpu.memory_space<semaphore_mem>>) src(%dma_wait3A_384 : memref<112xi32, #tpu.memory_space<hbm>>) dst(%arg36 : memref<112xi32, #tpu.memory_space<vmem>>)
        %dma_wait3A_385 = arith.constant 0 : i32
        %dma_wait3A_386 = arith.constant 0 : i32
        %dma_wait3A_387 = tpu.memref_slice %arg3[%arg1, %dma_wait3A_385, %dma_wait3A_386] : memref<16x96x112xi32, #tpu.memory_space<hbm>> -> memref<1x1x112xi32, #tpu.memory_space<hbm>>
        %dma_wait3A_388 = tpu.memref_squeeze %dma_wait3A_387 : memref<1x1x112xi32, #tpu.memory_space<hbm>> -> memref<112xi32, #tpu.memory_space<hbm>>
        %dma_wait3A_389 = arith.constant 0 : i32
        %dma_wait3A_390 = tpu.memref_slice %arg3[%arg1, %dma_wait3A_385, %dma_wait3A_389] : memref<16x96x112xi32, #tpu.memory_space<hbm>> -> memref<1x1x112xi32, #tpu.memory_space<hbm>>
        %dma_wait3A_391 = tpu.memref_squeeze %dma_wait3A_390 : memref<1x1x112xi32, #tpu.memory_space<hbm>> -> memref<112xi32, #tpu.memory_space<hbm>>
        tpu.wait_dma2 semaphore(%arg42 : memref<!tpu.dma_semaphore, #tpu.memory_space<semaphore_mem>>) src(%dma_wait3A_391 : memref<112xi32, #tpu.memory_space<hbm>>) dst(%arg37 : memref<112xi32, #tpu.memory_space<vmem>>)
        %get3A_392 = arith.constant 0 : index
        %get3A_393 = tpu.vector_load %arg36[%get3A_392] {strides = array<i32>} : memref<112xi32, #tpu.memory_space<vmem>>, vector<16xi32>,
        %mul3A_394 = arith.constant 10240 : i32
        %mul3A_395 = arith.muli %arg0, %mul3A_394 : i32
        %add3A_396 = vector.broadcast %mul3A_395 : i32 to vector<16xi32>
        %add3A_397 = arith.addi %get3A_393, %add3A_396 : vector<16xi32>
        %swap3A_398 = arith.constant 0 : index
        %swap3A_399 = tpu.vector_load %arg45[%swap3A_398] {strides = array<i32>} : memref<112xi32, #tpu.memory_space<vmem>>, vector<16xi32>,
        tpu.vector_store %arg45[%swap3A_398], %add3A_397 {strides = array<i32>} : memref<112xi32, #tpu.memory_space<vmem>>, vector<16xi32>,
        %get3A_400 = arith.constant 16 : index
        %get3A_401 = tpu.vector_load %arg36[%get3A_400] {strides = array<i32>} : memref<112xi32, #tpu.memory_space<vmem>>, vector<16xi32>,
        %mul3A_402 = arith.constant 10240 : i32
        %mul3A_403 = arith.muli %arg0, %mul3A_402 : i32
        %add3A_404 = vector.broadcast %mul3A_403 : i32 to vector<16xi32>
        %add3A_405 = arith.addi %get3A_401, %add3A_404 : vector<16xi32>
        %swap3A_406 = arith.constant 16 : index
        %swap3A_407 = tpu.vector_load %arg45[%swap3A_406] {strides = array<i32>} : memref<112xi32, #tpu.memory_space<vmem>>, vector<16xi32>,
        tpu.vector_store %arg45[%swap3A_406], %add3A_405 {strides = array<i32>} : memref<112xi32, #tpu.memory_space<vmem>>, vector<16xi32>,
        %get3A_408 = arith.constant 32 : index
        %get3A_409 = tpu.vector_load %arg36[%get3A_408] {strides = array<i32>} : memref<112xi32, #tpu.memory_space<vmem>>, vector<16xi32>,
        %mul3A_410 = arith.constant 10240 : i32
        %mul3A_411 = arith.muli %arg0, %mul3A_410 : i32
        %add3A_412 = vector.broadcast %mul3A_411 : i32 to vector<16xi32>
        %add3A_413 = arith.addi %get3A_409, %add3A_412 : vector<16xi32>
        %swap3A_414 = arith.constant 32 : index
        %swap3A_415 = tpu.vector_load %arg45[%swap3A_414] {strides = array<i32>} : memref<112xi32, #tpu.memory_space<vmem>>, vector<16xi32>,
        tpu.vector_store %arg45[%swap3A_414], %add3A_413 {strides = array<i32>} : memref<112xi32, #tpu.memory_space<vmem>>, vector<16xi32>,
        %get3A_416 = arith.constant 48 : index
        %get3A_417 = tpu.vector_load %arg36[%get3A_416] {strides = array<i32>} : memref<112xi32, #tpu.memory_space<vmem>>, vector<16xi32>,
        %mul3A_418 = arith.constant 10240 : i32
        %mul3A_419 = arith.muli %arg0, %mul3A_418 : i32
        %add3A_420 = vector.broadcast %mul3A_419 : i32 to vector<16xi32>
        %add3A_421 = arith.addi %get3A_417, %add3A_420 : vector<16xi32>
        %swap3A_422 = arith.constant 48 : index
        %swap3A_423 = tpu.vector_load %arg45[%swap3A_422] {strides = array<i32>} : memref<112xi32, #tpu.memory_space<vmem>>, vector<16xi32>,
        tpu.vector_store %arg45[%swap3A_422], %add3A_421 {strides = array<i32>} : memref<112xi32, #tpu.memory_space<vmem>>, vector<16xi32>,
        %get3A_424 = arith.constant 64 : index
        %get3A_425 = tpu.vector_load %arg36[%get3A_424] {strides = array<i32>} : memref<112xi32, #tpu.memory_space<vmem>>, vector<16xi32>,
        %mul3A_426 = arith.constant 10240 : i32
        %mul3A_427 = arith.muli %arg0, %mul3A_426 : i32
        %add3A_428 = vector.broadcast %mul3A_427 : i32 to vector<16xi32>
        %add3A_429 = arith.addi %get3A_425, %add3A_428 : vector<16xi32>
        %swap3A_430 = arith.constant 64 : index
        %swap3A_431 = tpu.vector_load %arg45[%swap3A_430] {strides = array<i32>} : memref<112xi32, #tpu.memory_space<vmem>>, vector<16xi32>,
        tpu.vector_store %arg45[%swap3A_430], %add3A_429 {strides = array<i32>} : memref<112xi32, #tpu.memory_space<vmem>>, vector<16xi32>,
        %get3A_432 = arith.constant 80 : index
        %get3A_433 = tpu.vector_load %arg36[%get3A_432] {strides = array<i32>} : memref<112xi32, #tpu.memory_space<vmem>>, vector<16xi32>,
        %mul3A_434 = arith.constant 10240 : i32
        %mul3A_435 = arith.muli %arg0, %mul3A_434 : i32
        %add3A_436 = vector.broadcast %mul3A_435 : i32 to vector<16xi32>
        %add3A_437 = arith.addi %get3A_433, %add3A_436 : vector<16xi32>
        %swap3A_438 = arith.constant 80 : index
        %swap3A_439 = tpu.vector_load %arg45[%swap3A_438] {strides = array<i32>} : memref<112xi32, #tpu.memory_space<vmem>>, vector<16xi32>,
        tpu.vector_store %arg45[%swap3A_438], %add3A_437 {strides = array<i32>} : memref<112xi32, #tpu.memory_space<vmem>>, vector<16xi32>,
        %get3A_440 = arith.constant 96 : index
        %get3A_441 = tpu.vector_load %arg36[%get3A_440] {strides = array<i32>} : memref<112xi32, #tpu.memory_space<vmem>>, vector<16xi32>,
        %mul3A_442 = arith.constant 10240 : i32
        %mul3A_443 = arith.muli %arg0, %mul3A_442 : i32
        %add3A_444 = vector.broadcast %mul3A_443 : i32 to vector<16xi32>
        %add3A_445 = arith.addi %get3A_441, %add3A_444 : vector<16xi32>
        %swap3A_446 = arith.constant 96 : index
        %swap3A_447 = tpu.vector_load %arg45[%swap3A_446] {strides = array<i32>} : memref<112xi32, #tpu.memory_space<vmem>>, vector<16xi32>,
        tpu.vector_store %arg45[%swap3A_446], %add3A_445 {strides = array<i32>} : memref<112xi32, #tpu.memory_space<vmem>>, vector<16xi32>,
        %dma_start3A_448 = arith.constant 0 : i32
        %dma_start3A_449 = arith.constant 0 : i32
        %dma_start3A_450 = tpu.memref_slice %arg6[%dma_start3A_448, %dma_start3A_449] : memref<20480x128xf32, #tpu.memory_space<hbm>> -> memref<20480x128xf32, #tpu.memory_space<hbm>>
        tpu.enqueue_indirect_dma source(%dma_start3A_450 : memref<20480x128xf32, #tpu.memory_space<hbm>>) target(%arg41 : memref<112x128xf32, #tpu.memory_space<vmem>>) offsets(%arg45 : memref<112xi32, #tpu.memory_space<vmem>>) semaphore(%arg43 : memref<!tpu.dma_semaphore, #tpu.memory_space<semaphore_mem>>)
        %dma_start3A_451 = arith.constant 0 : i32
        %dma_start3A_452 = tpu.memref_slice %arg4[%dma_start3A_451] : memref<10240xf32, #tpu.memory_space<hbm>> -> memref<10240xf32, #tpu.memory_space<hbm>>
        tpu.enqueue_indirect_dma source(%dma_start3A_452 : memref<10240xf32, #tpu.memory_space<hbm>>) target(%arg38 : memref<112xf32, #tpu.memory_space<vmem>>) offsets(%arg36 : memref<112xi32, #tpu.memory_space<vmem>>) semaphore(%arg43 : memref<!tpu.dma_semaphore, #tpu.memory_space<semaphore_mem>>)
        %dma_start3A_453 = arith.constant 0 : i32
        %dma_start3A_454 = tpu.memref_slice %arg5[%dma_start3A_453] : memref<10240xf32, #tpu.memory_space<hbm>> -> memref<10240xf32, #tpu.memory_space<hbm>>
        tpu.enqueue_indirect_dma source(%dma_start3A_454 : memref<10240xf32, #tpu.memory_space<hbm>>) target(%arg39 : memref<112xf32, #tpu.memory_space<vmem>>) offsets(%arg37 : memref<112xi32, #tpu.memory_space<vmem>>) semaphore(%arg43 : memref<!tpu.dma_semaphore, #tpu.memory_space<semaphore_mem>>)
      } else {
      }
      %dma_start3A_283 = arith.constant 0 : i32
      %dma_start3A_284 = tpu.memref_slice %arg13[%dma_start3A_283] : memref<10240xf32, #tpu.memory_space<vmem_shared>> -> memref<10240xf32, #tpu.memory_space<vmem_shared>>
      tpu.enqueue_indirect_dma source(%arg20 : memref<112xf32, #tpu.memory_space<vmem>>) target(%dma_start3A_284 : memref<10240xf32, #tpu.memory_space<vmem_shared>>) offsets(%arg17 : memref<112xi32, #tpu.memory_space<vmem>>) semaphore(%arg24 : memref<!tpu.dma_semaphore, #tpu.memory_space<semaphore_mem>>) {add = true}
      %dma_start3A_285 = arith.constant 0 : i32
      %dma_start3A_286 = tpu.memref_slice %arg14[%dma_start3A_285] : memref<10240xf32, #tpu.memory_space<vmem_shared>> -> memref<10240xf32, #tpu.memory_space<vmem_shared>>
      tpu.enqueue_indirect_dma source(%arg15 : memref<112xf32, #tpu.memory_space<vmem>>) target(%dma_start3A_286 : memref<10240xf32, #tpu.memory_space<vmem_shared>>) offsets(%arg17 : memref<112xi32, #tpu.memory_space<vmem>>) semaphore(%arg24 : memref<!tpu.dma_semaphore, #tpu.memory_space<semaphore_mem>>) {add = true}
      "tpu.region"() ({
        %run_scoped3A = tpu.sem_alloc : memref<!tpu.dma_semaphore, #tpu.memory_space<semaphore_mem>>
        %dma_start3A_378 = arith.constant 0 : i32
        %dma_start3A_379 = arith.constant 0 : i32
        %dma_start3A_380 = tpu.memref_slice %arg12[%dma_start3A_378, %dma_start3A_379] : memref<10240x128xf32, #tpu.memory_space<vmem_shared>> -> memref<10240x128xf32, #tpu.memory_space<vmem_shared>>
        tpu.enqueue_indirect_dma source(%arg21 : memref<112x128xf32, #tpu.memory_space<vmem>>) target(%dma_start3A_380 : memref<10240x128xf32, #tpu.memory_space<vmem_shared>>) offsets(%arg17 : memref<112xi32, #tpu.memory_space<vmem>>) semaphore(%run_scoped3A : memref<!tpu.dma_semaphore, #tpu.memory_space<semaphore_mem>>) {add = true}
        %dma_wait3A_381 = arith.constant 0 : i32
        %dma_wait3A_382 = arith.constant 0 : i32
        %dma_wait3A_383 = tpu.memref_slice %arg12[%dma_wait3A_381, %dma_wait3A_382] : memref<10240x128xf32, #tpu.memory_space<vmem_shared>> -> memref<10240x128xf32, #tpu.memory_space<vmem_shared>>
        tpu.wait_indirect_dma semaphore(%run_scoped3A : memref<!tpu.dma_semaphore, #tpu.memory_space<semaphore_mem>>) src(%arg21 : memref<112x128xf32, #tpu.memory_space<vmem>>) dst(%dma_wait3A_383 : memref<10240x128xf32, #tpu.memory_space<vmem_shared>>)
        tpu.yield
      }) : () -> ()
      %add3A_287 = arith.constant 3 : i32
      %add3A_288 = arith.addi %add3A_255, %add3A_287 : i32
      %lt3A_289 = arith.constant 96 : i32
      %lt3A_290 = arith.cmpi slt, %add3A_288, %lt3A_289 : i32
      %convert_element_type3A_291 = arith.extui %lt3A_290 : i1 to i32
      %cond3A_292 = arith.constant 0 : i32
      %cond3A_293 = arith.cmpi ne, %convert_element_type3A_291, %cond3A_292 : i32
      scf.if %cond3A_293 {
        %add3A_378 = arith.constant 3 : i32
        %add3A_379 = arith.addi %add3A_255, %add3A_378 : i32
        %dma_start3A_380 = arith.constant 0 : i32
        %dma_start3A_381 = tpu.memref_slice %arg2[%arg1, %add3A_379, %dma_start3A_380] : memref<16x96x112xi32, #tpu.memory_space<hbm>> -> memref<1x1x112xi32, #tpu.memory_space<hbm>>
        %dma_start3A_382 = tpu.memref_squeeze %dma_start3A_381 : memref<1x1x112xi32, #tpu.memory_space<hbm>> -> memref<112xi32, #tpu.memory_space<hbm>>
        %dma_start3A_383 = arith.constant 0 : i32
        %dma_start3A_384 = tpu.memref_slice %arg2[%arg1, %add3A_379, %dma_start3A_383] : memref<16x96x112xi32, #tpu.memory_space<hbm>> -> memref<1x1x112xi32, #tpu.memory_space<hbm>>
        %dma_start3A_385 = tpu.memref_squeeze %dma_start3A_384 : memref<1x1x112xi32, #tpu.memory_space<hbm>> -> memref<112xi32, #tpu.memory_space<hbm>>
        tpu.enqueue_dma source(%dma_start3A_385 : memref<112xi32, #tpu.memory_space<hbm>>) target(%arg16 : memref<112xi32, #tpu.memory_space<vmem>>) target_semaphore(%arg22 : memref<!tpu.dma_semaphore, #tpu.memory_space<semaphore_mem>>)
        %dma_start3A_386 = arith.constant 0 : i32
        %dma_start3A_387 = tpu.memref_slice %arg3[%arg1, %add3A_379, %dma_start3A_386] : memref<16x96x112xi32, #tpu.memory_space<hbm>> -> memref<1x1x112xi32, #tpu.memory_space<hbm>>
        %dma_start3A_388 = tpu.memref_squeeze %dma_start3A_387 : memref<1x1x112xi32, #tpu.memory_space<hbm>> -> memref<112xi32, #tpu.memory_space<hbm>>
        %dma_start3A_389 = arith.constant 0 : i32
        %dma_start3A_390 = tpu.memref_slice %arg3[%arg1, %add3A_379, %dma_start3A_389] : memref<16x96x112xi32, #tpu.memory_space<hbm>> -> memref<1x1x112xi32, #tpu.memory_space<hbm>>
        %dma_start3A_391 = tpu.memref_squeeze %dma_start3A_390 : memref<1x1x112xi32, #tpu.memory_space<hbm>> -> memref<112xi32, #tpu.memory_space<hbm>>
        tpu.enqueue_dma source(%dma_start3A_391 : memref<112xi32, #tpu.memory_space<hbm>>) target(%arg17 : memref<112xi32, #tpu.memory_space<vmem>>) target_semaphore(%arg22 : memref<!tpu.dma_semaphore, #tpu.memory_space<semaphore_mem>>)
      } else {
      }
      %add3A_294 = arith.constant 1 : i32
      %add3A_295 = arith.addi %add3A_253, %add3A_294 : i32
      %dma_wait3A_296 = arith.constant 0 : i32
      %dma_wait3A_297 = arith.constant 0 : i32
      %dma_wait3A_298 = tpu.memref_slice %arg6[%dma_wait3A_296, %dma_wait3A_297] : memref<20480x128xf32, #tpu.memory_space<hbm>> -> memref<20480x128xf32, #tpu.memory_space<hbm>>
      tpu.wait_indirect_dma semaphore(%arg33 : memref<!tpu.dma_semaphore, #tpu.memory_space<semaphore_mem>>) src(%dma_wait3A_298 : memref<20480x128xf32, #tpu.memory_space<hbm>>) dst(%arg31 : memref<112x128xf32, #tpu.memory_space<vmem>>)
      %dma_wait3A_299 = arith.constant 0 : i32
      %dma_wait3A_300 = tpu.memref_slice %arg4[%dma_wait3A_299] : memref<10240xf32, #tpu.memory_space<hbm>> -> memref<10240xf32, #tpu.memory_space<hbm>>
      tpu.wait_indirect_dma semaphore(%arg33 : memref<!tpu.dma_semaphore, #tpu.memory_space<semaphore_mem>>) src(%dma_wait3A_300 : memref<10240xf32, #tpu.memory_space<hbm>>) dst(%arg28 : memref<112xf32, #tpu.memory_space<vmem>>)
      %dma_wait3A_301 = arith.constant 0 : i32
      %dma_wait3A_302 = tpu.memref_slice %arg5[%dma_wait3A_301] : memref<10240xf32, #tpu.memory_space<hbm>> -> memref<10240xf32, #tpu.memory_space<hbm>>
      tpu.wait_indirect_dma semaphore(%arg33 : memref<!tpu.dma_semaphore, #tpu.memory_space<semaphore_mem>>) src(%dma_wait3A_302 : memref<10240xf32, #tpu.memory_space<hbm>>) dst(%arg29 : memref<112xf32, #tpu.memory_space<vmem>>)
      %ge3A_303 = arith.constant 3 : i32
      %ge3A_304 = arith.cmpi sge, %add3A_295, %ge3A_303 : i32
      %convert_element_type3A_305 = arith.extui %ge3A_304 : i1 to i32
      %cond3A_306 = arith.constant 0 : i32
      %cond3A_307 = arith.cmpi ne, %convert_element_type3A_305, %cond3A_306 : i32
      scf.if %cond3A_307 {
        %dma_wait3A_378 = arith.constant 0 : i32
        %dma_wait3A_379 = tpu.memref_slice %arg13[%dma_wait3A_378] : memref<10240xf32, #tpu.memory_space<vmem_shared>> -> memref<10240xf32, #tpu.memory_space<vmem_shared>>
        tpu.wait_indirect_dma semaphore(%arg34 : memref<!tpu.dma_semaphore, #tpu.memory_space<semaphore_mem>>) src(%arg30 : memref<112xf32, #tpu.memory_space<vmem>>) dst(%dma_wait3A_379 : memref<10240xf32, #tpu.memory_space<vmem_shared>>)
        %dma_wait3A_380 = arith.constant 0 : i32
        %dma_wait3A_381 = tpu.memref_slice %arg14[%dma_wait3A_380] : memref<10240xf32, #tpu.memory_space<vmem_shared>> -> memref<10240xf32, #tpu.memory_space<vmem_shared>>
        tpu.wait_indirect_dma semaphore(%arg34 : memref<!tpu.dma_semaphore, #tpu.memory_space<semaphore_mem>>) src(%arg15 : memref<112xf32, #tpu.memory_space<vmem>>) dst(%dma_wait3A_381 : memref<10240xf32, #tpu.memory_space<vmem_shared>>)
      } else {
      }
      %scan3A_308 = arith.constant 0 : i32
      %scan3A_309 = arith.constant 7 : i32
      %scan3A_310 = arith.addi %scan3A_308, %scan3A_309 : i32
      %scan3A_311 = arith.constant 1 : i32
      scf.for %scan3A_378 = %scan3A_308 to %scan3A_310 step %scan3A_311  : i32 {
        %mul3A_379 = arith.constant 1 : i32
        %mul3A_380 = arith.muli %scan3A_378, %mul3A_379 : i32
        %add3A_381 = arith.constant 0 : i32
        %add3A_382 = arith.addi %add3A_381, %mul3A_380 : i32
        %mul3A_383 = arith.constant 16 : i32
        %mul3A_384 = arith.muli %add3A_382, %mul3A_383 : i32
        %get3A_385 = arith.index_cast %mul3A_384 : i32 to index
        %get3A_386 = tpu.vector_load %arg28[%get3A_385] {strides = array<i32>} : memref<112xf32, #tpu.memory_space<vmem>>, vector<16xf32>,
        %get3A_387 = arith.index_cast %mul3A_384 : i32 to index
        %get3A_388 = tpu.vector_load %arg29[%get3A_387] {strides = array<i32>} : memref<112xf32, #tpu.memory_space<vmem>>, vector<16xf32>,
        %add3A_389 = arith.addf %get3A_386, %get3A_388 : vector<16xf32>
        %lt3A_390 = arith.constant 0.000000e+00 : f32
        %lt3A_391 = vector.broadcast %lt3A_390 : f32 to vector<16xf32>
        %lt3A_392 = arith.cmpf olt, %add3A_389, %lt3A_391 : vector<16xf32>
        %mul3A_393 = arith.constant 2.000000e-01 : f32
        %mul3A_394 = vector.broadcast %mul3A_393 : f32 to vector<16xf32>
        %mul3A_395 = arith.mulf %add3A_389, %mul3A_394 : vector<16xf32>
        %select_n3A = arith.select %lt3A_392, %mul3A_395, %add3A_389 : vector<16xi1>, vector<16xf32>
        %exp3A = math.exp %select_n3A : vector<16xf32>
        %swap3A_396 = arith.index_cast %mul3A_384 : i32 to index
        %swap3A_397 = tpu.vector_load %arg30[%swap3A_396] {strides = array<i32>} : memref<112xf32, #tpu.memory_space<vmem>>, vector<16xf32>,
        tpu.vector_store %arg30[%swap3A_396], %exp3A {strides = array<i32>} : memref<112xf32, #tpu.memory_space<vmem>>, vector<16xf32>,
      }
      %scan3A_312 = arith.constant 7 : i32
      %scan3A_313 = arith.constant 0 : i32
      %scan3A_314 = arith.constant 112 : i32
      %scan3A_315 = arith.addi %scan3A_313, %scan3A_314 : i32
      %scan3A_316 = arith.constant 1 : i32
      scf.for %scan3A_378 = %scan3A_313 to %scan3A_315 step %scan3A_316  : i32 {
        %mul3A_379 = arith.constant 1 : i32
        %mul3A_380 = arith.muli %scan3A_378, %mul3A_379 : i32
        %add3A_381 = arith.constant 0 : i32
        %add3A_382 = arith.addi %add3A_381, %mul3A_380 : i32
        %broadcast_in_dim3A_383 = vector.broadcast %add3A_382 : i32 to vector<16xi32>
        %gather3A = tpu.vector_load_idx %arg30[%broadcast_in_dim3A_383] : memref<112xf32, #tpu.memory_space<vmem>>[vector<16xi32>], vector<16xf32>,
        %get3A_384 = arith.index_cast %add3A_382 : i32 to index
        %get3A_385 = arith.constant 0 : index
        %get3A_386 = tpu.vector_load %arg31[%get3A_384, %get3A_385] {strides = array<i32>} : memref<112x128xf32, #tpu.memory_space<vmem>>, vector<16xf32>,
        %mul3A_387 = arith.mulf %get3A_386, %gather3A : vector<16xf32>
        %swap3A_388 = arith.index_cast %add3A_382 : i32 to index
        %swap3A_389 = arith.constant 0 : index
        %swap3A_390 = tpu.vector_load %arg31[%swap3A_388, %swap3A_389] {strides = array<i32>} : memref<112x128xf32, #tpu.memory_space<vmem>>, vector<16xf32>,
        tpu.vector_store %arg31[%swap3A_388, %swap3A_389], %mul3A_387 {strides = array<i32>} : memref<112x128xf32, #tpu.memory_space<vmem>>, vector<16xf32>,
        %get3A_391 = arith.index_cast %add3A_382 : i32 to index
        %get3A_392 = arith.constant 16 : index
        %get3A_393 = tpu.vector_load %arg31[%get3A_391, %get3A_392] {strides = array<i32>} : memref<112x128xf32, #tpu.memory_space<vmem>>, vector<16xf32>,
        %mul3A_394 = arith.mulf %get3A_393, %gather3A : vector<16xf32>
        %swap3A_395 = arith.index_cast %add3A_382 : i32 to index
        %swap3A_396 = arith.constant 16 : index
        %swap3A_397 = tpu.vector_load %arg31[%swap3A_395, %swap3A_396] {strides = array<i32>} : memref<112x128xf32, #tpu.memory_space<vmem>>, vector<16xf32>,
        tpu.vector_store %arg31[%swap3A_395, %swap3A_396], %mul3A_394 {strides = array<i32>} : memref<112x128xf32, #tpu.memory_space<vmem>>, vector<16xf32>,
        %get3A_398 = arith.index_cast %add3A_382 : i32 to index
        %get3A_399 = arith.constant 32 : index
        %get3A_400 = tpu.vector_load %arg31[%get3A_398, %get3A_399] {strides = array<i32>} : memref<112x128xf32, #tpu.memory_space<vmem>>, vector<16xf32>,
        %mul3A_401 = arith.mulf %get3A_400, %gather3A : vector<16xf32>
        %swap3A_402 = arith.index_cast %add3A_382 : i32 to index
        %swap3A_403 = arith.constant 32 : index
        %swap3A_404 = tpu.vector_load %arg31[%swap3A_402, %swap3A_403] {strides = array<i32>} : memref<112x128xf32, #tpu.memory_space<vmem>>, vector<16xf32>,
        tpu.vector_store %arg31[%swap3A_402, %swap3A_403], %mul3A_401 {strides = array<i32>} : memref<112x128xf32, #tpu.memory_space<vmem>>, vector<16xf32>,
        %get3A_405 = arith.index_cast %add3A_382 : i32 to index
        %get3A_406 = arith.constant 48 : index
        %get3A_407 = tpu.vector_load %arg31[%get3A_405, %get3A_406] {strides = array<i32>} : memref<112x128xf32, #tpu.memory_space<vmem>>, vector<16xf32>,
        %mul3A_408 = arith.mulf %get3A_407, %gather3A : vector<16xf32>
        %swap3A_409 = arith.index_cast %add3A_382 : i32 to index
        %swap3A_410 = arith.constant 48 : index
        %swap3A_411 = tpu.vector_load %arg31[%swap3A_409, %swap3A_410] {strides = array<i32>} : memref<112x128xf32, #tpu.memory_space<vmem>>, vector<16xf32>,
        tpu.vector_store %arg31[%swap3A_409, %swap3A_410], %mul3A_408 {strides = array<i32>} : memref<112x128xf32, #tpu.memory_space<vmem>>, vector<16xf32>,
        %get3A_412 = arith.index_cast %add3A_382 : i32 to index
        %get3A_413 = arith.constant 64 : index
        %get3A_414 = tpu.vector_load %arg31[%get3A_412, %get3A_413] {strides = array<i32>} : memref<112x128xf32, #tpu.memory_space<vmem>>, vector<16xf32>,
        %mul3A_415 = arith.mulf %get3A_414, %gather3A : vector<16xf32>
        %swap3A_416 = arith.index_cast %add3A_382 : i32 to index
        %swap3A_417 = arith.constant 64 : index
        %swap3A_418 = tpu.vector_load %arg31[%swap3A_416, %swap3A_417] {strides = array<i32>} : memref<112x128xf32, #tpu.memory_space<vmem>>, vector<16xf32>,
        tpu.vector_store %arg31[%swap3A_416, %swap3A_417], %mul3A_415 {strides = array<i32>} : memref<112x128xf32, #tpu.memory_space<vmem>>, vector<16xf32>,
        %get3A_419 = arith.index_cast %add3A_382 : i32 to index
        %get3A_420 = arith.constant 80 : index
        %get3A_421 = tpu.vector_load %arg31[%get3A_419, %get3A_420] {strides = array<i32>} : memref<112x128xf32, #tpu.memory_space<vmem>>, vector<16xf32>,
        %mul3A_422 = arith.mulf %get3A_421, %gather3A : vector<16xf32>
        %swap3A_423 = arith.index_cast %add3A_382 : i32 to index
        %swap3A_424 = arith.constant 80 : index
        %swap3A_425 = tpu.vector_load %arg31[%swap3A_423, %swap3A_424] {strides = array<i32>} : memref<112x128xf32, #tpu.memory_space<vmem>>, vector<16xf32>,
        tpu.vector_store %arg31[%swap3A_423, %swap3A_424], %mul3A_422 {strides = array<i32>} : memref<112x128xf32, #tpu.memory_space<vmem>>, vector<16xf32>,
        %get3A_426 = arith.index_cast %add3A_382 : i32 to index
        %get3A_427 = arith.constant 96 : index
        %get3A_428 = tpu.vector_load %arg31[%get3A_426, %get3A_427] {strides = array<i32>} : memref<112x128xf32, #tpu.memory_space<vmem>>, vector<16xf32>,
        %mul3A_429 = arith.mulf %get3A_428, %gather3A : vector<16xf32>
        %swap3A_430 = arith.index_cast %add3A_382 : i32 to index
        %swap3A_431 = arith.constant 96 : index
        %swap3A_432 = tpu.vector_load %arg31[%swap3A_430, %swap3A_431] {strides = array<i32>} : memref<112x128xf32, #tpu.memory_space<vmem>>, vector<16xf32>,
        tpu.vector_store %arg31[%swap3A_430, %swap3A_431], %mul3A_429 {strides = array<i32>} : memref<112x128xf32, #tpu.memory_space<vmem>>, vector<16xf32>,
        %get3A_433 = arith.index_cast %add3A_382 : i32 to index
        %get3A_434 = arith.constant 112 : index
        %get3A_435 = tpu.vector_load %arg31[%get3A_433, %get3A_434] {strides = array<i32>} : memref<112x128xf32, #tpu.memory_space<vmem>>, vector<16xf32>,
        %mul3A_436 = arith.mulf %get3A_435, %gather3A : vector<16xf32>
        %swap3A_437 = arith.index_cast %add3A_382 : i32 to index
        %swap3A_438 = arith.constant 112 : index
        %swap3A_439 = tpu.vector_load %arg31[%swap3A_437, %swap3A_438] {strides = array<i32>} : memref<112x128xf32, #tpu.memory_space<vmem>>, vector<16xf32>,
        tpu.vector_store %arg31[%swap3A_437, %swap3A_438], %mul3A_436 {strides = array<i32>} : memref<112x128xf32, #tpu.memory_space<vmem>>, vector<16xf32>,
      }
      %scan3A_317 = arith.constant 112 : i32
      %add3A_318 = arith.constant 2 : i32
      %add3A_319 = arith.addi %add3A_295, %add3A_318 : i32
      %lt3A_320 = arith.constant 96 : i32
      %lt3A_321 = arith.cmpi slt, %add3A_319, %lt3A_320 : i32
      %convert_element_type3A_322 = arith.extui %lt3A_321 : i1 to i32
      %cond3A_323 = arith.constant 0 : i32
      %cond3A_324 = arith.cmpi ne, %convert_element_type3A_322, %cond3A_323 : i32
      scf.if %cond3A_324 {
        %dma_wait3A_378 = arith.constant 0 : i32
        %dma_wait3A_379 = arith.constant 0 : i32
        %dma_wait3A_380 = tpu.memref_slice %arg2[%arg1, %dma_wait3A_378, %dma_wait3A_379] : memref<16x96x112xi32, #tpu.memory_space<hbm>> -> memref<1x1x112xi32, #tpu.memory_space<hbm>>
        %dma_wait3A_381 = tpu.memref_squeeze %dma_wait3A_380 : memref<1x1x112xi32, #tpu.memory_space<hbm>> -> memref<112xi32, #tpu.memory_space<hbm>>
        %dma_wait3A_382 = arith.constant 0 : i32
        %dma_wait3A_383 = tpu.memref_slice %arg2[%arg1, %dma_wait3A_378, %dma_wait3A_382] : memref<16x96x112xi32, #tpu.memory_space<hbm>> -> memref<1x1x112xi32, #tpu.memory_space<hbm>>
        %dma_wait3A_384 = tpu.memref_squeeze %dma_wait3A_383 : memref<1x1x112xi32, #tpu.memory_space<hbm>> -> memref<112xi32, #tpu.memory_space<hbm>>
        tpu.wait_dma2 semaphore(%arg22 : memref<!tpu.dma_semaphore, #tpu.memory_space<semaphore_mem>>) src(%dma_wait3A_384 : memref<112xi32, #tpu.memory_space<hbm>>) dst(%arg16 : memref<112xi32, #tpu.memory_space<vmem>>)
        %dma_wait3A_385 = arith.constant 0 : i32
        %dma_wait3A_386 = arith.constant 0 : i32
        %dma_wait3A_387 = tpu.memref_slice %arg3[%arg1, %dma_wait3A_385, %dma_wait3A_386] : memref<16x96x112xi32, #tpu.memory_space<hbm>> -> memref<1x1x112xi32, #tpu.memory_space<hbm>>
        %dma_wait3A_388 = tpu.memref_squeeze %dma_wait3A_387 : memref<1x1x112xi32, #tpu.memory_space<hbm>> -> memref<112xi32, #tpu.memory_space<hbm>>
        %dma_wait3A_389 = arith.constant 0 : i32
        %dma_wait3A_390 = tpu.memref_slice %arg3[%arg1, %dma_wait3A_385, %dma_wait3A_389] : memref<16x96x112xi32, #tpu.memory_space<hbm>> -> memref<1x1x112xi32, #tpu.memory_space<hbm>>
        %dma_wait3A_391 = tpu.memref_squeeze %dma_wait3A_390 : memref<1x1x112xi32, #tpu.memory_space<hbm>> -> memref<112xi32, #tpu.memory_space<hbm>>
        tpu.wait_dma2 semaphore(%arg22 : memref<!tpu.dma_semaphore, #tpu.memory_space<semaphore_mem>>) src(%dma_wait3A_391 : memref<112xi32, #tpu.memory_space<hbm>>) dst(%arg17 : memref<112xi32, #tpu.memory_space<vmem>>)
        %get3A_392 = arith.constant 0 : index
        %get3A_393 = tpu.vector_load %arg16[%get3A_392] {strides = array<i32>} : memref<112xi32, #tpu.memory_space<vmem>>, vector<16xi32>,
        %mul3A_394 = arith.constant 10240 : i32
        %mul3A_395 = arith.muli %arg0, %mul3A_394 : i32
        %add3A_396 = vector.broadcast %mul3A_395 : i32 to vector<16xi32>
        %add3A_397 = arith.addi %get3A_393, %add3A_396 : vector<16xi32>
        %swap3A_398 = arith.constant 0 : index
        %swap3A_399 = tpu.vector_load %arg25[%swap3A_398] {strides = array<i32>} : memref<112xi32, #tpu.memory_space<vmem>>, vector<16xi32>,
        tpu.vector_store %arg25[%swap3A_398], %add3A_397 {strides = array<i32>} : memref<112xi32, #tpu.memory_space<vmem>>, vector<16xi32>,
        %get3A_400 = arith.constant 16 : index
        %get3A_401 = tpu.vector_load %arg16[%get3A_400] {strides = array<i32>} : memref<112xi32, #tpu.memory_space<vmem>>, vector<16xi32>,
        %mul3A_402 = arith.constant 10240 : i32
        %mul3A_403 = arith.muli %arg0, %mul3A_402 : i32
        %add3A_404 = vector.broadcast %mul3A_403 : i32 to vector<16xi32>
        %add3A_405 = arith.addi %get3A_401, %add3A_404 : vector<16xi32>
        %swap3A_406 = arith.constant 16 : index
        %swap3A_407 = tpu.vector_load %arg25[%swap3A_406] {strides = array<i32>} : memref<112xi32, #tpu.memory_space<vmem>>, vector<16xi32>,
        tpu.vector_store %arg25[%swap3A_406], %add3A_405 {strides = array<i32>} : memref<112xi32, #tpu.memory_space<vmem>>, vector<16xi32>,
        %get3A_408 = arith.constant 32 : index
        %get3A_409 = tpu.vector_load %arg16[%get3A_408] {strides = array<i32>} : memref<112xi32, #tpu.memory_space<vmem>>, vector<16xi32>,
        %mul3A_410 = arith.constant 10240 : i32
        %mul3A_411 = arith.muli %arg0, %mul3A_410 : i32
        %add3A_412 = vector.broadcast %mul3A_411 : i32 to vector<16xi32>
        %add3A_413 = arith.addi %get3A_409, %add3A_412 : vector<16xi32>
        %swap3A_414 = arith.constant 32 : index
        %swap3A_415 = tpu.vector_load %arg25[%swap3A_414] {strides = array<i32>} : memref<112xi32, #tpu.memory_space<vmem>>, vector<16xi32>,
        tpu.vector_store %arg25[%swap3A_414], %add3A_413 {strides = array<i32>} : memref<112xi32, #tpu.memory_space<vmem>>, vector<16xi32>,
        %get3A_416 = arith.constant 48 : index
        %get3A_417 = tpu.vector_load %arg16[%get3A_416] {strides = array<i32>} : memref<112xi32, #tpu.memory_space<vmem>>, vector<16xi32>,
        %mul3A_418 = arith.constant 10240 : i32
        %mul3A_419 = arith.muli %arg0, %mul3A_418 : i32
        %add3A_420 = vector.broadcast %mul3A_419 : i32 to vector<16xi32>
        %add3A_421 = arith.addi %get3A_417, %add3A_420 : vector<16xi32>
        %swap3A_422 = arith.constant 48 : index
        %swap3A_423 = tpu.vector_load %arg25[%swap3A_422] {strides = array<i32>} : memref<112xi32, #tpu.memory_space<vmem>>, vector<16xi32>,
        tpu.vector_store %arg25[%swap3A_422], %add3A_421 {strides = array<i32>} : memref<112xi32, #tpu.memory_space<vmem>>, vector<16xi32>,
        %get3A_424 = arith.constant 64 : index
        %get3A_425 = tpu.vector_load %arg16[%get3A_424] {strides = array<i32>} : memref<112xi32, #tpu.memory_space<vmem>>, vector<16xi32>,
        %mul3A_426 = arith.constant 10240 : i32
        %mul3A_427 = arith.muli %arg0, %mul3A_426 : i32
        %add3A_428 = vector.broadcast %mul3A_427 : i32 to vector<16xi32>
        %add3A_429 = arith.addi %get3A_425, %add3A_428 : vector<16xi32>
        %swap3A_430 = arith.constant 64 : index
        %swap3A_431 = tpu.vector_load %arg25[%swap3A_430] {strides = array<i32>} : memref<112xi32, #tpu.memory_space<vmem>>, vector<16xi32>,
        tpu.vector_store %arg25[%swap3A_430], %add3A_429 {strides = array<i32>} : memref<112xi32, #tpu.memory_space<vmem>>, vector<16xi32>,
        %get3A_432 = arith.constant 80 : index
        %get3A_433 = tpu.vector_load %arg16[%get3A_432] {strides = array<i32>} : memref<112xi32, #tpu.memory_space<vmem>>, vector<16xi32>,
        %mul3A_434 = arith.constant 10240 : i32
        %mul3A_435 = arith.muli %arg0, %mul3A_434 : i32
        %add3A_436 = vector.broadcast %mul3A_435 : i32 to vector<16xi32>
        %add3A_437 = arith.addi %get3A_433, %add3A_436 : vector<16xi32>
        %swap3A_438 = arith.constant 80 : index
        %swap3A_439 = tpu.vector_load %arg25[%swap3A_438] {strides = array<i32>} : memref<112xi32, #tpu.memory_space<vmem>>, vector<16xi32>,
        tpu.vector_store %arg25[%swap3A_438], %add3A_437 {strides = array<i32>} : memref<112xi32, #tpu.memory_space<vmem>>, vector<16xi32>,
        %get3A_440 = arith.constant 96 : index
        %get3A_441 = tpu.vector_load %arg16[%get3A_440] {strides = array<i32>} : memref<112xi32, #tpu.memory_space<vmem>>, vector<16xi32>,
        %mul3A_442 = arith.constant 10240 : i32
        %mul3A_443 = arith.muli %arg0, %mul3A_442 : i32
        %add3A_444 = vector.broadcast %mul3A_443 : i32 to vector<16xi32>
        %add3A_445 = arith.addi %get3A_441, %add3A_444 : vector<16xi32>
        %swap3A_446 = arith.constant 96 : index
        %swap3A_447 = tpu.vector_load %arg25[%swap3A_446] {strides = array<i32>} : memref<112xi32, #tpu.memory_space<vmem>>, vector<16xi32>,
        tpu.vector_store %arg25[%swap3A_446], %add3A_445 {strides = array<i32>} : memref<112xi32, #tpu.memory_space<vmem>>, vector<16xi32>,
        %dma_start3A_448 = arith.constant 0 : i32
        %dma_start3A_449 = arith.constant 0 : i32
        %dma_start3A_450 = tpu.memref_slice %arg6[%dma_start3A_448, %dma_start3A_449] : memref<20480x128xf32, #tpu.memory_space<hbm>> -> memref<20480x128xf32, #tpu.memory_space<hbm>>
        tpu.enqueue_indirect_dma source(%dma_start3A_450 : memref<20480x128xf32, #tpu.memory_space<hbm>>) target(%arg21 : memref<112x128xf32, #tpu.memory_space<vmem>>) offsets(%arg25 : memref<112xi32, #tpu.memory_space<vmem>>) semaphore(%arg23 : memref<!tpu.dma_semaphore, #tpu.memory_space<semaphore_mem>>)
        %dma_start3A_451 = arith.constant 0 : i32
        %dma_start3A_452 = tpu.memref_slice %arg4[%dma_start3A_451] : memref<10240xf32, #tpu.memory_space<hbm>> -> memref<10240xf32, #tpu.memory_space<hbm>>
        tpu.enqueue_indirect_dma source(%dma_start3A_452 : memref<10240xf32, #tpu.memory_space<hbm>>) target(%arg18 : memref<112xf32, #tpu.memory_space<vmem>>) offsets(%arg16 : memref<112xi32, #tpu.memory_space<vmem>>) semaphore(%arg23 : memref<!tpu.dma_semaphore, #tpu.memory_space<semaphore_mem>>)
        %dma_start3A_453 = arith.constant 0 : i32
        %dma_start3A_454 = tpu.memref_slice %arg5[%dma_start3A_453] : memref<10240xf32, #tpu.memory_space<hbm>> -> memref<10240xf32, #tpu.memory_space<hbm>>
        tpu.enqueue_indirect_dma source(%dma_start3A_454 : memref<10240xf32, #tpu.memory_space<hbm>>) target(%arg19 : memref<112xf32, #tpu.memory_space<vmem>>) offsets(%arg17 : memref<112xi32, #tpu.memory_space<vmem>>) semaphore(%arg23 : memref<!tpu.dma_semaphore, #tpu.memory_space<semaphore_mem>>)
      } else {
      }
      %dma_start3A_325 = arith.constant 0 : i32
      %dma_start3A_326 = tpu.memref_slice %arg13[%dma_start3A_325] : memref<10240xf32, #tpu.memory_space<vmem_shared>> -> memref<10240xf32, #tpu.memory_space<vmem_shared>>
      tpu.enqueue_indirect_dma source(%arg30 : memref<112xf32, #tpu.memory_space<vmem>>) target(%dma_start3A_326 : memref<10240xf32, #tpu.memory_space<vmem_shared>>) offsets(%arg27 : memref<112xi32, #tpu.memory_space<vmem>>) semaphore(%arg34 : memref<!tpu.dma_semaphore, #tpu.memory_space<semaphore_mem>>) {add = true}
      %dma_start3A_327 = arith.constant 0 : i32
      %dma_start3A_328 = tpu.memref_slice %arg14[%dma_start3A_327] : memref<10240xf32, #tpu.memory_space<vmem_shared>> -> memref<10240xf32, #tpu.memory_space<vmem_shared>>
      tpu.enqueue_indirect_dma source(%arg15 : memref<112xf32, #tpu.memory_space<vmem>>) target(%dma_start3A_328 : memref<10240xf32, #tpu.memory_space<vmem_shared>>) offsets(%arg27 : memref<112xi32, #tpu.memory_space<vmem>>) semaphore(%arg34 : memref<!tpu.dma_semaphore, #tpu.memory_space<semaphore_mem>>) {add = true}
      "tpu.region"() ({
        %run_scoped3A = tpu.sem_alloc : memref<!tpu.dma_semaphore, #tpu.memory_space<semaphore_mem>>
        %dma_start3A_378 = arith.constant 0 : i32
        %dma_start3A_379 = arith.constant 0 : i32
        %dma_start3A_380 = tpu.memref_slice %arg12[%dma_start3A_378, %dma_start3A_379] : memref<10240x128xf32, #tpu.memory_space<vmem_shared>> -> memref<10240x128xf32, #tpu.memory_space<vmem_shared>>
        tpu.enqueue_indirect_dma source(%arg31 : memref<112x128xf32, #tpu.memory_space<vmem>>) target(%dma_start3A_380 : memref<10240x128xf32, #tpu.memory_space<vmem_shared>>) offsets(%arg27 : memref<112xi32, #tpu.memory_space<vmem>>) semaphore(%run_scoped3A : memref<!tpu.dma_semaphore, #tpu.memory_space<semaphore_mem>>) {add = true}
        %dma_wait3A_381 = arith.constant 0 : i32
        %dma_wait3A_382 = arith.constant 0 : i32
        %dma_wait3A_383 = tpu.memref_slice %arg12[%dma_wait3A_381, %dma_wait3A_382] : memref<10240x128xf32, #tpu.memory_space<vmem_shared>> -> memref<10240x128xf32, #tpu.memory_space<vmem_shared>>
        tpu.wait_indirect_dma semaphore(%run_scoped3A : memref<!tpu.dma_semaphore, #tpu.memory_space<semaphore_mem>>) src(%arg31 : memref<112x128xf32, #tpu.memory_space<vmem>>) dst(%dma_wait3A_383 : memref<10240x128xf32, #tpu.memory_space<vmem_shared>>)
        tpu.yield
      }) : () -> ()
      %add3A_329 = arith.constant 3 : i32
      %add3A_330 = arith.addi %add3A_295, %add3A_329 : i32
      %lt3A_331 = arith.constant 96 : i32
      %lt3A_332 = arith.cmpi slt, %add3A_330, %lt3A_331 : i32
      %convert_element_type3A_333 = arith.extui %lt3A_332 : i1 to i32
      %cond3A_334 = arith.constant 0 : i32
      %cond3A_335 = arith.cmpi ne, %convert_element_type3A_333, %cond3A_334 : i32
      scf.if %cond3A_335 {
        %add3A_378 = arith.constant 3 : i32
        %add3A_379 = arith.addi %add3A_295, %add3A_378 : i32
        %dma_start3A_380 = arith.constant 0 : i32
        %dma_start3A_381 = tpu.memref_slice %arg2[%arg1, %add3A_379, %dma_start3A_380] : memref<16x96x112xi32, #tpu.memory_space<hbm>> -> memref<1x1x112xi32, #tpu.memory_space<hbm>>
        %dma_start3A_382 = tpu.memref_squeeze %dma_start3A_381 : memref<1x1x112xi32, #tpu.memory_space<hbm>> -> memref<112xi32, #tpu.memory_space<hbm>>
        %dma_start3A_383 = arith.constant 0 : i32
        %dma_start3A_384 = tpu.memref_slice %arg2[%arg1, %add3A_379, %dma_start3A_383] : memref<16x96x112xi32, #tpu.memory_space<hbm>> -> memref<1x1x112xi32, #tpu.memory_space<hbm>>
        %dma_start3A_385 = tpu.memref_squeeze %dma_start3A_384 : memref<1x1x112xi32, #tpu.memory_space<hbm>> -> memref<112xi32, #tpu.memory_space<hbm>>
        tpu.enqueue_dma source(%dma_start3A_385 : memref<112xi32, #tpu.memory_space<hbm>>) target(%arg26 : memref<112xi32, #tpu.memory_space<vmem>>) target_semaphore(%arg32 : memref<!tpu.dma_semaphore, #tpu.memory_space<semaphore_mem>>)
        %dma_start3A_386 = arith.constant 0 : i32
        %dma_start3A_387 = tpu.memref_slice %arg3[%arg1, %add3A_379, %dma_start3A_386] : memref<16x96x112xi32, #tpu.memory_space<hbm>> -> memref<1x1x112xi32, #tpu.memory_space<hbm>>
        %dma_start3A_388 = tpu.memref_squeeze %dma_start3A_387 : memref<1x1x112xi32, #tpu.memory_space<hbm>> -> memref<112xi32, #tpu.memory_space<hbm>>
        %dma_start3A_389 = arith.constant 0 : i32
        %dma_start3A_390 = tpu.memref_slice %arg3[%arg1, %add3A_379, %dma_start3A_389] : memref<16x96x112xi32, #tpu.memory_space<hbm>> -> memref<1x1x112xi32, #tpu.memory_space<hbm>>
        %dma_start3A_391 = tpu.memref_squeeze %dma_start3A_390 : memref<1x1x112xi32, #tpu.memory_space<hbm>> -> memref<112xi32, #tpu.memory_space<hbm>>
        tpu.enqueue_dma source(%dma_start3A_391 : memref<112xi32, #tpu.memory_space<hbm>>) target(%arg27 : memref<112xi32, #tpu.memory_space<vmem>>) target_semaphore(%arg32 : memref<!tpu.dma_semaphore, #tpu.memory_space<semaphore_mem>>)
      } else {
      }
      %add3A_336 = arith.constant 2 : i32
      %add3A_337 = arith.addi %add3A_253, %add3A_336 : i32
      %dma_wait3A_338 = arith.constant 0 : i32
      %dma_wait3A_339 = arith.constant 0 : i32
      %dma_wait3A_340 = tpu.memref_slice %arg6[%dma_wait3A_338, %dma_wait3A_339] : memref<20480x128xf32, #tpu.memory_space<hbm>> -> memref<20480x128xf32, #tpu.memory_space<hbm>>
      tpu.wait_indirect_dma semaphore(%arg43 : memref<!tpu.dma_semaphore, #tpu.memory_space<semaphore_mem>>) src(%dma_wait3A_340 : memref<20480x128xf32, #tpu.memory_space<hbm>>) dst(%arg41 : memref<112x128xf32, #tpu.memory_space<vmem>>)
      %dma_wait3A_341 = arith.constant 0 : i32
      %dma_wait3A_342 = tpu.memref_slice %arg4[%dma_wait3A_341] : memref<10240xf32, #tpu.memory_space<hbm>> -> memref<10240xf32, #tpu.memory_space<hbm>>
      tpu.wait_indirect_dma semaphore(%arg43 : memref<!tpu.dma_semaphore, #tpu.memory_space<semaphore_mem>>) src(%dma_wait3A_342 : memref<10240xf32, #tpu.memory_space<hbm>>) dst(%arg38 : memref<112xf32, #tpu.memory_space<vmem>>)
      %dma_wait3A_343 = arith.constant 0 : i32
      %dma_wait3A_344 = tpu.memref_slice %arg5[%dma_wait3A_343] : memref<10240xf32, #tpu.memory_space<hbm>> -> memref<10240xf32, #tpu.memory_space<hbm>>
      tpu.wait_indirect_dma semaphore(%arg43 : memref<!tpu.dma_semaphore, #tpu.memory_space<semaphore_mem>>) src(%dma_wait3A_344 : memref<10240xf32, #tpu.memory_space<hbm>>) dst(%arg39 : memref<112xf32, #tpu.memory_space<vmem>>)
      %ge3A_345 = arith.constant 3 : i32
      %ge3A_346 = arith.cmpi sge, %add3A_337, %ge3A_345 : i32
      %convert_element_type3A_347 = arith.extui %ge3A_346 : i1 to i32
      %cond3A_348 = arith.constant 0 : i32
      %cond3A_349 = arith.cmpi ne, %convert_element_type3A_347, %cond3A_348 : i32
      scf.if %cond3A_349 {
        %dma_wait3A_378 = arith.constant 0 : i32
        %dma_wait3A_379 = tpu.memref_slice %arg13[%dma_wait3A_378] : memref<10240xf32, #tpu.memory_space<vmem_shared>> -> memref<10240xf32, #tpu.memory_space<vmem_shared>>
        tpu.wait_indirect_dma semaphore(%arg44 : memref<!tpu.dma_semaphore, #tpu.memory_space<semaphore_mem>>) src(%arg40 : memref<112xf32, #tpu.memory_space<vmem>>) dst(%dma_wait3A_379 : memref<10240xf32, #tpu.memory_space<vmem_shared>>)
        %dma_wait3A_380 = arith.constant 0 : i32
        %dma_wait3A_381 = tpu.memref_slice %arg14[%dma_wait3A_380] : memref<10240xf32, #tpu.memory_space<vmem_shared>> -> memref<10240xf32, #tpu.memory_space<vmem_shared>>
        tpu.wait_indirect_dma semaphore(%arg44 : memref<!tpu.dma_semaphore, #tpu.memory_space<semaphore_mem>>) src(%arg15 : memref<112xf32, #tpu.memory_space<vmem>>) dst(%dma_wait3A_381 : memref<10240xf32, #tpu.memory_space<vmem_shared>>)
      } else {
      }
      %scan3A_350 = arith.constant 0 : i32
      %scan3A_351 = arith.constant 7 : i32
      %scan3A_352 = arith.addi %scan3A_350, %scan3A_351 : i32
      %scan3A_353 = arith.constant 1 : i32
      scf.for %scan3A_378 = %scan3A_350 to %scan3A_352 step %scan3A_353  : i32 {
        %mul3A_379 = arith.constant 1 : i32
        %mul3A_380 = arith.muli %scan3A_378, %mul3A_379 : i32
        %add3A_381 = arith.constant 0 : i32
        %add3A_382 = arith.addi %add3A_381, %mul3A_380 : i32
        %mul3A_383 = arith.constant 16 : i32
        %mul3A_384 = arith.muli %add3A_382, %mul3A_383 : i32
        %get3A_385 = arith.index_cast %mul3A_384 : i32 to index
        %get3A_386 = tpu.vector_load %arg38[%get3A_385] {strides = array<i32>} : memref<112xf32, #tpu.memory_space<vmem>>, vector<16xf32>,
        %get3A_387 = arith.index_cast %mul3A_384 : i32 to index
        %get3A_388 = tpu.vector_load %arg39[%get3A_387] {strides = array<i32>} : memref<112xf32, #tpu.memory_space<vmem>>, vector<16xf32>,
        %add3A_389 = arith.addf %get3A_386, %get3A_388 : vector<16xf32>
        %lt3A_390 = arith.constant 0.000000e+00 : f32
        %lt3A_391 = vector.broadcast %lt3A_390 : f32 to vector<16xf32>
        %lt3A_392 = arith.cmpf olt, %add3A_389, %lt3A_391 : vector<16xf32>
        %mul3A_393 = arith.constant 2.000000e-01 : f32
        %mul3A_394 = vector.broadcast %mul3A_393 : f32 to vector<16xf32>
        %mul3A_395 = arith.mulf %add3A_389, %mul3A_394 : vector<16xf32>
        %select_n3A = arith.select %lt3A_392, %mul3A_395, %add3A_389 : vector<16xi1>, vector<16xf32>
        %exp3A = math.exp %select_n3A : vector<16xf32>
        %swap3A_396 = arith.index_cast %mul3A_384 : i32 to index
        %swap3A_397 = tpu.vector_load %arg40[%swap3A_396] {strides = array<i32>} : memref<112xf32, #tpu.memory_space<vmem>>, vector<16xf32>,
        tpu.vector_store %arg40[%swap3A_396], %exp3A {strides = array<i32>} : memref<112xf32, #tpu.memory_space<vmem>>, vector<16xf32>,
      }
      %scan3A_354 = arith.constant 7 : i32
      %scan3A_355 = arith.constant 0 : i32
      %scan3A_356 = arith.constant 112 : i32
      %scan3A_357 = arith.addi %scan3A_355, %scan3A_356 : i32
      %scan3A_358 = arith.constant 1 : i32
      scf.for %scan3A_378 = %scan3A_355 to %scan3A_357 step %scan3A_358  : i32 {
        %mul3A_379 = arith.constant 1 : i32
        %mul3A_380 = arith.muli %scan3A_378, %mul3A_379 : i32
        %add3A_381 = arith.constant 0 : i32
        %add3A_382 = arith.addi %add3A_381, %mul3A_380 : i32
        %broadcast_in_dim3A_383 = vector.broadcast %add3A_382 : i32 to vector<16xi32>
        %gather3A = tpu.vector_load_idx %arg40[%broadcast_in_dim3A_383] : memref<112xf32, #tpu.memory_space<vmem>>[vector<16xi32>], vector<16xf32>,
        %get3A_384 = arith.index_cast %add3A_382 : i32 to index
        %get3A_385 = arith.constant 0 : index
        %get3A_386 = tpu.vector_load %arg41[%get3A_384, %get3A_385] {strides = array<i32>} : memref<112x128xf32, #tpu.memory_space<vmem>>, vector<16xf32>,
        %mul3A_387 = arith.mulf %get3A_386, %gather3A : vector<16xf32>
        %swap3A_388 = arith.index_cast %add3A_382 : i32 to index
        %swap3A_389 = arith.constant 0 : index
        %swap3A_390 = tpu.vector_load %arg41[%swap3A_388, %swap3A_389] {strides = array<i32>} : memref<112x128xf32, #tpu.memory_space<vmem>>, vector<16xf32>,
        tpu.vector_store %arg41[%swap3A_388, %swap3A_389], %mul3A_387 {strides = array<i32>} : memref<112x128xf32, #tpu.memory_space<vmem>>, vector<16xf32>,
        %get3A_391 = arith.index_cast %add3A_382 : i32 to index
        %get3A_392 = arith.constant 16 : index
        %get3A_393 = tpu.vector_load %arg41[%get3A_391, %get3A_392] {strides = array<i32>} : memref<112x128xf32, #tpu.memory_space<vmem>>, vector<16xf32>,
        %mul3A_394 = arith.mulf %get3A_393, %gather3A : vector<16xf32>
        %swap3A_395 = arith.index_cast %add3A_382 : i32 to index
        %swap3A_396 = arith.constant 16 : index
        %swap3A_397 = tpu.vector_load %arg41[%swap3A_395, %swap3A_396] {strides = array<i32>} : memref<112x128xf32, #tpu.memory_space<vmem>>, vector<16xf32>,
        tpu.vector_store %arg41[%swap3A_395, %swap3A_396], %mul3A_394 {strides = array<i32>} : memref<112x128xf32, #tpu.memory_space<vmem>>, vector<16xf32>,
        %get3A_398 = arith.index_cast %add3A_382 : i32 to index
        %get3A_399 = arith.constant 32 : index
        %get3A_400 = tpu.vector_load %arg41[%get3A_398, %get3A_399] {strides = array<i32>} : memref<112x128xf32, #tpu.memory_space<vmem>>, vector<16xf32>,
        %mul3A_401 = arith.mulf %get3A_400, %gather3A : vector<16xf32>
        %swap3A_402 = arith.index_cast %add3A_382 : i32 to index
        %swap3A_403 = arith.constant 32 : index
        %swap3A_404 = tpu.vector_load %arg41[%swap3A_402, %swap3A_403] {strides = array<i32>} : memref<112x128xf32, #tpu.memory_space<vmem>>, vector<16xf32>,
        tpu.vector_store %arg41[%swap3A_402, %swap3A_403], %mul3A_401 {strides = array<i32>} : memref<112x128xf32, #tpu.memory_space<vmem>>, vector<16xf32>,
        %get3A_405 = arith.index_cast %add3A_382 : i32 to index
        %get3A_406 = arith.constant 48 : index
        %get3A_407 = tpu.vector_load %arg41[%get3A_405, %get3A_406] {strides = array<i32>} : memref<112x128xf32, #tpu.memory_space<vmem>>, vector<16xf32>,
        %mul3A_408 = arith.mulf %get3A_407, %gather3A : vector<16xf32>
        %swap3A_409 = arith.index_cast %add3A_382 : i32 to index
        %swap3A_410 = arith.constant 48 : index
        %swap3A_411 = tpu.vector_load %arg41[%swap3A_409, %swap3A_410] {strides = array<i32>} : memref<112x128xf32, #tpu.memory_space<vmem>>, vector<16xf32>,
        tpu.vector_store %arg41[%swap3A_409, %swap3A_410], %mul3A_408 {strides = array<i32>} : memref<112x128xf32, #tpu.memory_space<vmem>>, vector<16xf32>,
        %get3A_412 = arith.index_cast %add3A_382 : i32 to index
        %get3A_413 = arith.constant 64 : index
        %get3A_414 = tpu.vector_load %arg41[%get3A_412, %get3A_413] {strides = array<i32>} : memref<112x128xf32, #tpu.memory_space<vmem>>, vector<16xf32>,
        %mul3A_415 = arith.mulf %get3A_414, %gather3A : vector<16xf32>
        %swap3A_416 = arith.index_cast %add3A_382 : i32 to index
        %swap3A_417 = arith.constant 64 : index
        %swap3A_418 = tpu.vector_load %arg41[%swap3A_416, %swap3A_417] {strides = array<i32>} : memref<112x128xf32, #tpu.memory_space<vmem>>, vector<16xf32>,
        tpu.vector_store %arg41[%swap3A_416, %swap3A_417], %mul3A_415 {strides = array<i32>} : memref<112x128xf32, #tpu.memory_space<vmem>>, vector<16xf32>,
        %get3A_419 = arith.index_cast %add3A_382 : i32 to index
        %get3A_420 = arith.constant 80 : index
        %get3A_421 = tpu.vector_load %arg41[%get3A_419, %get3A_420] {strides = array<i32>} : memref<112x128xf32, #tpu.memory_space<vmem>>, vector<16xf32>,
        %mul3A_422 = arith.mulf %get3A_421, %gather3A : vector<16xf32>
        %swap3A_423 = arith.index_cast %add3A_382 : i32 to index
        %swap3A_424 = arith.constant 80 : index
        %swap3A_425 = tpu.vector_load %arg41[%swap3A_423, %swap3A_424] {strides = array<i32>} : memref<112x128xf32, #tpu.memory_space<vmem>>, vector<16xf32>,
        tpu.vector_store %arg41[%swap3A_423, %swap3A_424], %mul3A_422 {strides = array<i32>} : memref<112x128xf32, #tpu.memory_space<vmem>>, vector<16xf32>,
        %get3A_426 = arith.index_cast %add3A_382 : i32 to index
        %get3A_427 = arith.constant 96 : index
        %get3A_428 = tpu.vector_load %arg41[%get3A_426, %get3A_427] {strides = array<i32>} : memref<112x128xf32, #tpu.memory_space<vmem>>, vector<16xf32>,
        %mul3A_429 = arith.mulf %get3A_428, %gather3A : vector<16xf32>
        %swap3A_430 = arith.index_cast %add3A_382 : i32 to index
        %swap3A_431 = arith.constant 96 : index
        %swap3A_432 = tpu.vector_load %arg41[%swap3A_430, %swap3A_431] {strides = array<i32>} : memref<112x128xf32, #tpu.memory_space<vmem>>, vector<16xf32>,
        tpu.vector_store %arg41[%swap3A_430, %swap3A_431], %mul3A_429 {strides = array<i32>} : memref<112x128xf32, #tpu.memory_space<vmem>>, vector<16xf32>,
        %get3A_433 = arith.index_cast %add3A_382 : i32 to index
        %get3A_434 = arith.constant 112 : index
        %get3A_435 = tpu.vector_load %arg41[%get3A_433, %get3A_434] {strides = array<i32>} : memref<112x128xf32, #tpu.memory_space<vmem>>, vector<16xf32>,
        %mul3A_436 = arith.mulf %get3A_435, %gather3A : vector<16xf32>
        %swap3A_437 = arith.index_cast %add3A_382 : i32 to index
        %swap3A_438 = arith.constant 112 : index
        %swap3A_439 = tpu.vector_load %arg41[%swap3A_437, %swap3A_438] {strides = array<i32>} : memref<112x128xf32, #tpu.memory_space<vmem>>, vector<16xf32>,
        tpu.vector_store %arg41[%swap3A_437, %swap3A_438], %mul3A_436 {strides = array<i32>} : memref<112x128xf32, #tpu.memory_space<vmem>>, vector<16xf32>,
      }
      %scan3A_359 = arith.constant 112 : i32
      %add3A_360 = arith.constant 2 : i32
      %add3A_361 = arith.addi %add3A_337, %add3A_360 : i32
      %lt3A_362 = arith.constant 96 : i32
      %lt3A_363 = arith.cmpi slt, %add3A_361, %lt3A_362 : i32
      %convert_element_type3A_364 = arith.extui %lt3A_363 : i1 to i32
      %cond3A_365 = arith.constant 0 : i32
      %cond3A_366 = arith.cmpi ne, %convert_element_type3A_364, %cond3A_365 : i32
      scf.if %cond3A_366 {
        %dma_wait3A_378 = arith.constant 0 : i32
        %dma_wait3A_379 = arith.constant 0 : i32
        %dma_wait3A_380 = tpu.memref_slice %arg2[%arg1, %dma_wait3A_378, %dma_wait3A_379] : memref<16x96x112xi32, #tpu.memory_space<hbm>> -> memref<1x1x112xi32, #tpu.memory_space<hbm>>
        %dma_wait3A_381 = tpu.memref_squeeze %dma_wait3A_380 : memref<1x1x112xi32, #tpu.memory_space<hbm>> -> memref<112xi32, #tpu.memory_space<hbm>>
        %dma_wait3A_382 = arith.constant 0 : i32
        %dma_wait3A_383 = tpu.memref_slice %arg2[%arg1, %dma_wait3A_378, %dma_wait3A_382] : memref<16x96x112xi32, #tpu.memory_space<hbm>> -> memref<1x1x112xi32, #tpu.memory_space<hbm>>
        %dma_wait3A_384 = tpu.memref_squeeze %dma_wait3A_383 : memref<1x1x112xi32, #tpu.memory_space<hbm>> -> memref<112xi32, #tpu.memory_space<hbm>>
        tpu.wait_dma2 semaphore(%arg32 : memref<!tpu.dma_semaphore, #tpu.memory_space<semaphore_mem>>) src(%dma_wait3A_384 : memref<112xi32, #tpu.memory_space<hbm>>) dst(%arg26 : memref<112xi32, #tpu.memory_space<vmem>>)
        %dma_wait3A_385 = arith.constant 0 : i32
        %dma_wait3A_386 = arith.constant 0 : i32
        %dma_wait3A_387 = tpu.memref_slice %arg3[%arg1, %dma_wait3A_385, %dma_wait3A_386] : memref<16x96x112xi32, #tpu.memory_space<hbm>> -> memref<1x1x112xi32, #tpu.memory_space<hbm>>
        %dma_wait3A_388 = tpu.memref_squeeze %dma_wait3A_387 : memref<1x1x112xi32, #tpu.memory_space<hbm>> -> memref<112xi32, #tpu.memory_space<hbm>>
        %dma_wait3A_389 = arith.constant 0 : i32
        %dma_wait3A_390 = tpu.memref_slice %arg3[%arg1, %dma_wait3A_385, %dma_wait3A_389] : memref<16x96x112xi32, #tpu.memory_space<hbm>> -> memref<1x1x112xi32, #tpu.memory_space<hbm>>
        %dma_wait3A_391 = tpu.memref_squeeze %dma_wait3A_390 : memref<1x1x112xi32, #tpu.memory_space<hbm>> -> memref<112xi32, #tpu.memory_space<hbm>>
        tpu.wait_dma2 semaphore(%arg32 : memref<!tpu.dma_semaphore, #tpu.memory_space<semaphore_mem>>) src(%dma_wait3A_391 : memref<112xi32, #tpu.memory_space<hbm>>) dst(%arg27 : memref<112xi32, #tpu.memory_space<vmem>>)
        %get3A_392 = arith.constant 0 : index
        %get3A_393 = tpu.vector_load %arg26[%get3A_392] {strides = array<i32>} : memref<112xi32, #tpu.memory_space<vmem>>, vector<16xi32>,
        %mul3A_394 = arith.constant 10240 : i32
        %mul3A_395 = arith.muli %arg0, %mul3A_394 : i32
        %add3A_396 = vector.broadcast %mul3A_395 : i32 to vector<16xi32>
        %add3A_397 = arith.addi %get3A_393, %add3A_396 : vector<16xi32>
        %swap3A_398 = arith.constant 0 : index
        %swap3A_399 = tpu.vector_load %arg35[%swap3A_398] {strides = array<i32>} : memref<112xi32, #tpu.memory_space<vmem>>, vector<16xi32>,
        tpu.vector_store %arg35[%swap3A_398], %add3A_397 {strides = array<i32>} : memref<112xi32, #tpu.memory_space<vmem>>, vector<16xi32>,
        %get3A_400 = arith.constant 16 : index
        %get3A_401 = tpu.vector_load %arg26[%get3A_400] {strides = array<i32>} : memref<112xi32, #tpu.memory_space<vmem>>, vector<16xi32>,
        %mul3A_402 = arith.constant 10240 : i32
        %mul3A_403 = arith.muli %arg0, %mul3A_402 : i32
        %add3A_404 = vector.broadcast %mul3A_403 : i32 to vector<16xi32>
        %add3A_405 = arith.addi %get3A_401, %add3A_404 : vector<16xi32>
        %swap3A_406 = arith.constant 16 : index
        %swap3A_407 = tpu.vector_load %arg35[%swap3A_406] {strides = array<i32>} : memref<112xi32, #tpu.memory_space<vmem>>, vector<16xi32>,
        tpu.vector_store %arg35[%swap3A_406], %add3A_405 {strides = array<i32>} : memref<112xi32, #tpu.memory_space<vmem>>, vector<16xi32>,
        %get3A_408 = arith.constant 32 : index
        %get3A_409 = tpu.vector_load %arg26[%get3A_408] {strides = array<i32>} : memref<112xi32, #tpu.memory_space<vmem>>, vector<16xi32>,
        %mul3A_410 = arith.constant 10240 : i32
        %mul3A_411 = arith.muli %arg0, %mul3A_410 : i32
        %add3A_412 = vector.broadcast %mul3A_411 : i32 to vector<16xi32>
        %add3A_413 = arith.addi %get3A_409, %add3A_412 : vector<16xi32>
        %swap3A_414 = arith.constant 32 : index
        %swap3A_415 = tpu.vector_load %arg35[%swap3A_414] {strides = array<i32>} : memref<112xi32, #tpu.memory_space<vmem>>, vector<16xi32>,
        tpu.vector_store %arg35[%swap3A_414], %add3A_413 {strides = array<i32>} : memref<112xi32, #tpu.memory_space<vmem>>, vector<16xi32>,
        %get3A_416 = arith.constant 48 : index
        %get3A_417 = tpu.vector_load %arg26[%get3A_416] {strides = array<i32>} : memref<112xi32, #tpu.memory_space<vmem>>, vector<16xi32>,
        %mul3A_418 = arith.constant 10240 : i32
        %mul3A_419 = arith.muli %arg0, %mul3A_418 : i32
        %add3A_420 = vector.broadcast %mul3A_419 : i32 to vector<16xi32>
        %add3A_421 = arith.addi %get3A_417, %add3A_420 : vector<16xi32>
        %swap3A_422 = arith.constant 48 : index
        %swap3A_423 = tpu.vector_load %arg35[%swap3A_422] {strides = array<i32>} : memref<112xi32, #tpu.memory_space<vmem>>, vector<16xi32>,
        tpu.vector_store %arg35[%swap3A_422], %add3A_421 {strides = array<i32>} : memref<112xi32, #tpu.memory_space<vmem>>, vector<16xi32>,
        %get3A_424 = arith.constant 64 : index
        %get3A_425 = tpu.vector_load %arg26[%get3A_424] {strides = array<i32>} : memref<112xi32, #tpu.memory_space<vmem>>, vector<16xi32>,
        %mul3A_426 = arith.constant 10240 : i32
        %mul3A_427 = arith.muli %arg0, %mul3A_426 : i32
        %add3A_428 = vector.broadcast %mul3A_427 : i32 to vector<16xi32>
        %add3A_429 = arith.addi %get3A_425, %add3A_428 : vector<16xi32>
        %swap3A_430 = arith.constant 64 : index
        %swap3A_431 = tpu.vector_load %arg35[%swap3A_430] {strides = array<i32>} : memref<112xi32, #tpu.memory_space<vmem>>, vector<16xi32>,
        tpu.vector_store %arg35[%swap3A_430], %add3A_429 {strides = array<i32>} : memref<112xi32, #tpu.memory_space<vmem>>, vector<16xi32>,
        %get3A_432 = arith.constant 80 : index
        %get3A_433 = tpu.vector_load %arg26[%get3A_432] {strides = array<i32>} : memref<112xi32, #tpu.memory_space<vmem>>, vector<16xi32>,
        %mul3A_434 = arith.constant 10240 : i32
        %mul3A_435 = arith.muli %arg0, %mul3A_434 : i32
        %add3A_436 = vector.broadcast %mul3A_435 : i32 to vector<16xi32>
        %add3A_437 = arith.addi %get3A_433, %add3A_436 : vector<16xi32>
        %swap3A_438 = arith.constant 80 : index
        %swap3A_439 = tpu.vector_load %arg35[%swap3A_438] {strides = array<i32>} : memref<112xi32, #tpu.memory_space<vmem>>, vector<16xi32>,
        tpu.vector_store %arg35[%swap3A_438], %add3A_437 {strides = array<i32>} : memref<112xi32, #tpu.memory_space<vmem>>, vector<16xi32>,
        %get3A_440 = arith.constant 96 : index
        %get3A_441 = tpu.vector_load %arg26[%get3A_440] {strides = array<i32>} : memref<112xi32, #tpu.memory_space<vmem>>, vector<16xi32>,
        %mul3A_442 = arith.constant 10240 : i32
        %mul3A_443 = arith.muli %arg0, %mul3A_442 : i32
        %add3A_444 = vector.broadcast %mul3A_443 : i32 to vector<16xi32>
        %add3A_445 = arith.addi %get3A_441, %add3A_444 : vector<16xi32>
        %swap3A_446 = arith.constant 96 : index
        %swap3A_447 = tpu.vector_load %arg35[%swap3A_446] {strides = array<i32>} : memref<112xi32, #tpu.memory_space<vmem>>, vector<16xi32>,
        tpu.vector_store %arg35[%swap3A_446], %add3A_445 {strides = array<i32>} : memref<112xi32, #tpu.memory_space<vmem>>, vector<16xi32>,
        %dma_start3A_448 = arith.constant 0 : i32
        %dma_start3A_449 = arith.constant 0 : i32
        %dma_start3A_450 = tpu.memref_slice %arg6[%dma_start3A_448, %dma_start3A_449] : memref<20480x128xf32, #tpu.memory_space<hbm>> -> memref<20480x128xf32, #tpu.memory_space<hbm>>
        tpu.enqueue_indirect_dma source(%dma_start3A_450 : memref<20480x128xf32, #tpu.memory_space<hbm>>) target(%arg31 : memref<112x128xf32, #tpu.memory_space<vmem>>) offsets(%arg35 : memref<112xi32, #tpu.memory_space<vmem>>) semaphore(%arg33 : memref<!tpu.dma_semaphore, #tpu.memory_space<semaphore_mem>>)
        %dma_start3A_451 = arith.constant 0 : i32
        %dma_start3A_452 = tpu.memref_slice %arg4[%dma_start3A_451] : memref<10240xf32, #tpu.memory_space<hbm>> -> memref<10240xf32, #tpu.memory_space<hbm>>
        tpu.enqueue_indirect_dma source(%dma_start3A_452 : memref<10240xf32, #tpu.memory_space<hbm>>) target(%arg28 : memref<112xf32, #tpu.memory_space<vmem>>) offsets(%arg26 : memref<112xi32, #tpu.memory_space<vmem>>) semaphore(%arg33 : memref<!tpu.dma_semaphore, #tpu.memory_space<semaphore_mem>>)
        %dma_start3A_453 = arith.constant 0 : i32
        %dma_start3A_454 = tpu.memref_slice %arg5[%dma_start3A_453] : memref<10240xf32, #tpu.memory_space<hbm>> -> memref<10240xf32, #tpu.memory_space<hbm>>
        tpu.enqueue_indirect_dma source(%dma_start3A_454 : memref<10240xf32, #tpu.memory_space<hbm>>) target(%arg29 : memref<112xf32, #tpu.memory_space<vmem>>) offsets(%arg27 : memref<112xi32, #tpu.memory_space<vmem>>) semaphore(%arg33 : memref<!tpu.dma_semaphore, #tpu.memory_space<semaphore_mem>>)
      } else {
      }
      %dma_start3A_367 = arith.constant 0 : i32
      %dma_start3A_368 = tpu.memref_slice %arg13[%dma_start3A_367] : memref<10240xf32, #tpu.memory_space<vmem_shared>> -> memref<10240xf32, #tpu.memory_space<vmem_shared>>
      tpu.enqueue_indirect_dma source(%arg40 : memref<112xf32, #tpu.memory_space<vmem>>) target(%dma_start3A_368 : memref<10240xf32, #tpu.memory_space<vmem_shared>>) offsets(%arg37 : memref<112xi32, #tpu.memory_space<vmem>>) semaphore(%arg44 : memref<!tpu.dma_semaphore, #tpu.memory_space<semaphore_mem>>) {add = true}
      %dma_start3A_369 = arith.constant 0 : i32
      %dma_start3A_370 = tpu.memref_slice %arg14[%dma_start3A_369] : memref<10240xf32, #tpu.memory_space<vmem_shared>> -> memref<10240xf32, #tpu.memory_space<vmem_shared>>
      tpu.enqueue_indirect_dma source(%arg15 : memref<112xf32, #tpu.memory_space<vmem>>) target(%dma_start3A_370 : memref<10240xf32, #tpu.memory_space<vmem_shared>>) offsets(%arg37 : memref<112xi32, #tpu.memory_space<vmem>>) semaphore(%arg44 : memref<!tpu.dma_semaphore, #tpu.memory_space<semaphore_mem>>) {add = true}
      "tpu.region"() ({
        %run_scoped3A = tpu.sem_alloc : memref<!tpu.dma_semaphore, #tpu.memory_space<semaphore_mem>>
        %dma_start3A_378 = arith.constant 0 : i32
        %dma_start3A_379 = arith.constant 0 : i32
        %dma_start3A_380 = tpu.memref_slice %arg12[%dma_start3A_378, %dma_start3A_379] : memref<10240x128xf32, #tpu.memory_space<vmem_shared>> -> memref<10240x128xf32, #tpu.memory_space<vmem_shared>>
        tpu.enqueue_indirect_dma source(%arg41 : memref<112x128xf32, #tpu.memory_space<vmem>>) target(%dma_start3A_380 : memref<10240x128xf32, #tpu.memory_space<vmem_shared>>) offsets(%arg37 : memref<112xi32, #tpu.memory_space<vmem>>) semaphore(%run_scoped3A : memref<!tpu.dma_semaphore, #tpu.memory_space<semaphore_mem>>) {add = true}
        %dma_wait3A_381 = arith.constant 0 : i32
        %dma_wait3A_382 = arith.constant 0 : i32
        %dma_wait3A_383 = tpu.memref_slice %arg12[%dma_wait3A_381, %dma_wait3A_382] : memref<10240x128xf32, #tpu.memory_space<vmem_shared>> -> memref<10240x128xf32, #tpu.memory_space<vmem_shared>>
        tpu.wait_indirect_dma semaphore(%run_scoped3A : memref<!tpu.dma_semaphore, #tpu.memory_space<semaphore_mem>>) src(%arg41 : memref<112x128xf32, #tpu.memory_space<vmem>>) dst(%dma_wait3A_383 : memref<10240x128xf32, #tpu.memory_space<vmem_shared>>)
        tpu.yield
      }) : () -> ()
      %add3A_371 = arith.constant 3 : i32
      %add3A_372 = arith.addi %add3A_337, %add3A_371 : i32
      %lt3A_373 = arith.constant 96 : i32
      %lt3A_374 = arith.cmpi slt, %add3A_372, %lt3A_373 : i32
      %convert_element_type3A_375 = arith.extui %lt3A_374 : i1 to i32
      %cond3A_376 = arith.constant 0 : i32
      %cond3A_377 = arith.cmpi ne, %convert_element_type3A_375, %cond3A_376 : i32
      scf.if %cond3A_377 {
        %add3A_378 = arith.constant 3 : i32
        %add3A_379 = arith.addi %add3A_337, %add3A_378 : i32
        %dma_start3A_380 = arith.constant 0 : i32
        %dma_start3A_381 = tpu.memref_slice %arg2[%arg1, %add3A_379, %dma_start3A_380] : memref<16x96x112xi32, #tpu.memory_space<hbm>> -> memref<1x1x112xi32, #tpu.memory_space<hbm>>
        %dma_start3A_382 = tpu.memref_squeeze %dma_start3A_381 : memref<1x1x112xi32, #tpu.memory_space<hbm>> -> memref<112xi32, #tpu.memory_space<hbm>>
        %dma_start3A_383 = arith.constant 0 : i32
        %dma_start3A_384 = tpu.memref_slice %arg2[%arg1, %add3A_379, %dma_start3A_383] : memref<16x96x112xi32, #tpu.memory_space<hbm>> -> memref<1x1x112xi32, #tpu.memory_space<hbm>>
        %dma_start3A_385 = tpu.memref_squeeze %dma_start3A_384 : memref<1x1x112xi32, #tpu.memory_space<hbm>> -> memref<112xi32, #tpu.memory_space<hbm>>
        tpu.enqueue_dma source(%dma_start3A_385 : memref<112xi32, #tpu.memory_space<hbm>>) target(%arg36 : memref<112xi32, #tpu.memory_space<vmem>>) target_semaphore(%arg42 : memref<!tpu.dma_semaphore, #tpu.memory_space<semaphore_mem>>)
        %dma_start3A_386 = arith.constant 0 : i32
        %dma_start3A_387 = tpu.memref_slice %arg3[%arg1, %add3A_379, %dma_start3A_386] : memref<16x96x112xi32, #tpu.memory_space<hbm>> -> memref<1x1x112xi32, #tpu.memory_space<hbm>>
        %dma_start3A_388 = tpu.memref_squeeze %dma_start3A_387 : memref<1x1x112xi32, #tpu.memory_space<hbm>> -> memref<112xi32, #tpu.memory_space<hbm>>
        %dma_start3A_389 = arith.constant 0 : i32
        %dma_start3A_390 = tpu.memref_slice %arg3[%arg1, %add3A_379, %dma_start3A_389] : memref<16x96x112xi32, #tpu.memory_space<hbm>> -> memref<1x1x112xi32, #tpu.memory_space<hbm>>
        %dma_start3A_391 = tpu.memref_squeeze %dma_start3A_390 : memref<1x1x112xi32, #tpu.memory_space<hbm>> -> memref<112xi32, #tpu.memory_space<hbm>>
        tpu.enqueue_dma source(%dma_start3A_391 : memref<112xi32, #tpu.memory_space<hbm>>) target(%arg37 : memref<112xi32, #tpu.memory_space<vmem>>) target_semaphore(%arg42 : memref<!tpu.dma_semaphore, #tpu.memory_space<semaphore_mem>>)
      } else {
      }
    }
    %scan3A_226 = arith.constant 32 : i32
    %dma_wait3A_227 = arith.constant 0 : i32
    %dma_wait3A_228 = tpu.memref_slice %arg13[%dma_wait3A_227] : memref<10240xf32, #tpu.memory_space<vmem_shared>> -> memref<10240xf32, #tpu.memory_space<vmem_shared>>
    tpu.wait_indirect_dma semaphore(%arg24 : memref<!tpu.dma_semaphore, #tpu.memory_space<semaphore_mem>>) src(%arg20 : memref<112xf32, #tpu.memory_space<vmem>>) dst(%dma_wait3A_228 : memref<10240xf32, #tpu.memory_space<vmem_shared>>)
    %dma_wait3A_229 = arith.constant 0 : i32
    %dma_wait3A_230 = tpu.memref_slice %arg14[%dma_wait3A_229] : memref<10240xf32, #tpu.memory_space<vmem_shared>> -> memref<10240xf32, #tpu.memory_space<vmem_shared>>
    tpu.wait_indirect_dma semaphore(%arg24 : memref<!tpu.dma_semaphore, #tpu.memory_space<semaphore_mem>>) src(%arg15 : memref<112xf32, #tpu.memory_space<vmem>>) dst(%dma_wait3A_230 : memref<10240xf32, #tpu.memory_space<vmem_shared>>)
    %dma_wait3A_231 = arith.constant 0 : i32
    %dma_wait3A_232 = tpu.memref_slice %arg13[%dma_wait3A_231] : memref<10240xf32, #tpu.memory_space<vmem_shared>> -> memref<10240xf32, #tpu.memory_space<vmem_shared>>
    tpu.wait_indirect_dma semaphore(%arg34 : memref<!tpu.dma_semaphore, #tpu.memory_space<semaphore_mem>>) src(%arg30 : memref<112xf32, #tpu.memory_space<vmem>>) dst(%dma_wait3A_232 : memref<10240xf32, #tpu.memory_space<vmem_shared>>)
    %dma_wait3A_233 = arith.constant 0 : i32
    %dma_wait3A_234 = tpu.memref_slice %arg14[%dma_wait3A_233] : memref<10240xf32, #tpu.memory_space<vmem_shared>> -> memref<10240xf32, #tpu.memory_space<vmem_shared>>
    tpu.wait_indirect_dma semaphore(%arg34 : memref<!tpu.dma_semaphore, #tpu.memory_space<semaphore_mem>>) src(%arg15 : memref<112xf32, #tpu.memory_space<vmem>>) dst(%dma_wait3A_234 : memref<10240xf32, #tpu.memory_space<vmem_shared>>)
    %dma_wait3A_235 = arith.constant 0 : i32
    %dma_wait3A_236 = tpu.memref_slice %arg13[%dma_wait3A_235] : memref<10240xf32, #tpu.memory_space<vmem_shared>> -> memref<10240xf32, #tpu.memory_space<vmem_shared>>
    tpu.wait_indirect_dma semaphore(%arg44 : memref<!tpu.dma_semaphore, #tpu.memory_space<semaphore_mem>>) src(%arg40 : memref<112xf32, #tpu.memory_space<vmem>>) dst(%dma_wait3A_236 : memref<10240xf32, #tpu.memory_space<vmem_shared>>)
    %dma_wait3A_237 = arith.constant 0 : i32
    %dma_wait3A_238 = tpu.memref_slice %arg14[%dma_wait3A_237] : memref<10240xf32, #tpu.memory_space<vmem_shared>> -> memref<10240xf32, #tpu.memory_space<vmem_shared>>
    tpu.wait_indirect_dma semaphore(%arg44 : memref<!tpu.dma_semaphore, #tpu.memory_space<semaphore_mem>>) src(%arg15 : memref<112xf32, #tpu.memory_space<vmem>>) dst(%dma_wait3A_238 : memref<10240xf32, #tpu.memory_space<vmem_shared>>)
    %barrier3A_239 = arith.constant 0 : index
    tpu.barrier barrier_id(%barrier3A_239)
    %mul3A_240 = arith.constant 640 : i32
    %mul3A_241 = arith.muli %arg1, %mul3A_240 : i32
    %mul3A_242 = arith.constant 10240 : i32
    %mul3A_243 = arith.muli %arg0, %mul3A_242 : i32
    %mul3A_244 = arith.constant 640 : i32
    %mul3A_245 = arith.muli %arg1, %mul3A_244 : i32
    %add3A_246 = arith.addi %mul3A_243, %mul3A_245 : i32
    "tpu.region"() ({
      %run_scoped3A = tpu.sem_alloc : memref<!tpu.dma_semaphore, #tpu.memory_space<semaphore_mem>>
      %dma_start3A_249 = arith.constant 0 : i32
      %dma_start3A_250 = tpu.memref_slice %arg9[%add3A_246, %dma_start3A_249] : memref<20480x128xf32, #tpu.memory_space<hbm>> -> memref<640x128xf32, #tpu.memory_space<hbm>>
      %dma_start3A_251 = arith.constant 0 : i32
      %dma_start3A_252 = tpu.memref_slice %arg12[%mul3A_241, %dma_start3A_251] : memref<10240x128xf32, #tpu.memory_space<vmem_shared>> -> memref<640x128xf32, #tpu.memory_space<vmem_shared>>
      tpu.enqueue_dma source(%dma_start3A_252 : memref<640x128xf32, #tpu.memory_space<vmem_shared>>) target(%dma_start3A_250 : memref<640x128xf32, #tpu.memory_space<hbm>>) target_semaphore(%run_scoped3A : memref<!tpu.dma_semaphore, #tpu.memory_space<semaphore_mem>>)
      %dma_wait3A_253 = arith.constant 0 : i32
      %dma_wait3A_254 = tpu.memref_slice %arg9[%add3A_246, %dma_wait3A_253] : memref<20480x128xf32, #tpu.memory_space<hbm>> -> memref<640x128xf32, #tpu.memory_space<hbm>>
      %dma_wait3A_255 = arith.constant 0 : i32
      %dma_wait3A_256 = tpu.memref_slice %arg12[%mul3A_241, %dma_wait3A_255] : memref<10240x128xf32, #tpu.memory_space<vmem_shared>> -> memref<640x128xf32, #tpu.memory_space<vmem_shared>>
      tpu.wait_dma2 semaphore(%run_scoped3A : memref<!tpu.dma_semaphore, #tpu.memory_space<semaphore_mem>>) src(%dma_wait3A_256 : memref<640x128xf32, #tpu.memory_space<vmem_shared>>) dst(%dma_wait3A_254 : memref<640x128xf32, #tpu.memory_space<hbm>>)
      tpu.yield
    }) : () -> ()
    %eq3A = arith.constant 0 : i32
    %eq3A_247 = arith.cmpi eq, %arg0, %eq3A : i32
    %convert_element_type3A = arith.extui %eq3A_247 : i1 to i32
    %cond3A = arith.constant 0 : i32
    %cond3A_248 = arith.cmpi ne, %convert_element_type3A, %cond3A : i32
    scf.if %cond3A_248 {
      "tpu.region"() ({
        %run_scoped3A = tpu.sem_alloc : memref<!tpu.dma_semaphore, #tpu.memory_space<semaphore_mem>>
        %dma_start3A_249 = tpu.memref_slice %arg10[%mul3A_241] : memref<10240xf32, #tpu.memory_space<hbm>> -> memref<640xf32, #tpu.memory_space<hbm>>
        %dma_start3A_250 = tpu.memref_slice %arg13[%mul3A_241] : memref<10240xf32, #tpu.memory_space<vmem_shared>> -> memref<640xf32, #tpu.memory_space<vmem_shared>>
        tpu.enqueue_dma source(%dma_start3A_250 : memref<640xf32, #tpu.memory_space<vmem_shared>>) target(%dma_start3A_249 : memref<640xf32, #tpu.memory_space<hbm>>) target_semaphore(%run_scoped3A : memref<!tpu.dma_semaphore, #tpu.memory_space<semaphore_mem>>)
        %dma_wait3A_251 = tpu.memref_slice %arg10[%mul3A_241] : memref<10240xf32, #tpu.memory_space<hbm>> -> memref<640xf32, #tpu.memory_space<hbm>>
        %dma_wait3A_252 = tpu.memref_slice %arg13[%mul3A_241] : memref<10240xf32, #tpu.memory_space<vmem_shared>> -> memref<640xf32, #tpu.memory_space<vmem_shared>>
        tpu.wait_dma2 semaphore(%run_scoped3A : memref<!tpu.dma_semaphore, #tpu.memory_space<semaphore_mem>>) src(%dma_wait3A_252 : memref<640xf32, #tpu.memory_space<vmem_shared>>) dst(%dma_wait3A_251 : memref<640xf32, #tpu.memory_space<hbm>>)
        tpu.yield
      }) : () -> ()
      "tpu.region"() ({
        %run_scoped3A = tpu.sem_alloc : memref<!tpu.dma_semaphore, #tpu.memory_space<semaphore_mem>>
        %dma_start3A_249 = tpu.memref_slice %arg11[%mul3A_241] : memref<10240xf32, #tpu.memory_space<hbm>> -> memref<640xf32, #tpu.memory_space<hbm>>
        %dma_start3A_250 = tpu.memref_slice %arg14[%mul3A_241] : memref<10240xf32, #tpu.memory_space<vmem_shared>> -> memref<640xf32, #tpu.memory_space<vmem_shared>>
        tpu.enqueue_dma source(%dma_start3A_250 : memref<640xf32, #tpu.memory_space<vmem_shared>>) target(%dma_start3A_249 : memref<640xf32, #tpu.memory_space<hbm>>) target_semaphore(%run_scoped3A : memref<!tpu.dma_semaphore, #tpu.memory_space<semaphore_mem>>)
        %dma_wait3A_251 = tpu.memref_slice %arg11[%mul3A_241] : memref<10240xf32, #tpu.memory_space<hbm>> -> memref<640xf32, #tpu.memory_space<hbm>>
        %dma_wait3A_252 = tpu.memref_slice %arg14[%mul3A_241] : memref<10240xf32, #tpu.memory_space<vmem_shared>> -> memref<640xf32, #tpu.memory_space<vmem_shared>>
        tpu.wait_dma2 semaphore(%run_scoped3A : memref<!tpu.dma_semaphore, #tpu.memory_space<semaphore_mem>>) src(%dma_wait3A_252 : memref<640xf32, #tpu.memory_space<vmem_shared>>) dst(%dma_wait3A_251 : memref<640xf32, #tpu.memory_space<hbm>>)
        tpu.yield
      }) : () -> ()
    } else {
    }
    return
  }
}

#map = affine_map<(d0, d1) -> (0, 0, 0)>
#map1 = affine_map<(d0, d1) -> (0, 0)>
module attributes {stable_mosaic.version = 14 : i64} {
  func.func @k(%arg0: i32, %arg1: i32, %arg2: memref<16x90x112xi32, #tpu.memory_space<hbm>>, %arg3: memref<16x90x112xi32, #tpu.memory_space<hbm>>, %arg4: memref<20480x128xf32, #tpu.memory_space<hbm>>, %arg5: memref<20480x128xf32, #tpu.memory_space<hbm>>, %arg6: memref<10240x128xf32, #tpu.memory_space<vmem_shared>>, %arg7: memref<112xi32, #tpu.memory_space<vmem>>, %arg8: memref<112xi32, #tpu.memory_space<vmem>>, %arg9: memref<112x128xf32, #tpu.memory_space<vmem>>, %arg10: memref<!tpu.dma_semaphore, #tpu.memory_space<semaphore_mem>>, %arg11: memref<!tpu.dma_semaphore, #tpu.memory_space<semaphore_mem>>, %arg12: memref<112xi32, #tpu.memory_space<vmem>>, %arg13: memref<112xi32, #tpu.memory_space<vmem>>, %arg14: memref<112x128xf32, #tpu.memory_space<vmem>>, %arg15: memref<!tpu.dma_semaphore, #tpu.memory_space<semaphore_mem>>, %arg16: memref<!tpu.dma_semaphore, #tpu.memory_space<semaphore_mem>>, %arg17: memref<112xi32, #tpu.memory_space<vmem>>, %arg18: memref<112xi32, #tpu.memory_space<vmem>>, %arg19: memref<112x128xf32, #tpu.memory_space<vmem>>, %arg20: memref<!tpu.dma_semaphore, #tpu.memory_space<semaphore_mem>>, %arg21: memref<!tpu.dma_semaphore, #tpu.memory_space<semaphore_mem>>) attributes {dimension_semantics = [#tpu.dimension_semantics<core_parallel>, #tpu.dimension_semantics<subcore_parallel>], iteration_bounds = array<i64: 2, 16>, scalar_prefetch = 0 : i64, scratch_operands = 16 : i64, tpu.core_type = #tpu.core_type<sc_vector_subcore>, window_params = [{transform_indices = #map}, {transform_indices = #map}, {transform_indices = #map1}, {transform_indices = #map1}]} {
    %mul3A = arith.constant 640 : i32
    %mul3A_0 = arith.muli %arg1, %mul3A : i32
    %mul3A_1 = arith.constant 10240 : i32
    %mul3A_2 = arith.muli %arg0, %mul3A_1 : i32
    %mul3A_3 = arith.constant 640 : i32
    %mul3A_4 = arith.muli %arg1, %mul3A_3 : i32
    %add3A = arith.addi %mul3A_2, %mul3A_4 : i32
    "tpu.region"() ({
      %run_scoped3A = tpu.sem_alloc : memref<!tpu.dma_semaphore, #tpu.memory_space<semaphore_mem>>
      %dma_start3A_199 = arith.constant 0 : i32
      %dma_start3A_200 = tpu.memref_slice %arg6[%mul3A_0, %dma_start3A_199] : memref<10240x128xf32, #tpu.memory_space<vmem_shared>> -> memref<640x128xf32, #tpu.memory_space<vmem_shared>>
      %dma_start3A_201 = arith.constant 0 : i32
      %dma_start3A_202 = tpu.memref_slice %arg4[%add3A, %dma_start3A_201] : memref<20480x128xf32, #tpu.memory_space<hbm>> -> memref<640x128xf32, #tpu.memory_space<hbm>>
      tpu.enqueue_dma source(%dma_start3A_202 : memref<640x128xf32, #tpu.memory_space<hbm>>) target(%dma_start3A_200 : memref<640x128xf32, #tpu.memory_space<vmem_shared>>) target_semaphore(%run_scoped3A : memref<!tpu.dma_semaphore, #tpu.memory_space<semaphore_mem>>)
      %dma_wait3A_203 = arith.constant 0 : i32
      %dma_wait3A_204 = tpu.memref_slice %arg6[%mul3A_0, %dma_wait3A_203] : memref<10240x128xf32, #tpu.memory_space<vmem_shared>> -> memref<640x128xf32, #tpu.memory_space<vmem_shared>>
      %dma_wait3A_205 = arith.constant 0 : i32
      %dma_wait3A_206 = tpu.memref_slice %arg4[%add3A, %dma_wait3A_205] : memref<20480x128xf32, #tpu.memory_space<hbm>> -> memref<640x128xf32, #tpu.memory_space<hbm>>
      tpu.wait_dma2 semaphore(%run_scoped3A : memref<!tpu.dma_semaphore, #tpu.memory_space<semaphore_mem>>) src(%dma_wait3A_206 : memref<640x128xf32, #tpu.memory_space<hbm>>) dst(%dma_wait3A_204 : memref<640x128xf32, #tpu.memory_space<vmem_shared>>)
      tpu.yield
    }) : () -> ()
    %barrier3A = arith.constant 0 : index
    tpu.barrier barrier_id(%barrier3A)
    %dma_start3A = arith.constant 0 : i32
    %dma_start3A_5 = arith.constant 0 : i32
    %dma_start3A_6 = tpu.memref_slice %arg2[%arg1, %dma_start3A, %dma_start3A_5] : memref<16x90x112xi32, #tpu.memory_space<hbm>> -> memref<1x1x112xi32, #tpu.memory_space<hbm>>
    %dma_start3A_7 = tpu.memref_squeeze %dma_start3A_6 : memref<1x1x112xi32, #tpu.memory_space<hbm>> -> memref<112xi32, #tpu.memory_space<hbm>>
    %dma_start3A_8 = arith.constant 0 : i32
    %dma_start3A_9 = tpu.memref_slice %arg2[%arg1, %dma_start3A, %dma_start3A_8] : memref<16x90x112xi32, #tpu.memory_space<hbm>> -> memref<1x1x112xi32, #tpu.memory_space<hbm>>
    %dma_start3A_10 = tpu.memref_squeeze %dma_start3A_9 : memref<1x1x112xi32, #tpu.memory_space<hbm>> -> memref<112xi32, #tpu.memory_space<hbm>>
    tpu.enqueue_dma source(%dma_start3A_10 : memref<112xi32, #tpu.memory_space<hbm>>) target(%arg7 : memref<112xi32, #tpu.memory_space<vmem>>) target_semaphore(%arg10 : memref<!tpu.dma_semaphore, #tpu.memory_space<semaphore_mem>>)
    %dma_start3A_11 = arith.constant 0 : i32
    %dma_start3A_12 = arith.constant 0 : i32
    %dma_start3A_13 = tpu.memref_slice %arg3[%arg1, %dma_start3A_11, %dma_start3A_12] : memref<16x90x112xi32, #tpu.memory_space<hbm>> -> memref<1x1x112xi32, #tpu.memory_space<hbm>>
    %dma_start3A_14 = tpu.memref_squeeze %dma_start3A_13 : memref<1x1x112xi32, #tpu.memory_space<hbm>> -> memref<112xi32, #tpu.memory_space<hbm>>
    %dma_start3A_15 = arith.constant 0 : i32
    %dma_start3A_16 = tpu.memref_slice %arg3[%arg1, %dma_start3A_11, %dma_start3A_15] : memref<16x90x112xi32, #tpu.memory_space<hbm>> -> memref<1x1x112xi32, #tpu.memory_space<hbm>>
    %dma_start3A_17 = tpu.memref_squeeze %dma_start3A_16 : memref<1x1x112xi32, #tpu.memory_space<hbm>> -> memref<112xi32, #tpu.memory_space<hbm>>
    tpu.enqueue_dma source(%dma_start3A_17 : memref<112xi32, #tpu.memory_space<hbm>>) target(%arg8 : memref<112xi32, #tpu.memory_space<vmem>>) target_semaphore(%arg10 : memref<!tpu.dma_semaphore, #tpu.memory_space<semaphore_mem>>)
    %dma_start3A_18 = arith.constant 1 : i32
    %dma_start3A_19 = arith.constant 0 : i32
    %dma_start3A_20 = tpu.memref_slice %arg2[%arg1, %dma_start3A_18, %dma_start3A_19] : memref<16x90x112xi32, #tpu.memory_space<hbm>> -> memref<1x1x112xi32, #tpu.memory_space<hbm>>
    %dma_start3A_21 = tpu.memref_squeeze %dma_start3A_20 : memref<1x1x112xi32, #tpu.memory_space<hbm>> -> memref<112xi32, #tpu.memory_space<hbm>>
    %dma_start3A_22 = arith.constant 0 : i32
    %dma_start3A_23 = tpu.memref_slice %arg2[%arg1, %dma_start3A_18, %dma_start3A_22] : memref<16x90x112xi32, #tpu.memory_space<hbm>> -> memref<1x1x112xi32, #tpu.memory_space<hbm>>
    %dma_start3A_24 = tpu.memref_squeeze %dma_start3A_23 : memref<1x1x112xi32, #tpu.memory_space<hbm>> -> memref<112xi32, #tpu.memory_space<hbm>>
    tpu.enqueue_dma source(%dma_start3A_24 : memref<112xi32, #tpu.memory_space<hbm>>) target(%arg12 : memref<112xi32, #tpu.memory_space<vmem>>) target_semaphore(%arg15 : memref<!tpu.dma_semaphore, #tpu.memory_space<semaphore_mem>>)
    %dma_start3A_25 = arith.constant 1 : i32
    %dma_start3A_26 = arith.constant 0 : i32
    %dma_start3A_27 = tpu.memref_slice %arg3[%arg1, %dma_start3A_25, %dma_start3A_26] : memref<16x90x112xi32, #tpu.memory_space<hbm>> -> memref<1x1x112xi32, #tpu.memory_space<hbm>>
    %dma_start3A_28 = tpu.memref_squeeze %dma_start3A_27 : memref<1x1x112xi32, #tpu.memory_space<hbm>> -> memref<112xi32, #tpu.memory_space<hbm>>
    %dma_start3A_29 = arith.constant 0 : i32
    %dma_start3A_30 = tpu.memref_slice %arg3[%arg1, %dma_start3A_25, %dma_start3A_29] : memref<16x90x112xi32, #tpu.memory_space<hbm>> -> memref<1x1x112xi32, #tpu.memory_space<hbm>>
    %dma_start3A_31 = tpu.memref_squeeze %dma_start3A_30 : memref<1x1x112xi32, #tpu.memory_space<hbm>> -> memref<112xi32, #tpu.memory_space<hbm>>
    tpu.enqueue_dma source(%dma_start3A_31 : memref<112xi32, #tpu.memory_space<hbm>>) target(%arg13 : memref<112xi32, #tpu.memory_space<vmem>>) target_semaphore(%arg15 : memref<!tpu.dma_semaphore, #tpu.memory_space<semaphore_mem>>)
    %dma_start3A_32 = arith.constant 2 : i32
    %dma_start3A_33 = arith.constant 0 : i32
    %dma_start3A_34 = tpu.memref_slice %arg2[%arg1, %dma_start3A_32, %dma_start3A_33] : memref<16x90x112xi32, #tpu.memory_space<hbm>> -> memref<1x1x112xi32, #tpu.memory_space<hbm>>
    %dma_start3A_35 = tpu.memref_squeeze %dma_start3A_34 : memref<1x1x112xi32, #tpu.memory_space<hbm>> -> memref<112xi32, #tpu.memory_space<hbm>>
    %dma_start3A_36 = arith.constant 0 : i32
    %dma_start3A_37 = tpu.memref_slice %arg2[%arg1, %dma_start3A_32, %dma_start3A_36] : memref<16x90x112xi32, #tpu.memory_space<hbm>> -> memref<1x1x112xi32, #tpu.memory_space<hbm>>
    %dma_start3A_38 = tpu.memref_squeeze %dma_start3A_37 : memref<1x1x112xi32, #tpu.memory_space<hbm>> -> memref<112xi32, #tpu.memory_space<hbm>>
    tpu.enqueue_dma source(%dma_start3A_38 : memref<112xi32, #tpu.memory_space<hbm>>) target(%arg17 : memref<112xi32, #tpu.memory_space<vmem>>) target_semaphore(%arg20 : memref<!tpu.dma_semaphore, #tpu.memory_space<semaphore_mem>>)
    %dma_start3A_39 = arith.constant 2 : i32
    %dma_start3A_40 = arith.constant 0 : i32
    %dma_start3A_41 = tpu.memref_slice %arg3[%arg1, %dma_start3A_39, %dma_start3A_40] : memref<16x90x112xi32, #tpu.memory_space<hbm>> -> memref<1x1x112xi32, #tpu.memory_space<hbm>>
    %dma_start3A_42 = tpu.memref_squeeze %dma_start3A_41 : memref<1x1x112xi32, #tpu.memory_space<hbm>> -> memref<112xi32, #tpu.memory_space<hbm>>
    %dma_start3A_43 = arith.constant 0 : i32
    %dma_start3A_44 = tpu.memref_slice %arg3[%arg1, %dma_start3A_39, %dma_start3A_43] : memref<16x90x112xi32, #tpu.memory_space<hbm>> -> memref<1x1x112xi32, #tpu.memory_space<hbm>>
    %dma_start3A_45 = tpu.memref_squeeze %dma_start3A_44 : memref<1x1x112xi32, #tpu.memory_space<hbm>> -> memref<112xi32, #tpu.memory_space<hbm>>
    tpu.enqueue_dma source(%dma_start3A_45 : memref<112xi32, #tpu.memory_space<hbm>>) target(%arg18 : memref<112xi32, #tpu.memory_space<vmem>>) target_semaphore(%arg20 : memref<!tpu.dma_semaphore, #tpu.memory_space<semaphore_mem>>)
    %dma_wait3A = arith.constant 0 : i32
    %dma_wait3A_46 = arith.constant 0 : i32
    %dma_wait3A_47 = tpu.memref_slice %arg2[%arg1, %dma_wait3A, %dma_wait3A_46] : memref<16x90x112xi32, #tpu.memory_space<hbm>> -> memref<1x1x112xi32, #tpu.memory_space<hbm>>
    %dma_wait3A_48 = tpu.memref_squeeze %dma_wait3A_47 : memref<1x1x112xi32, #tpu.memory_space<hbm>> -> memref<112xi32, #tpu.memory_space<hbm>>
    %dma_wait3A_49 = arith.constant 0 : i32
    %dma_wait3A_50 = tpu.memref_slice %arg2[%arg1, %dma_wait3A, %dma_wait3A_49] : memref<16x90x112xi32, #tpu.memory_space<hbm>> -> memref<1x1x112xi32, #tpu.memory_space<hbm>>
    %dma_wait3A_51 = tpu.memref_squeeze %dma_wait3A_50 : memref<1x1x112xi32, #tpu.memory_space<hbm>> -> memref<112xi32, #tpu.memory_space<hbm>>
    tpu.wait_dma2 semaphore(%arg10 : memref<!tpu.dma_semaphore, #tpu.memory_space<semaphore_mem>>) src(%dma_wait3A_51 : memref<112xi32, #tpu.memory_space<hbm>>) dst(%arg7 : memref<112xi32, #tpu.memory_space<vmem>>)
    %dma_wait3A_52 = arith.constant 0 : i32
    %dma_wait3A_53 = arith.constant 0 : i32
    %dma_wait3A_54 = tpu.memref_slice %arg3[%arg1, %dma_wait3A_52, %dma_wait3A_53] : memref<16x90x112xi32, #tpu.memory_space<hbm>> -> memref<1x1x112xi32, #tpu.memory_space<hbm>>
    %dma_wait3A_55 = tpu.memref_squeeze %dma_wait3A_54 : memref<1x1x112xi32, #tpu.memory_space<hbm>> -> memref<112xi32, #tpu.memory_space<hbm>>
    %dma_wait3A_56 = arith.constant 0 : i32
    %dma_wait3A_57 = tpu.memref_slice %arg3[%arg1, %dma_wait3A_52, %dma_wait3A_56] : memref<16x90x112xi32, #tpu.memory_space<hbm>> -> memref<1x1x112xi32, #tpu.memory_space<hbm>>
    %dma_wait3A_58 = tpu.memref_squeeze %dma_wait3A_57 : memref<1x1x112xi32, #tpu.memory_space<hbm>> -> memref<112xi32, #tpu.memory_space<hbm>>
    tpu.wait_dma2 semaphore(%arg10 : memref<!tpu.dma_semaphore, #tpu.memory_space<semaphore_mem>>) src(%dma_wait3A_58 : memref<112xi32, #tpu.memory_space<hbm>>) dst(%arg8 : memref<112xi32, #tpu.memory_space<vmem>>)
    %get3A = arith.constant 0 : index
    %get3A_59 = tpu.vector_load %arg7[%get3A] {strides = array<i32>} : memref<112xi32, #tpu.memory_space<vmem>>, vector<16xi32>,
    %mul3A_60 = arith.constant 10240 : i32
    %mul3A_61 = arith.muli %arg0, %mul3A_60 : i32
    %add3A_62 = vector.broadcast %mul3A_61 : i32 to vector<16xi32>
    %add3A_63 = arith.addi %get3A_59, %add3A_62 : vector<16xi32>
    %swap3A = arith.constant 0 : index
    %swap3A_64 = tpu.vector_load %arg7[%swap3A] {strides = array<i32>} : memref<112xi32, #tpu.memory_space<vmem>>, vector<16xi32>,
    tpu.vector_store %arg7[%swap3A], %add3A_63 {strides = array<i32>} : memref<112xi32, #tpu.memory_space<vmem>>, vector<16xi32>,
    %get3A_65 = arith.constant 16 : index
    %get3A_66 = tpu.vector_load %arg7[%get3A_65] {strides = array<i32>} : memref<112xi32, #tpu.memory_space<vmem>>, vector<16xi32>,
    %mul3A_67 = arith.constant 10240 : i32
    %mul3A_68 = arith.muli %arg0, %mul3A_67 : i32
    %add3A_69 = vector.broadcast %mul3A_68 : i32 to vector<16xi32>
    %add3A_70 = arith.addi %get3A_66, %add3A_69 : vector<16xi32>
    %swap3A_71 = arith.constant 16 : index
    %swap3A_72 = tpu.vector_load %arg7[%swap3A_71] {strides = array<i32>} : memref<112xi32, #tpu.memory_space<vmem>>, vector<16xi32>,
    tpu.vector_store %arg7[%swap3A_71], %add3A_70 {strides = array<i32>} : memref<112xi32, #tpu.memory_space<vmem>>, vector<16xi32>,
    %get3A_73 = arith.constant 32 : index
    %get3A_74 = tpu.vector_load %arg7[%get3A_73] {strides = array<i32>} : memref<112xi32, #tpu.memory_space<vmem>>, vector<16xi32>,
    %mul3A_75 = arith.constant 10240 : i32
    %mul3A_76 = arith.muli %arg0, %mul3A_75 : i32
    %add3A_77 = vector.broadcast %mul3A_76 : i32 to vector<16xi32>
    %add3A_78 = arith.addi %get3A_74, %add3A_77 : vector<16xi32>
    %swap3A_79 = arith.constant 32 : index
    %swap3A_80 = tpu.vector_load %arg7[%swap3A_79] {strides = array<i32>} : memref<112xi32, #tpu.memory_space<vmem>>, vector<16xi32>,
    tpu.vector_store %arg7[%swap3A_79], %add3A_78 {strides = array<i32>} : memref<112xi32, #tpu.memory_space<vmem>>, vector<16xi32>,
    %get3A_81 = arith.constant 48 : index
    %get3A_82 = tpu.vector_load %arg7[%get3A_81] {strides = array<i32>} : memref<112xi32, #tpu.memory_space<vmem>>, vector<16xi32>,
    %mul3A_83 = arith.constant 10240 : i32
    %mul3A_84 = arith.muli %arg0, %mul3A_83 : i32
    %add3A_85 = vector.broadcast %mul3A_84 : i32 to vector<16xi32>
    %add3A_86 = arith.addi %get3A_82, %add3A_85 : vector<16xi32>
    %swap3A_87 = arith.constant 48 : index
    %swap3A_88 = tpu.vector_load %arg7[%swap3A_87] {strides = array<i32>} : memref<112xi32, #tpu.memory_space<vmem>>, vector<16xi32>,
    tpu.vector_store %arg7[%swap3A_87], %add3A_86 {strides = array<i32>} : memref<112xi32, #tpu.memory_space<vmem>>, vector<16xi32>,
    %get3A_89 = arith.constant 64 : index
    %get3A_90 = tpu.vector_load %arg7[%get3A_89] {strides = array<i32>} : memref<112xi32, #tpu.memory_space<vmem>>, vector<16xi32>,
    %mul3A_91 = arith.constant 10240 : i32
    %mul3A_92 = arith.muli %arg0, %mul3A_91 : i32
    %add3A_93 = vector.broadcast %mul3A_92 : i32 to vector<16xi32>
    %add3A_94 = arith.addi %get3A_90, %add3A_93 : vector<16xi32>
    %swap3A_95 = arith.constant 64 : index
    %swap3A_96 = tpu.vector_load %arg7[%swap3A_95] {strides = array<i32>} : memref<112xi32, #tpu.memory_space<vmem>>, vector<16xi32>,
    tpu.vector_store %arg7[%swap3A_95], %add3A_94 {strides = array<i32>} : memref<112xi32, #tpu.memory_space<vmem>>, vector<16xi32>,
    %get3A_97 = arith.constant 80 : index
    %get3A_98 = tpu.vector_load %arg7[%get3A_97] {strides = array<i32>} : memref<112xi32, #tpu.memory_space<vmem>>, vector<16xi32>,
    %mul3A_99 = arith.constant 10240 : i32
    %mul3A_100 = arith.muli %arg0, %mul3A_99 : i32
    %add3A_101 = vector.broadcast %mul3A_100 : i32 to vector<16xi32>
    %add3A_102 = arith.addi %get3A_98, %add3A_101 : vector<16xi32>
    %swap3A_103 = arith.constant 80 : index
    %swap3A_104 = tpu.vector_load %arg7[%swap3A_103] {strides = array<i32>} : memref<112xi32, #tpu.memory_space<vmem>>, vector<16xi32>,
    tpu.vector_store %arg7[%swap3A_103], %add3A_102 {strides = array<i32>} : memref<112xi32, #tpu.memory_space<vmem>>, vector<16xi32>,
    %get3A_105 = arith.constant 96 : index
    %get3A_106 = tpu.vector_load %arg7[%get3A_105] {strides = array<i32>} : memref<112xi32, #tpu.memory_space<vmem>>, vector<16xi32>,
    %mul3A_107 = arith.constant 10240 : i32
    %mul3A_108 = arith.muli %arg0, %mul3A_107 : i32
    %add3A_109 = vector.broadcast %mul3A_108 : i32 to vector<16xi32>
    %add3A_110 = arith.addi %get3A_106, %add3A_109 : vector<16xi32>
    %swap3A_111 = arith.constant 96 : index
    %swap3A_112 = tpu.vector_load %arg7[%swap3A_111] {strides = array<i32>} : memref<112xi32, #tpu.memory_space<vmem>>, vector<16xi32>,
    tpu.vector_store %arg7[%swap3A_111], %add3A_110 {strides = array<i32>} : memref<112xi32, #tpu.memory_space<vmem>>, vector<16xi32>,
    %dma_start3A_113 = arith.constant 0 : i32
    %dma_start3A_114 = arith.constant 0 : i32
    %dma_start3A_115 = tpu.memref_slice %arg4[%dma_start3A_113, %dma_start3A_114] : memref<20480x128xf32, #tpu.memory_space<hbm>> -> memref<20480x128xf32, #tpu.memory_space<hbm>>
    tpu.enqueue_indirect_dma source(%dma_start3A_115 : memref<20480x128xf32, #tpu.memory_space<hbm>>) target(%arg9 : memref<112x128xf32, #tpu.memory_space<vmem>>) offsets(%arg7 : memref<112xi32, #tpu.memory_space<vmem>>) semaphore(%arg11 : memref<!tpu.dma_semaphore, #tpu.memory_space<semaphore_mem>>)
    %dma_wait3A_116 = arith.constant 0 : i32
    %dma_wait3A_117 = arith.constant 0 : i32
    %dma_wait3A_118 = tpu.memref_slice %arg2[%arg1, %dma_wait3A_116, %dma_wait3A_117] : memref<16x90x112xi32, #tpu.memory_space<hbm>> -> memref<1x1x112xi32, #tpu.memory_space<hbm>>
    %dma_wait3A_119 = tpu.memref_squeeze %dma_wait3A_118 : memref<1x1x112xi32, #tpu.memory_space<hbm>> -> memref<112xi32, #tpu.memory_space<hbm>>
    %dma_wait3A_120 = arith.constant 0 : i32
    %dma_wait3A_121 = tpu.memref_slice %arg2[%arg1, %dma_wait3A_116, %dma_wait3A_120] : memref<16x90x112xi32, #tpu.memory_space<hbm>> -> memref<1x1x112xi32, #tpu.memory_space<hbm>>
    %dma_wait3A_122 = tpu.memref_squeeze %dma_wait3A_121 : memref<1x1x112xi32, #tpu.memory_space<hbm>> -> memref<112xi32, #tpu.memory_space<hbm>>
    tpu.wait_dma2 semaphore(%arg15 : memref<!tpu.dma_semaphore, #tpu.memory_space<semaphore_mem>>) src(%dma_wait3A_122 : memref<112xi32, #tpu.memory_space<hbm>>) dst(%arg12 : memref<112xi32, #tpu.memory_space<vmem>>)
    %dma_wait3A_123 = arith.constant 0 : i32
    %dma_wait3A_124 = arith.constant 0 : i32
    %dma_wait3A_125 = tpu.memref_slice %arg3[%arg1, %dma_wait3A_123, %dma_wait3A_124] : memref<16x90x112xi32, #tpu.memory_space<hbm>> -> memref<1x1x112xi32, #tpu.memory_space<hbm>>
    %dma_wait3A_126 = tpu.memref_squeeze %dma_wait3A_125 : memref<1x1x112xi32, #tpu.memory_space<hbm>> -> memref<112xi32, #tpu.memory_space<hbm>>
    %dma_wait3A_127 = arith.constant 0 : i32
    %dma_wait3A_128 = tpu.memref_slice %arg3[%arg1, %dma_wait3A_123, %dma_wait3A_127] : memref<16x90x112xi32, #tpu.memory_space<hbm>> -> memref<1x1x112xi32, #tpu.memory_space<hbm>>
    %dma_wait3A_129 = tpu.memref_squeeze %dma_wait3A_128 : memref<1x1x112xi32, #tpu.memory_space<hbm>> -> memref<112xi32, #tpu.memory_space<hbm>>
    tpu.wait_dma2 semaphore(%arg15 : memref<!tpu.dma_semaphore, #tpu.memory_space<semaphore_mem>>) src(%dma_wait3A_129 : memref<112xi32, #tpu.memory_space<hbm>>) dst(%arg13 : memref<112xi32, #tpu.memory_space<vmem>>)
    %get3A_130 = arith.constant 0 : index
    %get3A_131 = tpu.vector_load %arg12[%get3A_130] {strides = array<i32>} : memref<112xi32, #tpu.memory_space<vmem>>, vector<16xi32>,
    %mul3A_132 = arith.constant 10240 : i32
    %mul3A_133 = arith.muli %arg0, %mul3A_132 : i32
    %add3A_134 = vector.broadcast %mul3A_133 : i32 to vector<16xi32>
    %add3A_135 = arith.addi %get3A_131, %add3A_134 : vector<16xi32>
    %swap3A_136 = arith.constant 0 : index
    %swap3A_137 = tpu.vector_load %arg12[%swap3A_136] {strides = array<i32>} : memref<112xi32, #tpu.memory_space<vmem>>, vector<16xi32>,
    tpu.vector_store %arg12[%swap3A_136], %add3A_135 {strides = array<i32>} : memref<112xi32, #tpu.memory_space<vmem>>, vector<16xi32>,
    %get3A_138 = arith.constant 16 : index
    %get3A_139 = tpu.vector_load %arg12[%get3A_138] {strides = array<i32>} : memref<112xi32, #tpu.memory_space<vmem>>, vector<16xi32>,
    %mul3A_140 = arith.constant 10240 : i32
    %mul3A_141 = arith.muli %arg0, %mul3A_140 : i32
    %add3A_142 = vector.broadcast %mul3A_141 : i32 to vector<16xi32>
    %add3A_143 = arith.addi %get3A_139, %add3A_142 : vector<16xi32>
    %swap3A_144 = arith.constant 16 : index
    %swap3A_145 = tpu.vector_load %arg12[%swap3A_144] {strides = array<i32>} : memref<112xi32, #tpu.memory_space<vmem>>, vector<16xi32>,
    tpu.vector_store %arg12[%swap3A_144], %add3A_143 {strides = array<i32>} : memref<112xi32, #tpu.memory_space<vmem>>, vector<16xi32>,
    %get3A_146 = arith.constant 32 : index
    %get3A_147 = tpu.vector_load %arg12[%get3A_146] {strides = array<i32>} : memref<112xi32, #tpu.memory_space<vmem>>, vector<16xi32>,
    %mul3A_148 = arith.constant 10240 : i32
    %mul3A_149 = arith.muli %arg0, %mul3A_148 : i32
    %add3A_150 = vector.broadcast %mul3A_149 : i32 to vector<16xi32>
    %add3A_151 = arith.addi %get3A_147, %add3A_150 : vector<16xi32>
    %swap3A_152 = arith.constant 32 : index
    %swap3A_153 = tpu.vector_load %arg12[%swap3A_152] {strides = array<i32>} : memref<112xi32, #tpu.memory_space<vmem>>, vector<16xi32>,
    tpu.vector_store %arg12[%swap3A_152], %add3A_151 {strides = array<i32>} : memref<112xi32, #tpu.memory_space<vmem>>, vector<16xi32>,
    %get3A_154 = arith.constant 48 : index
    %get3A_155 = tpu.vector_load %arg12[%get3A_154] {strides = array<i32>} : memref<112xi32, #tpu.memory_space<vmem>>, vector<16xi32>,
    %mul3A_156 = arith.constant 10240 : i32
    %mul3A_157 = arith.muli %arg0, %mul3A_156 : i32
    %add3A_158 = vector.broadcast %mul3A_157 : i32 to vector<16xi32>
    %add3A_159 = arith.addi %get3A_155, %add3A_158 : vector<16xi32>
    %swap3A_160 = arith.constant 48 : index
    %swap3A_161 = tpu.vector_load %arg12[%swap3A_160] {strides = array<i32>} : memref<112xi32, #tpu.memory_space<vmem>>, vector<16xi32>,
    tpu.vector_store %arg12[%swap3A_160], %add3A_159 {strides = array<i32>} : memref<112xi32, #tpu.memory_space<vmem>>, vector<16xi32>,
    %get3A_162 = arith.constant 64 : index
    %get3A_163 = tpu.vector_load %arg12[%get3A_162] {strides = array<i32>} : memref<112xi32, #tpu.memory_space<vmem>>, vector<16xi32>,
    %mul3A_164 = arith.constant 10240 : i32
    %mul3A_165 = arith.muli %arg0, %mul3A_164 : i32
    %add3A_166 = vector.broadcast %mul3A_165 : i32 to vector<16xi32>
    %add3A_167 = arith.addi %get3A_163, %add3A_166 : vector<16xi32>
    %swap3A_168 = arith.constant 64 : index
    %swap3A_169 = tpu.vector_load %arg12[%swap3A_168] {strides = array<i32>} : memref<112xi32, #tpu.memory_space<vmem>>, vector<16xi32>,
    tpu.vector_store %arg12[%swap3A_168], %add3A_167 {strides = array<i32>} : memref<112xi32, #tpu.memory_space<vmem>>, vector<16xi32>,
    %get3A_170 = arith.constant 80 : index
    %get3A_171 = tpu.vector_load %arg12[%get3A_170] {strides = array<i32>} : memref<112xi32, #tpu.memory_space<vmem>>, vector<16xi32>,
    %mul3A_172 = arith.constant 10240 : i32
    %mul3A_173 = arith.muli %arg0, %mul3A_172 : i32
    %add3A_174 = vector.broadcast %mul3A_173 : i32 to vector<16xi32>
    %add3A_175 = arith.addi %get3A_171, %add3A_174 : vector<16xi32>
    %swap3A_176 = arith.constant 80 : index
    %swap3A_177 = tpu.vector_load %arg12[%swap3A_176] {strides = array<i32>} : memref<112xi32, #tpu.memory_space<vmem>>, vector<16xi32>,
    tpu.vector_store %arg12[%swap3A_176], %add3A_175 {strides = array<i32>} : memref<112xi32, #tpu.memory_space<vmem>>, vector<16xi32>,
    %get3A_178 = arith.constant 96 : index
    %get3A_179 = tpu.vector_load %arg12[%get3A_178] {strides = array<i32>} : memref<112xi32, #tpu.memory_space<vmem>>, vector<16xi32>,
    %mul3A_180 = arith.constant 10240 : i32
    %mul3A_181 = arith.muli %arg0, %mul3A_180 : i32
    %add3A_182 = vector.broadcast %mul3A_181 : i32 to vector<16xi32>
    %add3A_183 = arith.addi %get3A_179, %add3A_182 : vector<16xi32>
    %swap3A_184 = arith.constant 96 : index
    %swap3A_185 = tpu.vector_load %arg12[%swap3A_184] {strides = array<i32>} : memref<112xi32, #tpu.memory_space<vmem>>, vector<16xi32>,
    tpu.vector_store %arg12[%swap3A_184], %add3A_183 {strides = array<i32>} : memref<112xi32, #tpu.memory_space<vmem>>, vector<16xi32>,
    %dma_start3A_186 = arith.constant 0 : i32
    %dma_start3A_187 = arith.constant 0 : i32
    %dma_start3A_188 = tpu.memref_slice %arg4[%dma_start3A_186, %dma_start3A_187] : memref<20480x128xf32, #tpu.memory_space<hbm>> -> memref<20480x128xf32, #tpu.memory_space<hbm>>
    tpu.enqueue_indirect_dma source(%dma_start3A_188 : memref<20480x128xf32, #tpu.memory_space<hbm>>) target(%arg14 : memref<112x128xf32, #tpu.memory_space<vmem>>) offsets(%arg12 : memref<112xi32, #tpu.memory_space<vmem>>) semaphore(%arg16 : memref<!tpu.dma_semaphore, #tpu.memory_space<semaphore_mem>>)
    %scan3A = arith.constant 0 : i32
    %scan3A_189 = arith.constant 30 : i32
    %scan3A_190 = arith.addi %scan3A, %scan3A_189 : i32
    %scan3A_191 = arith.constant 1 : i32
    scf.for %scan3A_199 = %scan3A to %scan3A_190 step %scan3A_191  : i32 {
      %mul3A_200 = arith.constant 3 : i32
      %mul3A_201 = arith.muli %scan3A_199, %mul3A_200 : i32
      %add3A_202 = arith.constant 0 : i32
      %add3A_203 = arith.addi %add3A_202, %mul3A_201 : i32
      %add3A_204 = arith.constant 0 : i32
      %add3A_205 = arith.addi %add3A_203, %add3A_204 : i32
      %dma_wait3A_206 = arith.constant 0 : i32
      %dma_wait3A_207 = arith.constant 0 : i32
      %dma_wait3A_208 = tpu.memref_slice %arg4[%dma_wait3A_206, %dma_wait3A_207] : memref<20480x128xf32, #tpu.memory_space<hbm>> -> memref<20480x128xf32, #tpu.memory_space<hbm>>
      tpu.wait_indirect_dma semaphore(%arg11 : memref<!tpu.dma_semaphore, #tpu.memory_space<semaphore_mem>>) src(%dma_wait3A_208 : memref<20480x128xf32, #tpu.memory_space<hbm>>) dst(%arg9 : memref<112x128xf32, #tpu.memory_space<vmem>>)
      %add3A_209 = arith.constant 2 : i32
      %add3A_210 = arith.addi %add3A_205, %add3A_209 : i32
      %lt3A = arith.constant 90 : i32
      %lt3A_211 = arith.cmpi slt, %add3A_210, %lt3A : i32
      %convert_element_type3A = arith.extui %lt3A_211 : i1 to i32
      %cond3A = arith.constant 0 : i32
      %cond3A_212 = arith.cmpi ne, %convert_element_type3A, %cond3A : i32
      scf.if %cond3A_212 {
        %dma_wait3A_258 = arith.constant 0 : i32
        %dma_wait3A_259 = arith.constant 0 : i32
        %dma_wait3A_260 = tpu.memref_slice %arg2[%arg1, %dma_wait3A_258, %dma_wait3A_259] : memref<16x90x112xi32, #tpu.memory_space<hbm>> -> memref<1x1x112xi32, #tpu.memory_space<hbm>>
        %dma_wait3A_261 = tpu.memref_squeeze %dma_wait3A_260 : memref<1x1x112xi32, #tpu.memory_space<hbm>> -> memref<112xi32, #tpu.memory_space<hbm>>
        %dma_wait3A_262 = arith.constant 0 : i32
        %dma_wait3A_263 = tpu.memref_slice %arg2[%arg1, %dma_wait3A_258, %dma_wait3A_262] : memref<16x90x112xi32, #tpu.memory_space<hbm>> -> memref<1x1x112xi32, #tpu.memory_space<hbm>>
        %dma_wait3A_264 = tpu.memref_squeeze %dma_wait3A_263 : memref<1x1x112xi32, #tpu.memory_space<hbm>> -> memref<112xi32, #tpu.memory_space<hbm>>
        tpu.wait_dma2 semaphore(%arg20 : memref<!tpu.dma_semaphore, #tpu.memory_space<semaphore_mem>>) src(%dma_wait3A_264 : memref<112xi32, #tpu.memory_space<hbm>>) dst(%arg17 : memref<112xi32, #tpu.memory_space<vmem>>)
        %dma_wait3A_265 = arith.constant 0 : i32
        %dma_wait3A_266 = arith.constant 0 : i32
        %dma_wait3A_267 = tpu.memref_slice %arg3[%arg1, %dma_wait3A_265, %dma_wait3A_266] : memref<16x90x112xi32, #tpu.memory_space<hbm>> -> memref<1x1x112xi32, #tpu.memory_space<hbm>>
        %dma_wait3A_268 = tpu.memref_squeeze %dma_wait3A_267 : memref<1x1x112xi32, #tpu.memory_space<hbm>> -> memref<112xi32, #tpu.memory_space<hbm>>
        %dma_wait3A_269 = arith.constant 0 : i32
        %dma_wait3A_270 = tpu.memref_slice %arg3[%arg1, %dma_wait3A_265, %dma_wait3A_269] : memref<16x90x112xi32, #tpu.memory_space<hbm>> -> memref<1x1x112xi32, #tpu.memory_space<hbm>>
        %dma_wait3A_271 = tpu.memref_squeeze %dma_wait3A_270 : memref<1x1x112xi32, #tpu.memory_space<hbm>> -> memref<112xi32, #tpu.memory_space<hbm>>
        tpu.wait_dma2 semaphore(%arg20 : memref<!tpu.dma_semaphore, #tpu.memory_space<semaphore_mem>>) src(%dma_wait3A_271 : memref<112xi32, #tpu.memory_space<hbm>>) dst(%arg18 : memref<112xi32, #tpu.memory_space<vmem>>)
        %get3A_272 = arith.constant 0 : index
        %get3A_273 = tpu.vector_load %arg17[%get3A_272] {strides = array<i32>} : memref<112xi32, #tpu.memory_space<vmem>>, vector<16xi32>,
        %mul3A_274 = arith.constant 10240 : i32
        %mul3A_275 = arith.muli %arg0, %mul3A_274 : i32
        %add3A_276 = vector.broadcast %mul3A_275 : i32 to vector<16xi32>
        %add3A_277 = arith.addi %get3A_273, %add3A_276 : vector<16xi32>
        %swap3A_278 = arith.constant 0 : index
        %swap3A_279 = tpu.vector_load %arg17[%swap3A_278] {strides = array<i32>} : memref<112xi32, #tpu.memory_space<vmem>>, vector<16xi32>,
        tpu.vector_store %arg17[%swap3A_278], %add3A_277 {strides = array<i32>} : memref<112xi32, #tpu.memory_space<vmem>>, vector<16xi32>,
        %get3A_280 = arith.constant 16 : index
        %get3A_281 = tpu.vector_load %arg17[%get3A_280] {strides = array<i32>} : memref<112xi32, #tpu.memory_space<vmem>>, vector<16xi32>,
        %mul3A_282 = arith.constant 10240 : i32
        %mul3A_283 = arith.muli %arg0, %mul3A_282 : i32
        %add3A_284 = vector.broadcast %mul3A_283 : i32 to vector<16xi32>
        %add3A_285 = arith.addi %get3A_281, %add3A_284 : vector<16xi32>
        %swap3A_286 = arith.constant 16 : index
        %swap3A_287 = tpu.vector_load %arg17[%swap3A_286] {strides = array<i32>} : memref<112xi32, #tpu.memory_space<vmem>>, vector<16xi32>,
        tpu.vector_store %arg17[%swap3A_286], %add3A_285 {strides = array<i32>} : memref<112xi32, #tpu.memory_space<vmem>>, vector<16xi32>,
        %get3A_288 = arith.constant 32 : index
        %get3A_289 = tpu.vector_load %arg17[%get3A_288] {strides = array<i32>} : memref<112xi32, #tpu.memory_space<vmem>>, vector<16xi32>,
        %mul3A_290 = arith.constant 10240 : i32
        %mul3A_291 = arith.muli %arg0, %mul3A_290 : i32
        %add3A_292 = vector.broadcast %mul3A_291 : i32 to vector<16xi32>
        %add3A_293 = arith.addi %get3A_289, %add3A_292 : vector<16xi32>
        %swap3A_294 = arith.constant 32 : index
        %swap3A_295 = tpu.vector_load %arg17[%swap3A_294] {strides = array<i32>} : memref<112xi32, #tpu.memory_space<vmem>>, vector<16xi32>,
        tpu.vector_store %arg17[%swap3A_294], %add3A_293 {strides = array<i32>} : memref<112xi32, #tpu.memory_space<vmem>>, vector<16xi32>,
        %get3A_296 = arith.constant 48 : index
        %get3A_297 = tpu.vector_load %arg17[%get3A_296] {strides = array<i32>} : memref<112xi32, #tpu.memory_space<vmem>>, vector<16xi32>,
        %mul3A_298 = arith.constant 10240 : i32
        %mul3A_299 = arith.muli %arg0, %mul3A_298 : i32
        %add3A_300 = vector.broadcast %mul3A_299 : i32 to vector<16xi32>
        %add3A_301 = arith.addi %get3A_297, %add3A_300 : vector<16xi32>
        %swap3A_302 = arith.constant 48 : index
        %swap3A_303 = tpu.vector_load %arg17[%swap3A_302] {strides = array<i32>} : memref<112xi32, #tpu.memory_space<vmem>>, vector<16xi32>,
        tpu.vector_store %arg17[%swap3A_302], %add3A_301 {strides = array<i32>} : memref<112xi32, #tpu.memory_space<vmem>>, vector<16xi32>,
        %get3A_304 = arith.constant 64 : index
        %get3A_305 = tpu.vector_load %arg17[%get3A_304] {strides = array<i32>} : memref<112xi32, #tpu.memory_space<vmem>>, vector<16xi32>,
        %mul3A_306 = arith.constant 10240 : i32
        %mul3A_307 = arith.muli %arg0, %mul3A_306 : i32
        %add3A_308 = vector.broadcast %mul3A_307 : i32 to vector<16xi32>
        %add3A_309 = arith.addi %get3A_305, %add3A_308 : vector<16xi32>
        %swap3A_310 = arith.constant 64 : index
        %swap3A_311 = tpu.vector_load %arg17[%swap3A_310] {strides = array<i32>} : memref<112xi32, #tpu.memory_space<vmem>>, vector<16xi32>,
        tpu.vector_store %arg17[%swap3A_310], %add3A_309 {strides = array<i32>} : memref<112xi32, #tpu.memory_space<vmem>>, vector<16xi32>,
        %get3A_312 = arith.constant 80 : index
        %get3A_313 = tpu.vector_load %arg17[%get3A_312] {strides = array<i32>} : memref<112xi32, #tpu.memory_space<vmem>>, vector<16xi32>,
        %mul3A_314 = arith.constant 10240 : i32
        %mul3A_315 = arith.muli %arg0, %mul3A_314 : i32
        %add3A_316 = vector.broadcast %mul3A_315 : i32 to vector<16xi32>
        %add3A_317 = arith.addi %get3A_313, %add3A_316 : vector<16xi32>
        %swap3A_318 = arith.constant 80 : index
        %swap3A_319 = tpu.vector_load %arg17[%swap3A_318] {strides = array<i32>} : memref<112xi32, #tpu.memory_space<vmem>>, vector<16xi32>,
        tpu.vector_store %arg17[%swap3A_318], %add3A_317 {strides = array<i32>} : memref<112xi32, #tpu.memory_space<vmem>>, vector<16xi32>,
        %get3A_320 = arith.constant 96 : index
        %get3A_321 = tpu.vector_load %arg17[%get3A_320] {strides = array<i32>} : memref<112xi32, #tpu.memory_space<vmem>>, vector<16xi32>,
        %mul3A_322 = arith.constant 10240 : i32
        %mul3A_323 = arith.muli %arg0, %mul3A_322 : i32
        %add3A_324 = vector.broadcast %mul3A_323 : i32 to vector<16xi32>
        %add3A_325 = arith.addi %get3A_321, %add3A_324 : vector<16xi32>
        %swap3A_326 = arith.constant 96 : index
        %swap3A_327 = tpu.vector_load %arg17[%swap3A_326] {strides = array<i32>} : memref<112xi32, #tpu.memory_space<vmem>>, vector<16xi32>,
        tpu.vector_store %arg17[%swap3A_326], %add3A_325 {strides = array<i32>} : memref<112xi32, #tpu.memory_space<vmem>>, vector<16xi32>,
        %dma_start3A_328 = arith.constant 0 : i32
        %dma_start3A_329 = arith.constant 0 : i32
        %dma_start3A_330 = tpu.memref_slice %arg4[%dma_start3A_328, %dma_start3A_329] : memref<20480x128xf32, #tpu.memory_space<hbm>> -> memref<20480x128xf32, #tpu.memory_space<hbm>>
        tpu.enqueue_indirect_dma source(%dma_start3A_330 : memref<20480x128xf32, #tpu.memory_space<hbm>>) target(%arg19 : memref<112x128xf32, #tpu.memory_space<vmem>>) offsets(%arg17 : memref<112xi32, #tpu.memory_space<vmem>>) semaphore(%arg21 : memref<!tpu.dma_semaphore, #tpu.memory_space<semaphore_mem>>)
      } else {
      }
      "tpu.region"() ({
        %run_scoped3A = tpu.sem_alloc : memref<!tpu.dma_semaphore, #tpu.memory_space<semaphore_mem>>
        %dma_start3A_258 = arith.constant 0 : i32
        %dma_start3A_259 = arith.constant 0 : i32
        %dma_start3A_260 = tpu.memref_slice %arg6[%dma_start3A_258, %dma_start3A_259] : memref<10240x128xf32, #tpu.memory_space<vmem_shared>> -> memref<10240x128xf32, #tpu.memory_space<vmem_shared>>
        tpu.enqueue_indirect_dma source(%arg9 : memref<112x128xf32, #tpu.memory_space<vmem>>) target(%dma_start3A_260 : memref<10240x128xf32, #tpu.memory_space<vmem_shared>>) offsets(%arg8 : memref<112xi32, #tpu.memory_space<vmem>>) semaphore(%run_scoped3A : memref<!tpu.dma_semaphore, #tpu.memory_space<semaphore_mem>>) {add = true}
        %dma_wait3A_261 = arith.constant 0 : i32
        %dma_wait3A_262 = arith.constant 0 : i32
        %dma_wait3A_263 = tpu.memref_slice %arg6[%dma_wait3A_261, %dma_wait3A_262] : memref<10240x128xf32, #tpu.memory_space<vmem_shared>> -> memref<10240x128xf32, #tpu.memory_space<vmem_shared>>
        tpu.wait_indirect_dma semaphore(%run_scoped3A : memref<!tpu.dma_semaphore, #tpu.memory_space<semaphore_mem>>) src(%arg9 : memref<112x128xf32, #tpu.memory_space<vmem>>) dst(%dma_wait3A_263 : memref<10240x128xf32, #tpu.memory_space<vmem_shared>>)
        tpu.yield
      }) : () -> ()
      %add3A_213 = arith.constant 3 : i32
      %add3A_214 = arith.addi %add3A_205, %add3A_213 : i32
      %lt3A_215 = arith.constant 90 : i32
      %lt3A_216 = arith.cmpi slt, %add3A_214, %lt3A_215 : i32
      %convert_element_type3A_217 = arith.extui %lt3A_216 : i1 to i32
      %cond3A_218 = arith.constant 0 : i32
      %cond3A_219 = arith.cmpi ne, %convert_element_type3A_217, %cond3A_218 : i32
      scf.if %cond3A_219 {
        %add3A_258 = arith.constant 3 : i32
        %add3A_259 = arith.addi %add3A_205, %add3A_258 : i32
        %dma_start3A_260 = arith.constant 0 : i32
        %dma_start3A_261 = tpu.memref_slice %arg2[%arg1, %add3A_259, %dma_start3A_260] : memref<16x90x112xi32, #tpu.memory_space<hbm>> -> memref<1x1x112xi32, #tpu.memory_space<hbm>>
        %dma_start3A_262 = tpu.memref_squeeze %dma_start3A_261 : memref<1x1x112xi32, #tpu.memory_space<hbm>> -> memref<112xi32, #tpu.memory_space<hbm>>
        %dma_start3A_263 = arith.constant 0 : i32
        %dma_start3A_264 = tpu.memref_slice %arg2[%arg1, %add3A_259, %dma_start3A_263] : memref<16x90x112xi32, #tpu.memory_space<hbm>> -> memref<1x1x112xi32, #tpu.memory_space<hbm>>
        %dma_start3A_265 = tpu.memref_squeeze %dma_start3A_264 : memref<1x1x112xi32, #tpu.memory_space<hbm>> -> memref<112xi32, #tpu.memory_space<hbm>>
        tpu.enqueue_dma source(%dma_start3A_265 : memref<112xi32, #tpu.memory_space<hbm>>) target(%arg7 : memref<112xi32, #tpu.memory_space<vmem>>) target_semaphore(%arg10 : memref<!tpu.dma_semaphore, #tpu.memory_space<semaphore_mem>>)
        %dma_start3A_266 = arith.constant 0 : i32
        %dma_start3A_267 = tpu.memref_slice %arg3[%arg1, %add3A_259, %dma_start3A_266] : memref<16x90x112xi32, #tpu.memory_space<hbm>> -> memref<1x1x112xi32, #tpu.memory_space<hbm>>
        %dma_start3A_268 = tpu.memref_squeeze %dma_start3A_267 : memref<1x1x112xi32, #tpu.memory_space<hbm>> -> memref<112xi32, #tpu.memory_space<hbm>>
        %dma_start3A_269 = arith.constant 0 : i32
        %dma_start3A_270 = tpu.memref_slice %arg3[%arg1, %add3A_259, %dma_start3A_269] : memref<16x90x112xi32, #tpu.memory_space<hbm>> -> memref<1x1x112xi32, #tpu.memory_space<hbm>>
        %dma_start3A_271 = tpu.memref_squeeze %dma_start3A_270 : memref<1x1x112xi32, #tpu.memory_space<hbm>> -> memref<112xi32, #tpu.memory_space<hbm>>
        tpu.enqueue_dma source(%dma_start3A_271 : memref<112xi32, #tpu.memory_space<hbm>>) target(%arg8 : memref<112xi32, #tpu.memory_space<vmem>>) target_semaphore(%arg10 : memref<!tpu.dma_semaphore, #tpu.memory_space<semaphore_mem>>)
      } else {
      }
      %add3A_220 = arith.constant 1 : i32
      %add3A_221 = arith.addi %add3A_203, %add3A_220 : i32
      %dma_wait3A_222 = arith.constant 0 : i32
      %dma_wait3A_223 = arith.constant 0 : i32
      %dma_wait3A_224 = tpu.memref_slice %arg4[%dma_wait3A_222, %dma_wait3A_223] : memref<20480x128xf32, #tpu.memory_space<hbm>> -> memref<20480x128xf32, #tpu.memory_space<hbm>>
      tpu.wait_indirect_dma semaphore(%arg16 : memref<!tpu.dma_semaphore, #tpu.memory_space<semaphore_mem>>) src(%dma_wait3A_224 : memref<20480x128xf32, #tpu.memory_space<hbm>>) dst(%arg14 : memref<112x128xf32, #tpu.memory_space<vmem>>)
      %add3A_225 = arith.constant 2 : i32
      %add3A_226 = arith.addi %add3A_221, %add3A_225 : i32
      %lt3A_227 = arith.constant 90 : i32
      %lt3A_228 = arith.cmpi slt, %add3A_226, %lt3A_227 : i32
      %convert_element_type3A_229 = arith.extui %lt3A_228 : i1 to i32
      %cond3A_230 = arith.constant 0 : i32
      %cond3A_231 = arith.cmpi ne, %convert_element_type3A_229, %cond3A_230 : i32
      scf.if %cond3A_231 {
        %dma_wait3A_258 = arith.constant 0 : i32
        %dma_wait3A_259 = arith.constant 0 : i32
        %dma_wait3A_260 = tpu.memref_slice %arg2[%arg1, %dma_wait3A_258, %dma_wait3A_259] : memref<16x90x112xi32, #tpu.memory_space<hbm>> -> memref<1x1x112xi32, #tpu.memory_space<hbm>>
        %dma_wait3A_261 = tpu.memref_squeeze %dma_wait3A_260 : memref<1x1x112xi32, #tpu.memory_space<hbm>> -> memref<112xi32, #tpu.memory_space<hbm>>
        %dma_wait3A_262 = arith.constant 0 : i32
        %dma_wait3A_263 = tpu.memref_slice %arg2[%arg1, %dma_wait3A_258, %dma_wait3A_262] : memref<16x90x112xi32, #tpu.memory_space<hbm>> -> memref<1x1x112xi32, #tpu.memory_space<hbm>>
        %dma_wait3A_264 = tpu.memref_squeeze %dma_wait3A_263 : memref<1x1x112xi32, #tpu.memory_space<hbm>> -> memref<112xi32, #tpu.memory_space<hbm>>
        tpu.wait_dma2 semaphore(%arg10 : memref<!tpu.dma_semaphore, #tpu.memory_space<semaphore_mem>>) src(%dma_wait3A_264 : memref<112xi32, #tpu.memory_space<hbm>>) dst(%arg7 : memref<112xi32, #tpu.memory_space<vmem>>)
        %dma_wait3A_265 = arith.constant 0 : i32
        %dma_wait3A_266 = arith.constant 0 : i32
        %dma_wait3A_267 = tpu.memref_slice %arg3[%arg1, %dma_wait3A_265, %dma_wait3A_266] : memref<16x90x112xi32, #tpu.memory_space<hbm>> -> memref<1x1x112xi32, #tpu.memory_space<hbm>>
        %dma_wait3A_268 = tpu.memref_squeeze %dma_wait3A_267 : memref<1x1x112xi32, #tpu.memory_space<hbm>> -> memref<112xi32, #tpu.memory_space<hbm>>
        %dma_wait3A_269 = arith.constant 0 : i32
        %dma_wait3A_270 = tpu.memref_slice %arg3[%arg1, %dma_wait3A_265, %dma_wait3A_269] : memref<16x90x112xi32, #tpu.memory_space<hbm>> -> memref<1x1x112xi32, #tpu.memory_space<hbm>>
        %dma_wait3A_271 = tpu.memref_squeeze %dma_wait3A_270 : memref<1x1x112xi32, #tpu.memory_space<hbm>> -> memref<112xi32, #tpu.memory_space<hbm>>
        tpu.wait_dma2 semaphore(%arg10 : memref<!tpu.dma_semaphore, #tpu.memory_space<semaphore_mem>>) src(%dma_wait3A_271 : memref<112xi32, #tpu.memory_space<hbm>>) dst(%arg8 : memref<112xi32, #tpu.memory_space<vmem>>)
        %get3A_272 = arith.constant 0 : index
        %get3A_273 = tpu.vector_load %arg7[%get3A_272] {strides = array<i32>} : memref<112xi32, #tpu.memory_space<vmem>>, vector<16xi32>,
        %mul3A_274 = arith.constant 10240 : i32
        %mul3A_275 = arith.muli %arg0, %mul3A_274 : i32
        %add3A_276 = vector.broadcast %mul3A_275 : i32 to vector<16xi32>
        %add3A_277 = arith.addi %get3A_273, %add3A_276 : vector<16xi32>
        %swap3A_278 = arith.constant 0 : index
        %swap3A_279 = tpu.vector_load %arg7[%swap3A_278] {strides = array<i32>} : memref<112xi32, #tpu.memory_space<vmem>>, vector<16xi32>,
        tpu.vector_store %arg7[%swap3A_278], %add3A_277 {strides = array<i32>} : memref<112xi32, #tpu.memory_space<vmem>>, vector<16xi32>,
        %get3A_280 = arith.constant 16 : index
        %get3A_281 = tpu.vector_load %arg7[%get3A_280] {strides = array<i32>} : memref<112xi32, #tpu.memory_space<vmem>>, vector<16xi32>,
        %mul3A_282 = arith.constant 10240 : i32
        %mul3A_283 = arith.muli %arg0, %mul3A_282 : i32
        %add3A_284 = vector.broadcast %mul3A_283 : i32 to vector<16xi32>
        %add3A_285 = arith.addi %get3A_281, %add3A_284 : vector<16xi32>
        %swap3A_286 = arith.constant 16 : index
        %swap3A_287 = tpu.vector_load %arg7[%swap3A_286] {strides = array<i32>} : memref<112xi32, #tpu.memory_space<vmem>>, vector<16xi32>,
        tpu.vector_store %arg7[%swap3A_286], %add3A_285 {strides = array<i32>} : memref<112xi32, #tpu.memory_space<vmem>>, vector<16xi32>,
        %get3A_288 = arith.constant 32 : index
        %get3A_289 = tpu.vector_load %arg7[%get3A_288] {strides = array<i32>} : memref<112xi32, #tpu.memory_space<vmem>>, vector<16xi32>,
        %mul3A_290 = arith.constant 10240 : i32
        %mul3A_291 = arith.muli %arg0, %mul3A_290 : i32
        %add3A_292 = vector.broadcast %mul3A_291 : i32 to vector<16xi32>
        %add3A_293 = arith.addi %get3A_289, %add3A_292 : vector<16xi32>
        %swap3A_294 = arith.constant 32 : index
        %swap3A_295 = tpu.vector_load %arg7[%swap3A_294] {strides = array<i32>} : memref<112xi32, #tpu.memory_space<vmem>>, vector<16xi32>,
        tpu.vector_store %arg7[%swap3A_294], %add3A_293 {strides = array<i32>} : memref<112xi32, #tpu.memory_space<vmem>>, vector<16xi32>,
        %get3A_296 = arith.constant 48 : index
        %get3A_297 = tpu.vector_load %arg7[%get3A_296] {strides = array<i32>} : memref<112xi32, #tpu.memory_space<vmem>>, vector<16xi32>,
        %mul3A_298 = arith.constant 10240 : i32
        %mul3A_299 = arith.muli %arg0, %mul3A_298 : i32
        %add3A_300 = vector.broadcast %mul3A_299 : i32 to vector<16xi32>
        %add3A_301 = arith.addi %get3A_297, %add3A_300 : vector<16xi32>
        %swap3A_302 = arith.constant 48 : index
        %swap3A_303 = tpu.vector_load %arg7[%swap3A_302] {strides = array<i32>} : memref<112xi32, #tpu.memory_space<vmem>>, vector<16xi32>,
        tpu.vector_store %arg7[%swap3A_302], %add3A_301 {strides = array<i32>} : memref<112xi32, #tpu.memory_space<vmem>>, vector<16xi32>,
        %get3A_304 = arith.constant 64 : index
        %get3A_305 = tpu.vector_load %arg7[%get3A_304] {strides = array<i32>} : memref<112xi32, #tpu.memory_space<vmem>>, vector<16xi32>,
        %mul3A_306 = arith.constant 10240 : i32
        %mul3A_307 = arith.muli %arg0, %mul3A_306 : i32
        %add3A_308 = vector.broadcast %mul3A_307 : i32 to vector<16xi32>
        %add3A_309 = arith.addi %get3A_305, %add3A_308 : vector<16xi32>
        %swap3A_310 = arith.constant 64 : index
        %swap3A_311 = tpu.vector_load %arg7[%swap3A_310] {strides = array<i32>} : memref<112xi32, #tpu.memory_space<vmem>>, vector<16xi32>,
        tpu.vector_store %arg7[%swap3A_310], %add3A_309 {strides = array<i32>} : memref<112xi32, #tpu.memory_space<vmem>>, vector<16xi32>,
        %get3A_312 = arith.constant 80 : index
        %get3A_313 = tpu.vector_load %arg7[%get3A_312] {strides = array<i32>} : memref<112xi32, #tpu.memory_space<vmem>>, vector<16xi32>,
        %mul3A_314 = arith.constant 10240 : i32
        %mul3A_315 = arith.muli %arg0, %mul3A_314 : i32
        %add3A_316 = vector.broadcast %mul3A_315 : i32 to vector<16xi32>
        %add3A_317 = arith.addi %get3A_313, %add3A_316 : vector<16xi32>
        %swap3A_318 = arith.constant 80 : index
        %swap3A_319 = tpu.vector_load %arg7[%swap3A_318] {strides = array<i32>} : memref<112xi32, #tpu.memory_space<vmem>>, vector<16xi32>,
        tpu.vector_store %arg7[%swap3A_318], %add3A_317 {strides = array<i32>} : memref<112xi32, #tpu.memory_space<vmem>>, vector<16xi32>,
        %get3A_320 = arith.constant 96 : index
        %get3A_321 = tpu.vector_load %arg7[%get3A_320] {strides = array<i32>} : memref<112xi32, #tpu.memory_space<vmem>>, vector<16xi32>,
        %mul3A_322 = arith.constant 10240 : i32
        %mul3A_323 = arith.muli %arg0, %mul3A_322 : i32
        %add3A_324 = vector.broadcast %mul3A_323 : i32 to vector<16xi32>
        %add3A_325 = arith.addi %get3A_321, %add3A_324 : vector<16xi32>
        %swap3A_326 = arith.constant 96 : index
        %swap3A_327 = tpu.vector_load %arg7[%swap3A_326] {strides = array<i32>} : memref<112xi32, #tpu.memory_space<vmem>>, vector<16xi32>,
        tpu.vector_store %arg7[%swap3A_326], %add3A_325 {strides = array<i32>} : memref<112xi32, #tpu.memory_space<vmem>>, vector<16xi32>,
        %dma_start3A_328 = arith.constant 0 : i32
        %dma_start3A_329 = arith.constant 0 : i32
        %dma_start3A_330 = tpu.memref_slice %arg4[%dma_start3A_328, %dma_start3A_329] : memref<20480x128xf32, #tpu.memory_space<hbm>> -> memref<20480x128xf32, #tpu.memory_space<hbm>>
        tpu.enqueue_indirect_dma source(%dma_start3A_330 : memref<20480x128xf32, #tpu.memory_space<hbm>>) target(%arg9 : memref<112x128xf32, #tpu.memory_space<vmem>>) offsets(%arg7 : memref<112xi32, #tpu.memory_space<vmem>>) semaphore(%arg11 : memref<!tpu.dma_semaphore, #tpu.memory_space<semaphore_mem>>)
      } else {
      }
      "tpu.region"() ({
        %run_scoped3A = tpu.sem_alloc : memref<!tpu.dma_semaphore, #tpu.memory_space<semaphore_mem>>
        %dma_start3A_258 = arith.constant 0 : i32
        %dma_start3A_259 = arith.constant 0 : i32
        %dma_start3A_260 = tpu.memref_slice %arg6[%dma_start3A_258, %dma_start3A_259] : memref<10240x128xf32, #tpu.memory_space<vmem_shared>> -> memref<10240x128xf32, #tpu.memory_space<vmem_shared>>
        tpu.enqueue_indirect_dma source(%arg14 : memref<112x128xf32, #tpu.memory_space<vmem>>) target(%dma_start3A_260 : memref<10240x128xf32, #tpu.memory_space<vmem_shared>>) offsets(%arg13 : memref<112xi32, #tpu.memory_space<vmem>>) semaphore(%run_scoped3A : memref<!tpu.dma_semaphore, #tpu.memory_space<semaphore_mem>>) {add = true}
        %dma_wait3A_261 = arith.constant 0 : i32
        %dma_wait3A_262 = arith.constant 0 : i32
        %dma_wait3A_263 = tpu.memref_slice %arg6[%dma_wait3A_261, %dma_wait3A_262] : memref<10240x128xf32, #tpu.memory_space<vmem_shared>> -> memref<10240x128xf32, #tpu.memory_space<vmem_shared>>
        tpu.wait_indirect_dma semaphore(%run_scoped3A : memref<!tpu.dma_semaphore, #tpu.memory_space<semaphore_mem>>) src(%arg14 : memref<112x128xf32, #tpu.memory_space<vmem>>) dst(%dma_wait3A_263 : memref<10240x128xf32, #tpu.memory_space<vmem_shared>>)
        tpu.yield
      }) : () -> ()
      %add3A_232 = arith.constant 3 : i32
      %add3A_233 = arith.addi %add3A_221, %add3A_232 : i32
      %lt3A_234 = arith.constant 90 : i32
      %lt3A_235 = arith.cmpi slt, %add3A_233, %lt3A_234 : i32
      %convert_element_type3A_236 = arith.extui %lt3A_235 : i1 to i32
      %cond3A_237 = arith.constant 0 : i32
      %cond3A_238 = arith.cmpi ne, %convert_element_type3A_236, %cond3A_237 : i32
      scf.if %cond3A_238 {
        %add3A_258 = arith.constant 3 : i32
        %add3A_259 = arith.addi %add3A_221, %add3A_258 : i32
        %dma_start3A_260 = arith.constant 0 : i32
        %dma_start3A_261 = tpu.memref_slice %arg2[%arg1, %add3A_259, %dma_start3A_260] : memref<16x90x112xi32, #tpu.memory_space<hbm>> -> memref<1x1x112xi32, #tpu.memory_space<hbm>>
        %dma_start3A_262 = tpu.memref_squeeze %dma_start3A_261 : memref<1x1x112xi32, #tpu.memory_space<hbm>> -> memref<112xi32, #tpu.memory_space<hbm>>
        %dma_start3A_263 = arith.constant 0 : i32
        %dma_start3A_264 = tpu.memref_slice %arg2[%arg1, %add3A_259, %dma_start3A_263] : memref<16x90x112xi32, #tpu.memory_space<hbm>> -> memref<1x1x112xi32, #tpu.memory_space<hbm>>
        %dma_start3A_265 = tpu.memref_squeeze %dma_start3A_264 : memref<1x1x112xi32, #tpu.memory_space<hbm>> -> memref<112xi32, #tpu.memory_space<hbm>>
        tpu.enqueue_dma source(%dma_start3A_265 : memref<112xi32, #tpu.memory_space<hbm>>) target(%arg12 : memref<112xi32, #tpu.memory_space<vmem>>) target_semaphore(%arg15 : memref<!tpu.dma_semaphore, #tpu.memory_space<semaphore_mem>>)
        %dma_start3A_266 = arith.constant 0 : i32
        %dma_start3A_267 = tpu.memref_slice %arg3[%arg1, %add3A_259, %dma_start3A_266] : memref<16x90x112xi32, #tpu.memory_space<hbm>> -> memref<1x1x112xi32, #tpu.memory_space<hbm>>
        %dma_start3A_268 = tpu.memref_squeeze %dma_start3A_267 : memref<1x1x112xi32, #tpu.memory_space<hbm>> -> memref<112xi32, #tpu.memory_space<hbm>>
        %dma_start3A_269 = arith.constant 0 : i32
        %dma_start3A_270 = tpu.memref_slice %arg3[%arg1, %add3A_259, %dma_start3A_269] : memref<16x90x112xi32, #tpu.memory_space<hbm>> -> memref<1x1x112xi32, #tpu.memory_space<hbm>>
        %dma_start3A_271 = tpu.memref_squeeze %dma_start3A_270 : memref<1x1x112xi32, #tpu.memory_space<hbm>> -> memref<112xi32, #tpu.memory_space<hbm>>
        tpu.enqueue_dma source(%dma_start3A_271 : memref<112xi32, #tpu.memory_space<hbm>>) target(%arg13 : memref<112xi32, #tpu.memory_space<vmem>>) target_semaphore(%arg15 : memref<!tpu.dma_semaphore, #tpu.memory_space<semaphore_mem>>)
      } else {
      }
      %add3A_239 = arith.constant 2 : i32
      %add3A_240 = arith.addi %add3A_203, %add3A_239 : i32
      %dma_wait3A_241 = arith.constant 0 : i32
      %dma_wait3A_242 = arith.constant 0 : i32
      %dma_wait3A_243 = tpu.memref_slice %arg4[%dma_wait3A_241, %dma_wait3A_242] : memref<20480x128xf32, #tpu.memory_space<hbm>> -> memref<20480x128xf32, #tpu.memory_space<hbm>>
      tpu.wait_indirect_dma semaphore(%arg21 : memref<!tpu.dma_semaphore, #tpu.memory_space<semaphore_mem>>) src(%dma_wait3A_243 : memref<20480x128xf32, #tpu.memory_space<hbm>>) dst(%arg19 : memref<112x128xf32, #tpu.memory_space<vmem>>)
      %add3A_244 = arith.constant 2 : i32
      %add3A_245 = arith.addi %add3A_240, %add3A_244 : i32
      %lt3A_246 = arith.constant 90 : i32
      %lt3A_247 = arith.cmpi slt, %add3A_245, %lt3A_246 : i32
      %convert_element_type3A_248 = arith.extui %lt3A_247 : i1 to i32
      %cond3A_249 = arith.constant 0 : i32
      %cond3A_250 = arith.cmpi ne, %convert_element_type3A_248, %cond3A_249 : i32
      scf.if %cond3A_250 {
        %dma_wait3A_258 = arith.constant 0 : i32
        %dma_wait3A_259 = arith.constant 0 : i32
        %dma_wait3A_260 = tpu.memref_slice %arg2[%arg1, %dma_wait3A_258, %dma_wait3A_259] : memref<16x90x112xi32, #tpu.memory_space<hbm>> -> memref<1x1x112xi32, #tpu.memory_space<hbm>>
        %dma_wait3A_261 = tpu.memref_squeeze %dma_wait3A_260 : memref<1x1x112xi32, #tpu.memory_space<hbm>> -> memref<112xi32, #tpu.memory_space<hbm>>
        %dma_wait3A_262 = arith.constant 0 : i32
        %dma_wait3A_263 = tpu.memref_slice %arg2[%arg1, %dma_wait3A_258, %dma_wait3A_262] : memref<16x90x112xi32, #tpu.memory_space<hbm>> -> memref<1x1x112xi32, #tpu.memory_space<hbm>>
        %dma_wait3A_264 = tpu.memref_squeeze %dma_wait3A_263 : memref<1x1x112xi32, #tpu.memory_space<hbm>> -> memref<112xi32, #tpu.memory_space<hbm>>
        tpu.wait_dma2 semaphore(%arg15 : memref<!tpu.dma_semaphore, #tpu.memory_space<semaphore_mem>>) src(%dma_wait3A_264 : memref<112xi32, #tpu.memory_space<hbm>>) dst(%arg12 : memref<112xi32, #tpu.memory_space<vmem>>)
        %dma_wait3A_265 = arith.constant 0 : i32
        %dma_wait3A_266 = arith.constant 0 : i32
        %dma_wait3A_267 = tpu.memref_slice %arg3[%arg1, %dma_wait3A_265, %dma_wait3A_266] : memref<16x90x112xi32, #tpu.memory_space<hbm>> -> memref<1x1x112xi32, #tpu.memory_space<hbm>>
        %dma_wait3A_268 = tpu.memref_squeeze %dma_wait3A_267 : memref<1x1x112xi32, #tpu.memory_space<hbm>> -> memref<112xi32, #tpu.memory_space<hbm>>
        %dma_wait3A_269 = arith.constant 0 : i32
        %dma_wait3A_270 = tpu.memref_slice %arg3[%arg1, %dma_wait3A_265, %dma_wait3A_269] : memref<16x90x112xi32, #tpu.memory_space<hbm>> -> memref<1x1x112xi32, #tpu.memory_space<hbm>>
        %dma_wait3A_271 = tpu.memref_squeeze %dma_wait3A_270 : memref<1x1x112xi32, #tpu.memory_space<hbm>> -> memref<112xi32, #tpu.memory_space<hbm>>
        tpu.wait_dma2 semaphore(%arg15 : memref<!tpu.dma_semaphore, #tpu.memory_space<semaphore_mem>>) src(%dma_wait3A_271 : memref<112xi32, #tpu.memory_space<hbm>>) dst(%arg13 : memref<112xi32, #tpu.memory_space<vmem>>)
        %get3A_272 = arith.constant 0 : index
        %get3A_273 = tpu.vector_load %arg12[%get3A_272] {strides = array<i32>} : memref<112xi32, #tpu.memory_space<vmem>>, vector<16xi32>,
        %mul3A_274 = arith.constant 10240 : i32
        %mul3A_275 = arith.muli %arg0, %mul3A_274 : i32
        %add3A_276 = vector.broadcast %mul3A_275 : i32 to vector<16xi32>
        %add3A_277 = arith.addi %get3A_273, %add3A_276 : vector<16xi32>
        %swap3A_278 = arith.constant 0 : index
        %swap3A_279 = tpu.vector_load %arg12[%swap3A_278] {strides = array<i32>} : memref<112xi32, #tpu.memory_space<vmem>>, vector<16xi32>,
        tpu.vector_store %arg12[%swap3A_278], %add3A_277 {strides = array<i32>} : memref<112xi32, #tpu.memory_space<vmem>>, vector<16xi32>,
        %get3A_280 = arith.constant 16 : index
        %get3A_281 = tpu.vector_load %arg12[%get3A_280] {strides = array<i32>} : memref<112xi32, #tpu.memory_space<vmem>>, vector<16xi32>,
        %mul3A_282 = arith.constant 10240 : i32
        %mul3A_283 = arith.muli %arg0, %mul3A_282 : i32
        %add3A_284 = vector.broadcast %mul3A_283 : i32 to vector<16xi32>
        %add3A_285 = arith.addi %get3A_281, %add3A_284 : vector<16xi32>
        %swap3A_286 = arith.constant 16 : index
        %swap3A_287 = tpu.vector_load %arg12[%swap3A_286] {strides = array<i32>} : memref<112xi32, #tpu.memory_space<vmem>>, vector<16xi32>,
        tpu.vector_store %arg12[%swap3A_286], %add3A_285 {strides = array<i32>} : memref<112xi32, #tpu.memory_space<vmem>>, vector<16xi32>,
        %get3A_288 = arith.constant 32 : index
        %get3A_289 = tpu.vector_load %arg12[%get3A_288] {strides = array<i32>} : memref<112xi32, #tpu.memory_space<vmem>>, vector<16xi32>,
        %mul3A_290 = arith.constant 10240 : i32
        %mul3A_291 = arith.muli %arg0, %mul3A_290 : i32
        %add3A_292 = vector.broadcast %mul3A_291 : i32 to vector<16xi32>
        %add3A_293 = arith.addi %get3A_289, %add3A_292 : vector<16xi32>
        %swap3A_294 = arith.constant 32 : index
        %swap3A_295 = tpu.vector_load %arg12[%swap3A_294] {strides = array<i32>} : memref<112xi32, #tpu.memory_space<vmem>>, vector<16xi32>,
        tpu.vector_store %arg12[%swap3A_294], %add3A_293 {strides = array<i32>} : memref<112xi32, #tpu.memory_space<vmem>>, vector<16xi32>,
        %get3A_296 = arith.constant 48 : index
        %get3A_297 = tpu.vector_load %arg12[%get3A_296] {strides = array<i32>} : memref<112xi32, #tpu.memory_space<vmem>>, vector<16xi32>,
        %mul3A_298 = arith.constant 10240 : i32
        %mul3A_299 = arith.muli %arg0, %mul3A_298 : i32
        %add3A_300 = vector.broadcast %mul3A_299 : i32 to vector<16xi32>
        %add3A_301 = arith.addi %get3A_297, %add3A_300 : vector<16xi32>
        %swap3A_302 = arith.constant 48 : index
        %swap3A_303 = tpu.vector_load %arg12[%swap3A_302] {strides = array<i32>} : memref<112xi32, #tpu.memory_space<vmem>>, vector<16xi32>,
        tpu.vector_store %arg12[%swap3A_302], %add3A_301 {strides = array<i32>} : memref<112xi32, #tpu.memory_space<vmem>>, vector<16xi32>,
        %get3A_304 = arith.constant 64 : index
        %get3A_305 = tpu.vector_load %arg12[%get3A_304] {strides = array<i32>} : memref<112xi32, #tpu.memory_space<vmem>>, vector<16xi32>,
        %mul3A_306 = arith.constant 10240 : i32
        %mul3A_307 = arith.muli %arg0, %mul3A_306 : i32
        %add3A_308 = vector.broadcast %mul3A_307 : i32 to vector<16xi32>
        %add3A_309 = arith.addi %get3A_305, %add3A_308 : vector<16xi32>
        %swap3A_310 = arith.constant 64 : index
        %swap3A_311 = tpu.vector_load %arg12[%swap3A_310] {strides = array<i32>} : memref<112xi32, #tpu.memory_space<vmem>>, vector<16xi32>,
        tpu.vector_store %arg12[%swap3A_310], %add3A_309 {strides = array<i32>} : memref<112xi32, #tpu.memory_space<vmem>>, vector<16xi32>,
        %get3A_312 = arith.constant 80 : index
        %get3A_313 = tpu.vector_load %arg12[%get3A_312] {strides = array<i32>} : memref<112xi32, #tpu.memory_space<vmem>>, vector<16xi32>,
        %mul3A_314 = arith.constant 10240 : i32
        %mul3A_315 = arith.muli %arg0, %mul3A_314 : i32
        %add3A_316 = vector.broadcast %mul3A_315 : i32 to vector<16xi32>
        %add3A_317 = arith.addi %get3A_313, %add3A_316 : vector<16xi32>
        %swap3A_318 = arith.constant 80 : index
        %swap3A_319 = tpu.vector_load %arg12[%swap3A_318] {strides = array<i32>} : memref<112xi32, #tpu.memory_space<vmem>>, vector<16xi32>,
        tpu.vector_store %arg12[%swap3A_318], %add3A_317 {strides = array<i32>} : memref<112xi32, #tpu.memory_space<vmem>>, vector<16xi32>,
        %get3A_320 = arith.constant 96 : index
        %get3A_321 = tpu.vector_load %arg12[%get3A_320] {strides = array<i32>} : memref<112xi32, #tpu.memory_space<vmem>>, vector<16xi32>,
        %mul3A_322 = arith.constant 10240 : i32
        %mul3A_323 = arith.muli %arg0, %mul3A_322 : i32
        %add3A_324 = vector.broadcast %mul3A_323 : i32 to vector<16xi32>
        %add3A_325 = arith.addi %get3A_321, %add3A_324 : vector<16xi32>
        %swap3A_326 = arith.constant 96 : index
        %swap3A_327 = tpu.vector_load %arg12[%swap3A_326] {strides = array<i32>} : memref<112xi32, #tpu.memory_space<vmem>>, vector<16xi32>,
        tpu.vector_store %arg12[%swap3A_326], %add3A_325 {strides = array<i32>} : memref<112xi32, #tpu.memory_space<vmem>>, vector<16xi32>,
        %dma_start3A_328 = arith.constant 0 : i32
        %dma_start3A_329 = arith.constant 0 : i32
        %dma_start3A_330 = tpu.memref_slice %arg4[%dma_start3A_328, %dma_start3A_329] : memref<20480x128xf32, #tpu.memory_space<hbm>> -> memref<20480x128xf32, #tpu.memory_space<hbm>>
        tpu.enqueue_indirect_dma source(%dma_start3A_330 : memref<20480x128xf32, #tpu.memory_space<hbm>>) target(%arg14 : memref<112x128xf32, #tpu.memory_space<vmem>>) offsets(%arg12 : memref<112xi32, #tpu.memory_space<vmem>>) semaphore(%arg16 : memref<!tpu.dma_semaphore, #tpu.memory_space<semaphore_mem>>)
      } else {
      }
      "tpu.region"() ({
        %run_scoped3A = tpu.sem_alloc : memref<!tpu.dma_semaphore, #tpu.memory_space<semaphore_mem>>
        %dma_start3A_258 = arith.constant 0 : i32
        %dma_start3A_259 = arith.constant 0 : i32
        %dma_start3A_260 = tpu.memref_slice %arg6[%dma_start3A_258, %dma_start3A_259] : memref<10240x128xf32, #tpu.memory_space<vmem_shared>> -> memref<10240x128xf32, #tpu.memory_space<vmem_shared>>
        tpu.enqueue_indirect_dma source(%arg19 : memref<112x128xf32, #tpu.memory_space<vmem>>) target(%dma_start3A_260 : memref<10240x128xf32, #tpu.memory_space<vmem_shared>>) offsets(%arg18 : memref<112xi32, #tpu.memory_space<vmem>>) semaphore(%run_scoped3A : memref<!tpu.dma_semaphore, #tpu.memory_space<semaphore_mem>>) {add = true}
        %dma_wait3A_261 = arith.constant 0 : i32
        %dma_wait3A_262 = arith.constant 0 : i32
        %dma_wait3A_263 = tpu.memref_slice %arg6[%dma_wait3A_261, %dma_wait3A_262] : memref<10240x128xf32, #tpu.memory_space<vmem_shared>> -> memref<10240x128xf32, #tpu.memory_space<vmem_shared>>
        tpu.wait_indirect_dma semaphore(%run_scoped3A : memref<!tpu.dma_semaphore, #tpu.memory_space<semaphore_mem>>) src(%arg19 : memref<112x128xf32, #tpu.memory_space<vmem>>) dst(%dma_wait3A_263 : memref<10240x128xf32, #tpu.memory_space<vmem_shared>>)
        tpu.yield
      }) : () -> ()
      %add3A_251 = arith.constant 3 : i32
      %add3A_252 = arith.addi %add3A_240, %add3A_251 : i32
      %lt3A_253 = arith.constant 90 : i32
      %lt3A_254 = arith.cmpi slt, %add3A_252, %lt3A_253 : i32
      %convert_element_type3A_255 = arith.extui %lt3A_254 : i1 to i32
      %cond3A_256 = arith.constant 0 : i32
      %cond3A_257 = arith.cmpi ne, %convert_element_type3A_255, %cond3A_256 : i32
      scf.if %cond3A_257 {
        %add3A_258 = arith.constant 3 : i32
        %add3A_259 = arith.addi %add3A_240, %add3A_258 : i32
        %dma_start3A_260 = arith.constant 0 : i32
        %dma_start3A_261 = tpu.memref_slice %arg2[%arg1, %add3A_259, %dma_start3A_260] : memref<16x90x112xi32, #tpu.memory_space<hbm>> -> memref<1x1x112xi32, #tpu.memory_space<hbm>>
        %dma_start3A_262 = tpu.memref_squeeze %dma_start3A_261 : memref<1x1x112xi32, #tpu.memory_space<hbm>> -> memref<112xi32, #tpu.memory_space<hbm>>
        %dma_start3A_263 = arith.constant 0 : i32
        %dma_start3A_264 = tpu.memref_slice %arg2[%arg1, %add3A_259, %dma_start3A_263] : memref<16x90x112xi32, #tpu.memory_space<hbm>> -> memref<1x1x112xi32, #tpu.memory_space<hbm>>
        %dma_start3A_265 = tpu.memref_squeeze %dma_start3A_264 : memref<1x1x112xi32, #tpu.memory_space<hbm>> -> memref<112xi32, #tpu.memory_space<hbm>>
        tpu.enqueue_dma source(%dma_start3A_265 : memref<112xi32, #tpu.memory_space<hbm>>) target(%arg17 : memref<112xi32, #tpu.memory_space<vmem>>) target_semaphore(%arg20 : memref<!tpu.dma_semaphore, #tpu.memory_space<semaphore_mem>>)
        %dma_start3A_266 = arith.constant 0 : i32
        %dma_start3A_267 = tpu.memref_slice %arg3[%arg1, %add3A_259, %dma_start3A_266] : memref<16x90x112xi32, #tpu.memory_space<hbm>> -> memref<1x1x112xi32, #tpu.memory_space<hbm>>
        %dma_start3A_268 = tpu.memref_squeeze %dma_start3A_267 : memref<1x1x112xi32, #tpu.memory_space<hbm>> -> memref<112xi32, #tpu.memory_space<hbm>>
        %dma_start3A_269 = arith.constant 0 : i32
        %dma_start3A_270 = tpu.memref_slice %arg3[%arg1, %add3A_259, %dma_start3A_269] : memref<16x90x112xi32, #tpu.memory_space<hbm>> -> memref<1x1x112xi32, #tpu.memory_space<hbm>>
        %dma_start3A_271 = tpu.memref_squeeze %dma_start3A_270 : memref<1x1x112xi32, #tpu.memory_space<hbm>> -> memref<112xi32, #tpu.memory_space<hbm>>
        tpu.enqueue_dma source(%dma_start3A_271 : memref<112xi32, #tpu.memory_space<hbm>>) target(%arg18 : memref<112xi32, #tpu.memory_space<vmem>>) target_semaphore(%arg20 : memref<!tpu.dma_semaphore, #tpu.memory_space<semaphore_mem>>)
      } else {
      }
    }
    %scan3A_192 = arith.constant 30 : i32
    %barrier3A_193 = arith.constant 0 : index
    tpu.barrier barrier_id(%barrier3A_193)
    %mul3A_194 = arith.constant 10240 : i32
    %mul3A_195 = arith.muli %arg0, %mul3A_194 : i32
    %mul3A_196 = arith.constant 640 : i32
    %mul3A_197 = arith.muli %arg1, %mul3A_196 : i32
    %add3A_198 = arith.addi %mul3A_195, %mul3A_197 : i32
    "tpu.region"() ({
      %run_scoped3A = tpu.sem_alloc : memref<!tpu.dma_semaphore, #tpu.memory_space<semaphore_mem>>
      %dma_start3A_199 = arith.constant 0 : i32
      %dma_start3A_200 = tpu.memref_slice %arg5[%add3A_198, %dma_start3A_199] : memref<20480x128xf32, #tpu.memory_space<hbm>> -> memref<640x128xf32, #tpu.memory_space<hbm>>
      %dma_start3A_201 = arith.constant 0 : i32
      %dma_start3A_202 = tpu.memref_slice %arg6[%mul3A_0, %dma_start3A_201] : memref<10240x128xf32, #tpu.memory_space<vmem_shared>> -> memref<640x128xf32, #tpu.memory_space<vmem_shared>>
      tpu.enqueue_dma source(%dma_start3A_202 : memref<640x128xf32, #tpu.memory_space<vmem_shared>>) target(%dma_start3A_200 : memref<640x128xf32, #tpu.memory_space<hbm>>) target_semaphore(%run_scoped3A : memref<!tpu.dma_semaphore, #tpu.memory_space<semaphore_mem>>)
      %dma_wait3A_203 = arith.constant 0 : i32
      %dma_wait3A_204 = tpu.memref_slice %arg5[%add3A_198, %dma_wait3A_203] : memref<20480x128xf32, #tpu.memory_space<hbm>> -> memref<640x128xf32, #tpu.memory_space<hbm>>
      %dma_wait3A_205 = arith.constant 0 : i32
      %dma_wait3A_206 = tpu.memref_slice %arg6[%mul3A_0, %dma_wait3A_205] : memref<10240x128xf32, #tpu.memory_space<vmem_shared>> -> memref<640x128xf32, #tpu.memory_space<vmem_shared>>
      tpu.wait_dma2 semaphore(%run_scoped3A : memref<!tpu.dma_semaphore, #tpu.memory_space<semaphore_mem>>) src(%dma_wait3A_206 : memref<640x128xf32, #tpu.memory_space<vmem_shared>>) dst(%dma_wait3A_204 : memref<640x128xf32, #tpu.memory_space<hbm>>)
      tpu.yield
    }) : () -> ()
    return
  }
}

module attributes {stable_mosaic.version = 14 : i64} {
  func.func @_tc1_body(%arg0: i32, %arg1: i32, %arg2: memref<1024x256xf32, #tpu.memory_space<vmem>>, %arg3: memref<256x256xbf16, #tpu.memory_space<vmem>>, %arg4: memref<256x256xf32, #tpu.memory_space<vmem>>, %arg5: memref<256x1xf32, #tpu.memory_space<vmem>>, %arg6: memref<256x1xf32, #tpu.memory_space<vmem>>, %arg7: memref<1024x128xf32, #tpu.memory_space<vmem>>, %arg8: memref<1024xf32, #tpu.memory_space<vmem>>, %arg9: memref<1024xf32, #tpu.memory_space<vmem>>) attributes {dimension_semantics = [#tpu.dimension_semantics<arbitrary>, #tpu.dimension_semantics<arbitrary>], iteration_bounds = array<i64: 10, 2>, scalar_prefetch = 0 : i64, scratch_operands = 0 : i64, tpu.core_type = #tpu.core_type<tc>, window_params = [{transform_indices = @transform_0, window_bounds = array<i64: 1024, 256>}, {pipeline_mode = #tpu.pipeline_mode<synchronous>, transform_indices = @transform_1, window_bounds = array<i64: 256, 256>}, {pipeline_mode = #tpu.pipeline_mode<synchronous>, transform_indices = @transform_2, window_bounds = array<i64: 256, 256>}, {pipeline_mode = #tpu.pipeline_mode<synchronous>, transform_indices = @transform_3, window_bounds = array<i64: 256, 1>}, {pipeline_mode = #tpu.pipeline_mode<synchronous>, transform_indices = @transform_4, window_bounds = array<i64: 256, 1>}, {transform_indices = @transform_5, window_bounds = array<i64: 1024, 128>}, {transform_indices = @transform_6, window_bounds = array<i64: 1024>}, {transform_indices = @transform_7, window_bounds = array<i64: 1024>}]} {
    %get3A = arith.constant 0 : index
    %get3A_0 = arith.constant 0 : index
    %get3A_1 = vector.load %arg2[%get3A, %get3A_0] : memref<1024x256xf32, #tpu.memory_space<vmem>>, vector<1024x256xf32>
    %mul3A = arith.constant 128 : i32
    %mul3A_2 = arith.muli %arg1, %mul3A : i32
    %get3A_3 = arith.constant 0 : index
    %get3A_4 = arith.index_cast %mul3A_2 : i32 to index
    %get3A_5 = vector.load %arg3[%get3A_3, %get3A_4] : memref<256x256xbf16, #tpu.memory_space<vmem>>, vector<256x128xbf16>
    %convert_element_type3A = arith.truncf %get3A_1 : vector<1024x256xf32> to vector<1024x256xbf16>
    %dot_general3A = arith.constant dense<0.000000e+00> : vector<1024x128xf32>
    %dot_general3A_6 = tpu.matmul %convert_element_type3A, %get3A_5, %dot_general3A {dimension_numbers = #tpu.dot_dimension_numbers<[1], [0], [0], [1], [0, 0, 1, 1], [], []>, transpose_lhs_hint = false} : vector<1024x256xbf16>, vector<256x128xbf16>, vector<1024x128xf32> -> vector<1024x128xf32>
    %swap3A = arith.constant 0 : index
    %swap3A_7 = arith.constant 0 : index
    %swap3A_8 = vector.load %arg7[%swap3A, %swap3A_7] : memref<1024x128xf32, #tpu.memory_space<vmem>>, vector<1024x128xf32>
    tpu.vector_store %arg7[%swap3A, %swap3A_7], %dot_general3A_6 {strides = array<i32>} : memref<1024x128xf32, #tpu.memory_space<vmem>>, vector<1024x128xf32>,
    %eq3A = arith.constant 0 : i32
    %eq3A_9 = arith.cmpi eq, %arg1, %eq3A : i32
    %convert_element_type3A_10 = arith.extui %eq3A_9 : i1 to i32
    %cond3A = arith.constant 0 : i32
    %cond3A_11 = arith.cmpi ne, %convert_element_type3A_10, %cond3A : i32
    scf.if %cond3A_11 {
      %get3A_12 = arith.constant 0 : index
      %get3A_13 = arith.constant 0 : index
      %get3A_14 = vector.load %arg4[%get3A_12, %get3A_13] : memref<256x256xf32, #tpu.memory_space<vmem>>, vector<256x256xf32>
      %get3A_15 = arith.constant 0 : index
      %get3A_16 = arith.constant 0 : index
      %get3A_17 = vector.load %arg5[%get3A_15, %get3A_16] : memref<256x1xf32, #tpu.memory_space<vmem>>, vector<256x1xf32>
      %dot_general3A_18 = arith.constant dense<0.000000e+00> : vector<256x1xf32>
      %dot_general3A_19 = tpu.matmul %get3A_14, %get3A_17, %dot_general3A_18 {dimension_numbers = #tpu.dot_dimension_numbers<[1], [0], [0], [1], [0, 0, 1, 1], [], []>, transpose_lhs_hint = false} : vector<256x256xf32>, vector<256x1xf32>, vector<256x1xf32> -> vector<256x1xf32>
      %get3A_20 = arith.constant 0 : index
      %get3A_21 = arith.constant 0 : index
      %get3A_22 = vector.load %arg6[%get3A_20, %get3A_21] : memref<256x1xf32, #tpu.memory_space<vmem>>, vector<256x1xf32>
      %dot_general3A_23 = arith.constant dense<0.000000e+00> : vector<256x1xf32>
      %dot_general3A_24 = tpu.matmul %get3A_14, %get3A_22, %dot_general3A_23 {dimension_numbers = #tpu.dot_dimension_numbers<[1], [0], [0], [1], [0, 0, 1, 1], [], []>, transpose_lhs_hint = false} : vector<256x256xf32>, vector<256x1xf32>, vector<256x1xf32> -> vector<256x1xf32>
      %reshape3A = vector.shape_cast %dot_general3A_19 : vector<256x1xf32> to vector<1x256xf32>
      %mul3A_25 = vector.broadcast %reshape3A : vector<1x256xf32> to vector<1024x256xf32>
      %mul3A_26 = arith.mulf %get3A_1, %mul3A_25 : vector<1024x256xf32>
      %reduce_sum3A = arith.constant dense<0.000000e+00> : vector<1024xf32>
      %reduce_sum3A_27 = vector.multi_reduction <add>, %mul3A_26, %reduce_sum3A [1] : vector<1024x256xf32> to vector<1024xf32>
      %swap3A_28 = arith.constant 0 : index
      %swap3A_29 = vector.load %arg8[%swap3A_28] : memref<1024xf32, #tpu.memory_space<vmem>>, vector<1024xf32>
      tpu.vector_store %arg8[%swap3A_28], %reduce_sum3A_27 {strides = array<i32>} : memref<1024xf32, #tpu.memory_space<vmem>>, vector<1024xf32>,
      %reshape3A_30 = vector.shape_cast %dot_general3A_24 : vector<256x1xf32> to vector<1x256xf32>
      %mul3A_31 = vector.broadcast %reshape3A_30 : vector<1x256xf32> to vector<1024x256xf32>
      %mul3A_32 = arith.mulf %get3A_1, %mul3A_31 : vector<1024x256xf32>
      %reduce_sum3A_33 = arith.constant dense<0.000000e+00> : vector<1024xf32>
      %reduce_sum3A_34 = vector.multi_reduction <add>, %mul3A_32, %reduce_sum3A_33 [1] : vector<1024x256xf32> to vector<1024xf32>
      %swap3A_35 = arith.constant 0 : index
      %swap3A_36 = vector.load %arg9[%swap3A_35] : memref<1024xf32, #tpu.memory_space<vmem>>, vector<1024xf32>
      tpu.vector_store %arg9[%swap3A_35], %reduce_sum3A_34 {strides = array<i32>} : memref<1024xf32, #tpu.memory_space<vmem>>, vector<1024xf32>,
    } else {
    }
    return
  }
  func.func @transform_0(%arg0: i32, %arg1: i32) -> (i32, i32) {
    %c0_i32 = arith.constant 0 : i32
    %c0_i32_0 = arith.constant 0 : i32
    return %arg0, %c0_i32 : i32, i32
  }
  func.func @transform_1(%arg0: i32, %arg1: i32) -> (i32, i32) {
    %c0_i32 = arith.constant 0 : i32
    %c0_i32_0 = arith.constant 0 : i32
    %c0_i32_1 = arith.constant 0 : i32
    return %c0_i32, %c0_i32_0 : i32, i32
  }
  func.func @transform_2(%arg0: i32, %arg1: i32) -> (i32, i32) {
    %c0_i32 = arith.constant 0 : i32
    %c0_i32_0 = arith.constant 0 : i32
    %c0_i32_1 = arith.constant 0 : i32
    return %c0_i32, %c0_i32_0 : i32, i32
  }
  func.func @transform_3(%arg0: i32, %arg1: i32) -> (i32, i32) {
    %c0_i32 = arith.constant 0 : i32
    %c0_i32_0 = arith.constant 0 : i32
    %c0_i32_1 = arith.constant 0 : i32
    return %c0_i32, %c0_i32_0 : i32, i32
  }
  func.func @transform_4(%arg0: i32, %arg1: i32) -> (i32, i32) {
    %c0_i32 = arith.constant 0 : i32
    %c0_i32_0 = arith.constant 0 : i32
    %c0_i32_1 = arith.constant 0 : i32
    return %c0_i32, %c0_i32_0 : i32, i32
  }
  func.func @transform_5(%arg0: i32, %arg1: i32) -> (i32, i32) {
    %mul3A = arith.constant 10 : i32
    %mul3A_0 = arith.muli %arg1, %mul3A : i32
    %add3A = arith.addi %arg0, %mul3A_0 : i32
    %c0_i32 = arith.constant 0 : i32
    %c0_i32_1 = arith.constant 0 : i32
    return %add3A, %c0_i32 : i32, i32
  }
  func.func @transform_6(%arg0: i32, %arg1: i32) -> i32 {
    %c0_i32 = arith.constant 0 : i32
    return %arg0 : i32
  }
  func.func @transform_7(%arg0: i32, %arg1: i32) -> i32 {
    %c0_i32 = arith.constant 0 : i32
    return %arg0 : i32
  }
}

module attributes {stable_mosaic.version = 14 : i64} {
  func.func @body(%arg0: i32, %arg1: i32, %arg2: memref<1024x128xf32, #tpu.memory_space<vmem>>, %arg3: memref<1024x128xf32, #tpu.memory_space<vmem>>, %arg4: memref<1024x1xf32, #tpu.memory_space<vmem>>, %arg5: memref<1024x1xf32, #tpu.memory_space<vmem>>, %arg6: memref<1x256xf32, #tpu.memory_space<vmem>>, %arg7: memref<256x256xbf16, #tpu.memory_space<vmem>>, %arg8: memref<1024x128xf32, #tpu.memory_space<vmem>>) attributes {dimension_semantics = [#tpu.dimension_semantics<arbitrary>, #tpu.dimension_semantics<arbitrary>], iteration_bounds = array<i64: 10, 2>, scalar_prefetch = 0 : i64, scratch_operands = 0 : i64, tpu.core_type = #tpu.core_type<tc>, window_params = [{transform_indices = @transform_0, window_bounds = array<i64: 1024, 128>}, {transform_indices = @transform_1, window_bounds = array<i64: 1024, 128>}, {transform_indices = @transform_2, window_bounds = array<i64: 1024, 1>}, {transform_indices = @transform_3, window_bounds = array<i64: 1024, 1>}, {pipeline_mode = #tpu.pipeline_mode<synchronous>, transform_indices = @transform_4, window_bounds = array<i64: 1, 256>}, {pipeline_mode = #tpu.pipeline_mode<synchronous>, transform_indices = @transform_5, window_bounds = array<i64: 256, 256>}, {transform_indices = @transform_6, window_bounds = array<i64: 1024, 128>}]} {
    %get3A = arith.constant 0 : index
    %get3A_0 = arith.constant 0 : index
    %get3A_1 = vector.load %arg2[%get3A, %get3A_0] : memref<1024x128xf32, #tpu.memory_space<vmem>>, vector<1024x128xf32>
    %get3A_2 = arith.constant 0 : index
    %get3A_3 = arith.constant 0 : index
    %get3A_4 = vector.load %arg3[%get3A_2, %get3A_3] : memref<1024x128xf32, #tpu.memory_space<vmem>>, vector<1024x128xf32>
    %get3A_5 = arith.constant 0 : index
    %get3A_6 = arith.constant 0 : index
    %get3A_7 = vector.load %arg5[%get3A_5, %get3A_6] : memref<1024x1xf32, #tpu.memory_space<vmem>>, vector<1024x1xf32>
    %gt3A = arith.constant 0.000000e+00 : f32
    %gt3A_8 = vector.broadcast %gt3A : f32 to vector<1024x1xf32>
    %gt3A_9 = arith.cmpf ogt, %get3A_7, %gt3A_8 : vector<1024x1xf32>
    %rsqrt3A = math.rsqrt %get3A_7 : vector<1024x1xf32>
    %jit3A = arith.constant 0.000000e+00 : f32
    %broadcast_in_dim3A = vector.broadcast %jit3A : f32 to vector<1024x1xf32>
    %select_n3A = arith.select %gt3A_9, %rsqrt3A, %broadcast_in_dim3A : vector<1024x1xi1>, vector<1024x1xf32>
    %get3A_10 = arith.constant 0 : index
    %get3A_11 = arith.constant 0 : index
    %get3A_12 = vector.load %arg4[%get3A_10, %get3A_11] : memref<1024x1xf32, #tpu.memory_space<vmem>>, vector<1024x1xf32>
    %add3A = arith.constant 1.000000e-16 : f32
    %add3A_13 = vector.broadcast %add3A : f32 to vector<1024x1xf32>
    %add3A_14 = arith.addf %get3A_12, %add3A_13 : vector<1024x1xf32>
    %div3A = vector.broadcast %add3A_14 : vector<1024x1xf32> to vector<1024x128xf32>
    %div3A_15 = arith.divf %get3A_1, %div3A : vector<1024x128xf32>
    %get3A_16 = arith.constant 0 : index
    %get3A_17 = arith.constant 0 : index
    %get3A_18 = vector.load %arg6[%get3A_16, %get3A_17] : memref<1x256xf32, #tpu.memory_space<vmem>>, vector<1x128xf32>
    %add3A_19 = vector.broadcast %get3A_18 : vector<1x128xf32> to vector<1024x128xf32>
    %add3A_20 = arith.addf %div3A_15, %add3A_19 : vector<1024x128xf32>
    %max3A = arith.constant 0.000000e+00 : f32
    %max3A_21 = vector.broadcast %max3A : f32 to vector<1024x128xf32>
    %max3A_22 = arith.maximumf %add3A_20, %max3A_21 : vector<1024x128xf32>
    %div3A_23 = vector.broadcast %add3A_14 : vector<1024x1xf32> to vector<1024x128xf32>
    %div3A_24 = arith.divf %get3A_4, %div3A_23 : vector<1024x128xf32>
    %get3A_25 = arith.constant 0 : index
    %get3A_26 = arith.constant 128 : index
    %get3A_27 = vector.load %arg6[%get3A_25, %get3A_26] : memref<1x256xf32, #tpu.memory_space<vmem>>, vector<1x128xf32>
    %add3A_28 = vector.broadcast %get3A_27 : vector<1x128xf32> to vector<1024x128xf32>
    %add3A_29 = arith.addf %div3A_24, %add3A_28 : vector<1024x128xf32>
    %max3A_30 = arith.constant 0.000000e+00 : f32
    %max3A_31 = vector.broadcast %max3A_30 : f32 to vector<1024x128xf32>
    %max3A_32 = arith.maximumf %add3A_29, %max3A_31 : vector<1024x128xf32>
    %mul3A = arith.constant 128 : i32
    %mul3A_33 = arith.muli %arg1, %mul3A : i32
    %get3A_34 = arith.constant 0 : index
    %get3A_35 = arith.index_cast %mul3A_33 : i32 to index
    %get3A_36 = vector.load %arg7[%get3A_34, %get3A_35] : memref<256x256xbf16, #tpu.memory_space<vmem>>, vector<128x128xbf16>
    %mul3A_37 = arith.constant 128 : i32
    %mul3A_38 = arith.muli %arg1, %mul3A_37 : i32
    %get3A_39 = arith.constant 128 : index
    %get3A_40 = arith.index_cast %mul3A_38 : i32 to index
    %get3A_41 = vector.load %arg7[%get3A_39, %get3A_40] : memref<256x256xbf16, #tpu.memory_space<vmem>>, vector<128x128xbf16>
    %convert_element_type3A = arith.truncf %max3A_22 : vector<1024x128xf32> to vector<1024x128xbf16>
    %dot_general3A = arith.constant dense<0.000000e+00> : vector<1024x128xf32>
    %dot_general3A_42 = tpu.matmul %convert_element_type3A, %get3A_36, %dot_general3A {dimension_numbers = #tpu.dot_dimension_numbers<[1], [0], [0], [1], [0, 0, 1, 1], [], []>, transpose_lhs_hint = false} : vector<1024x128xbf16>, vector<128x128xbf16>, vector<1024x128xf32> -> vector<1024x128xf32>
    %convert_element_type3A_43 = arith.truncf %max3A_32 : vector<1024x128xf32> to vector<1024x128xbf16>
    %dot_general3A_44 = arith.constant dense<0.000000e+00> : vector<1024x128xf32>
    %dot_general3A_45 = tpu.matmul %convert_element_type3A_43, %get3A_41, %dot_general3A_44 {dimension_numbers = #tpu.dot_dimension_numbers<[1], [0], [0], [1], [0, 0, 1, 1], [], []>, transpose_lhs_hint = false} : vector<1024x128xbf16>, vector<128x128xbf16>, vector<1024x128xf32> -> vector<1024x128xf32>
    %add3A_46 = arith.addf %dot_general3A_42, %dot_general3A_45 : vector<1024x128xf32>
    %mul3A_47 = vector.broadcast %select_n3A : vector<1024x1xf32> to vector<1024x128xf32>
    %mul3A_48 = arith.mulf %mul3A_47, %add3A_46 : vector<1024x128xf32>
    %swap3A = arith.constant 0 : index
    %swap3A_49 = arith.constant 0 : index
    %swap3A_50 = vector.load %arg8[%swap3A, %swap3A_49] : memref<1024x128xf32, #tpu.memory_space<vmem>>, vector<1024x128xf32>
    tpu.vector_store %arg8[%swap3A, %swap3A_49], %mul3A_48 {strides = array<i32>} : memref<1024x128xf32, #tpu.memory_space<vmem>>, vector<1024x128xf32>,
    return
  }
  func.func @transform_0(%arg0: i32, %arg1: i32) -> (i32, i32) {
    %c0_i32 = arith.constant 0 : i32
    %c0_i32_0 = arith.constant 0 : i32
    return %arg0, %c0_i32 : i32, i32
  }
  func.func @transform_1(%arg0: i32, %arg1: i32) -> (i32, i32) {
    %add3A = arith.constant 10 : i32
    %add3A_0 = arith.addi %arg0, %add3A : i32
    %c0_i32 = arith.constant 0 : i32
    %c0_i32_1 = arith.constant 0 : i32
    return %add3A_0, %c0_i32 : i32, i32
  }
  func.func @transform_2(%arg0: i32, %arg1: i32) -> (i32, i32) {
    %c0_i32 = arith.constant 0 : i32
    %c0_i32_0 = arith.constant 0 : i32
    return %arg0, %c0_i32 : i32, i32
  }
  func.func @transform_3(%arg0: i32, %arg1: i32) -> (i32, i32) {
    %c0_i32 = arith.constant 0 : i32
    %c0_i32_0 = arith.constant 0 : i32
    return %arg0, %c0_i32 : i32, i32
  }
  func.func @transform_4(%arg0: i32, %arg1: i32) -> (i32, i32) {
    %c0_i32 = arith.constant 0 : i32
    %c0_i32_0 = arith.constant 0 : i32
    %c0_i32_1 = arith.constant 0 : i32
    return %c0_i32, %c0_i32_0 : i32, i32
  }
  func.func @transform_5(%arg0: i32, %arg1: i32) -> (i32, i32) {
    %c0_i32 = arith.constant 0 : i32
    %c0_i32_0 = arith.constant 0 : i32
    %c0_i32_1 = arith.constant 0 : i32
    return %c0_i32, %c0_i32_0 : i32, i32
  }
  func.func @transform_6(%arg0: i32, %arg1: i32) -> (i32, i32) {
    %mul3A = arith.constant 10 : i32
    %mul3A_0 = arith.muli %arg1, %mul3A : i32
    %add3A = arith.addi %arg0, %mul3A_0 : i32
    %c0_i32 = arith.constant 0 : i32
    %c0_i32_1 = arith.constant 0 : i32
    return %add3A, %c0_i32 : i32, i32
  }
}

module attributes {stable_mosaic.version = 14 : i64} {
  func.func @body(%arg0: i32, %arg1: i32, %arg2: memref<1024x128xf32, #tpu.memory_space<vmem>>, %arg3: memref<1024x128xf32, #tpu.memory_space<vmem>>, %arg4: memref<1024x1xf32, #tpu.memory_space<vmem>>, %arg5: memref<1024x1xf32, #tpu.memory_space<vmem>>, %arg6: memref<1x256xf32, #tpu.memory_space<vmem>>, %arg7: memref<256x256xbf16, #tpu.memory_space<vmem>>, %arg8: memref<1024x128xf32, #tpu.memory_space<vmem>>) attributes {dimension_semantics = [#tpu.dimension_semantics<arbitrary>, #tpu.dimension_semantics<arbitrary>], iteration_bounds = array<i64: 10, 2>, scalar_prefetch = 0 : i64, scratch_operands = 0 : i64, tpu.core_type = #tpu.core_type<tc>, window_params = [{transform_indices = @transform_0, window_bounds = array<i64: 1024, 128>}, {transform_indices = @transform_1, window_bounds = array<i64: 1024, 128>}, {transform_indices = @transform_2, window_bounds = array<i64: 1024, 1>}, {transform_indices = @transform_3, window_bounds = array<i64: 1024, 1>}, {pipeline_mode = #tpu.pipeline_mode<synchronous>, transform_indices = @transform_4, window_bounds = array<i64: 1, 256>}, {pipeline_mode = #tpu.pipeline_mode<synchronous>, transform_indices = @transform_5, window_bounds = array<i64: 256, 256>}, {transform_indices = @transform_6, window_bounds = array<i64: 1024, 128>}]} {
    %get3A = arith.constant 0 : index
    %get3A_0 = arith.constant 0 : index
    %get3A_1 = vector.load %arg2[%get3A, %get3A_0] : memref<1024x128xf32, #tpu.memory_space<vmem>>, vector<1024x128xf32>
    %get3A_2 = arith.constant 0 : index
    %get3A_3 = arith.constant 0 : index
    %get3A_4 = vector.load %arg3[%get3A_2, %get3A_3] : memref<1024x128xf32, #tpu.memory_space<vmem>>, vector<1024x128xf32>
    %get3A_5 = arith.constant 0 : index
    %get3A_6 = arith.constant 0 : index
    %get3A_7 = vector.load %arg5[%get3A_5, %get3A_6] : memref<1024x1xf32, #tpu.memory_space<vmem>>, vector<1024x1xf32>
    %gt3A = arith.constant 0.000000e+00 : f32
    %gt3A_8 = vector.broadcast %gt3A : f32 to vector<1024x1xf32>
    %gt3A_9 = arith.cmpf ogt, %get3A_7, %gt3A_8 : vector<1024x1xf32>
    %rsqrt3A = math.rsqrt %get3A_7 : vector<1024x1xf32>
    %jit3A = arith.constant 0.000000e+00 : f32
    %broadcast_in_dim3A = vector.broadcast %jit3A : f32 to vector<1024x1xf32>
    %select_n3A = arith.select %gt3A_9, %rsqrt3A, %broadcast_in_dim3A : vector<1024x1xi1>, vector<1024x1xf32>
    %mul3A = vector.broadcast %select_n3A : vector<1024x1xf32> to vector<1024x128xf32>
    %mul3A_10 = arith.mulf %mul3A, %get3A_1 : vector<1024x128xf32>
    %get3A_11 = arith.constant 0 : index
    %get3A_12 = arith.constant 0 : index
    %get3A_13 = vector.load %arg6[%get3A_11, %get3A_12] : memref<1x256xf32, #tpu.memory_space<vmem>>, vector<1x128xf32>
    %add3A = vector.broadcast %get3A_13 : vector<1x128xf32> to vector<1024x128xf32>
    %add3A_14 = arith.addf %mul3A_10, %add3A : vector<1024x128xf32>
    %max3A = arith.constant 0.000000e+00 : f32
    %max3A_15 = vector.broadcast %max3A : f32 to vector<1024x128xf32>
    %max3A_16 = arith.maximumf %add3A_14, %max3A_15 : vector<1024x128xf32>
    %mul3A_17 = vector.broadcast %select_n3A : vector<1024x1xf32> to vector<1024x128xf32>
    %mul3A_18 = arith.mulf %mul3A_17, %get3A_4 : vector<1024x128xf32>
    %get3A_19 = arith.constant 0 : index
    %get3A_20 = arith.constant 128 : index
    %get3A_21 = vector.load %arg6[%get3A_19, %get3A_20] : memref<1x256xf32, #tpu.memory_space<vmem>>, vector<1x128xf32>
    %add3A_22 = vector.broadcast %get3A_21 : vector<1x128xf32> to vector<1024x128xf32>
    %add3A_23 = arith.addf %mul3A_18, %add3A_22 : vector<1024x128xf32>
    %max3A_24 = arith.constant 0.000000e+00 : f32
    %max3A_25 = vector.broadcast %max3A_24 : f32 to vector<1024x128xf32>
    %max3A_26 = arith.maximumf %add3A_23, %max3A_25 : vector<1024x128xf32>
    %mul3A_27 = arith.constant 128 : i32
    %mul3A_28 = arith.muli %arg1, %mul3A_27 : i32
    %get3A_29 = arith.constant 0 : index
    %get3A_30 = arith.index_cast %mul3A_28 : i32 to index
    %get3A_31 = vector.load %arg7[%get3A_29, %get3A_30] : memref<256x256xbf16, #tpu.memory_space<vmem>>, vector<128x128xbf16>
    %mul3A_32 = arith.constant 128 : i32
    %mul3A_33 = arith.muli %arg1, %mul3A_32 : i32
    %get3A_34 = arith.constant 128 : index
    %get3A_35 = arith.index_cast %mul3A_33 : i32 to index
    %get3A_36 = vector.load %arg7[%get3A_34, %get3A_35] : memref<256x256xbf16, #tpu.memory_space<vmem>>, vector<128x128xbf16>
    %convert_element_type3A = arith.truncf %max3A_16 : vector<1024x128xf32> to vector<1024x128xbf16>
    %dot_general3A = arith.constant dense<0.000000e+00> : vector<1024x128xf32>
    %dot_general3A_37 = tpu.matmul %convert_element_type3A, %get3A_31, %dot_general3A {dimension_numbers = #tpu.dot_dimension_numbers<[1], [0], [0], [1], [0, 0, 1, 1], [], []>, transpose_lhs_hint = false} : vector<1024x128xbf16>, vector<128x128xbf16>, vector<1024x128xf32> -> vector<1024x128xf32>
    %convert_element_type3A_38 = arith.truncf %max3A_26 : vector<1024x128xf32> to vector<1024x128xbf16>
    %dot_general3A_39 = arith.constant dense<0.000000e+00> : vector<1024x128xf32>
    %dot_general3A_40 = tpu.matmul %convert_element_type3A_38, %get3A_36, %dot_general3A_39 {dimension_numbers = #tpu.dot_dimension_numbers<[1], [0], [0], [1], [0, 0, 1, 1], [], []>, transpose_lhs_hint = false} : vector<1024x128xbf16>, vector<128x128xbf16>, vector<1024x128xf32> -> vector<1024x128xf32>
    %add3A_41 = arith.addf %dot_general3A_37, %dot_general3A_40 : vector<1024x128xf32>
    %mul3A_42 = vector.broadcast %select_n3A : vector<1024x1xf32> to vector<1024x128xf32>
    %mul3A_43 = arith.mulf %mul3A_42, %add3A_41 : vector<1024x128xf32>
    %swap3A = arith.constant 0 : index
    %swap3A_44 = arith.constant 0 : index
    %swap3A_45 = vector.load %arg8[%swap3A, %swap3A_44] : memref<1024x128xf32, #tpu.memory_space<vmem>>, vector<1024x128xf32>
    tpu.vector_store %arg8[%swap3A, %swap3A_44], %mul3A_43 {strides = array<i32>} : memref<1024x128xf32, #tpu.memory_space<vmem>>, vector<1024x128xf32>,
    return
  }
  func.func @transform_0(%arg0: i32, %arg1: i32) -> (i32, i32) {
    %c0_i32 = arith.constant 0 : i32
    %c0_i32_0 = arith.constant 0 : i32
    return %arg0, %c0_i32 : i32, i32
  }
  func.func @transform_1(%arg0: i32, %arg1: i32) -> (i32, i32) {
    %add3A = arith.constant 10 : i32
    %add3A_0 = arith.addi %arg0, %add3A : i32
    %c0_i32 = arith.constant 0 : i32
    %c0_i32_1 = arith.constant 0 : i32
    return %add3A_0, %c0_i32 : i32, i32
  }
  func.func @transform_2(%arg0: i32, %arg1: i32) -> (i32, i32) {
    %c0_i32 = arith.constant 0 : i32
    %c0_i32_0 = arith.constant 0 : i32
    return %arg0, %c0_i32 : i32, i32
  }
  func.func @transform_3(%arg0: i32, %arg1: i32) -> (i32, i32) {
    %c0_i32 = arith.constant 0 : i32
    %c0_i32_0 = arith.constant 0 : i32
    return %arg0, %c0_i32 : i32, i32
  }
  func.func @transform_4(%arg0: i32, %arg1: i32) -> (i32, i32) {
    %c0_i32 = arith.constant 0 : i32
    %c0_i32_0 = arith.constant 0 : i32
    %c0_i32_1 = arith.constant 0 : i32
    return %c0_i32, %c0_i32_0 : i32, i32
  }
  func.func @transform_5(%arg0: i32, %arg1: i32) -> (i32, i32) {
    %c0_i32 = arith.constant 0 : i32
    %c0_i32_0 = arith.constant 0 : i32
    %c0_i32_1 = arith.constant 0 : i32
    return %c0_i32, %c0_i32_0 : i32, i32
  }
  func.func @transform_6(%arg0: i32, %arg1: i32) -> (i32, i32) {
    %mul3A = arith.constant 10 : i32
    %mul3A_0 = arith.muli %arg1, %mul3A : i32
    %add3A = arith.addi %arg0, %mul3A_0 : i32
    %c0_i32 = arith.constant 0 : i32
    %c0_i32_1 = arith.constant 0 : i32
    return %add3A, %c0_i32 : i32, i32
  }
}

module attributes {stable_mosaic.version = 14 : i64} {
  func.func @_tc4_body(%arg0: i32, %arg1: memref<1024x128xf32, #tpu.memory_space<vmem>>, %arg2: memref<1024x128xf32, #tpu.memory_space<vmem>>, %arg3: memref<1024x1xf32, #tpu.memory_space<vmem>>, %arg4: memref<1x256xf32, #tpu.memory_space<vmem>>, %arg5: memref<1024x256xf32, #tpu.memory_space<vmem>>) attributes {dimension_semantics = [#tpu.dimension_semantics<arbitrary>], iteration_bounds = array<i64: 10>, scalar_prefetch = 0 : i64, scratch_operands = 0 : i64, tpu.core_type = #tpu.core_type<tc>, window_params = [{transform_indices = @transform_0, window_bounds = array<i64: 1024, 128>}, {transform_indices = @transform_1, window_bounds = array<i64: 1024, 128>}, {transform_indices = @transform_2, window_bounds = array<i64: 1024, 1>}, {pipeline_mode = #tpu.pipeline_mode<synchronous>, transform_indices = @transform_3, window_bounds = array<i64: 1, 256>}, {transform_indices = @transform_4, window_bounds = array<i64: 1024, 256>}]} {
    %get3A = arith.constant 0 : index
    %get3A_0 = arith.constant 0 : index
    %get3A_1 = vector.load %arg3[%get3A, %get3A_0] : memref<1024x1xf32, #tpu.memory_space<vmem>>, vector<1024x1xf32>
    %gt3A = arith.constant 0.000000e+00 : f32
    %gt3A_2 = vector.broadcast %gt3A : f32 to vector<1024x1xf32>
    %gt3A_3 = arith.cmpf ogt, %get3A_1, %gt3A_2 : vector<1024x1xf32>
    %rsqrt3A = math.rsqrt %get3A_1 : vector<1024x1xf32>
    %jit3A = arith.constant 0.000000e+00 : f32
    %broadcast_in_dim3A = vector.broadcast %jit3A : f32 to vector<1024x1xf32>
    %select_n3A = arith.select %gt3A_3, %rsqrt3A, %broadcast_in_dim3A : vector<1024x1xi1>, vector<1024x1xf32>
    %get3A_4 = arith.constant 0 : index
    %get3A_5 = arith.constant 0 : index
    %get3A_6 = vector.load %arg1[%get3A_4, %get3A_5] : memref<1024x128xf32, #tpu.memory_space<vmem>>, vector<1024x128xf32>
    %get3A_7 = arith.constant 0 : index
    %get3A_8 = arith.constant 0 : index
    %get3A_9 = vector.load %arg2[%get3A_7, %get3A_8] : memref<1024x128xf32, #tpu.memory_space<vmem>>, vector<1024x128xf32>
    %concatenate3A = tpu.concatenate %get3A_6, %get3A_9 in 1 : vector<1024x128xf32>, vector<1024x128xf32> -> vector<1024x256xf32>
    %mul3A = vector.broadcast %select_n3A : vector<1024x1xf32> to vector<1024x256xf32>
    %mul3A_10 = arith.mulf %mul3A, %concatenate3A : vector<1024x256xf32>
    %get3A_11 = arith.constant 0 : index
    %get3A_12 = arith.constant 0 : index
    %get3A_13 = vector.load %arg4[%get3A_11, %get3A_12] : memref<1x256xf32, #tpu.memory_space<vmem>>, vector<1x256xf32>
    %add3A = vector.broadcast %get3A_13 : vector<1x256xf32> to vector<1024x256xf32>
    %add3A_14 = arith.addf %mul3A_10, %add3A : vector<1024x256xf32>
    %swap3A = arith.constant 0 : index
    %swap3A_15 = arith.constant 0 : index
    %swap3A_16 = vector.load %arg5[%swap3A, %swap3A_15] : memref<1024x256xf32, #tpu.memory_space<vmem>>, vector<1024x256xf32>
    tpu.vector_store %arg5[%swap3A, %swap3A_15], %add3A_14 {strides = array<i32>} : memref<1024x256xf32, #tpu.memory_space<vmem>>, vector<1024x256xf32>,
    return
  }
  func.func @transform_0(%arg0: i32) -> (i32, i32) {
    %c0_i32 = arith.constant 0 : i32
    %c0_i32_0 = arith.constant 0 : i32
    return %arg0, %c0_i32 : i32, i32
  }
  func.func @transform_1(%arg0: i32) -> (i32, i32) {
    %add3A = arith.constant 10 : i32
    %add3A_0 = arith.addi %arg0, %add3A : i32
    %c0_i32 = arith.constant 0 : i32
    %c0_i32_1 = arith.constant 0 : i32
    return %add3A_0, %c0_i32 : i32, i32
  }
  func.func @transform_2(%arg0: i32) -> (i32, i32) {
    %c0_i32 = arith.constant 0 : i32
    %c0_i32_0 = arith.constant 0 : i32
    return %arg0, %c0_i32 : i32, i32
  }
  func.func @transform_3(%arg0: i32) -> (i32, i32) {
    %c0_i32 = arith.constant 0 : i32
    %c0_i32_0 = arith.constant 0 : i32
    %c0_i32_1 = arith.constant 0 : i32
    return %c0_i32, %c0_i32_0 : i32, i32
  }
  func.func @transform_4(%arg0: i32) -> (i32, i32) {
    %c0_i32 = arith.constant 0 : i32
    %c0_i32_0 = arith.constant 0 : i32
    return %arg0, %c0_i32 : i32, i32
  }
}

</mosaic_0001>

<sc_bundles>
// kernel: kernel.12.cloned.1.call-start
scs
__scs_entry_jumppad:
0x0: {  	(pc) =	sbr.rel $0x88, $3  }
0x1: {  	(tag) =	ssettag $0x0;
	lr =	simm.s32 $0x1  }
0x2: {  	[smem:$0x3F97] =	sst lr;
	_ =	strace $0xD0000000  }
0x3: {  	_ = 	snop  }
0x4: {  	_ = 	snop  }
0x5: {  	_ = 	snop  }
0x6: {  	_ = 	snop  }
0x7: {  	_ = 	snop  }
__scs_overlays_trampoline_lowered:
0x8: {  	[smem:$0x3FA6] =	sst s0  }
0x9: {  	[smem:$0x3FA7] =	sst s1  }
0xa: {  	[smem:$0x3FA8] =	sst s2  }
0xb: {  	[smem:$0x3FA9] =	sst s3  }
0xc: {  	[smem:$0x3FAA] =	sst s4  }
0xd: {  	[smem:$0x3FAB] =	sst s5  }
0xe: {  	[smem:$0x3FAC] =	sst s6  }
0xf: {  	[smem:$0x3FAD] =	sst s7  }
0x10: {  	[smem:$0x3FAE] =	sst s8  }
0x11: {  	[smem:$0x3FAF] =	sst s9;
	s0 =	simm.s32 @!p0 $0x0  }
0x12: {  	s1 =	sld [smem:$0x3F95];
	s0 =	simm.s32 @p0 $0x1  }
0x13: {  	[smem:$0x3FB0] =	sst s0;
	s0 =	simm.s32 @!p1 $0x0  }
0x14: {  	s2 =	sld [smem:$0x3F94];
	s0 =	simm.s32 @p1 $0x1  }
0x15: {  	[smem:$0x3FB1] =	sst s0;
	s0 =	simm.s32 @!p2 $0x0  }
0x16: {  	s3 =	sld [smem:$0x3FDB];
	s0 =	simm.s32 @p2 $0x1  }
0x17: {  	s4 =	simm.s32 $0x1BF5;
	[smem:$0x3FB3] =	sst s0  }
0x18: {  	s0 =	sld [smem:$0x3F96];
	_ =	swait.ge [sflag:s4], $0x0  }
0x19: {  	s7 =	sld [smem:$0x3F97]  }
0x1a: {  	s8 =	sadd.s32 $0xFFFFE003, lr  }
0x1b: {  	s9 =	sadd.s32 $0xFFFFFEF7, lr;
	s5 =	simm.s32 $0xFFFFFFFF;
	p2 =	slt.u32 s8, $0xFFFFF086  }
0x1c: {  	p1 =	slt.u32 s9, $0xF7A;
	s5 =	simm.s32 @!p2 $0x0  }
0x1d: {  	s5 =	simm.s32 @p1 $0x1;
	p0 =	seq.s32 s7, s2  }
0x1e: {  	s7 =	smul.u32 @!p0 $0xF7A, s2;
	p2 =	seq.s32 @!p0 s5, $0x0  }
0x1f: {  	s9 =	smul.u32 $0xF7A, s1;
	s8 =	simm.s32 @!p0 $0x1BF5;
	p2 =	por !p2, p0  }
0x20: {  	[sflag:s8] =	ssyncset.s32 @!p0 $0xFFFFF086;
	s6 =	sadd.s32 @!p0 s3, s7;
	s7 =	simm.s32 @!p0 $0x108  }
0x21: {  	s3 =	sadd.s32 s3, s9;
	s6 =	sadd.s32 @!p0 $0x88, s6;
	s7 =	simm.s32 @p2 $0x1082  }
0x22: {  	[simem:s7], [sflag:s8] =	dma.local @!p0 [hbm:s6], $0xF7A  }
0x23: {  	s9 =	sor.u32 $0xD0000000, s2;
	s6 =	simm.s32 $0x108;
	_ =	swait.ge @!p0 [sflag:s8], $0x0  }
0x24: {  	s3 =	sadd.s32 $0x88, s3;
	s6 =	simm.s32 @!p1 $0x1082;
	[sflag:s4] =	ssyncset.s32 $0xFFFFF086  }
0x25: {  	[simem:s6], [sflag:s4] =	dma.local [hbm:s3], $0xF7A  }
0x26: {  	[smem:$0x3F97] =	sst s1;
	(tag) =	ssettag s2;
	_ =	strace s9  }
0x27: {  	s1 =	sld [smem:$0x3FA7]  }
0x28: {  	s2 =	sld [smem:$0x3FA8]  }
0x29: {  	s4 =	sld [smem:$0x3FAA]  }
0x2a: {  	p0 =	seq.s32 s5, $0x0;
	s5 =	sld [smem:$0x3FAB]  }
0x2b: {  	s6 =	sld [smem:$0x3FAC]  }
0x2c: {  	s7 =	sld [smem:$0x3FAD]  }
0x2d: {  	s3 =	simm.s32 $0x108;
	s8 =	sld [smem:$0x3FAE]  }
0x2e: {  	s3 =	simm.s32 @!p0 $0x1082;
	s9 =	sld [smem:$0x3FAF]  }
0x2f: {  	lr =	sadd.s32 s0, s3;
	s0 =	sld [smem:$0x3FA6]  }
0x30: {  	s3 =	sld [smem:$0x3FA9]  }
0x31: {  	[smem:$0x3FB2] =	sst s10  }
0x32: {  	s10 =	sld [smem:$0x3FB0];
	_ =	sdelay $0x3  }
0x33: {  	p0 =	seq.s32 s10, $0x1;
	s10 =	sld [smem:$0x3FB2];
	_ =	sdelay $0x3  }
0x34: {  	[smem:$0x3FB2] =	sst s10  }
0x35: {  	s10 =	sld [smem:$0x3FB1];
	_ =	sdelay $0x3  }
0x36: {  	p1 =	seq.s32 s10, $0x1;
	s10 =	sld [smem:$0x3FB2];
	_ =	sdelay $0x3  }
0x37: {  	[smem:$0x3FB2] =	sst s10  }
0x38: {  	s10 =	sld [smem:$0x3FB3]  }
0x39: {  	_ = 	snop;
	(pc) =	sbr.ind lr, $3  }
0x3a: {  	_ = 	snop  }
0x3b: {  	_ = 	snop  }
0x3c: {  	p2 =	seq.s32 s10, $0x1;
	s10 =	sld [smem:$0x3FB2]  }
0x3d: {  	_ =	shalt  }
0x3e: {  	_ =	shalt  }
0x3f: {  	_ =	shalt  }
0x40: {  	_ =	shalt  }
0x41: {  	_ =	shalt  }
0x42: {  	_ =	shalt  }
0x43: {  	_ =	shalt  }
0x44: {  	_ =	shalt  }
0x45: {  	_ =	shalt  }
0x46: {  	_ =	shalt  }
0x47: {  	_ =	shalt  }
0x48: {  	_ =	shalt  }
0x49: {  	_ =	shalt  }
0x4a: {  	_ =	shalt  }
0x4b: {  	_ =	shalt  }
0x4c: {  	_ =	shalt  }
0x4d: {  	_ =	shalt  }
0x4e: {  	_ =	shalt  }
0x4f: {  	_ =	shalt  }
0x50: {  	_ =	shalt  }
0x51: {  	_ =	shalt  }
0x52: {  	_ =	shalt  }
0x53: {  	_ =	shalt  }
0x54: {  	_ =	shalt  }
0x55: {  	_ =	shalt  }
0x56: {  	_ =	shalt  }
0x57: {  	_ =	shalt  }
0x58: {  	_ =	shalt  }
0x59: {  	_ =	shalt  }
0x5a: {  	_ =	shalt  }
0x5b: {  	_ =	shalt  }
0x5c: {  	_ =	shalt  }
0x5d: {  	_ =	shalt  }
0x5e: {  	_ =	shalt  }
0x5f: {  	_ =	shalt  }
0x60: {  	_ =	shalt  }
0x61: {  	_ =	shalt  }
0x62: {  	_ =	shalt  }
0x63: {  	_ =	shalt  }
0x64: {  	_ =	shalt  }
0x65: {  	_ =	shalt  }
0x66: {  	_ =	shalt  }
0x67: {  	_ =	shalt  }
0x68: {  	_ =	shalt  }
0x69: {  	_ =	shalt  }
0x6a: {  	_ =	shalt  }
0x6b: {  	_ =	shalt  }
0x6c: {  	_ =	shalt  }
0x6d: {  	_ =	shalt  }
0x6e: {  	_ =	shalt  }
0x6f: {  	_ =	shalt  }
0x70: {  	_ =	shalt  }
0x71: {  	_ =	shalt  }
0x72: {  	_ =	shalt  }
0x73: {  	_ =	shalt  }
0x74: {  	_ =	shalt  }
0x75: {  	_ =	shalt  }
0x76: {  	_ =	shalt  }
0x77: {  	_ =	shalt  }
0x78: {  	_ =	shalt  }
0x79: {  	_ =	shalt  }
0x7a: {  	_ =	shalt  }
0x7b: {  	_ =	shalt  }
0x7c: {  	_ =	shalt  }
0x7d: {  	_ =	shalt  }
0x7e: {  	_ =	shalt  }
0x7f: {  	_ =	shalt  }
0x80: {  	_ =	shalt  }
0x81: {  	_ =	shalt  }
0x82: {  	_ =	shalt  }
0x83: {  	_ =	shalt  }
0x84: {  	_ =	shalt  }
0x85: {  	_ =	shalt  }
0x86: {  	_ =	shalt  }
0x87: {  	_ =	shalt  }
.Lfunc_end0:
.L_simem_size_0:
called_computation.1_lowered:
.L_overlay_start_0:
0x88: {  	s2 =	sld [smem:$0x3FD9]  }
0x89: {  	s3 =	sld [smem:$0x3FFE];
	_ =	sdelay $0x1  }
0x8a: {  	s1 =	srdreg.scid  }
0x8b: {  	s0 =	sand.u32 $0x1, s1  }
0x8c: {  	s17 =	sshll.u32 s0, $0xA;
	s2 =	sadd.s32 s3, s2  }
0x8d: {  	s2 =	sadd.s32 s2, s17  }
0x8e: {  	[smem:$0x3FBE] =	sst s2  }
0x8f: {  	_ = 	snop  }
0x90: {  	s2 =	sld [smem:$0x3FD0];
	(tm) =	ssettm $0x1  }
0x91: {  	s18 =	sld [smem:$0x3FFB];
	_ =	sdelay $0x3  }
0x92: {  	_ =	strace s18  }
0x93: {  	s3 =	sld [smem:$0x3FFC];
	_ =	sdelay $0x3  }
0x94: {  	_ =	strace s3  }
0x95: {  	s3 =	sld [smem:$0x3FFD];
	_ =	sdelay $0x3  }
0x96: {  	_ =	strace s3  }
0x97: {  	_ =	strace $0x8FFFFFFF  }
0x98: {  	s19 =	sld [smem:$0x3FDB];
	_ =	sdelay $0x1  }
0x99: {  	s4 =	simm.s32 $_scs_section_size  }
0x9a: {  	s5 =	simm.s32 $_size__tile_overlayer_lowered;
	s6 =	simm.s32 $_tile_overlayer_lowered  }
0x9b: {  	s22 =	simm.s32 $0x1BFF;
	s21 =	sshll.u32 s6, $0x1;
	s3 =	sadd.s32 s4, s19  }
0x9c: {  	s7 =	simm.s32 $0x0;
	s20 =	sshll.u32 s5, $0x1;
	s5 =	sadd.s32 s21, s3  }
0x9d: {  	[timem:s7], [sflag:s22] =	dma.local [hbm:s5], s20  }
0x9e: {  	_ =	swait.ge [sflag:s22], s20  }
0x9f: {  	s4 =	ssub.s32 $0x0, s20;
	[sflag:s22] =	ssyncset.done $0x0  }
0xa0: {  	[sflag:s22] =	ssyncadd.s32 s4;
	_ =	sdelay $0x1  }
0xa1: {  	s23 =	simm.s32 $0x1B8B  }
0xa2: {  	_ =	swait.ge [sflag:s23], $0x1  }
0xa3: {  	[sflag:s23] =	ssyncset.done $0x0  }
0xa4: {  	s25 =	simm.s32 $0x1B8E;
	s24 =	sld [smem:$0x3FFE];
	[sflag:s23] =	ssyncadd.s32 $0xFFFFFFFF  }
0xa5: {  	s26 =	simm.s32 $execute0_lowered;
	[smem:$0x3FD2] =	sst s25  }
0xa6: {  	s5 =	sshll.u32 s26, $0x1;
	_ =	strace $0x80000049;
	[dreg:$0x1] =	wrdreg $0xFFFFFFFF  }
0xa7: {  	s28 =	simm.s32 $_size_execute0_lowered;
	s3 =	sadd.s32 s3, s5;
	[dreg:$0x0] =	wrdreg $0x0  }
0xa8: {  	s5 =	sshll.u32 s28, $0x1;
	[dreg:$0x2] =	wrdreg s3  }
0xa9: {  	[dreg:$0x3] =	wrdreg s5  }
0xaa: {  	[dreg:$0x4] =	wrdreg $0xC0  }
0xab: {  	_ =	task [dreg:s7], $0x5FFFF  }
0xac: {  	[dreg:$0x1] =	wrdreg $0xFFFFFFFF  }
0xad: {  	[dreg:$0x0] =	wrdreg $0x60  }
0xae: {  	[dreg:$0x2] =	wrdreg s2  }
0xaf: {  	[dreg:$0x3] =	wrdreg s24  }
0xb0: {  	[dreg:$0x4] =	wrdreg $0x0  }
0xb1: {  	[dreg:$0x5] =	wrdreg $0x9  }
0xb2: {  	_ =	task.clear_ibuf [dreg:s7], $0x6FFFF;
	_ =	strace $0x90000049  }
0xb3: {  	s29 =	simm.s32 $0x9;
	_ =	strace $0x8000004B  }
0xb4: {  	_ =	swait.ge [sflag:s29], $0x1  }
0xb5: {  	[sflag:s29] =	ssyncadd.s32 $0xFFFFFFFF  }
0xb6: {  	_ =	strace $0x9000004B  }
0xb7: {  	_ =	sfence  }
0xb8: {  	s30 =	sld [smem:$0x0];
	_ =	sdelay $0x2  }
0xb9: {  	s31 =	sshll.u32 s1, $0xD;
	s1 =	sshrl.u32 s1, $0x2  }
0xba: {  	s3 =	sand.u32 $0x4000, s31;
	s1 =	sadd.s32 s1, s30  }
0xbb: {  	s0 =	sor.u32 s3, s0;
	s1 =	sshll.u32 s1, $0x11  }
0xbc: {  	s0 =	sor.u32 s1, s0  }
0xbd: {  	s0 =	sadd.s32 $0x8F2B, s0  }
0xbe: {  	[sflag:s0] =	ssyncadd.remote.s32 $0x1  }
0xbf: {  	_ =	sfence.sel $0xFFFF  }
0xc0: {  	[dreg:$0x0] =	wrdreg $0xFFFFFFFF;
	(pc) =	sbr.abs _section_cstart, $3  }
0xc1: {  	[dreg:$0x1] =	wrdreg $0xFFFFFFFF  }
0xc2: {  	_ =	task.clear_ibuf [dreg:s7], $0x2FFFF;
	_ =	strace $0x9FFFFFFF  }
0xc3: {  	(tm) =	ssettm $0x7FFFFFFF  }
tec
execute0_lowered:
.L_overlay_start_1:
0x0: {  	(tag) =	ssettag $0x1  }
0x1: {  	s0 =	rddreg [dreg:$0x0]  }
0x2: {  	s1 =	rddreg [dreg:$0x1]  }
0x3: {  	s2 =	srdreg.scid;
	s3 =	rddreg [dreg:$0x2]  }
0x4: {  	s12 =	stileid.u32;
	s4 =	simm.s32 $0x0;
	s28 =	simm.s32 $0x70  }
0x5: {  	s29 =	simm.s32 $0x14100;
	s30 =	simm.s32 $0x3;
	s5 =	smul.u32 $0x280, s12  }
0x6: {  	s31 =	simm.s32 $0x17A00;
	s2 =	sand.u32 $0x1, s2;
	s7 =	smul.u32 $0x50000, s12  }
0x7: {  	[smem:$0x7FF] =	sst s4;
	s8 =	smul.u32 $0x2800, s2;
	s2 =	ssub.s32 $0x2, s2  }
0x8: {  	s20 =	sshll.u32 s12, $0x6;
	_ =	strace $0x8000004A;
	s10 =	sshrl.u32 s2, $0x1  }
0x9: {  	s11 =	sshrl.u32 s7, $0x2;
	s7 =	smul.u32 $0x3000, s12;
	s6 =	sadd.s32 s5, s8  }
0xa: {  	s5 =	sadd.s32 $0xB2400, s1;
	s2 =	ssub.s32 s2, s10;
	s19 =	sadd.s32 s11, s3  }
0xb: {  	v0 =	vmov s8;
	s8 =	simm.s32 $0x1B300;
	s10 =	simm.s32 $0x0;
	s9 =	sshll.u32 s6, $0x4  }
0xc: {  	s6 =	sadd.s32 $0x2200, s1;
	s21 =	sshrl.u32 s7, $0x3;
	s17 =	smax.u32 s2, $0x1  }
0xd: {  	s18 =	sshrl.u32 s19, $0x3;
	s19 =	simm.s32 $0x7;
	s2 =	simm.s32 $0x5  }
0xe: {  	s1 =	sadd.s32 s9, s1;
	s9 =	sadd.s32 s6, s9;
	s22 =	sadd.s32 s0, s21  }
0xf: {  	s23 =	sadd.s32 s5, s21;
	s13 =	sor.u32 $0x10, s21;
	[dreg:$0x4] =	wrdreg s9  }
0x10: {  	s11 =	sor.u32 $0x20, s21;
	s21 =	simm.s32 $0x14080;
	[dreg:$0x5] =	wrdreg s22  }
0x11: {  	s9 =	sor.u32 $0x1C07, s20;
	[dreg:$0x6] =	wrdreg s23;
	s24 =	sadd.s32 s0, s13  }
.Ltmp0:
0x12: {  	s25 =	sadd.s32 s5, s13;
	[dreg:$0x7] =	wrdreg s24;
	(pc) =	sbr.rel .LBB2_1-.Ltmp0, $4  }
0x13: {  	s26 =	sadd.s32 s0, s11;
	s11 =	sadd.s32 s5, s11;
	[dreg:$0x8] =	wrdreg s25  }
0x14: {  	s16 =	sadd.s32 $0x52200, s1;
	s22 =	simm.s32 $0x17900;
	[dreg:$0x9] =	wrdreg s26  }
0x15: {  	s23 =	simm.s32 $0x17980;
	s1 =	simm.s32 $0x2;
	[dreg:$0xa] =	wrdreg s11  }
0x16: {  	s24 =	simm.s32 $0x1B200;
	s25 =	simm.s32 $0x1B280;
	s26 =	simm.s32 $0x1  }
.LBB2_4:
0x17: {  	s10 =	sadd.s32 $0x1, s10  }
0x18: {  	p0 =	sne.s32 s10, s17  }
.Ltmp1:
0x19: {  	[bflag:$0x0] =	sbarrier.arrive $0xFFFF;
	(pc) =	sbr.rel @!p0 .LBB2_5-.Ltmp1, $4  }
0x1a: {  	[hbm:s16], [sflag:s9] =	dma.local [spmem:s18], $0x2800  }
0x1b: {  	_ =	swait.ge [sflag:s19], $0x2800  }
0x1c: {  	[sflag:s19] =	ssyncset.done $0x0  }
0x1d: {  	[sflag:s19] =	ssyncadd.s32 $0xFFFFD800  }
.LBB2_1:
0x1e: {  	s11 =	rddreg [dreg:$0x4]  }
0x1f: {  	[spmem:s18], [sflag:s9] =	dma.local [hbm:s11], $0x2800  }
0x20: {  	_ =	swait.ge [sflag:s19], $0x2800  }
0x21: {  	[sflag:s19] =	ssyncset.done $0x0  }
0x22: {  	[sflag:s19] =	ssyncadd.s32 $0xFFFFD800  }
0x23: {  	[bflag:$0x0] =	sbarrier.arrive $0xFFFF  }
0x24: {  	s12 =	simm.s32 $0x14000;
	s15 =	rddreg [dreg:$0x5]  }
0x25: {  	[tilespmem:s12], [sflag:$0x1] =	stream.linear.gather [hbm4b:s15+s4], $0x80, $0x38;
	[tilespmem:$0x1EB00] =	vst v63  }
0x26: {  	s20 =	rddreg [dreg:$0x6]  }
0x27: {  	[tilespmem:s21], [sflag:$0x1] =	stream.linear.gather [hbm4b:s20+s4], $0x80, $0x38;
	[tilespmem:$0x1EB00] =	vst v63  }
0x28: {  	s13 =	rddreg [dreg:$0x7]  }
0x29: {  	[tilespmem:s22], [sflag:$0x3] =	stream.linear.gather [hbm4b:s13+s4], $0x80, $0x38;
	[tilespmem:$0x1EB00] =	vst v63  }
0x2a: {  	s14 =	rddreg [dreg:$0x8]  }
0x2b: {  	[tilespmem:s23], [sflag:$0x3] =	stream.linear.gather [hbm4b:s14+s4], $0x80, $0x38;
	[tilespmem:$0x1EB00] =	vst v63  }
0x2c: {  	s15 =	rddreg [dreg:$0x9]  }
0x2d: {  	[tilespmem:s24], [sflag:$0x5] =	stream.linear.gather [hbm4b:s15+s4], $0x80, $0x38;
	[tilespmem:$0x1EB00] =	vst v63  }
0x2e: {  	s20 =	rddreg [dreg:$0xa]  }
0x2f: {  	[tilespmem:s25], [sflag:$0x5] =	stream.linear.gather [hbm4b:s20+s4], $0x80, $0x38;
	[tilespmem:$0x1EB00] =	vst v63  }
0x30: {  	_ =	swait.ge [sflag:s26], $0x80  }
0x31: {  	[sflag:s26] =	ssyncset.done $0x0  }
0x32: {  	[sflag:s26] =	ssyncadd.s32 $0xFFFFFF80  }
0x33: {  	_ =	swait.ge [sflag:s26], $0x80  }
0x34: {  	[sflag:s26] =	ssyncset.done $0x0  }
0x35: {  	[sflag:s26] =	ssyncadd.s32 $0xFFFFFF80  }
0x36: {  	v1 =	vld [tilespmem:$0x14000]  }
0x37: {  	v2 =	vld [tilespmem:$0x14010]  }
0x38: {  	v3 =	vld [tilespmem:$0x14020]  }
0x39: {  	v4 =	vld [tilespmem:$0x14030]  }
0x3a: {  	v5 =	vld [tilespmem:$0x14040]  }
0x3b: {  	v6 =	vld [tilespmem:$0x14050];
	v1 =	vadd.s32 v0, v1  }
0x3c: {  	[tilespmem:$0x14000] =	vst v1;
	v1 =	vadd.s32 v0, v2;
	v2 =	vld [tilespmem:$0x14060]  }
0x3d: {  	[tilespmem:$0x14010] =	vst v1;
	v1 =	vadd.s32 v0, v3  }
0x3e: {  	[tilespmem:$0x14020] =	vst v1;
	v1 =	vadd.s32 v0, v4  }
0x3f: {  	[tilespmem:$0x14030] =	vst v1;
	v1 =	vadd.s32 v0, v5  }
0x40: {  	[tilespmem:$0x14040] =	vst v1;
	v1 =	vadd.s32 v0, v6  }
0x41: {  	[tilespmem:$0x14050] =	vst v1;
	v1 =	vadd.s32 v0, v2  }
0x42: {  	[tilespmem:$0x14060] =	vst v1  }
0x43: {  	[tilespmem:s29], [sflag:$0x2] =	stream.indirect.gather [hbm4b:s6+s28], $0x80, s12, s28, $0xb8;
	[tilespmem:$0x1EB00] =	vst v63  }
0x44: {  	_ =	swait.ge [sflag:s30], $0x80  }
0x45: {  	[sflag:s30] =	ssyncset.done $0x0  }
0x46: {  	[sflag:s30] =	ssyncadd.s32 $0xFFFFFF80  }
0x47: {  	_ =	swait.ge [sflag:s30], $0x80  }
0x48: {  	[sflag:s30] =	ssyncset.done $0x0  }
0x49: {  	[sflag:s30] =	ssyncadd.s32 $0xFFFFFF80  }
0x4a: {  	v1 =	vld [tilespmem:$0x17900]  }
0x4b: {  	v2 =	vld [tilespmem:$0x17910]  }
0x4c: {  	v3 =	vld [tilespmem:$0x17920]  }
0x4d: {  	v61 =	vld [tilespmem:$0x17930]  }
0x4e: {  	v62 =	vld [tilespmem:$0x17940]  }
0x4f: {  	v63 =	vld [tilespmem:$0x17950];
	v1 =	vadd.s32 v0, v1  }
0x50: {  	[tilespmem:$0x17900] =	vst v1;
	v1 =	vadd.s32 v0, v2;
	v2 =	vld [tilespmem:$0x17960]  }
0x51: {  	[tilespmem:$0x17910] =	vst v1;
	v1 =	vadd.s32 v0, v3  }
0x52: {  	[tilespmem:$0x17920] =	vst v1;
	v1 =	vadd.s32 v0, v61  }
0x53: {  	[tilespmem:$0x17930] =	vst v1;
	v1 =	vadd.s32 v0, v62  }
0x54: {  	[tilespmem:$0x17940] =	vst v1;
	v1 =	vadd.s32 v0, v63  }
0x55: {  	[tilespmem:$0x17950] =	vst v1;
	v1 =	vadd.s32 v0, v2  }
0x56: {  	s11 =	simm.s32 $0x280;
	[tilespmem:$0x17960] =	vst v1  }
0x57: {  	[tilespmem:s31], [sflag:$0x4] =	stream.indirect.gather [hbm4b:s6+s28], $0x80, s22, s28, $0xb8;
	[tilespmem:$0x1EB00] =	vst v63  }
.LBB2_2:
0x58: {  	_ =	swait.ge [sflag:s1], $0x3800  }
0x59: {  	[sflag:s1] =	ssyncset.done $0x0  }
0x5a: {  	[sflag:s1] =	ssyncadd.s32 $0xFFFFC800  }
0x5b: {  	_ =	swait.ge [sflag:s2], $0x80  }
0x5c: {  	[sflag:s2] =	ssyncset.done $0x0  }
0x5d: {  	[sflag:s2] =	ssyncadd.s32 $0xFFFFFF80  }
0x5e: {  	_ =	swait.ge [sflag:s2], $0x80  }
0x5f: {  	[sflag:s2] =	ssyncset.done $0x0  }
0x60: {  	[sflag:s2] =	ssyncadd.s32 $0xFFFFFF80  }
0x61: {  	v1 =	vld [tilespmem:$0x1B200]  }
0x62: {  	v2 =	vld [tilespmem:$0x1B210]  }
0x63: {  	v3 =	vld [tilespmem:$0x1B220]  }
0x64: {  	v4 =	vld [tilespmem:$0x1B230]  }
0x65: {  	v5 =	vld [tilespmem:$0x1B240]  }
0x66: {  	v6 =	vld [tilespmem:$0x1B250];
	v1 =	vadd.s32 v0, v1  }
0x67: {  	[tilespmem:$0x1B200] =	vst v1;
	v1 =	vadd.s32 v0, v2;
	v2 =	vld [tilespmem:$0x1B260]  }
0x68: {  	[tilespmem:$0x1B210] =	vst v1;
	v1 =	vadd.s32 v0, v3  }
0x69: {  	[tilespmem:$0x1B220] =	vst v1;
	v1 =	vadd.s32 v0, v4  }
0x6a: {  	[tilespmem:$0x1B230] =	vst v1;
	v1 =	vadd.s32 v0, v5  }
0x6b: {  	[tilespmem:$0x1B240] =	vst v1;
	v1 =	vadd.s32 v0, v6  }
0x6c: {  	[tilespmem:$0x1B250] =	vst v1;
	v1 =	vadd.s32 v0, v2  }
0x6d: {  	[tilespmem:$0x1B260] =	vst v1  }
0x6e: {  	[tilespmem:s8], [sflag:$0x6] =	stream.indirect.gather [hbm4b:s6+s28], $0x80, s24, s28, $0xb8;
	[tilespmem:$0x1EB00] =	vst v63  }
0x6f: {  	p0 =	seq.s32 s11, $0x2E00  }
0x70: {  	[spmem:s3] =	stream.indirect.scatter.add.f32 [tilespmem:s29], [sflag:$0x7], $0x80, s21, s28, $0xb8;
	[tilespmem:$0x1EB00] =	vst v63  }
0x71: {  	s12 =	sadd.s32 @!p0 $0xFFFFFF00, s11;
	_ =	swait.ge [sflag:s19], $0x3800  }
0x72: {  	s13 =	simm.s32 @p0 $0x4;
	s14 =	sand.u32 @!p0 $0x7C00, s12;
	[sflag:s19] =	ssyncset.done $0x0  }
0x73: {  	s12 =	sand.u32 @!p0 $0x380, s12;
	s14 =	sadd.s32 @!p0 s7, s14;
	[sflag:s19] =	ssyncadd.s32 $0xFFFFC800  }
0x74: {  	s12 =	sor.u32 @!p0 s12, s14;
	_ =	swait.ge @p0 [sflag:s13], $0x3800  }
0x75: {  	s15 =	simm.s32 @!p0 $0x14000;
	s12 =	sshrl.u32 @!p0 s12, $0x3;
	[sflag:s13] =	ssyncset.done @p0 $0x0  }
0x76: {  	s14 =	simm.s32 @!p0 $0x0;
	[sflag:s13] =	ssyncadd.s32 @p0 $0xFFFFC800;
	s13 =	sadd.s32 @!p0 s0, s12  }
0x77: {  	[tilespmem:s15], [sflag:$0x1] =	stream.linear.gather @!p0 [hbm4b:s13+s14], $0x80, $0x38;
	[tilespmem:$0x1EB00] =	vst v63  }
0x78: {  	s12 =	sadd.s32 @!p0 s5, s12;
	s13 =	simm.s32 @!p0 $0x14080  }
0x79: {  	[tilespmem:s13], [sflag:$0x1] =	stream.linear.gather @!p0 [hbm4b:s12+s14], $0x80, $0x38;
	[tilespmem:$0x1EB00] =	vst v63  }
0x7a: {  	s12 =	simm.s32 @!p0 $0x4  }
0x7b: {  	_ =	swait.ge @!p0 [sflag:s12], $0x3800  }
0x7c: {  	[sflag:s12] =	ssyncset.done @!p0 $0x0  }
0x7d: {  	[sflag:s12] =	ssyncadd.s32 @!p0 $0xFFFFC800;
	s12 =	simm.s32 @!p0 $0x1  }
0x7e: {  	_ =	swait.ge @!p0 [sflag:s12], $0x80  }
0x7f: {  	[sflag:s12] =	ssyncset.done @!p0 $0x0  }
0x80: {  	[sflag:s12] =	ssyncadd.s32 @!p0 $0xFFFFFF80  }
0x81: {  	_ =	swait.ge @!p0 [sflag:s12], $0x80  }
0x82: {  	[sflag:s12] =	ssyncset.done @!p0 $0x0  }
0x83: {  	[sflag:s12] =	ssyncadd.s32 @!p0 $0xFFFFFF80  }
0x84: {  	v1 =	vld @!p0 [tilespmem:$0x14000]  }
0x85: {  	v2 =	vld @!p0 [tilespmem:$0x14010]  }
0x86: {  	v3 =	vld @!p0 [tilespmem:$0x14020]  }
0x87: {  	v4 =	vld @!p0 [tilespmem:$0x14030]  }
0x88: {  	v5 =	vld @!p0 [tilespmem:$0x14040]  }
0x89: {  	v6 =	vld @!p0 [tilespmem:$0x14050];
	v1 =	vadd.s32 @!p0 v0, v1  }
0x8a: {  	[tilespmem:$0x14000] =	vst @!p0 v1;
	v1 =	vadd.s32 @!p0 v0, v2;
	v2 =	vld @!p0 [tilespmem:$0x14060]  }
0x8b: {  	[tilespmem:$0x14010] =	vst @!p0 v1;
	v1 =	vadd.s32 @!p0 v0, v3  }
0x8c: {  	[tilespmem:$0x14020] =	vst @!p0 v1;
	v1 =	vadd.s32 @!p0 v0, v4  }
0x8d: {  	[tilespmem:$0x14030] =	vst @!p0 v1;
	v1 =	vadd.s32 @!p0 v0, v5  }
0x8e: {  	[tilespmem:$0x14040] =	vst @!p0 v1;
	v1 =	vadd.s32 @!p0 v0, v6  }
0x8f: {  	[tilespmem:$0x14050] =	vst @!p0 v1;
	v1 =	vadd.s32 @!p0 v0, v2  }
0x90: {  	s13 =	simm.s32 @!p0 $0x14100;
	s12 =	simm.s32 @!p0 $0x70;
	[tilespmem:$0x14060] =	vst @!p0 v1  }
0x91: {  	[tilespmem:s13], [sflag:$0x2] =	stream.indirect.gather @!p0 [hbm4b:s6+s12], $0x80, s15, s12, $0xb8;
	[tilespmem:$0x1EB00] =	vst v63  }
0x92: {  	_ = 	snop  }
0x93: {  	[spmem:s3] =	stream.indirect.scatter.add.f32 [tilespmem:s31], [sflag:$0x7], $0x80, s23, s28, $0xb8;
	[tilespmem:$0x1EB00] =	vst v63  }
0x94: {  	s13 =	sadd.s32 @!p0 $0xFFFFFF80, s11;
	_ =	swait.ge [sflag:s19], $0x3800  }
0x95: {  	s20 =	simm.s32 @p0 $0x6;
	s15 =	sand.u32 @!p0 $0x7C00, s13;
	[sflag:s19] =	ssyncset.done $0x0  }
0x96: {  	s13 =	sand.u32 @!p0 $0x380, s13;
	s15 =	sadd.s32 @!p0 s7, s15;
	[sflag:s19] =	ssyncadd.s32 $0xFFFFC800  }
0x97: {  	s13 =	sor.u32 @!p0 s13, s15;
	_ =	swait.ge @p0 [sflag:s20], $0x3800  }
0x98: {  	s13 =	sshrl.u32 @!p0 s13, $0x3;
	[sflag:s20] =	ssyncset.done @p0 $0x0  }
0x99: {  	s15 =	sadd.s32 @!p0 s0, s13;
	[sflag:s20] =	ssyncadd.s32 @p0 $0xFFFFC800;
	s20 =	simm.s32 @!p0 $0x17900  }
0x9a: {  	[tilespmem:s20], [sflag:$0x3] =	stream.linear.gather @!p0 [hbm4b:s15+s14], $0x80, $0x38;
	[tilespmem:$0x1EB00] =	vst v63  }
0x9b: {  	s13 =	sadd.s32 @!p0 s5, s13;
	s15 =	simm.s32 @!p0 $0x17980  }
0x9c: {  	[tilespmem:s15], [sflag:$0x3] =	stream.linear.gather @!p0 [hbm4b:s13+s14], $0x80, $0x38;
	[tilespmem:$0x1EB00] =	vst v63  }
0x9d: {  	s13 =	simm.s32 @!p0 $0x6  }
0x9e: {  	_ =	swait.ge @!p0 [sflag:s13], $0x3800  }
0x9f: {  	[sflag:s13] =	ssyncset.done @!p0 $0x0  }
0xa0: {  	[sflag:s13] =	ssyncadd.s32 @!p0 $0xFFFFC800;
	s13 =	simm.s32 @!p0 $0x3  }
0xa1: {  	_ =	swait.ge @!p0 [sflag:s13], $0x80  }
0xa2: {  	[sflag:s13] =	ssyncset.done @!p0 $0x0  }
0xa3: {  	[sflag:s13] =	ssyncadd.s32 @!p0 $0xFFFFFF80  }
0xa4: {  	_ =	swait.ge @!p0 [sflag:s13], $0x80  }
0xa5: {  	[sflag:s13] =	ssyncset.done @!p0 $0x0  }
0xa6: {  	[sflag:s13] =	ssyncadd.s32 @!p0 $0xFFFFFF80  }
0xa7: {  	v1 =	vld @!p0 [tilespmem:$0x17900]  }
0xa8: {  	v2 =	vld @!p0 [tilespmem:$0x17910]  }
0xa9: {  	v3 =	vld @!p0 [tilespmem:$0x17920]  }
0xaa: {  	v4 =	vld @!p0 [tilespmem:$0x17930]  }
0xab: {  	v5 =	vld @!p0 [tilespmem:$0x17940]  }
0xac: {  	v6 =	vld @!p0 [tilespmem:$0x17950];
	v1 =	vadd.s32 @!p0 v0, v1  }
0xad: {  	[tilespmem:$0x17900] =	vst @!p0 v1;
	v1 =	vadd.s32 @!p0 v0, v2;
	v2 =	vld @!p0 [tilespmem:$0x17960]  }
0xae: {  	[tilespmem:$0x17910] =	vst @!p0 v1;
	v1 =	vadd.s32 @!p0 v0, v3  }
0xaf: {  	[tilespmem:$0x17920] =	vst @!p0 v1;
	v1 =	vadd.s32 @!p0 v0, v4  }
0xb0: {  	[tilespmem:$0x17930] =	vst @!p0 v1;
	v1 =	vadd.s32 @!p0 v0, v5  }
0xb1: {  	[tilespmem:$0x17940] =	vst @!p0 v1;
	v1 =	vadd.s32 @!p0 v0, v6  }
0xb2: {  	[tilespmem:$0x17950] =	vst @!p0 v1;
	v1 =	vadd.s32 @!p0 v0, v2  }
0xb3: {  	s13 =	simm.s32 @!p0 $0x17A00;
	[tilespmem:$0x17960] =	vst @!p0 v1  }
0xb4: {  	[tilespmem:s13], [sflag:$0x4] =	stream.indirect.gather @!p0 [hbm4b:s6+s12], $0x80, s20, s12, $0xb8;
	[tilespmem:$0x1EB00] =	vst v63  }
.Ltmp2:
0xb5: {  	_ = 	snop;
	(pc) =	sbr.rel @p0 .LBB2_4-.Ltmp2, $4  }
0xb6: {  	[spmem:s3] =	stream.indirect.scatter.add.f32 [tilespmem:s8], [sflag:$0x7], $0x80, s25, s28, $0xb8;
	[tilespmem:$0x1EB00] =	vst v63  }
0xb7: {  	_ =	swait.ge [sflag:s19], $0x3800  }
0xb8: {  	[sflag:s19] =	ssyncset.done $0x0  }
0xb9: {  	[sflag:s19] =	ssyncadd.s32 $0xFFFFC800  }
0xba: {  	s12 =	sand.u32 $0x7C00, s11  }
0xbb: {  	s13 =	sand.u32 $0x380, s11;
	s12 =	sadd.s32 s7, s12  }
0xbc: {  	s12 =	sor.u32 s13, s12  }
.Ltmp3:
0xbd: {  	s12 =	sshrl.u32 s12, $0x3;
	(pc) =	sbr.rel .LBB2_2-.Ltmp3, $4  }
0xbe: {  	s20 =	sadd.s32 s0, s12  }
0xbf: {  	[tilespmem:s24], [sflag:$0x5] =	stream.linear.gather [hbm4b:s20+s4], $0x80, $0x38;
	[tilespmem:$0x1EB00] =	vst v63  }
0xc0: {  	s11 =	sadd.s32 $0x180, s11;
	s12 =	sadd.s32 s5, s12  }
0xc1: {  	[tilespmem:s25], [sflag:$0x5] =	stream.linear.gather [hbm4b:s12+s4], $0x80, $0x38;
	[tilespmem:$0x1EB00] =	vst v63  }
.LBB2_5:
0xc2: {  	_ =	sfence.sel $0x180000  }
0xc3: {  	[bflag:$0x0] =	sbarrier.arrive $0xFFFF  }
0xc4: {  	_ =	strace $0x9000004A  }
0xc5: {  	s0 =	stileid.u32;
	[bflag:$0x2] =	sbarrier.arrive $0xFFFF  }
0xc6: {  	p0 =	sne.s32 s0, $0x0;
	s0 =	rddreg [dreg:$0x3]  }
0xc7: {  	s0 =	sadd.s32 @!p0 $0x100000, s0  }
0xc8: {  	[sflag:s0] =	ssyncadd.tile.s32 @!p0 $0x1;
	_ =	shalt  }
.Lfunc_end2:
_tile_overlayer_lowered:
.L_overlay_start_2:
0xc9: {  	(tag) =	ssettag $0x2  }
0xca: {  	s0 =	rddreg [dreg:$0x0];
	s2 =	stileid.u32  }
0xcb: {  	s1 =	rddreg [dreg:$0x1];
	p0 =	sne.s32 s2, $0x0  }
0xcc: {  	s3 =	rddreg [dreg:$0x2];
	[bflag:$0x3] =	sbarrier.arrive $0xFFFF;
	s2 =	simm.s32 @!p0 $0x1C07  }
0xcd: {  	[timem:s3], [sflag:s2] =	dma.local @!p0 [hbm:s0], s1  }
0xce: {  	s0 =	simm.s32 @!p0 $0x7  }
0xcf: {  	_ =	swait.ge @!p0 [sflag:s0], s1  }
0xd0: {  	s1 =	ssub.s32 @!p0 $0x0, s1;
	[sflag:s0] =	ssyncset.done @!p0 $0x0  }
0xd1: {  	[sflag:s0] =	ssyncadd.s32 @!p0 s1  }
0xd2: {  	[bflag:$0x3] =	sbarrier.arrive $0xFFFF  }
0xd3: {  	_ =	shalt  }

// kernel: kernel.15.cloned.1.call-start
scs
__scs_entry_jumppad:
0x0: {  	(pc) =	sbr.rel $0x88, $3  }
0x1: {  	(tag) =	ssettag $0x0;
	lr =	simm.s32 $0x1  }
0x2: {  	[smem:$0x3F97] =	sst lr;
	_ =	strace $0xD0000000  }
0x3: {  	_ = 	snop  }
0x4: {  	_ = 	snop  }
0x5: {  	_ = 	snop  }
0x6: {  	_ = 	snop  }
0x7: {  	_ = 	snop  }
__scs_overlays_trampoline_lowered:
0x8: {  	[smem:$0x3FA6] =	sst s0  }
0x9: {  	[smem:$0x3FA7] =	sst s1  }
0xa: {  	[smem:$0x3FA8] =	sst s2  }
0xb: {  	[smem:$0x3FA9] =	sst s3  }
0xc: {  	[smem:$0x3FAA] =	sst s4  }
0xd: {  	[smem:$0x3FAB] =	sst s5  }
0xe: {  	[smem:$0x3FAC] =	sst s6  }
0xf: {  	[smem:$0x3FAD] =	sst s7  }
0x10: {  	[smem:$0x3FAE] =	sst s8  }
0x11: {  	[smem:$0x3FAF] =	sst s9;
	s0 =	simm.s32 @!p0 $0x0  }
0x12: {  	s1 =	sld [smem:$0x3F95];
	s0 =	simm.s32 @p0 $0x1  }
0x13: {  	[smem:$0x3FB0] =	sst s0;
	s0 =	simm.s32 @!p1 $0x0  }
0x14: {  	s2 =	sld [smem:$0x3F94];
	s0 =	simm.s32 @p1 $0x1  }
0x15: {  	[smem:$0x3FB1] =	sst s0;
	s0 =	simm.s32 @!p2 $0x0  }
0x16: {  	s3 =	sld [smem:$0x3FDB];
	s0 =	simm.s32 @p2 $0x1  }
0x17: {  	s4 =	simm.s32 $0x1BF5;
	[smem:$0x3FB3] =	sst s0  }
0x18: {  	s0 =	sld [smem:$0x3F96];
	_ =	swait.ge [sflag:s4], $0x0  }
0x19: {  	s7 =	sld [smem:$0x3F97]  }
0x1a: {  	s8 =	sadd.s32 $0xFFFFE003, lr  }
0x1b: {  	s9 =	sadd.s32 $0xFFFFFEF7, lr;
	s5 =	simm.s32 $0xFFFFFFFF;
	p2 =	slt.u32 s8, $0xFFFFF086  }
0x1c: {  	p1 =	slt.u32 s9, $0xF7A;
	s5 =	simm.s32 @!p2 $0x0  }
0x1d: {  	s5 =	simm.s32 @p1 $0x1;
	p0 =	seq.s32 s7, s2  }
0x1e: {  	s7 =	smul.u32 @!p0 $0xF7A, s2;
	p2 =	seq.s32 @!p0 s5, $0x0  }
0x1f: {  	s9 =	smul.u32 $0xF7A, s1;
	s8 =	simm.s32 @!p0 $0x1BF5;
	p2 =	por !p2, p0  }
0x20: {  	[sflag:s8] =	ssyncset.s32 @!p0 $0xFFFFF086;
	s6 =	sadd.s32 @!p0 s3, s7;
	s7 =	simm.s32 @!p0 $0x108  }
0x21: {  	s3 =	sadd.s32 s3, s9;
	s6 =	sadd.s32 @!p0 $0x88, s6;
	s7 =	simm.s32 @p2 $0x1082  }
0x22: {  	[simem:s7], [sflag:s8] =	dma.local @!p0 [hbm:s6], $0xF7A  }
0x23: {  	s9 =	sor.u32 $0xD0000000, s2;
	s6 =	simm.s32 $0x108;
	_ =	swait.ge @!p0 [sflag:s8], $0x0  }
0x24: {  	s3 =	sadd.s32 $0x88, s3;
	s6 =	simm.s32 @!p1 $0x1082;
	[sflag:s4] =	ssyncset.s32 $0xFFFFF086  }
0x25: {  	[simem:s6], [sflag:s4] =	dma.local [hbm:s3], $0xF7A  }
0x26: {  	[smem:$0x3F97] =	sst s1;
	(tag) =	ssettag s2;
	_ =	strace s9  }
0x27: {  	s1 =	sld [smem:$0x3FA7]  }
0x28: {  	s2 =	sld [smem:$0x3FA8]  }
0x29: {  	s4 =	sld [smem:$0x3FAA]  }
0x2a: {  	p0 =	seq.s32 s5, $0x0;
	s5 =	sld [smem:$0x3FAB]  }
0x2b: {  	s6 =	sld [smem:$0x3FAC]  }
0x2c: {  	s7 =	sld [smem:$0x3FAD]  }
0x2d: {  	s3 =	simm.s32 $0x108;
	s8 =	sld [smem:$0x3FAE]  }
0x2e: {  	s3 =	simm.s32 @!p0 $0x1082;
	s9 =	sld [smem:$0x3FAF]  }
0x2f: {  	lr =	sadd.s32 s0, s3;
	s0 =	sld [smem:$0x3FA6]  }
0x30: {  	s3 =	sld [smem:$0x3FA9]  }
0x31: {  	[smem:$0x3FB2] =	sst s10  }
0x32: {  	s10 =	sld [smem:$0x3FB0];
	_ =	sdelay $0x3  }
0x33: {  	p0 =	seq.s32 s10, $0x1;
	s10 =	sld [smem:$0x3FB2];
	_ =	sdelay $0x3  }
0x34: {  	[smem:$0x3FB2] =	sst s10  }
0x35: {  	s10 =	sld [smem:$0x3FB1];
	_ =	sdelay $0x3  }
0x36: {  	p1 =	seq.s32 s10, $0x1;
	s10 =	sld [smem:$0x3FB2];
	_ =	sdelay $0x3  }
0x37: {  	[smem:$0x3FB2] =	sst s10  }
0x38: {  	s10 =	sld [smem:$0x3FB3]  }
0x39: {  	_ = 	snop;
	(pc) =	sbr.ind lr, $3  }
0x3a: {  	_ = 	snop  }
0x3b: {  	_ = 	snop  }
0x3c: {  	p2 =	seq.s32 s10, $0x1;
	s10 =	sld [smem:$0x3FB2]  }
0x3d: {  	_ =	shalt  }
0x3e: {  	_ =	shalt  }
0x3f: {  	_ =	shalt  }
0x40: {  	_ =	shalt  }
0x41: {  	_ =	shalt  }
0x42: {  	_ =	shalt  }
0x43: {  	_ =	shalt  }
0x44: {  	_ =	shalt  }
0x45: {  	_ =	shalt  }
0x46: {  	_ =	shalt  }
0x47: {  	_ =	shalt  }
0x48: {  	_ =	shalt  }
0x49: {  	_ =	shalt  }
0x4a: {  	_ =	shalt  }
0x4b: {  	_ =	shalt  }
0x4c: {  	_ =	shalt  }
0x4d: {  	_ =	shalt  }
0x4e: {  	_ =	shalt  }
0x4f: {  	_ =	shalt  }
0x50: {  	_ =	shalt  }
0x51: {  	_ =	shalt  }
0x52: {  	_ =	shalt  }
0x53: {  	_ =	shalt  }
0x54: {  	_ =	shalt  }
0x55: {  	_ =	shalt  }
0x56: {  	_ =	shalt  }
0x57: {  	_ =	shalt  }
0x58: {  	_ =	shalt  }
0x59: {  	_ =	shalt  }
0x5a: {  	_ =	shalt  }
0x5b: {  	_ =	shalt  }
0x5c: {  	_ =	shalt  }
0x5d: {  	_ =	shalt  }
0x5e: {  	_ =	shalt  }
0x5f: {  	_ =	shalt  }
0x60: {  	_ =	shalt  }
0x61: {  	_ =	shalt  }
0x62: {  	_ =	shalt  }
0x63: {  	_ =	shalt  }
0x64: {  	_ =	shalt  }
0x65: {  	_ =	shalt  }
0x66: {  	_ =	shalt  }
0x67: {  	_ =	shalt  }
0x68: {  	_ =	shalt  }
0x69: {  	_ =	shalt  }
0x6a: {  	_ =	shalt  }
0x6b: {  	_ =	shalt  }
0x6c: {  	_ =	shalt  }
0x6d: {  	_ =	shalt  }
0x6e: {  	_ =	shalt  }
0x6f: {  	_ =	shalt  }
0x70: {  	_ =	shalt  }
0x71: {  	_ =	shalt  }
0x72: {  	_ =	shalt  }
0x73: {  	_ =	shalt  }
0x74: {  	_ =	shalt  }
0x75: {  	_ =	shalt  }
0x76: {  	_ =	shalt  }
0x77: {  	_ =	shalt  }
0x78: {  	_ =	shalt  }
0x79: {  	_ =	shalt  }
0x7a: {  	_ =	shalt  }
0x7b: {  	_ =	shalt  }
0x7c: {  	_ =	shalt  }
0x7d: {  	_ =	shalt  }
0x7e: {  	_ =	shalt  }
0x7f: {  	_ =	shalt  }
0x80: {  	_ =	shalt  }
0x81: {  	_ =	shalt  }
0x82: {  	_ =	shalt  }
0x83: {  	_ =	shalt  }
0x84: {  	_ =	shalt  }
0x85: {  	_ =	shalt  }
0x86: {  	_ =	shalt  }
0x87: {  	_ =	shalt  }
.Lfunc_end0:
.L_simem_size_0:
called_computation.2_lowered:
.L_overlay_start_0:
0x88: {  	s2 =	sld [smem:$0x3FD9]  }
0x89: {  	s3 =	sld [smem:$0x3FFE];
	_ =	sdelay $0x1  }
0x8a: {  	s1 =	srdreg.scid  }
0x8b: {  	s0 =	sand.u32 $0x1, s1  }
0x8c: {  	s17 =	sshll.u32 s0, $0xA;
	s2 =	sadd.s32 s3, s2  }
0x8d: {  	s2 =	sadd.s32 s2, s17  }
0x8e: {  	[smem:$0x3FBE] =	sst s2  }
0x8f: {  	_ = 	snop  }
0x90: {  	s2 =	sld [smem:$0x3FD0];
	(tm) =	ssettm $0x1  }
0x91: {  	s18 =	sld [smem:$0x3FFB];
	_ =	sdelay $0x3  }
0x92: {  	_ =	strace s18  }
0x93: {  	s3 =	sld [smem:$0x3FFC];
	_ =	sdelay $0x3  }
0x94: {  	_ =	strace s3  }
0x95: {  	s3 =	sld [smem:$0x3FFD];
	_ =	sdelay $0x3  }
0x96: {  	_ =	strace s3  }
0x97: {  	_ =	strace $0x8FFFFFFF  }
0x98: {  	s19 =	sld [smem:$0x3FDB];
	_ =	sdelay $0x1  }
0x99: {  	s4 =	simm.s32 $_scs_section_size  }
0x9a: {  	s5 =	simm.s32 $_size__tile_overlayer_lowered;
	s6 =	simm.s32 $_tile_overlayer_lowered  }
0x9b: {  	s22 =	simm.s32 $0x1BFF;
	s21 =	sshll.u32 s6, $0x1;
	s3 =	sadd.s32 s4, s19  }
0x9c: {  	s7 =	simm.s32 $0x0;
	s20 =	sshll.u32 s5, $0x1;
	s5 =	sadd.s32 s21, s3  }
0x9d: {  	[timem:s7], [sflag:s22] =	dma.local [hbm:s5], s20  }
0x9e: {  	_ =	swait.ge [sflag:s22], s20  }
0x9f: {  	s4 =	ssub.s32 $0x0, s20;
	[sflag:s22] =	ssyncset.done $0x0  }
0xa0: {  	[sflag:s22] =	ssyncadd.s32 s4;
	_ =	sdelay $0x1  }
0xa1: {  	s23 =	simm.s32 $0x1B8B  }
0xa2: {  	_ =	swait.ge [sflag:s23], $0x1  }
0xa3: {  	[sflag:s23] =	ssyncset.done $0x0  }
0xa4: {  	s25 =	simm.s32 $0x1B8E;
	s24 =	sld [smem:$0x3FFE];
	[sflag:s23] =	ssyncadd.s32 $0xFFFFFFFF  }
0xa5: {  	s26 =	simm.s32 $execute0_lowered;
	[smem:$0x3FD2] =	sst s25  }
0xa6: {  	s5 =	sshll.u32 s26, $0x1;
	_ =	strace $0x8000004C;
	[dreg:$0x1] =	wrdreg $0xFFFFFFFF  }
0xa7: {  	s28 =	simm.s32 $_size_execute0_lowered;
	s3 =	sadd.s32 s3, s5;
	[dreg:$0x0] =	wrdreg $0x0  }
0xa8: {  	s5 =	sshll.u32 s28, $0x1;
	[dreg:$0x2] =	wrdreg s3  }
0xa9: {  	[dreg:$0x3] =	wrdreg s5  }
0xaa: {  	[dreg:$0x4] =	wrdreg $0xC0  }
0xab: {  	_ =	task [dreg:s7], $0x5FFFF  }
0xac: {  	[dreg:$0x1] =	wrdreg $0xFFFFFFFF  }
0xad: {  	[dreg:$0x0] =	wrdreg $0x60  }
0xae: {  	[dreg:$0x2] =	wrdreg s2  }
0xaf: {  	[dreg:$0x3] =	wrdreg s24  }
0xb0: {  	[dreg:$0x4] =	wrdreg $0x0  }
0xb1: {  	[dreg:$0x5] =	wrdreg $0x9  }
0xb2: {  	_ =	task.clear_ibuf [dreg:s7], $0x6FFFF;
	_ =	strace $0x9000004C  }
0xb3: {  	s29 =	simm.s32 $0x9;
	_ =	strace $0x8000004E  }
0xb4: {  	_ =	swait.ge [sflag:s29], $0x1  }
0xb5: {  	[sflag:s29] =	ssyncadd.s32 $0xFFFFFFFF  }
0xb6: {  	_ =	strace $0x9000004E  }
0xb7: {  	_ =	sfence  }
0xb8: {  	s30 =	sld [smem:$0x0];
	_ =	sdelay $0x2  }
0xb9: {  	s31 =	sshll.u32 s1, $0xD;
	s1 =	sshrl.u32 s1, $0x2  }
0xba: {  	s3 =	sand.u32 $0x4000, s31;
	s1 =	sadd.s32 s1, s30  }
0xbb: {  	s0 =	sor.u32 s3, s0;
	s1 =	sshll.u32 s1, $0x11  }
0xbc: {  	s0 =	sor.u32 s1, s0  }
0xbd: {  	s0 =	sadd.s32 $0x8F2B, s0  }
0xbe: {  	[sflag:s0] =	ssyncadd.remote.s32 $0x1  }
0xbf: {  	_ =	sfence.sel $0xFFFF  }
0xc0: {  	[dreg:$0x0] =	wrdreg $0xFFFFFFFF;
	(pc) =	sbr.abs _section_cstart, $3  }
0xc1: {  	[dreg:$0x1] =	wrdreg $0xFFFFFFFF  }
0xc2: {  	_ =	task.clear_ibuf [dreg:s7], $0x2FFFF;
	_ =	strace $0x9FFFFFFF  }
0xc3: {  	(tm) =	ssettm $0x7FFFFFFF  }
tec
execute0_lowered:
.L_overlay_start_1:
0x0: {  	(tag) =	ssettag $0x1  }
0x1: {  	s0 =	rddreg [dreg:$0x0]  }
0x2: {  	s1 =	rddreg [dreg:$0x1]  }
0x3: {  	s2 =	srdreg.scid;
	s3 =	rddreg [dreg:$0x2]  }
0x4: {  	s12 =	stileid.u32;
	s4 =	simm.s32 $0x0;
	s28 =	simm.s32 $0x70  }
0x5: {  	s29 =	simm.s32 $0x14100;
	s30 =	simm.s32 $0x3;
	s5 =	smul.u32 $0x280, s12  }
0x6: {  	s31 =	simm.s32 $0x17A00;
	s2 =	sand.u32 $0x1, s2;
	s7 =	smul.u32 $0x50000, s12  }
0x7: {  	[smem:$0x7FF] =	sst s4;
	s8 =	smul.u32 $0x2800, s2;
	s2 =	ssub.s32 $0x2, s2  }
0x8: {  	s20 =	sshll.u32 s12, $0x6;
	_ =	strace $0x8000004D;
	s10 =	sshrl.u32 s2, $0x1  }
0x9: {  	s11 =	sshrl.u32 s7, $0x2;
	s7 =	smul.u32 $0x3000, s12;
	s6 =	sadd.s32 s5, s8  }
0xa: {  	s5 =	sadd.s32 $0xB2400, s1;
	s2 =	ssub.s32 s2, s10;
	s19 =	sadd.s32 s11, s3  }
0xb: {  	v0 =	vmov s8;
	s8 =	simm.s32 $0x1B300;
	s10 =	simm.s32 $0x0;
	s9 =	sshll.u32 s6, $0x4  }
0xc: {  	s6 =	sadd.s32 $0x2200, s1;
	s21 =	sshrl.u32 s7, $0x3;
	s17 =	smax.u32 s2, $0x1  }
0xd: {  	s18 =	sshrl.u32 s19, $0x3;
	s19 =	simm.s32 $0x7;
	s2 =	simm.s32 $0x5  }
0xe: {  	s1 =	sadd.s32 s9, s1;
	s9 =	sadd.s32 s6, s9;
	s22 =	sadd.s32 s0, s21  }
0xf: {  	s23 =	sadd.s32 s5, s21;
	s13 =	sor.u32 $0x10, s21;
	[dreg:$0x4] =	wrdreg s9  }
0x10: {  	s11 =	sor.u32 $0x20, s21;
	s21 =	simm.s32 $0x14080;
	[dreg:$0x5] =	wrdreg s22  }
0x11: {  	s9 =	sor.u32 $0x1C07, s20;
	[dreg:$0x6] =	wrdreg s23;
	s24 =	sadd.s32 s0, s13  }
.Ltmp0:
0x12: {  	s25 =	sadd.s32 s5, s13;
	[dreg:$0x7] =	wrdreg s24;
	(pc) =	sbr.rel .LBB2_1-.Ltmp0, $4  }
0x13: {  	s26 =	sadd.s32 s0, s11;
	s11 =	sadd.s32 s5, s11;
	[dreg:$0x8] =	wrdreg s25  }
0x14: {  	s16 =	sadd.s32 $0x52200, s1;
	s22 =	simm.s32 $0x17900;
	[dreg:$0x9] =	wrdreg s26  }
0x15: {  	s23 =	simm.s32 $0x17980;
	s1 =	simm.s32 $0x2;
	[dreg:$0xa] =	wrdreg s11  }
0x16: {  	s24 =	simm.s32 $0x1B200;
	s25 =	simm.s32 $0x1B280;
	s26 =	simm.s32 $0x1  }
.LBB2_4:
0x17: {  	s10 =	sadd.s32 $0x1, s10  }
0x18: {  	p0 =	sne.s32 s10, s17  }
.Ltmp1:
0x19: {  	[bflag:$0x0] =	sbarrier.arrive $0xFFFF;
	(pc) =	sbr.rel @!p0 .LBB2_5-.Ltmp1, $4  }
0x1a: {  	[hbm:s16], [sflag:s9] =	dma.local [spmem:s18], $0x2800  }
0x1b: {  	_ =	swait.ge [sflag:s19], $0x2800  }
0x1c: {  	[sflag:s19] =	ssyncset.done $0x0  }
0x1d: {  	[sflag:s19] =	ssyncadd.s32 $0xFFFFD800  }
.LBB2_1:
0x1e: {  	s11 =	rddreg [dreg:$0x4]  }
0x1f: {  	[spmem:s18], [sflag:s9] =	dma.local [hbm:s11], $0x2800  }
0x20: {  	_ =	swait.ge [sflag:s19], $0x2800  }
0x21: {  	[sflag:s19] =	ssyncset.done $0x0  }
0x22: {  	[sflag:s19] =	ssyncadd.s32 $0xFFFFD800  }
0x23: {  	[bflag:$0x0] =	sbarrier.arrive $0xFFFF  }
0x24: {  	s12 =	simm.s32 $0x14000;
	s15 =	rddreg [dreg:$0x5]  }
0x25: {  	[tilespmem:s12], [sflag:$0x1] =	stream.linear.gather [hbm4b:s15+s4], $0x80, $0x38;
	[tilespmem:$0x1EB00] =	vst v63  }
0x26: {  	s20 =	rddreg [dreg:$0x6]  }
0x27: {  	[tilespmem:s21], [sflag:$0x1] =	stream.linear.gather [hbm4b:s20+s4], $0x80, $0x38;
	[tilespmem:$0x1EB00] =	vst v63  }
0x28: {  	s13 =	rddreg [dreg:$0x7]  }
0x29: {  	[tilespmem:s22], [sflag:$0x3] =	stream.linear.gather [hbm4b:s13+s4], $0x80, $0x38;
	[tilespmem:$0x1EB00] =	vst v63  }
0x2a: {  	s14 =	rddreg [dreg:$0x8]  }
0x2b: {  	[tilespmem:s23], [sflag:$0x3] =	stream.linear.gather [hbm4b:s14+s4], $0x80, $0x38;
	[tilespmem:$0x1EB00] =	vst v63  }
0x2c: {  	s15 =	rddreg [dreg:$0x9]  }
0x2d: {  	[tilespmem:s24], [sflag:$0x5] =	stream.linear.gather [hbm4b:s15+s4], $0x80, $0x38;
	[tilespmem:$0x1EB00] =	vst v63  }
0x2e: {  	s20 =	rddreg [dreg:$0xa]  }
0x2f: {  	[tilespmem:s25], [sflag:$0x5] =	stream.linear.gather [hbm4b:s20+s4], $0x80, $0x38;
	[tilespmem:$0x1EB00] =	vst v63  }
0x30: {  	_ =	swait.ge [sflag:s26], $0x80  }
0x31: {  	[sflag:s26] =	ssyncset.done $0x0  }
0x32: {  	[sflag:s26] =	ssyncadd.s32 $0xFFFFFF80  }
0x33: {  	_ =	swait.ge [sflag:s26], $0x80  }
0x34: {  	[sflag:s26] =	ssyncset.done $0x0  }
0x35: {  	[sflag:s26] =	ssyncadd.s32 $0xFFFFFF80  }
0x36: {  	v1 =	vld [tilespmem:$0x14000]  }
0x37: {  	v2 =	vld [tilespmem:$0x14010]  }
0x38: {  	v3 =	vld [tilespmem:$0x14020]  }
0x39: {  	v4 =	vld [tilespmem:$0x14030]  }
0x3a: {  	v5 =	vld [tilespmem:$0x14040]  }
0x3b: {  	v6 =	vld [tilespmem:$0x14050];
	v1 =	vadd.s32 v0, v1  }
0x3c: {  	[tilespmem:$0x14000] =	vst v1;
	v1 =	vadd.s32 v0, v2;
	v2 =	vld [tilespmem:$0x14060]  }
0x3d: {  	[tilespmem:$0x14010] =	vst v1;
	v1 =	vadd.s32 v0, v3  }
0x3e: {  	[tilespmem:$0x14020] =	vst v1;
	v1 =	vadd.s32 v0, v4  }
0x3f: {  	[tilespmem:$0x14030] =	vst v1;
	v1 =	vadd.s32 v0, v5  }
0x40: {  	[tilespmem:$0x14040] =	vst v1;
	v1 =	vadd.s32 v0, v6  }
0x41: {  	[tilespmem:$0x14050] =	vst v1;
	v1 =	vadd.s32 v0, v2  }
0x42: {  	[tilespmem:$0x14060] =	vst v1  }
0x43: {  	[tilespmem:s29], [sflag:$0x2] =	stream.indirect.gather [hbm4b:s6+s28], $0x80, s12, s28, $0xb8;
	[tilespmem:$0x1EB00] =	vst v63  }
0x44: {  	_ =	swait.ge [sflag:s30], $0x80  }
0x45: {  	[sflag:s30] =	ssyncset.done $0x0  }
0x46: {  	[sflag:s30] =	ssyncadd.s32 $0xFFFFFF80  }
0x47: {  	_ =	swait.ge [sflag:s30], $0x80  }
0x48: {  	[sflag:s30] =	ssyncset.done $0x0  }
0x49: {  	[sflag:s30] =	ssyncadd.s32 $0xFFFFFF80  }
0x4a: {  	v1 =	vld [tilespmem:$0x17900]  }
0x4b: {  	v2 =	vld [tilespmem:$0x17910]  }
0x4c: {  	v3 =	vld [tilespmem:$0x17920]  }
0x4d: {  	v61 =	vld [tilespmem:$0x17930]  }
0x4e: {  	v62 =	vld [tilespmem:$0x17940]  }
0x4f: {  	v63 =	vld [tilespmem:$0x17950];
	v1 =	vadd.s32 v0, v1  }
0x50: {  	[tilespmem:$0x17900] =	vst v1;
	v1 =	vadd.s32 v0, v2;
	v2 =	vld [tilespmem:$0x17960]  }
0x51: {  	[tilespmem:$0x17910] =	vst v1;
	v1 =	vadd.s32 v0, v3  }
0x52: {  	[tilespmem:$0x17920] =	vst v1;
	v1 =	vadd.s32 v0, v61  }
0x53: {  	[tilespmem:$0x17930] =	vst v1;
	v1 =	vadd.s32 v0, v62  }
0x54: {  	[tilespmem:$0x17940] =	vst v1;
	v1 =	vadd.s32 v0, v63  }
0x55: {  	[tilespmem:$0x17950] =	vst v1;
	v1 =	vadd.s32 v0, v2  }
0x56: {  	s11 =	simm.s32 $0x280;
	[tilespmem:$0x17960] =	vst v1  }
0x57: {  	[tilespmem:s31], [sflag:$0x4] =	stream.indirect.gather [hbm4b:s6+s28], $0x80, s22, s28, $0xb8;
	[tilespmem:$0x1EB00] =	vst v63  }
.LBB2_2:
0x58: {  	_ =	swait.ge [sflag:s1], $0x3800  }
0x59: {  	[sflag:s1] =	ssyncset.done $0x0  }
0x5a: {  	[sflag:s1] =	ssyncadd.s32 $0xFFFFC800  }
0x5b: {  	_ =	swait.ge [sflag:s2], $0x80  }
0x5c: {  	[sflag:s2] =	ssyncset.done $0x0  }
0x5d: {  	[sflag:s2] =	ssyncadd.s32 $0xFFFFFF80  }
0x5e: {  	_ =	swait.ge [sflag:s2], $0x80  }
0x5f: {  	[sflag:s2] =	ssyncset.done $0x0  }
0x60: {  	[sflag:s2] =	ssyncadd.s32 $0xFFFFFF80  }
0x61: {  	v1 =	vld [tilespmem:$0x1B200]  }
0x62: {  	v2 =	vld [tilespmem:$0x1B210]  }
0x63: {  	v3 =	vld [tilespmem:$0x1B220]  }
0x64: {  	v4 =	vld [tilespmem:$0x1B230]  }
0x65: {  	v5 =	vld [tilespmem:$0x1B240]  }
0x66: {  	v6 =	vld [tilespmem:$0x1B250];
	v1 =	vadd.s32 v0, v1  }
0x67: {  	[tilespmem:$0x1B200] =	vst v1;
	v1 =	vadd.s32 v0, v2;
	v2 =	vld [tilespmem:$0x1B260]  }
0x68: {  	[tilespmem:$0x1B210] =	vst v1;
	v1 =	vadd.s32 v0, v3  }
0x69: {  	[tilespmem:$0x1B220] =	vst v1;
	v1 =	vadd.s32 v0, v4  }
0x6a: {  	[tilespmem:$0x1B230] =	vst v1;
	v1 =	vadd.s32 v0, v5  }
0x6b: {  	[tilespmem:$0x1B240] =	vst v1;
	v1 =	vadd.s32 v0, v6  }
0x6c: {  	[tilespmem:$0x1B250] =	vst v1;
	v1 =	vadd.s32 v0, v2  }
0x6d: {  	[tilespmem:$0x1B260] =	vst v1  }
0x6e: {  	[tilespmem:s8], [sflag:$0x6] =	stream.indirect.gather [hbm4b:s6+s28], $0x80, s24, s28, $0xb8;
	[tilespmem:$0x1EB00] =	vst v63  }
0x6f: {  	p0 =	seq.s32 s11, $0x2E00  }
0x70: {  	[spmem:s3] =	stream.indirect.scatter.add.f32 [tilespmem:s29], [sflag:$0x7], $0x80, s21, s28, $0xb8;
	[tilespmem:$0x1EB00] =	vst v63  }
0x71: {  	s12 =	sadd.s32 @!p0 $0xFFFFFF00, s11;
	_ =	swait.ge [sflag:s19], $0x3800  }
0x72: {  	s13 =	simm.s32 @p0 $0x4;
	s14 =	sand.u32 @!p0 $0x7C00, s12;
	[sflag:s19] =	ssyncset.done $0x0  }
0x73: {  	s12 =	sand.u32 @!p0 $0x380, s12;
	s14 =	sadd.s32 @!p0 s7, s14;
	[sflag:s19] =	ssyncadd.s32 $0xFFFFC800  }
0x74: {  	s12 =	sor.u32 @!p0 s12, s14;
	_ =	swait.ge @p0 [sflag:s13], $0x3800  }
0x75: {  	s15 =	simm.s32 @!p0 $0x14000;
	s12 =	sshrl.u32 @!p0 s12, $0x3;
	[sflag:s13] =	ssyncset.done @p0 $0x0  }
0x76: {  	s14 =	simm.s32 @!p0 $0x0;
	[sflag:s13] =	ssyncadd.s32 @p0 $0xFFFFC800;
	s13 =	sadd.s32 @!p0 s0, s12  }
0x77: {  	[tilespmem:s15], [sflag:$0x1] =	stream.linear.gather @!p0 [hbm4b:s13+s14], $0x80, $0x38;
	[tilespmem:$0x1EB00] =	vst v63  }
0x78: {  	s12 =	sadd.s32 @!p0 s5, s12;
	s13 =	simm.s32 @!p0 $0x14080  }
0x79: {  	[tilespmem:s13], [sflag:$0x1] =	stream.linear.gather @!p0 [hbm4b:s12+s14], $0x80, $0x38;
	[tilespmem:$0x1EB00] =	vst v63  }
0x7a: {  	s12 =	simm.s32 @!p0 $0x4  }
0x7b: {  	_ =	swait.ge @!p0 [sflag:s12], $0x3800  }
0x7c: {  	[sflag:s12] =	ssyncset.done @!p0 $0x0  }
0x7d: {  	[sflag:s12] =	ssyncadd.s32 @!p0 $0xFFFFC800;
	s12 =	simm.s32 @!p0 $0x1  }
0x7e: {  	_ =	swait.ge @!p0 [sflag:s12], $0x80  }
0x7f: {  	[sflag:s12] =	ssyncset.done @!p0 $0x0  }
0x80: {  	[sflag:s12] =	ssyncadd.s32 @!p0 $0xFFFFFF80  }
0x81: {  	_ =	swait.ge @!p0 [sflag:s12], $0x80  }
0x82: {  	[sflag:s12] =	ssyncset.done @!p0 $0x0  }
0x83: {  	[sflag:s12] =	ssyncadd.s32 @!p0 $0xFFFFFF80  }
0x84: {  	v1 =	vld @!p0 [tilespmem:$0x14000]  }
0x85: {  	v2 =	vld @!p0 [tilespmem:$0x14010]  }
0x86: {  	v3 =	vld @!p0 [tilespmem:$0x14020]  }
0x87: {  	v4 =	vld @!p0 [tilespmem:$0x14030]  }
0x88: {  	v5 =	vld @!p0 [tilespmem:$0x14040]  }
0x89: {  	v6 =	vld @!p0 [tilespmem:$0x14050];
	v1 =	vadd.s32 @!p0 v0, v1  }
0x8a: {  	[tilespmem:$0x14000] =	vst @!p0 v1;
	v1 =	vadd.s32 @!p0 v0, v2;
	v2 =	vld @!p0 [tilespmem:$0x14060]  }
0x8b: {  	[tilespmem:$0x14010] =	vst @!p0 v1;
	v1 =	vadd.s32 @!p0 v0, v3  }
0x8c: {  	[tilespmem:$0x14020] =	vst @!p0 v1;
	v1 =	vadd.s32 @!p0 v0, v4  }
0x8d: {  	[tilespmem:$0x14030] =	vst @!p0 v1;
	v1 =	vadd.s32 @!p0 v0, v5  }
0x8e: {  	[tilespmem:$0x14040] =	vst @!p0 v1;
	v1 =	vadd.s32 @!p0 v0, v6  }
0x8f: {  	[tilespmem:$0x14050] =	vst @!p0 v1;
	v1 =	vadd.s32 @!p0 v0, v2  }
0x90: {  	s13 =	simm.s32 @!p0 $0x14100;
	s12 =	simm.s32 @!p0 $0x70;
	[tilespmem:$0x14060] =	vst @!p0 v1  }
0x91: {  	[tilespmem:s13], [sflag:$0x2] =	stream.indirect.gather @!p0 [hbm4b:s6+s12], $0x80, s15, s12, $0xb8;
	[tilespmem:$0x1EB00] =	vst v63  }
0x92: {  	_ = 	snop  }
0x93: {  	[spmem:s3] =	stream.indirect.scatter.add.f32 [tilespmem:s31], [sflag:$0x7], $0x80, s23, s28, $0xb8;
	[tilespmem:$0x1EB00] =	vst v63  }
0x94: {  	s13 =	sadd.s32 @!p0 $0xFFFFFF80, s11;
	_ =	swait.ge [sflag:s19], $0x3800  }
0x95: {  	s20 =	simm.s32 @p0 $0x6;
	s15 =	sand.u32 @!p0 $0x7C00, s13;
	[sflag:s19] =	ssyncset.done $0x0  }
0x96: {  	s13 =	sand.u32 @!p0 $0x380, s13;
	s15 =	sadd.s32 @!p0 s7, s15;
	[sflag:s19] =	ssyncadd.s32 $0xFFFFC800  }
0x97: {  	s13 =	sor.u32 @!p0 s13, s15;
	_ =	swait.ge @p0 [sflag:s20], $0x3800  }
0x98: {  	s13 =	sshrl.u32 @!p0 s13, $0x3;
	[sflag:s20] =	ssyncset.done @p0 $0x0  }
0x99: {  	s15 =	sadd.s32 @!p0 s0, s13;
	[sflag:s20] =	ssyncadd.s32 @p0 $0xFFFFC800;
	s20 =	simm.s32 @!p0 $0x17900  }
0x9a: {  	[tilespmem:s20], [sflag:$0x3] =	stream.linear.gather @!p0 [hbm4b:s15+s14], $0x80, $0x38;
	[tilespmem:$0x1EB00] =	vst v63  }
0x9b: {  	s13 =	sadd.s32 @!p0 s5, s13;
	s15 =	simm.s32 @!p0 $0x17980  }
0x9c: {  	[tilespmem:s15], [sflag:$0x3] =	stream.linear.gather @!p0 [hbm4b:s13+s14], $0x80, $0x38;
	[tilespmem:$0x1EB00] =	vst v63  }
0x9d: {  	s13 =	simm.s32 @!p0 $0x6  }
0x9e: {  	_ =	swait.ge @!p0 [sflag:s13], $0x3800  }
0x9f: {  	[sflag:s13] =	ssyncset.done @!p0 $0x0  }
0xa0: {  	[sflag:s13] =	ssyncadd.s32 @!p0 $0xFFFFC800;
	s13 =	simm.s32 @!p0 $0x3  }
0xa1: {  	_ =	swait.ge @!p0 [sflag:s13], $0x80  }
0xa2: {  	[sflag:s13] =	ssyncset.done @!p0 $0x0  }
0xa3: {  	[sflag:s13] =	ssyncadd.s32 @!p0 $0xFFFFFF80  }
0xa4: {  	_ =	swait.ge @!p0 [sflag:s13], $0x80  }
0xa5: {  	[sflag:s13] =	ssyncset.done @!p0 $0x0  }
0xa6: {  	[sflag:s13] =	ssyncadd.s32 @!p0 $0xFFFFFF80  }
0xa7: {  	v1 =	vld @!p0 [tilespmem:$0x17900]  }
0xa8: {  	v2 =	vld @!p0 [tilespmem:$0x17910]  }
0xa9: {  	v3 =	vld @!p0 [tilespmem:$0x17920]  }
0xaa: {  	v4 =	vld @!p0 [tilespmem:$0x17930]  }
0xab: {  	v5 =	vld @!p0 [tilespmem:$0x17940]  }
0xac: {  	v6 =	vld @!p0 [tilespmem:$0x17950];
	v1 =	vadd.s32 @!p0 v0, v1  }
0xad: {  	[tilespmem:$0x17900] =	vst @!p0 v1;
	v1 =	vadd.s32 @!p0 v0, v2;
	v2 =	vld @!p0 [tilespmem:$0x17960]  }
0xae: {  	[tilespmem:$0x17910] =	vst @!p0 v1;
	v1 =	vadd.s32 @!p0 v0, v3  }
0xaf: {  	[tilespmem:$0x17920] =	vst @!p0 v1;
	v1 =	vadd.s32 @!p0 v0, v4  }
0xb0: {  	[tilespmem:$0x17930] =	vst @!p0 v1;
	v1 =	vadd.s32 @!p0 v0, v5  }
0xb1: {  	[tilespmem:$0x17940] =	vst @!p0 v1;
	v1 =	vadd.s32 @!p0 v0, v6  }
0xb2: {  	[tilespmem:$0x17950] =	vst @!p0 v1;
	v1 =	vadd.s32 @!p0 v0, v2  }
0xb3: {  	s13 =	simm.s32 @!p0 $0x17A00;
	[tilespmem:$0x17960] =	vst @!p0 v1  }
0xb4: {  	[tilespmem:s13], [sflag:$0x4] =	stream.indirect.gather @!p0 [hbm4b:s6+s12], $0x80, s20, s12, $0xb8;
	[tilespmem:$0x1EB00] =	vst v63  }
.Ltmp2:
0xb5: {  	_ = 	snop;
	(pc) =	sbr.rel @p0 .LBB2_4-.Ltmp2, $4  }
0xb6: {  	[spmem:s3] =	stream.indirect.scatter.add.f32 [tilespmem:s8], [sflag:$0x7], $0x80, s25, s28, $0xb8;
	[tilespmem:$0x1EB00] =	vst v63  }
0xb7: {  	_ =	swait.ge [sflag:s19], $0x3800  }
0xb8: {  	[sflag:s19] =	ssyncset.done $0x0  }
0xb9: {  	[sflag:s19] =	ssyncadd.s32 $0xFFFFC800  }
0xba: {  	s12 =	sand.u32 $0x7C00, s11  }
0xbb: {  	s13 =	sand.u32 $0x380, s11;
	s12 =	sadd.s32 s7, s12  }
0xbc: {  	s12 =	sor.u32 s13, s12  }
.Ltmp3:
0xbd: {  	s12 =	sshrl.u32 s12, $0x3;
	(pc) =	sbr.rel .LBB2_2-.Ltmp3, $4  }
0xbe: {  	s20 =	sadd.s32 s0, s12  }
0xbf: {  	[tilespmem:s24], [sflag:$0x5] =	stream.linear.gather [hbm4b:s20+s4], $0x80, $0x38;
	[tilespmem:$0x1EB00] =	vst v63  }
0xc0: {  	s11 =	sadd.s32 $0x180, s11;
	s12 =	sadd.s32 s5, s12  }
0xc1: {  	[tilespmem:s25], [sflag:$0x5] =	stream.linear.gather [hbm4b:s12+s4], $0x80, $0x38;
	[tilespmem:$0x1EB00] =	vst v63  }
.LBB2_5:
0xc2: {  	_ =	sfence.sel $0x180000  }
0xc3: {  	[bflag:$0x0] =	sbarrier.arrive $0xFFFF  }
0xc4: {  	_ =	strace $0x9000004D  }
0xc5: {  	s0 =	stileid.u32;
	[bflag:$0x2] =	sbarrier.arrive $0xFFFF  }
0xc6: {  	p0 =	sne.s32 s0, $0x0;
	s0 =	rddreg [dreg:$0x3]  }
0xc7: {  	s0 =	sadd.s32 @!p0 $0x100000, s0  }
0xc8: {  	[sflag:s0] =	ssyncadd.tile.s32 @!p0 $0x1;
	_ =	shalt  }
.Lfunc_end2:
_tile_overlayer_lowered:
.L_overlay_start_2:
0xc9: {  	(tag) =	ssettag $0x2  }
0xca: {  	s0 =	rddreg [dreg:$0x0];
	s2 =	stileid.u32  }
0xcb: {  	s1 =	rddreg [dreg:$0x1];
	p0 =	sne.s32 s2, $0x0  }
0xcc: {  	s3 =	rddreg [dreg:$0x2];
	[bflag:$0x3] =	sbarrier.arrive $0xFFFF;
	s2 =	simm.s32 @!p0 $0x1C07  }
0xcd: {  	[timem:s3], [sflag:s2] =	dma.local @!p0 [hbm:s0], s1  }
0xce: {  	s0 =	simm.s32 @!p0 $0x7  }
0xcf: {  	_ =	swait.ge @!p0 [sflag:s0], s1  }
0xd0: {  	s1 =	ssub.s32 @!p0 $0x0, s1;
	[sflag:s0] =	ssyncset.done @!p0 $0x0  }
0xd1: {  	[sflag:s0] =	ssyncadd.s32 @!p0 s1  }
0xd2: {  	[bflag:$0x3] =	sbarrier.arrive $0xFFFF  }
0xd3: {  	_ =	shalt  }

// kernel: kernel.9.cloned.1.call-start
scs
__scs_entry_jumppad:
0x0: {  	(pc) =	sbr.rel $0x88, $3  }
0x1: {  	(tag) =	ssettag $0x0;
	lr =	simm.s32 $0x1  }
0x2: {  	[smem:$0x3F97] =	sst lr;
	_ =	strace $0xD0000000  }
0x3: {  	_ = 	snop  }
0x4: {  	_ = 	snop  }
0x5: {  	_ = 	snop  }
0x6: {  	_ = 	snop  }
0x7: {  	_ = 	snop  }
__scs_overlays_trampoline_lowered:
0x8: {  	[smem:$0x3FA6] =	sst s0  }
0x9: {  	[smem:$0x3FA7] =	sst s1  }
0xa: {  	[smem:$0x3FA8] =	sst s2  }
0xb: {  	[smem:$0x3FA9] =	sst s3  }
0xc: {  	[smem:$0x3FAA] =	sst s4  }
0xd: {  	[smem:$0x3FAB] =	sst s5  }
0xe: {  	[smem:$0x3FAC] =	sst s6  }
0xf: {  	[smem:$0x3FAD] =	sst s7  }
0x10: {  	[smem:$0x3FAE] =	sst s8  }
0x11: {  	[smem:$0x3FAF] =	sst s9;
	s0 =	simm.s32 @!p0 $0x0  }
0x12: {  	s1 =	sld [smem:$0x3F95];
	s0 =	simm.s32 @p0 $0x1  }
0x13: {  	[smem:$0x3FB0] =	sst s0;
	s0 =	simm.s32 @!p1 $0x0  }
0x14: {  	s2 =	sld [smem:$0x3F94];
	s0 =	simm.s32 @p1 $0x1  }
0x15: {  	[smem:$0x3FB1] =	sst s0;
	s0 =	simm.s32 @!p2 $0x0  }
0x16: {  	s3 =	sld [smem:$0x3FDB];
	s0 =	simm.s32 @p2 $0x1  }
0x17: {  	s4 =	simm.s32 $0x1BF5;
	[smem:$0x3FB3] =	sst s0  }
0x18: {  	s0 =	sld [smem:$0x3F96];
	_ =	swait.ge [sflag:s4], $0x0  }
0x19: {  	s7 =	sld [smem:$0x3F97]  }
0x1a: {  	s8 =	sadd.s32 $0xFFFFE003, lr  }
0x1b: {  	s9 =	sadd.s32 $0xFFFFFEF7, lr;
	s5 =	simm.s32 $0xFFFFFFFF;
	p2 =	slt.u32 s8, $0xFFFFF086  }
0x1c: {  	p1 =	slt.u32 s9, $0xF7A;
	s5 =	simm.s32 @!p2 $0x0  }
0x1d: {  	s5 =	simm.s32 @p1 $0x1;
	p0 =	seq.s32 s7, s2  }
0x1e: {  	s7 =	smul.u32 @!p0 $0xF7A, s2;
	p2 =	seq.s32 @!p0 s5, $0x0  }
0x1f: {  	s9 =	smul.u32 $0xF7A, s1;
	s8 =	simm.s32 @!p0 $0x1BF5;
	p2 =	por !p2, p0  }
0x20: {  	[sflag:s8] =	ssyncset.s32 @!p0 $0xFFFFF086;
	s6 =	sadd.s32 @!p0 s3, s7;
	s7 =	simm.s32 @!p0 $0x108  }
0x21: {  	s3 =	sadd.s32 s3, s9;
	s6 =	sadd.s32 @!p0 $0x88, s6;
	s7 =	simm.s32 @p2 $0x1082  }
0x22: {  	[simem:s7], [sflag:s8] =	dma.local @!p0 [hbm:s6], $0xF7A  }
0x23: {  	s9 =	sor.u32 $0xD0000000, s2;
	s6 =	simm.s32 $0x108;
	_ =	swait.ge @!p0 [sflag:s8], $0x0  }
0x24: {  	s3 =	sadd.s32 $0x88, s3;
	s6 =	simm.s32 @!p1 $0x1082;
	[sflag:s4] =	ssyncset.s32 $0xFFFFF086  }
0x25: {  	[simem:s6], [sflag:s4] =	dma.local [hbm:s3], $0xF7A  }
0x26: {  	[smem:$0x3F97] =	sst s1;
	(tag) =	ssettag s2;
	_ =	strace s9  }
0x27: {  	s1 =	sld [smem:$0x3FA7]  }
0x28: {  	s2 =	sld [smem:$0x3FA8]  }
0x29: {  	s4 =	sld [smem:$0x3FAA]  }
0x2a: {  	p0 =	seq.s32 s5, $0x0;
	s5 =	sld [smem:$0x3FAB]  }
0x2b: {  	s6 =	sld [smem:$0x3FAC]  }
0x2c: {  	s7 =	sld [smem:$0x3FAD]  }
0x2d: {  	s3 =	simm.s32 $0x108;
	s8 =	sld [smem:$0x3FAE]  }
0x2e: {  	s3 =	simm.s32 @!p0 $0x1082;
	s9 =	sld [smem:$0x3FAF]  }
0x2f: {  	lr =	sadd.s32 s0, s3;
	s0 =	sld [smem:$0x3FA6]  }
0x30: {  	s3 =	sld [smem:$0x3FA9]  }
0x31: {  	[smem:$0x3FB2] =	sst s10  }
0x32: {  	s10 =	sld [smem:$0x3FB0];
	_ =	sdelay $0x3  }
0x33: {  	p0 =	seq.s32 s10, $0x1;
	s10 =	sld [smem:$0x3FB2];
	_ =	sdelay $0x3  }
0x34: {  	[smem:$0x3FB2] =	sst s10  }
0x35: {  	s10 =	sld [smem:$0x3FB1];
	_ =	sdelay $0x3  }
0x36: {  	p1 =	seq.s32 s10, $0x1;
	s10 =	sld [smem:$0x3FB2];
	_ =	sdelay $0x3  }
0x37: {  	[smem:$0x3FB2] =	sst s10  }
0x38: {  	s10 =	sld [smem:$0x3FB3]  }
0x39: {  	_ = 	snop;
	(pc) =	sbr.ind lr, $3  }
0x3a: {  	_ = 	snop  }
0x3b: {  	_ = 	snop  }
0x3c: {  	p2 =	seq.s32 s10, $0x1;
	s10 =	sld [smem:$0x3FB2]  }
0x3d: {  	_ =	shalt  }
0x3e: {  	_ =	shalt  }
0x3f: {  	_ =	shalt  }
0x40: {  	_ =	shalt  }
0x41: {  	_ =	shalt  }
0x42: {  	_ =	shalt  }
0x43: {  	_ =	shalt  }
0x44: {  	_ =	shalt  }
0x45: {  	_ =	shalt  }
0x46: {  	_ =	shalt  }
0x47: {  	_ =	shalt  }
0x48: {  	_ =	shalt  }
0x49: {  	_ =	shalt  }
0x4a: {  	_ =	shalt  }
0x4b: {  	_ =	shalt  }
0x4c: {  	_ =	shalt  }
0x4d: {  	_ =	shalt  }
0x4e: {  	_ =	shalt  }
0x4f: {  	_ =	shalt  }
0x50: {  	_ =	shalt  }
0x51: {  	_ =	shalt  }
0x52: {  	_ =	shalt  }
0x53: {  	_ =	shalt  }
0x54: {  	_ =	shalt  }
0x55: {  	_ =	shalt  }
0x56: {  	_ =	shalt  }
0x57: {  	_ =	shalt  }
0x58: {  	_ =	shalt  }
0x59: {  	_ =	shalt  }
0x5a: {  	_ =	shalt  }
0x5b: {  	_ =	shalt  }
0x5c: {  	_ =	shalt  }
0x5d: {  	_ =	shalt  }
0x5e: {  	_ =	shalt  }
0x5f: {  	_ =	shalt  }
0x60: {  	_ =	shalt  }
0x61: {  	_ =	shalt  }
0x62: {  	_ =	shalt  }
0x63: {  	_ =	shalt  }
0x64: {  	_ =	shalt  }
0x65: {  	_ =	shalt  }
0x66: {  	_ =	shalt  }
0x67: {  	_ =	shalt  }
0x68: {  	_ =	shalt  }
0x69: {  	_ =	shalt  }
0x6a: {  	_ =	shalt  }
0x6b: {  	_ =	shalt  }
0x6c: {  	_ =	shalt  }
0x6d: {  	_ =	shalt  }
0x6e: {  	_ =	shalt  }
0x6f: {  	_ =	shalt  }
0x70: {  	_ =	shalt  }
0x71: {  	_ =	shalt  }
0x72: {  	_ =	shalt  }
0x73: {  	_ =	shalt  }
0x74: {  	_ =	shalt  }
0x75: {  	_ =	shalt  }
0x76: {  	_ =	shalt  }
0x77: {  	_ =	shalt  }
0x78: {  	_ =	shalt  }
0x79: {  	_ =	shalt  }
0x7a: {  	_ =	shalt  }
0x7b: {  	_ =	shalt  }
0x7c: {  	_ =	shalt  }
0x7d: {  	_ =	shalt  }
0x7e: {  	_ =	shalt  }
0x7f: {  	_ =	shalt  }
0x80: {  	_ =	shalt  }
0x81: {  	_ =	shalt  }
0x82: {  	_ =	shalt  }
0x83: {  	_ =	shalt  }
0x84: {  	_ =	shalt  }
0x85: {  	_ =	shalt  }
0x86: {  	_ =	shalt  }
0x87: {  	_ =	shalt  }
.Lfunc_end0:
.L_simem_size_0:
called_computation_lowered:
.L_overlay_start_0:
0x88: {  	s2 =	sld [smem:$0x3FD9]  }
0x89: {  	s3 =	sld [smem:$0x3FFE];
	_ =	sdelay $0x1  }
0x8a: {  	s1 =	srdreg.scid  }
0x8b: {  	s0 =	sand.u32 $0x1, s1  }
0x8c: {  	s16 =	sshll.u32 s0, $0xA;
	s2 =	sadd.s32 s3, s2  }
0x8d: {  	s2 =	sadd.s32 s2, s16  }
0x8e: {  	[smem:$0x3FBE] =	sst s2  }
0x8f: {  	_ = 	snop  }
0x90: {  	(tm) =	ssettm $0x1  }
0x91: {  	s17 =	sld [smem:$0x3FFB];
	_ =	sdelay $0x3  }
0x92: {  	_ =	strace s17  }
0x93: {  	s2 =	sld [smem:$0x3FFC];
	_ =	sdelay $0x3  }
0x94: {  	_ =	strace s2  }
0x95: {  	s2 =	sld [smem:$0x3FFD];
	_ =	sdelay $0x3  }
0x96: {  	_ =	strace s2  }
0x97: {  	_ =	strace $0x8FFFFFFF  }
0x98: {  	s18 =	sld [smem:$0x3FDB];
	_ =	sdelay $0x1  }
0x99: {  	s19 =	simm.s32 $_scs_section_size  }
0x9a: {  	s4 =	simm.s32 $_size__tile_overlayer_lowered;
	s5 =	simm.s32 $_tile_overlayer_lowered  }
0x9b: {  	s22 =	simm.s32 $0x1BFF;
	s21 =	sshll.u32 s5, $0x1;
	s2 =	sadd.s32 s19, s18  }
0x9c: {  	s6 =	simm.s32 $0x0;
	s20 =	sshll.u32 s4, $0x1;
	s4 =	sadd.s32 s21, s2  }
0x9d: {  	[timem:s6], [sflag:s22] =	dma.local [hbm:s4], s20  }
0x9e: {  	_ =	swait.ge [sflag:s22], s20  }
0x9f: {  	s3 =	ssub.s32 $0x0, s20;
	[sflag:s22] =	ssyncset.done $0x0  }
0xa0: {  	[sflag:s22] =	ssyncadd.s32 s3;
	_ =	sdelay $0x1  }
0xa1: {  	s23 =	simm.s32 $0x1B8B  }
0xa2: {  	_ =	swait.ge [sflag:s23], $0x1  }
0xa3: {  	[sflag:s23] =	ssyncset.done $0x0  }
0xa4: {  	s25 =	simm.s32 $0x1B8E;
	s24 =	sld [smem:$0x3FFE];
	[sflag:s23] =	ssyncadd.s32 $0xFFFFFFFF  }
0xa5: {  	s26 =	simm.s32 $execute0_lowered;
	[smem:$0x3FD2] =	sst s25  }
0xa6: {  	s4 =	sshll.u32 s26, $0x1;
	_ =	strace $0x80000046;
	[dreg:$0x1] =	wrdreg $0xFFFFFFFF  }
0xa7: {  	s28 =	simm.s32 $_size_execute0_lowered;
	s2 =	sadd.s32 s2, s4;
	[dreg:$0x0] =	wrdreg $0x0  }
0xa8: {  	s4 =	sshll.u32 s28, $0x1;
	[dreg:$0x2] =	wrdreg s2  }
0xa9: {  	[dreg:$0x3] =	wrdreg s4  }
0xaa: {  	[dreg:$0x4] =	wrdreg $0xC0  }
0xab: {  	_ =	task [dreg:s6], $0x5FFFF  }
0xac: {  	[dreg:$0x1] =	wrdreg $0xFFFFFFFF  }
0xad: {  	[dreg:$0x0] =	wrdreg $0x60  }
0xae: {  	[dreg:$0x2] =	wrdreg s24  }
0xaf: {  	[dreg:$0x3] =	wrdreg $0x0  }
0xb0: {  	[dreg:$0x4] =	wrdreg $0x140000  }
0xb1: {  	[dreg:$0x5] =	wrdreg $0x142800  }
0xb2: {  	[dreg:$0x6] =	wrdreg $0x9  }
0xb3: {  	_ =	task.clear_ibuf [dreg:s6], $0x7FFFF;
	_ =	strace $0x90000046  }
0xb4: {  	s29 =	simm.s32 $0x9;
	_ =	strace $0x80000048  }
0xb5: {  	_ =	swait.ge [sflag:s29], $0x1  }
0xb6: {  	[sflag:s29] =	ssyncadd.s32 $0xFFFFFFFF  }
0xb7: {  	_ =	strace $0x90000048  }
0xb8: {  	_ =	sfence  }
0xb9: {  	s30 =	sld [smem:$0x0];
	_ =	sdelay $0x2  }
0xba: {  	s31 =	sshll.u32 s1, $0xD;
	s1 =	sshrl.u32 s1, $0x2  }
0xbb: {  	s3 =	sand.u32 $0x4000, s31;
	s1 =	sadd.s32 s1, s30  }
0xbc: {  	s0 =	sor.u32 s3, s0;
	s1 =	sshll.u32 s1, $0x11  }
0xbd: {  	s0 =	sor.u32 s1, s0  }
0xbe: {  	s0 =	sadd.s32 $0x8F2B, s0  }
0xbf: {  	[sflag:s0] =	ssyncadd.remote.s32 $0x1  }
0xc0: {  	_ =	sfence.sel $0xFFFF  }
0xc1: {  	[dreg:$0x0] =	wrdreg $0xFFFFFFFF;
	(pc) =	sbr.abs _section_cstart, $3  }
0xc2: {  	[dreg:$0x1] =	wrdreg $0xFFFFFFFF  }
0xc3: {  	_ =	task.clear_ibuf [dreg:s6], $0x2FFFF;
	_ =	strace $0x9FFFFFFF  }
0xc4: {  	(tm) =	ssettm $0x7FFFFFFF  }
0xc5: {  	_ =	shalt  }
tec
execute0_lowered:
.L_overlay_start_1:
0x0: {  	(tag) =	ssettag $0x1  }
0x1: {  	s0 =	rddreg [dreg:$0x0]  }
0x2: {  	s1 =	rddreg [dreg:$0x1]  }
0x3: {  	s2 =	rddreg [dreg:$0x2]  }
0x4: {  	s3 =	rddreg [dreg:$0x3];
	s5 =	simm.s32 $0x0;
	s4 =	srdreg.scid  }
0x5: {  	s18 =	stileid.u32;
	s29 =	simm.s32 $0xA;
	s31 =	simm.s32 $0x14600  }
0x6: {  	[smem:$0x7FF] =	sst s5;
	s4 =	sand.u32 $0x1, s4;
	s11 =	smul.u32 $0x280, s18  }
0x7: {  	s6 =	sadd.s32 $0x2200, s0;
	s7 =	sadd.s32 $0x8200, s0;
	s8 =	sadd.s32 $0x5E200, s0  }
0x8: {  	s9 =	sadd.s32 $0x5E800, s0;
	s10 =	sadd.s32 $0xE200, s0;
	s13 =	sadd.s32 $0x5EE00, s0  }
0x9: {  	s22 =	sadd.s32 $0x61600, s0;
	s15 =	smul.u32 $0x50000, s18;
	s25 =	sshll.u32 s18, $0x6  }
0xa: {  	_ =	strace $0x80000047;
	s12 =	smul.u32 $0x2800, s4;
	[dreg:$0x5] =	wrdreg s13  }
0xb: {  	[dreg:$0x6] =	wrdreg s22;
	s24 =	ssub.s32 $0x2, s4;
	s15 =	sshrl.u32 s15, $0x2  }
0xc: {  	s19 =	sadd.s32 s11, s3;
	s23 =	sadd.s32 s11, s12;
	s15 =	sadd.s32 s15, s1  }
0xd: {  	v0 =	vmov s12;
	s12 =	smov.u32 s19;
	s19 =	simm.s32 $0x0;
	[dreg:$0x7] =	wrdreg s15  }
0xe: {  	s14 =	sshrl.u32 s11, $0x3;
	s13 =	sshll.u32 s23, $0x4;
	[dreg:$0x15] =	wrdreg s19  }
0xf: {  	s17 =	sshrl.u32 s24, $0x1;
	[dreg:$0xa] =	wrdreg s12;
	s16 =	sadd.s32 s13, s0  }
0x10: {  	s0 =	sadd.s32 s14, s0;
	s14 =	ssub.s32 s24, s17;
	s17 =	sor.u32 $0x1C0A, s25  }
0x11: {  	s13 =	smul.u32 $0x3000, s18;
	s18 =	sadd.s32 s11, s2;
	[dreg:$0x8] =	wrdreg s17  }
0x12: {  	s30 =	simm.s32 $0x70;
	s11 =	sadd.s32 $0x62400, s16;
	[dreg:$0x9] =	wrdreg s18  }
0x13: {  	s28 =	simm.s32 $0x7;
	s15 =	sadd.s32 $0x61E00, s0;
	[dreg:$0x11] =	wrdreg s11  }
0x14: {  	p0 =	sne.s32 s4, $0x0;
	s0 =	sadd.s32 $0x61800, s0;
	[dreg:$0x12] =	wrdreg s15  }
0x15: {  	s16 =	smax.u32 s14, $0x1;
	s14 =	simm.s32 $0x1BC00;
	[dreg:$0x13] =	wrdreg s0  }
0x16: {  	s26 =	sshrl.u32 s13, $0x3;
	[dreg:$0x14] =	wrdreg s16;
	s11 =	simm.s32 $0x1BB80  }
0x17: {  	s16 =	simm.s32 $0x1BE00;
	s15 =	simm.s32 $0x14500;
	s20 =	sadd.s32 s6, s26  }
0x18: {  	s21 =	sadd.s32 s7, s26;
	s22 =	sor.u32 $0x10, s26;
	[dreg:$0xb] =	wrdreg s20  }
0x19: {  	s23 =	sor.u32 $0x20, s26;
	[dreg:$0xc] =	wrdreg s21;
	s24 =	sadd.s32 s6, s22  }
.Ltmp0:
0x1a: {  	s4 =	sadd.s32 s7, s22;
	[dreg:$0xd] =	wrdreg s24;
	(pc) =	sbr.rel .LBB2_1-.Ltmp0, $4  }
0x1b: {  	s25 =	sadd.s32 s6, s23;
	s26 =	sadd.s32 s7, s23;
	[dreg:$0xe] =	wrdreg s4  }
0x1c: {  	s20 =	simm.s32 $0x4;
	s21 =	simm.s32 $0x5;
	[dreg:$0xf] =	wrdreg s25  }
0x1d: {  	s22 =	simm.s32 $0x18280;
	s23 =	simm.s32 $0x8;
	[dreg:$0x10] =	wrdreg s26  }
0x1e: {  	v1 =	vimm.f32 $1.000000000e+00;
	s25 =	simm.s32 $0x2;
	s26 =	simm.s32 $0x14780;
	s24 =	simm.s32 $0x1BD80  }
.LBB2_10:
0x1f: {  	[spmem:s2] =	stream.indirect.scatter.add.f32 [tilespmem:s24], [sflag:$0x9], $0x1, s14, s30, $0xb8;
	[tilespmem:$0x1F680] =	vst v63  }
0x20: {  	_ = 	snop  }
0x21: {  	[spmem:s3] =	stream.indirect.scatter.add.f32 [tilespmem:s15], [sflag:$0x9], $0x1, s14, s30, $0xb8;
	[tilespmem:$0x1F680] =	vst v63  }
0x22: {  	_ = 	snop  }
0x23: {  	[spmem:s1] =	stream.indirect.scatter.add.f32 [tilespmem:s16], [sflag:$0xA], $0x80, s14, s30, $0xb8;
	[tilespmem:$0x1F680] =	vst v63  }
0x24: {  	_ =	swait.ge [sflag:s29], $0x3800  }
0x25: {  	[sflag:s29] =	ssyncset.done $0x0  }
0x26: {  	s0 =	simm.s32 $0x3;
	[sflag:s29] =	ssyncadd.s32 $0xFFFFC800  }
0x27: {  	_ =	swait.ge [sflag:s0], $0x70  }
0x28: {  	[sflag:s0] =	ssyncset.done $0x0  }
0x29: {  	[sflag:s0] =	ssyncadd.s32 $0xFFFFFF90  }
0x2a: {  	_ =	swait.ge [sflag:s0], $0x70  }
0x2b: {  	[sflag:s0] =	ssyncset.done $0x0  }
0x2c: {  	s17 =	simm.s32 $0x6;
	[sflag:s0] =	ssyncadd.s32 $0xFFFFFF90  }
0x2d: {  	_ =	swait.ge [sflag:s17], $0x70  }
0x2e: {  	[sflag:s17] =	ssyncset.done $0x0  }
0x2f: {  	[sflag:s17] =	ssyncadd.s32 $0xFFFFFF90  }
0x30: {  	_ =	swait.ge [sflag:s17], $0x70  }
0x31: {  	[sflag:s17] =	ssyncset.done $0x0  }
0x32: {  	s18 =	simm.s32 $0x9;
	[sflag:s17] =	ssyncadd.s32 $0xFFFFFF90  }
0x33: {  	_ =	swait.ge [sflag:s18], $0x70  }
0x34: {  	[sflag:s18] =	ssyncset.done $0x0  }
0x35: {  	[sflag:s18] =	ssyncadd.s32 $0xFFFFFF90  }
0x36: {  	_ =	swait.ge [sflag:s18], $0x70  }
0x37: {  	[sflag:s18] =	ssyncset.done $0x0  }
0x38: {  	[sflag:s18] =	ssyncadd.s32 $0xFFFFFF90  }
0x39: {  	[bflag:$0x0] =	sbarrier.arrive $0xFFFF  }
0x3a: {  	s17 =	rddreg [dreg:$0x8]  }
0x3b: {  	s19 =	rddreg [dreg:$0x11]  }
0x3c: {  	s4 =	rddreg [dreg:$0x16]  }
0x3d: {  	[hbm:s19], [sflag:s17] =	dma.local [spmem:s4], $0x2800  }
0x3e: {  	_ =	swait.ge [sflag:s29], $0x2800  }
0x3f: {  	[sflag:s29] =	ssyncset.done $0x0;
	s18 =	rddreg [dreg:$0x9]  }
0x40: {  	s4 =	rddreg [dreg:$0x12];
	[sflag:s29] =	ssyncadd.s32 $0xFFFFD800;
	s0 =	sshrl.u32 @!p0 s18, $0x3  }
0x41: {  	[hbm:s4], [sflag:s17] =	dma.local @!p0 [spmem:s0], $0x50  }
0x42: {  	s0 =	simm.s32 @!p0 $0xA  }
0x43: {  	_ =	swait.ge @!p0 [sflag:s0], $0x50  }
0x44: {  	[sflag:s0] =	ssyncset.done @!p0 $0x0;
	s12 =	rddreg [dreg:$0xa]  }
0x45: {  	s19 =	rddreg [dreg:$0x13];
	[sflag:s0] =	ssyncadd.s32 @!p0 $0xFFFFFFB0;
	s4 =	sshrl.u32 @!p0 s12, $0x3  }
0x46: {  	[hbm:s19], [sflag:s17] =	dma.local @!p0 [spmem:s4], $0x50  }
0x47: {  	_ =	swait.ge @!p0 [sflag:s0], $0x50  }
0x48: {  	s4 =	rddreg [dreg:$0x15]  }
0x49: {  	s19 =	sadd.s32 $0x1, s4;
	s4 =	rddreg [dreg:$0x14]  }
0x4a: {  	p1 =	sne.s32 s19, s4  }
.Ltmp1:
0x4b: {  	_ = 	snop;
	(pc) =	sbr.rel @!p1 .LBB2_11-.Ltmp1, $3  }
0x4c: {  	_ =	sdelay $0x1  }
0x4d: {  	[sflag:s0] =	ssyncset.done @!p0 $0x0  }
0x4e: {  	[sflag:s0] =	ssyncadd.s32 @!p0 $0xFFFFFFB0;
	[dreg:$0x15] =	wrdreg s19  }
.LBB2_1:
0x4f: {  	s0 =	rddreg [dreg:$0x7]  }
0x50: {  	s19 =	rddreg [dreg:$0x5];
	s4 =	sshrl.u32 s0, $0x3  }
0x51: {  	[dreg:$0x16] =	wrdreg s4  }
0x52: {  	[spmem:s4], [sflag:s17] =	dma.local [hbm:s19], $0x2800  }
0x53: {  	_ =	swait.ge [sflag:s29], $0x2800  }
0x54: {  	[sflag:s29] =	ssyncset.done $0x0  }
0x55: {  	s18 =	sshrl.u32 s18, $0x3;
	s19 =	rddreg [dreg:$0x6];
	[sflag:s29] =	ssyncadd.s32 $0xFFFFD800  }
0x56: {  	[spmem:s18], [sflag:s17] =	dma.local [hbm:s19], $0x50  }
0x57: {  	_ =	swait.ge [sflag:s29], $0x50  }
0x58: {  	[sflag:s29] =	ssyncset.done $0x0  }
0x59: {  	s18 =	sshrl.u32 s12, $0x3;
	[sflag:s29] =	ssyncadd.s32 $0xFFFFFFB0  }
0x5a: {  	[spmem:s18], [sflag:s17] =	dma.local [hbm:s19], $0x50  }
0x5b: {  	_ =	swait.ge [sflag:s29], $0x50  }
0x5c: {  	[sflag:s29] =	ssyncset.done $0x0  }
0x5d: {  	[sflag:s29] =	ssyncadd.s32 $0xFFFFFFB0  }
0x5e: {  	[tilespmem:$0x14500] =	vst v1  }
0x5f: {  	[tilespmem:$0x14510] =	vst v1  }
0x60: {  	[tilespmem:$0x14520] =	vst v1  }
0x61: {  	[tilespmem:$0x14530] =	vst v1  }
0x62: {  	[tilespmem:$0x14540] =	vst v1  }
0x63: {  	[tilespmem:$0x14550] =	vst v1  }
0x64: {  	[tilespmem:$0x14560] =	vst v1  }
0x65: {  	[bflag:$0x0] =	sbarrier.arrive $0xFFFF  }
0x66: {  	s4 =	simm.s32 $0x14580;
	s19 =	rddreg [dreg:$0xb]  }
0x67: {  	[tilespmem:s4], [sflag:$0x1] =	stream.linear.gather [hbm4b:s19+s5], $0x80, $0x38;
	[tilespmem:$0x1F680] =	vst v63  }
0x68: {  	s12 =	rddreg [dreg:$0xc]  }
0x69: {  	[tilespmem:s31], [sflag:$0x1] =	stream.linear.gather [hbm4b:s12+s5], $0x80, $0x38;
	[tilespmem:$0x1F680] =	vst v63  }
0x6a: {  	s17 =	rddreg [dreg:$0xd];
	s12 =	simm.s32 $0x18080  }
0x6b: {  	[tilespmem:s12], [sflag:$0x4] =	stream.linear.gather [hbm4b:s17+s5], $0x80, $0x38;
	[tilespmem:$0x1F680] =	vst v63  }
0x6c: {  	s18 =	rddreg [dreg:$0xe];
	s17 =	simm.s32 $0x18100  }
0x6d: {  	[tilespmem:s17], [sflag:$0x4] =	stream.linear.gather [hbm4b:s18+s5], $0x80, $0x38;
	[tilespmem:$0x1F680] =	vst v63  }
0x6e: {  	s19 =	rddreg [dreg:$0xf]  }
0x6f: {  	[tilespmem:s11], [sflag:$0x7] =	stream.linear.gather [hbm4b:s19+s5], $0x80, $0x38;
	[tilespmem:$0x1F680] =	vst v63  }
0x70: {  	s18 =	rddreg [dreg:$0x10];
	s19 =	simm.s32 $0x1  }
0x71: {  	[tilespmem:s14], [sflag:$0x7] =	stream.linear.gather [hbm4b:s18+s5], $0x80, $0x38;
	[tilespmem:$0x1F680] =	vst v63  }
0x72: {  	_ =	swait.ge [sflag:s19], $0x80  }
0x73: {  	[sflag:s19] =	ssyncset.done $0x0  }
0x74: {  	[sflag:s19] =	ssyncadd.s32 $0xFFFFFF80  }
0x75: {  	_ =	swait.ge [sflag:s19], $0x80  }
0x76: {  	[sflag:s19] =	ssyncset.done $0x0  }
0x77: {  	[sflag:s19] =	ssyncadd.s32 $0xFFFFFF80  }
0x78: {  	v2 =	vld [tilespmem:$0x14580]  }
0x79: {  	v3 =	vld [tilespmem:$0x14590]  }
0x7a: {  	v4 =	vld [tilespmem:$0x145A0]  }
0x7b: {  	v5 =	vld [tilespmem:$0x145B0]  }
0x7c: {  	v6 =	vld [tilespmem:$0x145C0]  }
0x7d: {  	v7 =	vld [tilespmem:$0x145D0];
	v2 =	vadd.s32 v0, v2  }
0x7e: {  	[tilespmem:$0x18000] =	vst v2;
	v2 =	vadd.s32 v0, v3;
	v3 =	vld [tilespmem:$0x145E0]  }
0x7f: {  	[tilespmem:$0x18010] =	vst v2;
	v2 =	vadd.s32 v0, v4  }
0x80: {  	[tilespmem:$0x18020] =	vst v2;
	v2 =	vadd.s32 v0, v5  }
0x81: {  	[tilespmem:$0x18030] =	vst v2;
	v2 =	vadd.s32 v0, v6  }
0x82: {  	[tilespmem:$0x18040] =	vst v2;
	v2 =	vadd.s32 v0, v7  }
0x83: {  	[tilespmem:$0x18050] =	vst v2;
	v2 =	vadd.s32 v0, v3  }
0x84: {  	s18 =	simm.s32 $0x18000;
	s19 =	simm.s32 $0x14800;
	[tilespmem:$0x18060] =	vst v2  }
0x85: {  	[tilespmem:s19], [sflag:$0x2] =	stream.indirect.gather [hbm4b:s10+s30], $0x80, s18, s30, $0xb8;
	[tilespmem:$0x1F680] =	vst v63  }
0x86: {  	s19 =	simm.s32 $0x14680  }
0x87: {  	[tilespmem:s19], [sflag:$0x2] =	stream.indirect.gather [hbm4b:s8+s30], $0x1, s4, s30, $0xb8;
	[tilespmem:$0x1F680] =	vst v63  }
0x88: {  	s4 =	simm.s32 $0x14700  }
0x89: {  	[tilespmem:s4], [sflag:$0x2] =	stream.indirect.gather [hbm4b:s9+s30], $0x1, s31, s30, $0xb8;
	[tilespmem:$0x1F680] =	vst v63  }
0x8a: {  	_ =	swait.ge [sflag:s20], $0x80  }
0x8b: {  	[sflag:s20] =	ssyncset.done $0x0  }
0x8c: {  	[sflag:s20] =	ssyncadd.s32 $0xFFFFFF80  }
0x8d: {  	_ =	swait.ge [sflag:s20], $0x80  }
0x8e: {  	[sflag:s20] =	ssyncset.done $0x0  }
0x8f: {  	[sflag:s20] =	ssyncadd.s32 $0xFFFFFF80  }
0x90: {  	v2 =	vld [tilespmem:$0x18080]  }
0x91: {  	v3 =	vld [tilespmem:$0x18090]  }
0x92: {  	v60 =	vld [tilespmem:$0x180A0]  }
0x93: {  	v61 =	vld [tilespmem:$0x180B0]  }
0x94: {  	v62 =	vld [tilespmem:$0x180C0]  }
0x95: {  	v63 =	vld [tilespmem:$0x180D0];
	v2 =	vadd.s32 v0, v2  }
0x96: {  	[tilespmem:$0x1BB00] =	vst v2;
	v2 =	vadd.s32 v0, v3;
	v3 =	vld [tilespmem:$0x180E0]  }
0x97: {  	[tilespmem:$0x1BB10] =	vst v2;
	v2 =	vadd.s32 v0, v60  }
0x98: {  	[tilespmem:$0x1BB20] =	vst v2;
	v2 =	vadd.s32 v0, v61  }
0x99: {  	[tilespmem:$0x1BB30] =	vst v2;
	v2 =	vadd.s32 v0, v62  }
0x9a: {  	[tilespmem:$0x1BB40] =	vst v2;
	v2 =	vadd.s32 v0, v63  }
0x9b: {  	[tilespmem:$0x1BB50] =	vst v2;
	v2 =	vadd.s32 v0, v3  }
0x9c: {  	s18 =	simm.s32 $0x1BB00;
	s19 =	simm.s32 $0x18300;
	[tilespmem:$0x1BB60] =	vst v2  }
0x9d: {  	[tilespmem:s19], [sflag:$0x5] =	stream.indirect.gather [hbm4b:s10+s30], $0x80, s18, s30, $0xb8;
	[tilespmem:$0x1F680] =	vst v63  }
0x9e: {  	s18 =	simm.s32 $0x18180  }
0x9f: {  	[tilespmem:s18], [sflag:$0x5] =	stream.indirect.gather [hbm4b:s8+s30], $0x1, s12, s30, $0xb8;
	[tilespmem:$0x1F680] =	vst v63  }
0xa0: {  	s19 =	simm.s32 $0x18200;
	s12 =	simm.s32 $0x0  }
0xa1: {  	[tilespmem:s19], [sflag:$0x5] =	stream.indirect.gather [hbm4b:s9+s30], $0x1, s17, s30, $0xb8;
	[tilespmem:$0x1F680] =	vst v63  }
.LBB2_2:
0xa2: {  	_ =	swait.ge [sflag:s25], $0x3800  }
0xa3: {  	[sflag:s25] =	ssyncset.done $0x0  }
0xa4: {  	[sflag:s25] =	ssyncadd.s32 $0xFFFFC800  }
0xa5: {  	_ =	swait.ge [sflag:s25], $0x70  }
0xa6: {  	[sflag:s25] =	ssyncset.done $0x0  }
0xa7: {  	[sflag:s25] =	ssyncadd.s32 $0xFFFFFF90  }
0xa8: {  	_ =	swait.ge [sflag:s25], $0x70  }
0xa9: {  	p1 =	seq.s32 s12, $0x0;
	[sflag:s25] =	ssyncset.done $0x0  }
0xaa: {  	s0 =	simm.s32 @!p1 $0x3;
	[sflag:s25] =	ssyncadd.s32 $0xFFFFFF90  }
0xab: {  	_ =	swait.ge @!p1 [sflag:s0], $0x70  }
0xac: {  	[sflag:s0] =	ssyncset.done @!p1 $0x0  }
0xad: {  	[sflag:s0] =	ssyncadd.s32 @!p1 $0xFFFFFF90  }
0xae: {  	_ =	swait.ge @!p1 [sflag:s0], $0x70  }
0xaf: {  	[sflag:s0] =	ssyncset.done @!p1 $0x0  }
0xb0: {  	[sflag:s0] =	ssyncadd.s32 @!p1 $0xFFFFFF90  }
0xb1: {  	v2 =	vld [tilespmem:$0x14680]  }
0xb2: {  	v3 =	vld [tilespmem:$0x14700]  }
0xb3: {  	v4 =	vld [tilespmem:$0x14690]  }
0xb4: {  	v5 =	vld [tilespmem:$0x14710]  }
0xb5: {  	v6 =	vld [tilespmem:$0x146A0]  }
0xb6: {  	v7 =	vld [tilespmem:$0x14720]  }
0xb7: {  	v8 =	vld [tilespmem:$0x146B0]  }
0xb8: {  	v9 =	vld [tilespmem:$0x14730]  }
0xb9: {  	v2 =	vadd.f32 v3, v2;
	v3 =	vld [tilespmem:$0x146C0]  }
0xba: {  	v4 =	vadd.f32 v5, v4;
	v5 =	vld [tilespmem:$0x14740]  }
0xbb: {  	v12 =	vld [tilespmem:$0x14750];
	v6 =	vadd.f32 v7, v6;
	v10 =	vmul.f32 $2.000000030e-01, v2  }
0xbc: {  	v13 =	vld [tilespmem:$0x146E0];
	vm0 =	vlt.f32 v2, $0.0e+00;
	v11 =	vmul.f32 $2.000000030e-01, v4  }
0xbd: {  	v7 =	vld [tilespmem:$0x146D0];
	vm10 =	vlt.f32 v4, $0.0e+00;
	v2 =	vsel vm0, v10, v2;
	v10 =	vmul.f32 $2.000000030e-01, v6  }
0xbe: {  	vm11 =	vlt.f32 v6, $0.0e+00;
	v4 =	vsel vm10, v11, v4;
	v11 =	vld [tilespmem:$0x14760];
	v2 =	vmul.f32 $1.442695020e+00, v2  }
0xbf: {  	v4 =	vmul.f32 $1.442695020e+00, v4;
	v3 =	vadd.f32 v5, v3;
	v6 =	vsel vm11, v10, v6  }
0xc0: {  	v8 =	vadd.f32 v9, v8;
	(erf) = vpow2.f32 v2;
	v2 =	vmul.f32 $1.442695020e+00, v6  }
0xc1: {  	v5 =	vmul.f32 $2.000000030e-01, v3;
	(erf) = vpow2.f32 v4  }
0xc2: {  	v4 =	vmul.f32 $2.000000030e-01, v8;
	(erf) = vpow2.f32 v2;
	v2 =	vadd.f32 v12, v7  }
0xc3: {  	vm12 =	vlt.f32 v8, $0.0e+00;
	vm13 =	vlt.f32 v3, $0.0e+00;
	v6 =	vadd.f32 v11, v13  }
0xc4: {  	v3 =	vsel vm13, v5, v3;
	v4 =	vsel vm12, v4, v8;
	v7 =	vmul.f32 $2.000000030e-01, v2  }
0xc5: {  	v4 =	vmul.f32 $1.442695020e+00, v4;
	vm14 =	vlt.f32 v2, $0.0e+00;
	v5 =	vmul.f32 $2.000000030e-01, v6  }
0xc6: {  	v3 =	vmul.f32 $1.442695020e+00, v3;
	vm15 =	vlt.f32 v6, $0.0e+00;
	v2 =	vsel vm14, v7, v2  }
0xc7: {  	(erf) = vpow2.f32 v4;
	v4 =	vsel vm15, v5, v6;
	v2 =	vmul.f32 $1.442695020e+00, v2  }
0xc8: {  	(erf) = vpow2.f32 v3;
	v3 =	vmul.f32 $1.442695020e+00, v4  }
0xc9: {  	(erf) = vpow2.f32 v2  }
0xca: {  	(erf) = vpow2.f32 v3;
	_ =	sdelay $0x2  }
0xcb: {  	v2 =	vpop (erf)  }
0xcc: {  	v3 =	vpop (erf);
	[tilespmem:$0x14780] =	vst v2  }
0xcd: {  	v2 =	vpop (erf);
	[tilespmem:$0x14790] =	vst v3  }
0xce: {  	[tilespmem:$0x147A0] =	vst v2;
	v3 =	vpop (erf)  }
0xcf: {  	v2 =	vpop (erf);
	[tilespmem:$0x147B0] =	vst v3  }
0xd0: {  	s19 =	simm.s32 $0x0;
	[tilespmem:$0x147C0] =	vst v2;
	v3 =	vpop (erf)  }
0xd1: {  	[tilespmem:$0x147D0] =	vst v3;
	v2 =	vpop (erf);
	v3 =	vmov s19  }
0xd2: {  	s17 =	simm.s32 $0x14840;
	[tilespmem:$0x147E0] =	vst v2  }
0xd3: {  	v6 =	vld [tilespmem:s17+$0x30]  }
0xd4: {  	v9 =	vld [tilespmem:s17+$0x10]  }
0xd5: {  	v7 =	vld [tilespmem:s17+$0xFFFFFFC0]  }
0xd6: {  	v3 =	vld.idx.msk [tilespmem:v3+s26+$0x0], $0xffff  }
0xd7: {  	v11 =	vld [tilespmem:s17+$0xFFFFFFE0]  }
0xd8: {  	v2 =	vld [tilespmem:s17+$0xFFFFFFF0]  }
0xd9: {  	v4 =	vld [tilespmem:s17+$0x20]  }
0xda: {  	v5 =	vld [tilespmem:s17+$0xFFFFFFD0]  }
0xdb: {  	v10 =	vmul.f32 v6, v3;
	v6 =	vld [tilespmem:s17+$0x0]  }
0xdc: {  	v8 =	vmul.f32 v7, v3  }
0xdd: {  	s18 =	simm.s32 $0x1;
	s0 =	simm.s32 $0x14840;
	v7 =	vmul.f32 v11, v3;
	v9 =	vmul.f32 v9, v3  }
.LBB2_3:
0xde: {  	p2 =	sne.s32 s18, $0x6F  }
0xdf: {  	v5 =	vmul.f32 v5, v3;
	v4 =	vmul.f32 v4, v3;
	[tilespmem:s17+$0x30] =	vst v10;
	s0 =	sadd.s32 $0x80, s0;
	s4 =	smov.u32 s18;
	s18 =	sadd.s32 $0x1, s18  }
0xe0: {  	[tilespmem:s17+$0xFFFFFFC0] =	vst v8;
	v8 =	vmul.f32 v2, v3;
	v3 =	vmul.f32 v6, v3  }
0xe1: {  	[tilespmem:s17+$0x10] =	vst v9  }
0xe2: {  	v6 =	vmov s4;
	[tilespmem:s17+$0xFFFFFFE0] =	vst v7  }
0xe3: {  	v2 =	vld [tilespmem:s0+$0xFFFFFFF0];
	[tilespmem:s17+$0xFFFFFFF0] =	vst v8  }
0xe4: {  	v7 =	vld [tilespmem:s0+$0x30];
	[tilespmem:s17+$0x0] =	vst v3  }
0xe5: {  	v9 =	vld [tilespmem:s0+$0x10];
	[tilespmem:s17+$0x20] =	vst v4  }
0xe6: {  	v8 =	vld [tilespmem:s0+$0xFFFFFFC0];
	[tilespmem:s17+$0xFFFFFFD0] =	vst v5;
	s17 =	smov.u32 s0  }
0xe7: {  	v3 =	vld.idx.msk [tilespmem:v6+s26+$0x0], $0xffff  }
0xe8: {  	v11 =	vld [tilespmem:s0+$0xFFFFFFE0]  }
0xe9: {  	v4 =	vld [tilespmem:s0+$0x20]  }
.Ltmp2:
0xea: {  	v5 =	vld [tilespmem:s0+$0xFFFFFFD0];
	(pc) =	sbr.rel @p2 .LBB2_3-.Ltmp2, $3  }
0xeb: {  	v6 =	vld [tilespmem:s0+$0x0];
	_ =	sdelay $0x1  }
0xec: {  	v8 =	vmul.f32 v8, v3;
	v10 =	vmul.f32 v7, v3  }
0xed: {  	v9 =	vmul.f32 v9, v3;
	v7 =	vmul.f32 v11, v3  }
0xee: {  	[tilespmem:s17+$0x30] =	vst v10  }
0xef: {  	[tilespmem:s17+$0xFFFFFFC0] =	vst v8  }
0xf0: {  	v2 =	vmul.f32 v2, v3;
	[tilespmem:s17+$0x10] =	vst v9  }
0xf1: {  	v4 =	vmul.f32 v4, v3;
	[tilespmem:s17+$0xFFFFFFE0] =	vst v7  }
0xf2: {  	v6 =	vmul.f32 v6, v3;
	[tilespmem:s17+$0xFFFFFFF0] =	vst v2  }
0xf3: {  	v2 =	vmul.f32 v5, v3;
	[tilespmem:s17+$0x20] =	vst v4  }
0xf4: {  	[tilespmem:s17+$0x0] =	vst v6  }
0xf5: {  	[tilespmem:s17+$0xFFFFFFD0] =	vst v2  }
0xf6: {  	_ =	swait.ge [sflag:s28], $0x80  }
0xf7: {  	[sflag:s28] =	ssyncset.done $0x0  }
0xf8: {  	[sflag:s28] =	ssyncadd.s32 $0xFFFFFF80  }
0xf9: {  	_ =	swait.ge [sflag:s28], $0x80  }
0xfa: {  	[sflag:s28] =	ssyncset.done $0x0  }
0xfb: {  	[sflag:s28] =	ssyncadd.s32 $0xFFFFFF80  }
0xfc: {  	v2 =	vld [tilespmem:$0x1BB80]  }
0xfd: {  	v3 =	vld [tilespmem:$0x1BB90]  }
0xfe: {  	v4 =	vld [tilespmem:$0x1BBA0]  }
0xff: {  	v5 =	vld [tilespmem:$0x1BBB0]  }
0x100: {  	v6 =	vld [tilespmem:$0x1BBC0]  }
0x101: {  	v7 =	vld [tilespmem:$0x1BBD0];
	v2 =	vadd.s32 v0, v2  }
0x102: {  	[tilespmem:$0x1F600] =	vst v2;
	v2 =	vadd.s32 v0, v3;
	v3 =	vld [tilespmem:$0x1BBE0]  }
0x103: {  	[tilespmem:$0x1F610] =	vst v2;
	v2 =	vadd.s32 v0, v4  }
0x104: {  	[tilespmem:$0x1F620] =	vst v2;
	v2 =	vadd.s32 v0, v5  }
0x105: {  	[tilespmem:$0x1F630] =	vst v2;
	v2 =	vadd.s32 v0, v6  }
0x106: {  	[tilespmem:$0x1F640] =	vst v2;
	v2 =	vadd.s32 v0, v7  }
0x107: {  	[tilespmem:$0x1F650] =	vst v2;
	v2 =	vadd.s32 v0, v3  }
0x108: {  	s0 =	simm.s32 $0x1F600;
	[tilespmem:$0x1F660] =	vst v2  }
0x109: {  	[tilespmem:s16], [sflag:$0x8] =	stream.indirect.gather [hbm4b:s10+s30], $0x80, s0, s30, $0xb8;
	[tilespmem:$0x1F680] =	vst v63  }
0x10a: {  	s4 =	simm.s32 $0x1BC80  }
0x10b: {  	[tilespmem:s4], [sflag:$0x8] =	stream.indirect.gather [hbm4b:s8+s30], $0x1, s11, s30, $0xb8;
	[tilespmem:$0x1F680] =	vst v63  }
0x10c: {  	p2 =	seq.s32 s12, $0x1F;
	s17 =	simm.s32 $0x1BD00  }
0x10d: {  	[tilespmem:s17], [sflag:$0x8] =	stream.indirect.gather [hbm4b:s9+s30], $0x1, s14, s30, $0xb8;
	[tilespmem:$0x1F680] =	vst v63  }
0x10e: {  	s17 =	smul.u32 @!p2 $0x180, s12  }
0x10f: {  	[spmem:s2] =	stream.indirect.scatter.add.f32 [tilespmem:s26], [sflag:$0x3], $0x1, s31, s30, $0xb8;
	[tilespmem:$0x1F680] =	vst v63  }
0x110: {  	s0 =	sadd.s32 @!p2 $0x180, s17  }
0x111: {  	s4 =	sand.u32 @!p2 $0x7C00, s0  }
0x112: {  	[spmem:s3] =	stream.indirect.scatter.add.f32 [tilespmem:s15], [sflag:$0x3], $0x1, s31, s30, $0xb8;
	[tilespmem:$0x1F680] =	vst v63  }
0x113: {  	s18 =	simm.s32 $0x14800;
	s0 =	sand.u32 @!p2 $0x380, s0;
	s4 =	sadd.s32 @!p2 s13, s4  }
0x114: {  	[spmem:s1] =	stream.indirect.scatter.add.f32 [tilespmem:s18], [sflag:$0xA], $0x80, s31, s30, $0xb8;
	[tilespmem:$0x1F680] =	vst v63  }
0x115: {  	s0 =	sor.u32 @!p2 s0, s4;
	_ =	swait.ge [sflag:s29], $0x3800  }
0x116: {  	s19 =	simm.s32 @!p2 $0x14580;
	s0 =	sshrl.u32 @!p2 s0, $0x3;
	[sflag:s29] =	ssyncset.done $0x0  }
0x117: {  	s18 =	simm.s32 @!p2 $0x0;
	s4 =	sadd.s32 @!p2 s6, s0;
	[sflag:s29] =	ssyncadd.s32 $0xFFFFC800  }
0x118: {  	[tilespmem:s19], [sflag:$0x1] =	stream.linear.gather @!p2 [hbm4b:s4+s18], $0x80, $0x38;
	[tilespmem:$0x1F680] =	vst v63  }
0x119: {  	s0 =	sadd.s32 @!p2 s7, s0;
	s4 =	simm.s32 @!p2 $0x14600  }
0x11a: {  	[tilespmem:s4], [sflag:$0x1] =	stream.linear.gather @!p2 [hbm4b:s0+s18], $0x80, $0x38;
	[tilespmem:$0x1F680] =	vst v63  }
0x11b: {  	_ =	swait.ge [sflag:s21], $0x3800  }
0x11c: {  	[sflag:s21] =	ssyncset.done $0x0  }
0x11d: {  	[sflag:s21] =	ssyncadd.s32 $0xFFFFC800  }
0x11e: {  	_ =	swait.ge [sflag:s21], $0x70  }
0x11f: {  	[sflag:s21] =	ssyncset.done $0x0  }
0x120: {  	[sflag:s21] =	ssyncadd.s32 $0xFFFFFF90  }
0x121: {  	_ =	swait.ge [sflag:s21], $0x70  }
0x122: {  	[sflag:s21] =	ssyncset.done $0x0  }
0x123: {  	s0 =	simm.s32 @!p1 $0x6;
	[sflag:s21] =	ssyncadd.s32 $0xFFFFFF90  }
0x124: {  	_ =	swait.ge @!p1 [sflag:s0], $0x70  }
0x125: {  	[sflag:s0] =	ssyncset.done @!p1 $0x0  }
0x126: {  	[sflag:s0] =	ssyncadd.s32 @!p1 $0xFFFFFF90  }
0x127: {  	_ =	swait.ge @!p1 [sflag:s0], $0x70  }
0x128: {  	[sflag:s0] =	ssyncset.done @!p1 $0x0  }
0x129: {  	[sflag:s0] =	ssyncadd.s32 @!p1 $0xFFFFFF90  }
0x12a: {  	v2 =	vld [tilespmem:$0x18180]  }
0x12b: {  	v3 =	vld [tilespmem:$0x18200]  }
0x12c: {  	v4 =	vld [tilespmem:$0x18190]  }
0x12d: {  	v5 =	vld [tilespmem:$0x18210]  }
0x12e: {  	v6 =	vld [tilespmem:$0x181A0]  }
0x12f: {  	v7 =	vld [tilespmem:$0x18220]  }
0x130: {  	v8 =	vld [tilespmem:$0x181B0]  }
0x131: {  	v9 =	vld [tilespmem:$0x18230]  }
0x132: {  	v2 =	vadd.f32 v3, v2;
	v3 =	vld [tilespmem:$0x181C0]  }
0x133: {  	v4 =	vadd.f32 v5, v4;
	v5 =	vld [tilespmem:$0x18240]  }
0x134: {  	v12 =	vld [tilespmem:$0x18250];
	v6 =	vadd.f32 v7, v6;
	v10 =	vmul.f32 $2.000000030e-01, v2  }
0x135: {  	v13 =	vld [tilespmem:$0x181E0];
	vm0 =	vlt.f32 v2, $0.0e+00;
	v11 =	vmul.f32 $2.000000030e-01, v4  }
0x136: {  	v7 =	vld [tilespmem:$0x181D0];
	vm10 =	vlt.f32 v4, $0.0e+00;
	v2 =	vsel vm0, v10, v2;
	v10 =	vmul.f32 $2.000000030e-01, v6  }
0x137: {  	vm11 =	vlt.f32 v6, $0.0e+00;
	v4 =	vsel vm10, v11, v4;
	v11 =	vld [tilespmem:$0x18260];
	v2 =	vmul.f32 $1.442695020e+00, v2  }
0x138: {  	v4 =	vmul.f32 $1.442695020e+00, v4;
	v3 =	vadd.f32 v5, v3;
	v6 =	vsel vm11, v10, v6  }
0x139: {  	v8 =	vadd.f32 v9, v8;
	(erf) = vpow2.f32 v2;
	v2 =	vmul.f32 $1.442695020e+00, v6  }
0x13a: {  	v5 =	vmul.f32 $2.000000030e-01, v3;
	(erf) = vpow2.f32 v4  }
0x13b: {  	v4 =	vmul.f32 $2.000000030e-01, v8;
	(erf) = vpow2.f32 v2;
	v2 =	vadd.f32 v12, v7  }
0x13c: {  	vm12 =	vlt.f32 v8, $0.0e+00;
	vm13 =	vlt.f32 v3, $0.0e+00;
	v6 =	vadd.f32 v11, v13  }
0x13d: {  	v3 =	vsel vm13, v5, v3;
	v4 =	vsel vm12, v4, v8;
	v7 =	vmul.f32 $2.000000030e-01, v2  }
0x13e: {  	v4 =	vmul.f32 $1.442695020e+00, v4;
	vm14 =	vlt.f32 v2, $0.0e+00;
	v5 =	vmul.f32 $2.000000030e-01, v6  }
0x13f: {  	v3 =	vmul.f32 $1.442695020e+00, v3;
	vm15 =	vlt.f32 v6, $0.0e+00;
	v2 =	vsel vm14, v7, v2  }
0x140: {  	(erf) = vpow2.f32 v4;
	v4 =	vsel vm15, v5, v6;
	v2 =	vmul.f32 $1.442695020e+00, v2  }
0x141: {  	(erf) = vpow2.f32 v3;
	v3 =	vmul.f32 $1.442695020e+00, v4  }
0x142: {  	(erf) = vpow2.f32 v2  }
0x143: {  	(erf) = vpow2.f32 v3;
	_ =	sdelay $0x2  }
0x144: {  	v2 =	vpop (erf)  }
0x145: {  	v3 =	vpop (erf);
	[tilespmem:$0x18280] =	vst v2  }
0x146: {  	v2 =	vpop (erf);
	[tilespmem:$0x18290] =	vst v3  }
0x147: {  	[tilespmem:$0x182A0] =	vst v2;
	v3 =	vpop (erf)  }
0x148: {  	v2 =	vpop (erf);
	[tilespmem:$0x182B0] =	vst v3  }
0x149: {  	s19 =	simm.s32 $0x0;
	[tilespmem:$0x182C0] =	vst v2;
	v3 =	vpop (erf)  }
0x14a: {  	[tilespmem:$0x182D0] =	vst v3;
	v2 =	vpop (erf);
	v3 =	vmov s19  }
0x14b: {  	s18 =	simm.s32 $0x18340;
	[tilespmem:$0x182E0] =	vst v2  }
0x14c: {  	v6 =	vld [tilespmem:s18+$0x30]  }
0x14d: {  	v9 =	vld [tilespmem:s18+$0x10]  }
0x14e: {  	v7 =	vld [tilespmem:s18+$0xFFFFFFC0]  }
0x14f: {  	v3 =	vld.idx.msk [tilespmem:v3+s22+$0x0], $0xffff  }
0x150: {  	v11 =	vld [tilespmem:s18+$0xFFFFFFE0]  }
0x151: {  	v2 =	vld [tilespmem:s18+$0xFFFFFFF0]  }
0x152: {  	v4 =	vld [tilespmem:s18+$0x20]  }
0x153: {  	v5 =	vld [tilespmem:s18+$0xFFFFFFD0]  }
0x154: {  	v10 =	vmul.f32 v6, v3;
	v6 =	vld [tilespmem:s18+$0x0]  }
0x155: {  	v8 =	vmul.f32 v7, v3  }
0x156: {  	s4 =	simm.s32 $0x18340;
	s0 =	simm.s32 $0x1;
	v7 =	vmul.f32 v11, v3;
	v9 =	vmul.f32 v9, v3  }
.LBB2_5:
0x157: {  	p3 =	sne.s32 s0, $0x6F  }
0x158: {  	v5 =	vmul.f32 v5, v3;
	v4 =	vmul.f32 v4, v3;
	[tilespmem:s18+$0x30] =	vst v10;
	s4 =	sadd.s32 $0x80, s4;
	s19 =	smov.u32 s0;
	s0 =	sadd.s32 $0x1, s0  }
0x159: {  	[tilespmem:s18+$0xFFFFFFC0] =	vst v8;
	v8 =	vmul.f32 v2, v3;
	v3 =	vmul.f32 v6, v3  }
0x15a: {  	[tilespmem:s18+$0x10] =	vst v9  }
0x15b: {  	v6 =	vmov s19;
	[tilespmem:s18+$0xFFFFFFE0] =	vst v7  }
0x15c: {  	v2 =	vld [tilespmem:s4+$0xFFFFFFF0];
	[tilespmem:s18+$0xFFFFFFF0] =	vst v8  }
0x15d: {  	v7 =	vld [tilespmem:s4+$0x30];
	[tilespmem:s18+$0x0] =	vst v3  }
0x15e: {  	v9 =	vld [tilespmem:s4+$0x10];
	[tilespmem:s18+$0x20] =	vst v4  }
0x15f: {  	v8 =	vld [tilespmem:s4+$0xFFFFFFC0];
	[tilespmem:s18+$0xFFFFFFD0] =	vst v5;
	s18 =	smov.u32 s4  }
0x160: {  	v3 =	vld.idx.msk [tilespmem:v6+s22+$0x0], $0xffff  }
0x161: {  	v11 =	vld [tilespmem:s4+$0xFFFFFFE0]  }
0x162: {  	v4 =	vld [tilespmem:s4+$0x20]  }
.Ltmp3:
0x163: {  	v5 =	vld [tilespmem:s4+$0xFFFFFFD0];
	(pc) =	sbr.rel @p3 .LBB2_5-.Ltmp3, $3  }
0x164: {  	v6 =	vld [tilespmem:s4+$0x0];
	_ =	sdelay $0x1  }
0x165: {  	v8 =	vmul.f32 v8, v3;
	v10 =	vmul.f32 v7, v3  }
0x166: {  	v9 =	vmul.f32 v9, v3;
	v7 =	vmul.f32 v11, v3  }
0x167: {  	[tilespmem:s18+$0x30] =	vst v10  }
0x168: {  	[tilespmem:s18+$0xFFFFFFC0] =	vst v8  }
0x169: {  	v2 =	vmul.f32 v2, v3;
	[tilespmem:s18+$0x10] =	vst v9  }
0x16a: {  	v4 =	vmul.f32 v4, v3;
	[tilespmem:s18+$0xFFFFFFE0] =	vst v7  }
0x16b: {  	v6 =	vmul.f32 v6, v3;
	[tilespmem:s18+$0xFFFFFFF0] =	vst v2  }
0x16c: {  	v2 =	vmul.f32 v5, v3;
	[tilespmem:s18+$0x20] =	vst v4  }
0x16d: {  	[tilespmem:s18+$0x0] =	vst v6  }
0x16e: {  	s0 =	simm.s32 @p2 $0x70;
	s4 =	simm.s32 @p2 $0x18100;
	[tilespmem:s18+$0xFFFFFFD0] =	vst v2;
	s18 =	simm.s32 @p2 $0x18280  }
0x16f: {  	[spmem:s2] =	stream.indirect.scatter.add.f32 @p2 [tilespmem:s18], [sflag:$0x6], $0x1, s4, s0, $0xb8;
	[tilespmem:$0x1F680] =	vst v63  }
0x170: {  	s18 =	simm.s32 @p2 $0x14500  }
0x171: {  	[spmem:s3] =	stream.indirect.scatter.add.f32 @p2 [tilespmem:s18], [sflag:$0x6], $0x1, s4, s0, $0xb8;
	[tilespmem:$0x1F680] =	vst v63  }
0x172: {  	s18 =	simm.s32 @p2 $0x18300  }
0x173: {  	[spmem:s1] =	stream.indirect.scatter.add.f32 @p2 [tilespmem:s18], [sflag:$0xA], $0x80, s4, s0, $0xb8;
	[tilespmem:$0x1F680] =	vst v63  }
0x174: {  	s0 =	simm.s32 @p2 $0xA  }
0x175: {  	_ =	swait.ge @p2 [sflag:s0], $0x3800  }
0x176: {  	[sflag:s0] =	ssyncset.done @p2 $0x0  }
0x177: {  	[sflag:s0] =	ssyncadd.s32 @p2 $0xFFFFC800;
	s0 =	simm.s32 @!p2 $0x1  }
0x178: {  	_ =	swait.ge @!p2 [sflag:s0], $0x80  }
0x179: {  	[sflag:s0] =	ssyncset.done @!p2 $0x0  }
0x17a: {  	[sflag:s0] =	ssyncadd.s32 @!p2 $0xFFFFFF80  }
0x17b: {  	_ =	swait.ge @!p2 [sflag:s0], $0x80  }
0x17c: {  	[sflag:s0] =	ssyncset.done @!p2 $0x0  }
0x17d: {  	[sflag:s0] =	ssyncadd.s32 @!p2 $0xFFFFFF80  }
0x17e: {  	v2 =	vld @!p2 [tilespmem:$0x14580]  }
0x17f: {  	v3 =	vld @!p2 [tilespmem:$0x14590]  }
0x180: {  	v4 =	vld @!p2 [tilespmem:$0x145A0]  }
0x181: {  	v5 =	vld @!p2 [tilespmem:$0x145B0]  }
0x182: {  	v6 =	vld @!p2 [tilespmem:$0x145C0]  }
0x183: {  	v7 =	vld @!p2 [tilespmem:$0x145D0];
	v2 =	vadd.s32 @!p2 v0, v2  }
0x184: {  	[tilespmem:$0x18000] =	vst @!p2 v2;
	v2 =	vadd.s32 @!p2 v0, v3;
	v3 =	vld @!p2 [tilespmem:$0x145E0]  }
0x185: {  	[tilespmem:$0x18010] =	vst @!p2 v2;
	v2 =	vadd.s32 @!p2 v0, v4  }
0x186: {  	[tilespmem:$0x18020] =	vst @!p2 v2;
	v2 =	vadd.s32 @!p2 v0, v5  }
0x187: {  	[tilespmem:$0x18030] =	vst @!p2 v2;
	v2 =	vadd.s32 @!p2 v0, v6  }
0x188: {  	[tilespmem:$0x18040] =	vst @!p2 v2;
	v2 =	vadd.s32 @!p2 v0, v7  }
0x189: {  	[tilespmem:$0x18050] =	vst @!p2 v2;
	v2 =	vadd.s32 @!p2 v0, v3  }
0x18a: {  	s4 =	simm.s32 @!p2 $0x18000;
	s18 =	simm.s32 @!p2 $0x14800;
	s0 =	simm.s32 @!p2 $0x70;
	[tilespmem:$0x18060] =	vst @!p2 v2  }
0x18b: {  	[tilespmem:s18], [sflag:$0x2] =	stream.indirect.gather @!p2 [hbm4b:s10+s0], $0x80, s4, s0, $0xb8;
	[tilespmem:$0x1F680] =	vst v63  }
0x18c: {  	s4 =	simm.s32 @!p2 $0x14580;
	s18 =	simm.s32 @!p2 $0x14680  }
0x18d: {  	[tilespmem:s18], [sflag:$0x2] =	stream.indirect.gather @!p2 [hbm4b:s8+s0], $0x1, s4, s0, $0xb8;
	[tilespmem:$0x1F680] =	vst v63  }
0x18e: {  	s4 =	simm.s32 @!p2 $0x14600;
	s18 =	simm.s32 @!p2 $0x14700  }
0x18f: {  	[tilespmem:s18], [sflag:$0x2] =	stream.indirect.gather @!p2 [hbm4b:s9+s0], $0x1, s4, s0, $0xb8;
	[tilespmem:$0x1F680] =	vst v63  }
0x190: {  	s4 =	simm.s32 @!p2 $0x18100;
	s18 =	simm.s32 @!p2 $0x18280  }
0x191: {  	[spmem:s2] =	stream.indirect.scatter.add.f32 @!p2 [tilespmem:s18], [sflag:$0x6], $0x1, s4, s0, $0xb8;
	[tilespmem:$0x1F680] =	vst v63  }
0x192: {  	s18 =	simm.s32 @!p2 $0x14500  }
0x193: {  	[spmem:s3] =	stream.indirect.scatter.add.f32 @!p2 [tilespmem:s18], [sflag:$0x6], $0x1, s4, s0, $0xb8;
	[tilespmem:$0x1F680] =	vst v63  }
0x194: {  	s18 =	simm.s32 @!p2 $0x18300  }
0x195: {  	[spmem:s1] =	stream.indirect.scatter.add.f32 @!p2 [tilespmem:s18], [sflag:$0xA], $0x80, s4, s0, $0xb8;
	[tilespmem:$0x1F680] =	vst v63  }
0x196: {  	s0 =	sadd.s32 @!p2 $0x200, s17  }
0x197: {  	s18 =	sand.u32 @!p2 $0x7C00, s0  }
0x198: {  	s17 =	simm.s32 @!p2 $0xA;
	s0 =	sand.u32 @!p2 $0x380, s0;
	s18 =	sadd.s32 @!p2 s13, s18  }
0x199: {  	_ =	swait.ge @!p2 [sflag:s17], $0x3800;
	s0 =	sor.u32 @!p2 s0, s18  }
0x19a: {  	s19 =	simm.s32 @!p2 $0x18080;
	[sflag:s17] =	ssyncset.done @!p2 $0x0;
	s0 =	sshrl.u32 @!p2 s0, $0x3  }
0x19b: {  	[sflag:s17] =	ssyncadd.s32 @!p2 $0xFFFFC800;
	s18 =	simm.s32 @!p2 $0x0;
	s17 =	sadd.s32 @!p2 s6, s0  }
0x19c: {  	[tilespmem:s19], [sflag:$0x4] =	stream.linear.gather @!p2 [hbm4b:s17+s18], $0x80, $0x38;
	[tilespmem:$0x1F680] =	vst v63  }
0x19d: {  	s0 =	sadd.s32 @!p2 s7, s0  }
0x19e: {  	[tilespmem:s4], [sflag:$0x4] =	stream.linear.gather @!p2 [hbm4b:s0+s18], $0x80, $0x38;
	[tilespmem:$0x1F680] =	vst v63  }
0x19f: {  	_ =	swait.ge [sflag:s23], $0x3800  }
0x1a0: {  	[sflag:s23] =	ssyncset.done $0x0  }
0x1a1: {  	[sflag:s23] =	ssyncadd.s32 $0xFFFFC800  }
0x1a2: {  	_ =	swait.ge [sflag:s23], $0x70  }
0x1a3: {  	[sflag:s23] =	ssyncset.done $0x0  }
0x1a4: {  	[sflag:s23] =	ssyncadd.s32 $0xFFFFFF90  }
0x1a5: {  	_ =	swait.ge [sflag:s23], $0x70  }
0x1a6: {  	[sflag:s23] =	ssyncset.done $0x0  }
0x1a7: {  	s0 =	simm.s32 @!p1 $0x9;
	[sflag:s23] =	ssyncadd.s32 $0xFFFFFF90  }
0x1a8: {  	_ =	swait.ge @!p1 [sflag:s0], $0x70  }
0x1a9: {  	[sflag:s0] =	ssyncset.done @!p1 $0x0  }
0x1aa: {  	[sflag:s0] =	ssyncadd.s32 @!p1 $0xFFFFFF90  }
0x1ab: {  	_ =	swait.ge @!p1 [sflag:s0], $0x70  }
0x1ac: {  	[sflag:s0] =	ssyncset.done @!p1 $0x0  }
0x1ad: {  	[sflag:s0] =	ssyncadd.s32 @!p1 $0xFFFFFF90  }
0x1ae: {  	v2 =	vld [tilespmem:$0x1BC80]  }
0x1af: {  	v3 =	vld [tilespmem:$0x1BD00]  }
0x1b0: {  	v4 =	vld [tilespmem:$0x1BC90]  }
0x1b1: {  	v5 =	vld [tilespmem:$0x1BD10]  }
0x1b2: {  	v6 =	vld [tilespmem:$0x1BCA0]  }
0x1b3: {  	v7 =	vld [tilespmem:$0x1BD20]  }
0x1b4: {  	v8 =	vld [tilespmem:$0x1BCB0]  }
0x1b5: {  	v9 =	vld [tilespmem:$0x1BD30]  }
0x1b6: {  	v2 =	vadd.f32 v3, v2;
	v3 =	vld [tilespmem:$0x1BCC0]  }
0x1b7: {  	v4 =	vadd.f32 v5, v4;
	v5 =	vld [tilespmem:$0x1BD40]  }
0x1b8: {  	v12 =	vld [tilespmem:$0x1BD50];
	v6 =	vadd.f32 v7, v6;
	v10 =	vmul.f32 $2.000000030e-01, v2  }
0x1b9: {  	v13 =	vld [tilespmem:$0x1BCE0];
	vm0 =	vlt.f32 v2, $0.0e+00;
	v11 =	vmul.f32 $2.000000030e-01, v4  }
0x1ba: {  	v7 =	vld [tilespmem:$0x1BCD0];
	vm10 =	vlt.f32 v4, $0.0e+00;
	v2 =	vsel vm0, v10, v2;
	v10 =	vmul.f32 $2.000000030e-01, v6  }
0x1bb: {  	vm11 =	vlt.f32 v6, $0.0e+00;
	v4 =	vsel vm10, v11, v4;
	v11 =	vld [tilespmem:$0x1BD60];
	v2 =	vmul.f32 $1.442695020e+00, v2  }
0x1bc: {  	v4 =	vmul.f32 $1.442695020e+00, v4;
	v3 =	vadd.f32 v5, v3;
	v6 =	vsel vm11, v10, v6  }
0x1bd: {  	v8 =	vadd.f32 v9, v8;
	(erf) = vpow2.f32 v2;
	v2 =	vmul.f32 $1.442695020e+00, v6  }
0x1be: {  	v5 =	vmul.f32 $2.000000030e-01, v3;
	(erf) = vpow2.f32 v4  }
0x1bf: {  	v4 =	vmul.f32 $2.000000030e-01, v8;
	(erf) = vpow2.f32 v2;
	v2 =	vadd.f32 v12, v7  }
0x1c0: {  	vm12 =	vlt.f32 v8, $0.0e+00;
	vm13 =	vlt.f32 v3, $0.0e+00;
	v6 =	vadd.f32 v11, v13  }
0x1c1: {  	v3 =	vsel vm13, v5, v3;
	v4 =	vsel vm12, v4, v8;
	v7 =	vmul.f32 $2.000000030e-01, v2  }
0x1c2: {  	v4 =	vmul.f32 $1.442695020e+00, v4;
	vm14 =	vlt.f32 v2, $0.0e+00;
	v5 =	vmul.f32 $2.000000030e-01, v6  }
0x1c3: {  	v3 =	vmul.f32 $1.442695020e+00, v3;
	vm15 =	vlt.f32 v6, $0.0e+00;
	v2 =	vsel vm14, v7, v2  }
0x1c4: {  	(erf) = vpow2.f32 v4;
	v4 =	vsel vm15, v5, v6;
	v2 =	vmul.f32 $1.442695020e+00, v2  }
0x1c5: {  	(erf) = vpow2.f32 v3;
	v3 =	vmul.f32 $1.442695020e+00, v4  }
0x1c6: {  	(erf) = vpow2.f32 v2  }
0x1c7: {  	(erf) = vpow2.f32 v3;
	_ =	sdelay $0x2  }
0x1c8: {  	v2 =	vpop (erf)  }
0x1c9: {  	v3 =	vpop (erf);
	[tilespmem:$0x1BD80] =	vst v2  }
0x1ca: {  	v2 =	vpop (erf);
	[tilespmem:$0x1BD90] =	vst v3  }
0x1cb: {  	[tilespmem:$0x1BDA0] =	vst v2;
	v3 =	vpop (erf)  }
0x1cc: {  	v2 =	vpop (erf);
	[tilespmem:$0x1BDB0] =	vst v3  }
0x1cd: {  	s19 =	simm.s32 $0x0;
	[tilespmem:$0x1BDC0] =	vst v2;
	v3 =	vpop (erf)  }
0x1ce: {  	[tilespmem:$0x1BDD0] =	vst v3;
	v2 =	vpop (erf);
	v3 =	vmov s19  }
0x1cf: {  	s17 =	simm.s32 $0x1BE40;
	[tilespmem:$0x1BDE0] =	vst v2  }
0x1d0: {  	v6 =	vld [tilespmem:s17+$0x30]  }
0x1d1: {  	v9 =	vld [tilespmem:s17+$0x10]  }
0x1d2: {  	v7 =	vld [tilespmem:s17+$0xFFFFFFC0]  }
0x1d3: {  	v3 =	vld.idx.msk [tilespmem:v3+s24+$0x0], $0xffff  }
0x1d4: {  	v11 =	vld [tilespmem:s17+$0xFFFFFFE0]  }
0x1d5: {  	v2 =	vld [tilespmem:s17+$0xFFFFFFF0]  }
0x1d6: {  	v4 =	vld [tilespmem:s17+$0x20]  }
0x1d7: {  	v5 =	vld [tilespmem:s17+$0xFFFFFFD0]  }
0x1d8: {  	v10 =	vmul.f32 v6, v3;
	v6 =	vld [tilespmem:s17+$0x0]  }
0x1d9: {  	v8 =	vmul.f32 v7, v3  }
0x1da: {  	s4 =	simm.s32 $0x1BE40;
	s0 =	simm.s32 $0x1;
	v7 =	vmul.f32 v11, v3;
	v9 =	vmul.f32 v9, v3  }
.LBB2_7:
0x1db: {  	p1 =	sne.s32 s0, $0x6F  }
0x1dc: {  	v5 =	vmul.f32 v5, v3;
	v4 =	vmul.f32 v4, v3;
	[tilespmem:s17+$0x30] =	vst v10;
	s4 =	sadd.s32 $0x80, s4;
	s18 =	smov.u32 s0;
	s0 =	sadd.s32 $0x1, s0  }
0x1dd: {  	[tilespmem:s17+$0xFFFFFFC0] =	vst v8;
	v8 =	vmul.f32 v2, v3;
	v3 =	vmul.f32 v6, v3  }
0x1de: {  	[tilespmem:s17+$0x10] =	vst v9  }
0x1df: {  	v6 =	vmov s18;
	[tilespmem:s17+$0xFFFFFFE0] =	vst v7  }
0x1e0: {  	v2 =	vld [tilespmem:s4+$0xFFFFFFF0];
	[tilespmem:s17+$0xFFFFFFF0] =	vst v8  }
0x1e1: {  	v7 =	vld [tilespmem:s4+$0x30];
	[tilespmem:s17+$0x0] =	vst v3  }
0x1e2: {  	v9 =	vld [tilespmem:s4+$0x10];
	[tilespmem:s17+$0x20] =	vst v4  }
0x1e3: {  	v8 =	vld [tilespmem:s4+$0xFFFFFFC0];
	[tilespmem:s17+$0xFFFFFFD0] =	vst v5;
	s17 =	smov.u32 s4  }
0x1e4: {  	v3 =	vld.idx.msk [tilespmem:v6+s24+$0x0], $0xffff  }
0x1e5: {  	v11 =	vld [tilespmem:s4+$0xFFFFFFE0]  }
0x1e6: {  	v4 =	vld [tilespmem:s4+$0x20]  }
.Ltmp4:
0x1e7: {  	v5 =	vld [tilespmem:s4+$0xFFFFFFD0];
	(pc) =	sbr.rel @p1 .LBB2_7-.Ltmp4, $3  }
0x1e8: {  	v6 =	vld [tilespmem:s4+$0x0];
	_ =	sdelay $0x1  }
0x1e9: {  	v8 =	vmul.f32 v8, v3;
	v10 =	vmul.f32 v7, v3  }
0x1ea: {  	v9 =	vmul.f32 v9, v3;
	v7 =	vmul.f32 v11, v3  }
0x1eb: {  	[tilespmem:s17+$0x30] =	vst v10  }
0x1ec: {  	[tilespmem:s17+$0xFFFFFFC0] =	vst v8  }
0x1ed: {  	v2 =	vmul.f32 v2, v3;
	[tilespmem:s17+$0x10] =	vst v9  }
.Ltmp5:
0x1ee: {  	v4 =	vmul.f32 v4, v3;
	[tilespmem:s17+$0xFFFFFFE0] =	vst v7;
	(pc) =	sbr.rel @p2 .LBB2_10-.Ltmp5, $4  }
0x1ef: {  	v6 =	vmul.f32 v6, v3;
	[tilespmem:s17+$0xFFFFFFF0] =	vst v2  }
0x1f0: {  	v2 =	vmul.f32 v5, v3;
	[tilespmem:s17+$0x20] =	vst v4  }
0x1f1: {  	[tilespmem:s17+$0x0] =	vst v6  }
0x1f2: {  	[tilespmem:s17+$0xFFFFFFD0] =	vst v2  }
0x1f3: {  	_ =	swait.ge [sflag:s20], $0x80  }
0x1f4: {  	[sflag:s20] =	ssyncset.done $0x0  }
0x1f5: {  	[sflag:s20] =	ssyncadd.s32 $0xFFFFFF80  }
0x1f6: {  	_ =	swait.ge [sflag:s20], $0x80  }
0x1f7: {  	[sflag:s20] =	ssyncset.done $0x0  }
0x1f8: {  	[sflag:s20] =	ssyncadd.s32 $0xFFFFFF80  }
0x1f9: {  	v2 =	vld [tilespmem:$0x18080]  }
0x1fa: {  	v3 =	vld [tilespmem:$0x18090]  }
0x1fb: {  	v4 =	vld [tilespmem:$0x180A0]  }
0x1fc: {  	v5 =	vld [tilespmem:$0x180B0]  }
0x1fd: {  	v6 =	vld [tilespmem:$0x180C0]  }
0x1fe: {  	v7 =	vld [tilespmem:$0x180D0];
	v2 =	vadd.s32 v0, v2  }
0x1ff: {  	[tilespmem:$0x1BB00] =	vst v2;
	v2 =	vadd.s32 v0, v3;
	v3 =	vld [tilespmem:$0x180E0]  }
0x200: {  	[tilespmem:$0x1BB10] =	vst v2;
	v2 =	vadd.s32 v0, v4  }
0x201: {  	[tilespmem:$0x1BB20] =	vst v2;
	v2 =	vadd.s32 v0, v5  }
0x202: {  	[tilespmem:$0x1BB30] =	vst v2;
	v2 =	vadd.s32 v0, v6  }
0x203: {  	[tilespmem:$0x1BB40] =	vst v2;
	v2 =	vadd.s32 v0, v7  }
0x204: {  	[tilespmem:$0x1BB50] =	vst v2;
	v2 =	vadd.s32 v0, v3  }
0x205: {  	s0 =	simm.s32 $0x1BB00;
	s4 =	simm.s32 $0x18300;
	[tilespmem:$0x1BB60] =	vst v2  }
0x206: {  	[tilespmem:s4], [sflag:$0x5] =	stream.indirect.gather [hbm4b:s10+s30], $0x80, s0, s30, $0xb8;
	[tilespmem:$0x1F680] =	vst v63  }
0x207: {  	s17 =	simm.s32 $0x18180;
	s4 =	simm.s32 $0x18080  }
0x208: {  	[tilespmem:s17], [sflag:$0x5] =	stream.indirect.gather [hbm4b:s8+s30], $0x1, s4, s30, $0xb8;
	[tilespmem:$0x1F680] =	vst v63  }
0x209: {  	s18 =	simm.s32 $0x18100;
	s19 =	simm.s32 $0x18200;
	s17 =	smul.u32 $0x180, s12  }
0x20a: {  	[tilespmem:s19], [sflag:$0x5] =	stream.indirect.gather [hbm4b:s9+s30], $0x1, s18, s30, $0xb8;
	[tilespmem:$0x1F680] =	vst v63  }
0x20b: {  	s0 =	sadd.s32 $0x280, s17  }
0x20c: {  	[spmem:s2] =	stream.indirect.scatter.add.f32 [tilespmem:s24], [sflag:$0x9], $0x1, s14, s30, $0xb8;
	[tilespmem:$0x1F680] =	vst v63  }
0x20d: {  	s18 =	sand.u32 $0x7C00, s0  }
0x20e: {  	[spmem:s3] =	stream.indirect.scatter.add.f32 [tilespmem:s15], [sflag:$0x9], $0x1, s14, s30, $0xb8;
	[tilespmem:$0x1F680] =	vst v63  }
0x20f: {  	s0 =	sand.u32 $0x380, s0;
	s4 =	sadd.s32 s13, s18  }
0x210: {  	[spmem:s1] =	stream.indirect.scatter.add.f32 [tilespmem:s16], [sflag:$0xA], $0x80, s14, s30, $0xb8;
	[tilespmem:$0x1F680] =	vst v63  }
0x211: {  	s0 =	sor.u32 s0, s4;
	_ =	swait.ge [sflag:s29], $0x3800  }
.Ltmp6:
0x212: {  	s0 =	sshrl.u32 s0, $0x3;
	[sflag:s29] =	ssyncset.done $0x0;
	(pc) =	sbr.rel .LBB2_2-.Ltmp6, $4  }
0x213: {  	s19 =	sadd.s32 s6, s0;
	[sflag:s29] =	ssyncadd.s32 $0xFFFFC800  }
0x214: {  	[tilespmem:s11], [sflag:$0x7] =	stream.linear.gather [hbm4b:s19+s5], $0x80, $0x38;
	[tilespmem:$0x1F680] =	vst v63  }
0x215: {  	s12 =	sadd.s32 $0x1, s12;
	s0 =	sadd.s32 s7, s0  }
0x216: {  	[tilespmem:s14], [sflag:$0x7] =	stream.linear.gather [hbm4b:s0+s5], $0x80, $0x38;
	[tilespmem:$0x1F680] =	vst v63  }
.LBB2_11:
0x217: {  	_ =	sfence.sel $0x180000  }
0x218: {  	[bflag:$0x0] =	sbarrier.arrive $0xFFFF  }
0x219: {  	_ =	strace $0x90000047  }
0x21a: {  	s0 =	stileid.u32;
	[bflag:$0x2] =	sbarrier.arrive $0xFFFF  }
0x21b: {  	p0 =	sne.s32 s0, $0x0;
	s0 =	rddreg [dreg:$0x4]  }
0x21c: {  	s0 =	sadd.s32 @!p0 $0x100000, s0  }
0x21d: {  	[sflag:s0] =	ssyncadd.tile.s32 @!p0 $0x1;
	_ =	shalt  }
.Lfunc_end2:
_tile_overlayer_lowered:
.L_overlay_start_2:
0x21e: {  	(tag) =	ssettag $0x2  }
0x21f: {  	s0 =	rddreg [dreg:$0x0];
	s2 =	stileid.u32  }
0x220: {  	s1 =	rddreg [dreg:$0x1];
	p0 =	sne.s32 s2, $0x0  }
0x221: {  	s3 =	rddreg [dreg:$0x2];
	[bflag:$0x3] =	sbarrier.arrive $0xFFFF;
	s2 =	simm.s32 @!p0 $0x1C0A  }
0x222: {  	[timem:s3], [sflag:s2] =	dma.local @!p0 [hbm:s0], s1  }
0x223: {  	s0 =	simm.s32 @!p0 $0xA  }
0x224: {  	_ =	swait.ge @!p0 [sflag:s0], s1  }
0x225: {  	s1 =	ssub.s32 @!p0 $0x0, s1;
	[sflag:s0] =	ssyncset.done @!p0 $0x0  }
0x226: {  	[sflag:s0] =	ssyncadd.s32 @!p0 s1  }
0x227: {  	[bflag:$0x3] =	sbarrier.arrive $0xFFFF  }
0x228: {  	_ =	shalt  }

</sc_bundles>
